<compile_context>
chip_gen: v7x
topology: tpu7x:2x2x1
jax: 0.10.2.dev20260603
libtpu: 0.0.44.dev20260713+nightly
codegen_flags: <defaults>
</compile_context>

<pallas_src>
import jax
import jax.numpy as jnp
from jax import lax
from jax.experimental import pallas as pl
from jax.experimental.pallas import tpu as pltpu
from jax.experimental.pallas import tpu_sc as plsc

_N = 50000
_E = 800000
_EPS = 1e-7
_BN = 2048
_NB = 25
_NP = _BN * _NB
_K = 512
_TCAP = 64
_REG = _TCAP + 16
_T3 = 25
_CAP = 2048
_NA = 50048
_RPT = _NA // 16


def _bn_scale(g_ref):
    return g_ref[...] / jnp.sqrt(jnp.float32(1.0 + 1e-5))


def _leaky(x):
    return jnp.where(x >= 0, x, 0.01 * x)



def _tc_a_body(pos_ref, ws_ref, bs_ref, wd_ref, bd_ref, emem_ref, xd_ref):
    p = pos_ref[...]
    xs = jnp.dot(p, ws_ref[...], preferred_element_type=jnp.float32) + bs_ref[...]
    m = jnp.maximum(xs, 0.0) + _EPS
    e = jnp.exp(m)
    emem_ref[:, 0:16] = e
    emem_ref[:, 16:32] = m * e
    xd_ref[...] = jnp.dot(p, wd_ref[...], preferred_element_type=jnp.float32) + bd_ref[...]



def _sc1_body(emem_hbm, src_hbm, dst_hbm, out_hbm, sidx, didx, rows, zbuf, acc, sem):
    c = lax.axis_index("c")
    s = lax.axis_index("s")
    zv = jnp.zeros((16,), jnp.float32)

    def _zb(i, _):
        zbuf[i, 0:16] = zv
        zbuf[i, 16:32] = zv
        return 0
    lax.fori_loop(0, 136, _zb, 0)

    def _za(k, _):
        pltpu.sync_copy(zbuf, acc.at[pl.ds(s * _RPT + k * 136, 136)])
        return 0
    lax.fori_loop(0, 23, _za, 0)
    plsc.subcore_barrier()

    base = c * (_E // 2)

    def _edge_batch(off):
        pltpu.sync_copy(src_hbm.at[pl.ds(off, 128)], sidx)
        pltpu.sync_copy(dst_hbm.at[pl.ds(off, 128)], didx)
        pltpu.async_copy(emem_hbm.at[sidx], rows, sem).wait()
        pltpu.sync_copy(rows, acc.at[didx], add=True)

    def _eb(b, _):
        _edge_batch(base + (b * 16 + s) * 128)
        return 0
    lax.fori_loop(0, 195, _eb, 0)

    @pl.when(s < 5)
    def _():
        _edge_batch(base + (3120 + s) * 128)

    plsc.subcore_barrier()
    for cc in range(2):
        @pl.when(c == cc)
        def _():
            pltpu.sync_copy(acc.at[pl.ds(s * _RPT, _RPT)],
                            out_hbm.at[cc, pl.ds(s * _RPT, _RPT)])



def _tc_b_body(a1_ref, xd1_ref, w1_ref, b1_ref, g_ref, be_ref, w2_ref, b2_ref,
               ws2_ref, bs2_ref, wd2_ref, bd2_ref, emem_ref, xd2_ref):
    den = a1_ref[0, :, 0:16] + a1_ref[1, :, 0:16]
    num = a1_ref[0, :, 16:32] + a1_ref[1, :, 16:32]
    aggr = num / (den + 1e-16)
    h = aggr + xd1_ref[...]
    t = jnp.dot(h, w1_ref[...], preferred_element_type=jnp.float32) + b1_ref[...]
    t = t * _bn_scale(g_ref) + be_ref[...]
    t = jnp.maximum(t, 0.0)
    x1 = jnp.dot(t, w2_ref[...], preferred_element_type=jnp.float32) + b2_ref[...]
    x1 = _leaky(x1)
    m2 = jnp.maximum(
        jnp.dot(x1, ws2_ref[...], preferred_element_type=jnp.float32) + bs2_ref[...],
        0.0) + _EPS
    e2 = jnp.exp(m2)
    me2 = m2 * e2
    for g in range(4):
        emem_ref[g, :, 0:16] = e2[:, g * 16:(g + 1) * 16]
        emem_ref[g, :, 16:32] = me2[:, g * 16:(g + 1) * 16]
    xd2_ref[...] = jnp.dot(x1, wd2_ref[...], preferred_element_type=jnp.float32) + bd2_ref[...]



def _sc2_body(emem_hbm, src_hbm, dst_hbm, out_hbm, sidx, didx, rows, zbuf, acc, sem):
    c = lax.axis_index("c")
    s = lax.axis_index("s")
    zv = jnp.zeros((16,), jnp.float32)

    def _zb(i, _):
        zbuf[i, 0:16] = zv
        zbuf[i, 16:32] = zv
        return 0
    lax.fori_loop(0, 136, _zb, 0)

    def _za(k, _):
        pltpu.sync_copy(zbuf, acc.at[pl.ds(s * _RPT + k * 136, 136)])
        return 0

    def _edge_batch(g, off):
        pltpu.sync_copy(src_hbm.at[pl.ds(off, 128)], sidx)
        pltpu.sync_copy(dst_hbm.at[pl.ds(off, 128)], didx)
        if g:
            goff = jnp.full((16,), g * _N, jnp.int32)

            def _ao(i, _):
                sidx[pl.ds(i * 16, 16)] = sidx[pl.ds(i * 16, 16)] + goff
                return 0
            lax.fori_loop(0, 8, _ao, 0)
        pltpu.async_copy(emem_hbm.at[sidx], rows, sem).wait()
        pltpu.sync_copy(rows, acc.at[didx], add=True)

    for g in range(4):
        @pl.when(c == g // 2)
        def _(g=g):
            lax.fori_loop(0, 23, _za, 0)
            plsc.subcore_barrier()

            def _eb(b, _):
                _edge_batch(g, (b * 16 + s) * 128)
                return 0
            lax.fori_loop(0, 390, _eb, 0)

            @pl.when(s < 10)
            def _():
                _edge_batch(g, (6240 + s) * 128)

            plsc.subcore_barrier()
            pltpu.sync_copy(acc.at[pl.ds(s * _RPT, _RPT)],
                            out_hbm.at[g, pl.ds(s * _RPT, _RPT)])



def _tc_c_body(a2_ref, xd2_ref, w1_ref, b1_ref, g_ref, be_ref, w2_ref, b2_ref,
               pp_ref, x2_ref, sc_ref):
    i = pl.program_id(0)
    parts = []
    for g in range(4):
        den = a2_ref[g, :, 0:16]
        num = a2_ref[g, :, 16:32]
        parts.append(num / (den + 1e-16))
    aggr = jnp.concatenate(parts, axis=1)
    h = aggr + xd2_ref[...]
    t = jnp.dot(h, w1_ref[...], preferred_element_type=jnp.float32) + b1_ref[...]
    t = t * _bn_scale(g_ref) + be_ref[...]
    t = jnp.maximum(t, 0.0)
    x2 = jnp.dot(t, w2_ref[...], preferred_element_type=jnp.float32) + b2_ref[...]
    x2 = _leaky(x2)
    x2_ref[...] = x2
    pp = pp_ref[...]
    pn = jnp.sqrt(jnp.sum(pp * pp)) + 1e-16
    sc = jnp.tanh(jnp.dot(x2, pp, preferred_element_type=jnp.float32) / pn)
    rows = i * _BN + lax.broadcasted_iota(jnp.int32, (_BN, 1), 0)
    sc_ref[...] = jnp.where(rows < _N, sc, -2.0)



def _tc_d_body(sc_ref, pos_ref):
    scv = sc_ref[...]

    def _bis(_, lh):
        lo, hi = lh
        mid = 0.5 * (lo + hi)
        cnt = jnp.sum((scv > mid).astype(jnp.float32))
        ge = cnt >= _K
        return jnp.where(ge, mid, lo), jnp.where(ge, hi, mid)

    lo, _ = lax.fori_loop(0, 48, _bis, (jnp.float32(-1.5), jnp.float32(1.5)))

    sel = scv > lo
    self32 = sel.astype(jnp.float32)
    nself32 = 1.0 - self32
    j128 = lax.broadcasted_iota(jnp.int32, (128, 128), 0)
    l128 = lax.broadcasted_iota(jnp.int32, (128, 128), 1)
    lt_inc = (j128 <= l128).astype(jnp.float32)
    a400 = lax.broadcasted_iota(jnp.int32, (400, 400), 0)
    b400 = lax.broadcasted_iota(jnp.int32, (400, 400), 1)
    blk_lt = ((a400 // 16 == b400 // 16) & (b400 < a400)).astype(jnp.float32)
    blk_all = (a400 // 16 == b400 // 16).astype(jnp.float32)
    ones = jnp.ones((128, 1), jnp.float32)

    def tile_prefix(f):
        rowpfx = jnp.dot(f, lt_inc, preferred_element_type=jnp.float32)
        rsum = jnp.dot(f, ones, preferred_element_type=jnp.float32)
        tilepfx = jnp.dot(blk_lt, rsum, preferred_element_type=jnp.float32)
        return tilepfx + rowpfx - 1.0

    rel = tile_prefix(self32)
    rel_nc = tile_prefix(nself32)
    rsum_s = jnp.dot(self32, ones, preferred_element_type=jnp.float32)
    tile_tot = jnp.dot(blk_all, rsum_s, preferred_element_type=jnp.float32)
    cnt = jnp.minimum(tile_tot, jnp.float32(_TCAP))
    row = lax.broadcasted_iota(jnp.int32, (400, 128), 0)
    col = lax.broadcasted_iota(jnp.int32, (400, 128), 1)
    base = (row // 16) * _REG
    flat = row * 128 + col
    trash = _CAP + (flat % _CAP)
    in_cand = sel & (rel < _TCAP)
    in_fill = (~sel) & (rel_nc < _REG - cnt)
    posf = jnp.where(in_cand, base + rel.astype(jnp.int32),
                     jnp.where(in_fill,
                               base + cnt.astype(jnp.int32) + rel_nc.astype(jnp.int32),
                               trash))
    pos_ref[...] = posf



def _sc3_body(score_hbm, pos_hbm, x2_hbm, cs_hbm, ci_hbm, cx_hbm,
              sbuf, lv, li, posb, ivb, gx, sem):
    c = lax.axis_index("c")
    s = lax.axis_index("s")
    w = s * 2 + c
    npt = _NP // _T3
    npad = _CAP - _T3 * _REG

    @pl.when(w < _T3)
    def _():
        pltpu.sync_copy(score_hbm.at[pl.ds(w * npt, npt)], sbuf)
        pltpu.sync_copy(pos_hbm.at[pl.ds(w * 16, 16)], posb)
        negv = jnp.full((16,), -2.0, jnp.float32)
        zi = jnp.zeros((16,), jnp.int32)
        zv = jnp.zeros((16,), jnp.float32)
        iota = lax.iota(jnp.int32, 16)

        def _fill(i, _):
            ivb[i // 8, pl.ds((i % 8) * 16, 16)] = jnp.minimum(
                w * npt + i * 16 + iota, _N - 1)
            return 0
        lax.fori_loop(0, npt // 16, _fill, 0)

        @pl.when(w == 0)
        def _():
            def _zs(i, _):
                lv[pl.ds(i * 16, 16)] = negv
                li[pl.ds(i * 16, 16)] = zi
                return 0
            lax.fori_loop(0, npad // 16, _zs, 0)

            def _zr(i, _):
                for q in range(4):
                    gx[i, pl.ds(q * 16, 16)] = zv
                return 0
            lax.fori_loop(0, npad, _zr, 0)
            pltpu.sync_copy(lv.at[pl.ds(0, npad)],
                            cs_hbm.at[pl.ds(_T3 * _REG, npad)])
            pltpu.sync_copy(li.at[pl.ds(0, npad)],
                            ci_hbm.at[pl.ds(_T3 * _REG, npad)])
            pltpu.sync_copy(gx.at[pl.ds(0, npad)],
                            cx_hbm.at[pl.ds(_T3 * _REG, npad)])

        for j in range(16):
            pltpu.async_copy(sbuf.at[pl.ds(j * 128, 128)],
                             cs_hbm.at[posb.at[j]], sem).wait()
            pltpu.async_copy(ivb.at[j], ci_hbm.at[posb.at[j]], sem).wait()
            pltpu.async_copy(x2_hbm.at[ivb.at[j]], gx, sem).wait()
            pltpu.async_copy(gx, cx_hbm.at[posb.at[j]], sem).wait()



def _tc_e_body(cs_ref, ci_ref, cx_ref, xp_ref):
    sv = cs_ref[0, :]
    ix = ci_ref[0, :]
    r512 = lax.broadcasted_iota(jnp.int32, (_K, 128), 0).astype(jnp.float32)

    acc = jnp.zeros((_K, 64), jnp.float32)
    for c in range(_CAP // 128):
        sb = sv[c * 128:(c + 1) * 128]
        ib = ix[c * 128:(c + 1) * 128]
        xb = cx_ref[c * 128:(c + 1) * 128, :]
        gt = (sv[:, None] > sb[None, :]).astype(jnp.float32)
        eq = ((sv[:, None] == sb[None, :]) & (ix[:, None] < ib[None, :])).astype(jnp.float32)
        rank = jnp.sum(gt + eq, axis=0)
        oh = (r512 == rank[None, :]).astype(jnp.float32)
        acc = acc + jnp.dot(oh, xb * sb[:, None], preferred_element_type=jnp.float32,
                            precision=jax.lax.Precision.HIGHEST)
    xp_ref[...] = acc



def _tc_f1_body(f_ref, w_ref, b_ref, h_ref):
    k = pl.program_id(1)
    part = jnp.dot(f_ref[...], w_ref[...], preferred_element_type=jnp.float32)

    @pl.when(k == 0)
    def _():
        h_ref[...] = part

    @pl.when(k > 0)
    def _():
        h_ref[...] += part

    @pl.when(k == 15)
    def _():
        hh = h_ref[...] + b_ref[...]
        h_ref[...] = _leaky(hh)


def _tc_f2_body(h_ref, w_ref, b_ref, o_ref):
    o_ref[...] = jnp.dot(h_ref[...], w_ref[...], preferred_element_type=jnp.float32) + b_ref[...]



def _sc_mesh():
    return plsc.VectorSubcoreMesh(core_axis_name="c", subcore_axis_name="s",
                                  num_cores=2, num_subcores=16)


def _sc_edge_scratch():
    f32 = jnp.float32
    return [
        pltpu.VMEM((128,), jnp.int32),
        pltpu.VMEM((128,), jnp.int32),
        pltpu.VMEM((128, 32), f32),
        pltpu.VMEM((136, 32), f32),
        pltpu.VMEM_SHARED((_NA, 32), f32),
        pltpu.SemaphoreType.DMA,
    ]


def _run_sc1(emem1, src, dst):
    return pl.kernel(
        _sc1_body,
        out_type=jax.ShapeDtypeStruct((2, _NA, 32), jnp.float32),
        mesh=_sc_mesh(),
        scratch_types=_sc_edge_scratch(),
        compiler_params=pltpu.CompilerParams(use_tc_tiling_on_sc=False),
    )(emem1, src, dst)


def _run_sc2(emem2f, src, dst):
    return pl.kernel(
        _sc2_body,
        out_type=jax.ShapeDtypeStruct((4, _NA, 32), jnp.float32),
        mesh=_sc_mesh(),
        scratch_types=_sc_edge_scratch(),
        compiler_params=pltpu.CompilerParams(use_tc_tiling_on_sc=False),
    )(emem2f, src, dst)


def _run_sc3(score, posarr, x2):
    f32 = jnp.float32
    return pl.kernel(
        _sc3_body,
        out_type=[jax.ShapeDtypeStruct((2 * _CAP,), f32),
                  jax.ShapeDtypeStruct((2 * _CAP,), jnp.int32),
                  jax.ShapeDtypeStruct((2 * _CAP, 64), f32)],
        mesh=_sc_mesh(),
        scratch_types=[
            pltpu.VMEM((_NP // _T3,), f32),
            pltpu.VMEM((_REG,), f32),
            pltpu.VMEM((_REG,), jnp.int32),
            pltpu.VMEM((16, 128), jnp.int32),
            pltpu.VMEM((16, 128), jnp.int32),
            pltpu.VMEM((128, 64), f32),
            pltpu.SemaphoreType.DMA,
        ],
        compiler_params=pltpu.CompilerParams(use_tc_tiling_on_sc=False),
    )(score, posarr, x2)



def kernel(pos, edge_index, Ws1, bs1, Wd1, bd1, m1W1, m1b1, m1g, m1be, m1W2, m1b2,
           Ws2, bs2, Wd2, bd2, m2W1, m2b1, m2g, m2be, m2W2, m2b2, pool_p,
           fc1W, fc1b, fc2W, fc2b):
    f32 = jnp.float32
    src = edge_index[0]
    dst = edge_index[1]

    emem1, xd1 = pl.pallas_call(
        _tc_a_body,
        grid=(_NB,),
        in_specs=[
            pl.BlockSpec((_BN, 3), lambda i: (i, 0)),
            pl.BlockSpec((3, 16), lambda i: (0, 0)),
            pl.BlockSpec((1, 16), lambda i: (0, 0)),
            pl.BlockSpec((3, 16), lambda i: (0, 0)),
            pl.BlockSpec((1, 16), lambda i: (0, 0)),
        ],
        out_specs=[pl.BlockSpec((_BN, 32), lambda i: (i, 0)),
                   pl.BlockSpec((_BN, 16), lambda i: (i, 0))],
        out_shape=[jax.ShapeDtypeStruct((_N, 32), f32),
                   jax.ShapeDtypeStruct((_N, 16), f32)],
    )(pos, Ws1, bs1.reshape(1, 16), Wd1, bd1.reshape(1, 16))

    acc1 = _run_sc1(emem1, src, dst)

    emem2, xd2 = pl.pallas_call(
        _tc_b_body,
        grid=(_NB,),
        in_specs=[
            pl.BlockSpec((2, _BN, 32), lambda i: (0, i, 0)),
            pl.BlockSpec((_BN, 16), lambda i: (i, 0)),
            pl.BlockSpec((16, 32), lambda i: (0, 0)),
            pl.BlockSpec((1, 32), lambda i: (0, 0)),
            pl.BlockSpec((1, 32), lambda i: (0, 0)),
            pl.BlockSpec((1, 32), lambda i: (0, 0)),
            pl.BlockSpec((32, 16), lambda i: (0, 0)),
            pl.BlockSpec((1, 16), lambda i: (0, 0)),
            pl.BlockSpec((16, 64), lambda i: (0, 0)),
            pl.BlockSpec((1, 64), lambda i: (0, 0)),
            pl.BlockSpec((16, 64), lambda i: (0, 0)),
            pl.BlockSpec((1, 64), lambda i: (0, 0)),
        ],
        out_specs=[pl.BlockSpec((4, _BN, 32), lambda i: (0, i, 0)),
                   pl.BlockSpec((_BN, 64), lambda i: (i, 0))],
        out_shape=[jax.ShapeDtypeStruct((4, _N, 32), f32),
                   jax.ShapeDtypeStruct((_N, 64), f32)],
    )(acc1, xd1, m1W1, m1b1.reshape(1, 32), m1g.reshape(1, 32), m1be.reshape(1, 32),
      m1W2, m1b2.reshape(1, 16), Ws2, bs2.reshape(1, 64), Wd2, bd2.reshape(1, 64))

    acc2 = _run_sc2(emem2.reshape(4 * _N, 32), src, dst)

    x2, score_col = pl.pallas_call(
        _tc_c_body,
        grid=(_NB,),
        in_specs=[
            pl.BlockSpec((4, _BN, 32), lambda i: (0, i, 0)),
            pl.BlockSpec((_BN, 64), lambda i: (i, 0)),
            pl.BlockSpec((64, 128), lambda i: (0, 0)),
            pl.BlockSpec((1, 128), lambda i: (0, 0)),
            pl.BlockSpec((1, 128), lambda i: (0, 0)),
            pl.BlockSpec((1, 128), lambda i: (0, 0)),
            pl.BlockSpec((128, 64), lambda i: (0, 0)),
            pl.BlockSpec((1, 64), lambda i: (0, 0)),
            pl.BlockSpec((64, 1), lambda i: (0, 0)),
        ],
        out_specs=[pl.BlockSpec((_BN, 64), lambda i: (i, 0)),
                   pl.BlockSpec((_BN, 1), lambda i: (i, 0))],
        out_shape=[jax.ShapeDtypeStruct((_N, 64), f32),
                   jax.ShapeDtypeStruct((_NP, 1), f32)],
    )(acc2, xd2, m2W1, m2b1.reshape(1, 128), m2g.reshape(1, 128), m2be.reshape(1, 128),
      m2W2, m2b2.reshape(1, 64), pool_p.reshape(64, 1))

    score = score_col.reshape(_NP)

    posarr = pl.pallas_call(
        _tc_d_body,
        out_shape=jax.ShapeDtypeStruct((_NP // 128, 128), jnp.int32),
    )(score.reshape(_NP // 128, 128))

    cs, ci, cx = _run_sc3(score, posarr, x2)

    xp = pl.pallas_call(
        _tc_e_body,
        out_shape=jax.ShapeDtypeStruct((_K, 64), f32),
    )(cs[:_CAP].reshape(1, _CAP), ci[:_CAP].reshape(1, _CAP), cx[:_CAP])

    flat = xp.T.reshape(1, 64 * _K)

    h = pl.pallas_call(
        _tc_f1_body,
        grid=(8, 16),
        in_specs=[
            pl.BlockSpec((1, 2048), lambda j, k: (0, k)),
            pl.BlockSpec((2048, 512), lambda j, k: (k, j)),
            pl.BlockSpec((1, 512), lambda j, k: (0, j)),
        ],
        out_specs=pl.BlockSpec((1, 512), lambda j, k: (0, j)),
        out_shape=jax.ShapeDtypeStruct((1, 4096), f32),
    )(flat, fc1W, fc1b.reshape(1, 4096))

    out = pl.pallas_call(
        _tc_f2_body,
        out_shape=jax.ShapeDtypeStruct((1, 512), f32),
    )(h, fc2W, fc2b.reshape(1, 512))

    return out.reshape(_K)

# --- scband reference (transcript-rebuilt; emitter-appended) ---
"""Pipeline reference for scband-test-net-41678362640384 (READ-ONLY COPY).

The authoritative reference and input builder live on the scoring server;
editing this copy changes nothing except your own understanding.
"""

import jax, jax.numpy as jnp
import numpy as np

N = 50000
E = 800000
EPS = 1e-7

def _w(key, i, shape, scale):
    return jax.random.normal(jax.random.fold_in(key, i), shape, dtype=jnp.float32) * scale

def setup_inputs(seed: int = 0):
    key = jax.random.key(seed)
    inp = {}
    inp['pos'] = jax.random.normal(jax.random.fold_in(key, 0), (N, 3), dtype=jnp.float32)
    inp['edge_index'] = jax.random.randint(jax.random.fold_in(key, 1), (2, E), 0, N, dtype=jnp.int32)
    inp['Ws1'] = _w(key, 2, (3, 16), 0.577); inp['bs1'] = jnp.zeros((16,), jnp.float32)
    inp['Wd1'] = _w(key, 3, (3, 16), 0.577); inp['bd1'] = jnp.zeros((16,), jnp.float32)
    inp['m1W1'] = _w(key, 4, (16, 32), 0.25); inp['m1b1'] = jnp.zeros((32,), jnp.float32)
    inp['m1g'] = jnp.ones((32,), jnp.float32); inp['m1be'] = jnp.zeros((32,), jnp.float32)
    inp['m1W2'] = _w(key, 5, (32, 16), 0.177); inp['m1b2'] = jnp.zeros((16,), jnp.float32)
    inp['Ws2'] = _w(key, 6, (16, 64), 0.25); inp['bs2'] = jnp.zeros((64,), jnp.float32)
    inp['Wd2'] = _w(key, 7, (16, 64), 0.25); inp['bd2'] = jnp.zeros((64,), jnp.float32)
    inp['m2W1'] = _w(key, 8, (64, 128), 0.125); inp['m2b1'] = jnp.zeros((128,), jnp.float32)
    inp['m2g'] = jnp.ones((128,), jnp.float32); inp['m2be'] = jnp.zeros((128,), jnp.float32)
    inp['m2W2'] = _w(key, 9, (128, 64), 0.088); inp['m2b2'] = jnp.zeros((64,), jnp.float32)
    inp['pool_p'] = _w(key, 10, (64,), 0.125)
    inp['fc1W'] = _w(key, 11, (64 * 512, 4096), 0.0055); inp['fc1b'] = jnp.zeros((4096,), jnp.float32)
    inp['fc2W'] = _w(key, 12, (4096, 512), 0.0156); inp['fc2b'] = jnp.zeros((512,), jnp.float32)
    return inp

def _genconv(x, src, dst, Ws, bs, Wd, bd, W1, b1, g, be, W2, b2):
    # GENConv (DeeperGCN) with defaults: aggr='softmax', t=1.0, eps=1e-7,
    # lin_src/lin_dst projections (in != out), 2-layer MLP with expansion=2,
    # batchnorm in eval mode with default running stats (affine-only here).
    xs = x @ Ws + bs
    xd = x @ Wd + bd
    msg = jax.nn.relu(xs[src]) + EPS
    mx = jax.ops.segment_max(msg, dst, num_segments=N)
    ex = jnp.exp(msg - mx[dst])
    den = jax.ops.segment_sum(ex, dst, num_segments=N)
    w = ex / (den[dst] + 1e-16)
    aggr = jax.ops.segment_sum(msg * w, dst, num_segments=N)
    h = aggr + xd
    h = h @ W1 + b1
    h = h * (g / jnp.sqrt(1.0 + 1e-5)) + be
    h = jax.nn.relu(h)
    return h @ W2 + b2

def reference(pos, edge_index, Ws1, bs1, Wd1, bd1, m1W1, m1b1, m1g, m1be, m1W2, m1b2, Ws2, bs2, Wd2, bd2, m2W1, m2b1, m2g, m2be, m2W2, m2b2, pool_p, fc1W, fc1b, fc2W, fc2b):
    src = edge_index[0]
    dst = edge_index[1]
    x = _genconv(pos, src, dst, Ws1, bs1, Wd1, bd1, m1W1, m1b1, m1g, m1be, m1W2, m1b2)
    x = jax.nn.leaky_relu(x, 0.01)
    x = _genconv(x, src, dst, Ws2, bs2, Wd2, bd2, m2W1, m2b1, m2g, m2be, m2W2, m2b2)
    x = jax.nn.leaky_relu(x, 0.01)
    # TopKPooling(in_channels=64, ratio=512): int ratio => k=512 nodes
    score = jnp.tanh((x @ pool_p) / (jnp.linalg.norm(pool_p) + 1e-16))
    vals, perm = jax.lax.top_k(score, 512)
    xp = x[perm] * vals[:, None]
    # transpose(0,1) then flatten(start_dim=0)
    flat = xp.T.reshape(-1)
    h = jax.nn.leaky_relu(flat @ fc1W + fc1b, 0.01)
    return h @ fc2W + fc2b

if __name__ == "__main__":
    import jax
    _d = setup_inputs()
    print(jax.jit(kernel)(*tuple(_d.values())))

</pallas_src>

<mosaic_0001>
#map = affine_map<(d0, d1) -> (0, 0)>
#map1 = affine_map<(d0, d1) -> (0)>
#map2 = affine_map<(d0, d1) -> (0, 0, 0)>
module attributes {stable_mosaic.version = 14 : i64} {
  func.func @_sc1_body(%arg0: i32, %arg1: i32, %arg2: memref<50000x32xf32, #tpu.memory_space<hbm>>, %arg3: memref<800000xi32, #tpu.memory_space<hbm>>, %arg4: memref<800000xi32, #tpu.memory_space<hbm>>, %arg5: memref<2x50048x32xf32, #tpu.memory_space<hbm>>, %arg6: memref<128xi32, #tpu.memory_space<vmem>>, %arg7: memref<128xi32, #tpu.memory_space<vmem>>, %arg8: memref<128x32xf32, #tpu.memory_space<vmem>>, %arg9: memref<136x32xf32, #tpu.memory_space<vmem>>, %arg10: memref<50048x32xf32, #tpu.memory_space<vmem_shared>>, %arg11: memref<!tpu.dma_semaphore, #tpu.memory_space<semaphore_mem>>) attributes {dimension_semantics = [#tpu.dimension_semantics<core_parallel>, #tpu.dimension_semantics<subcore_parallel>], iteration_bounds = array<i64: 2, 16>, scalar_prefetch = 0 : i64, scratch_operands = 6 : i64, tpu.core_type = #tpu.core_type<sc_vector_subcore>, window_params = [{transform_indices = #map}, {transform_indices = #map1}, {transform_indices = #map1}, {transform_indices = #map2}]} {
    %broadcast_in_dim3A = arith.constant 0.000000e+00 : f32
    %broadcast_in_dim3A_0 = vector.broadcast %broadcast_in_dim3A : f32 to vector<16xf32>
    %scan3A = arith.constant 0 : i32
    %scan3A_1 = arith.constant 0 : i32
    %scan3A_2 = arith.constant 136 : i32
    %scan3A_3 = arith.addi %scan3A_1, %scan3A_2 : i32
    %scan3A_4 = arith.constant 1 : i32
    %scan3A_5 = scf.for %scan3A_34 = %scan3A_1 to %scan3A_3 step %scan3A_4 iter_args(%scan3A_35 = %scan3A) -> (i32)  : i32 {
      %swap3A = arith.index_cast %scan3A_34 : i32 to index
      %swap3A_36 = arith.constant 0 : index
      %swap3A_37 = tpu.vector_load %arg9[%swap3A, %swap3A_36] {strides = array<i32>} : memref<136x32xf32, #tpu.memory_space<vmem>>, vector<1x16xf32>,
      %swap3A_38 = vector.shape_cast %swap3A_37 : vector<1x16xf32> to vector<16xf32>
      %swap3A_39 = vector.shape_cast %broadcast_in_dim3A_0 : vector<16xf32> to vector<1x16xf32>
      tpu.vector_store %arg9[%swap3A, %swap3A_36], %swap3A_39 {strides = array<i32>} : memref<136x32xf32, #tpu.memory_space<vmem>>, vector<1x16xf32>,
      %swap3A_40 = arith.index_cast %scan3A_34 : i32 to index
      %swap3A_41 = arith.constant 16 : index
      %swap3A_42 = tpu.vector_load %arg9[%swap3A_40, %swap3A_41] {strides = array<i32>} : memref<136x32xf32, #tpu.memory_space<vmem>>, vector<1x16xf32>,
      %swap3A_43 = vector.shape_cast %swap3A_42 : vector<1x16xf32> to vector<16xf32>
      %swap3A_44 = vector.shape_cast %broadcast_in_dim3A_0 : vector<16xf32> to vector<1x16xf32>
      tpu.vector_store %arg9[%swap3A_40, %swap3A_41], %swap3A_44 {strides = array<i32>} : memref<136x32xf32, #tpu.memory_space<vmem>>, vector<1x16xf32>,
      %scan3A_45 = arith.constant 0 : i32
      scf.yield %scan3A_45 : i32
    }
    %scan3A_6 = arith.constant 136 : i32
    %scan3A_7 = arith.constant 0 : i32
    %scan3A_8 = arith.constant 0 : i32
    %scan3A_9 = arith.constant 23 : i32
    %scan3A_10 = arith.addi %scan3A_8, %scan3A_9 : i32
    %scan3A_11 = arith.constant 1 : i32
    %scan3A_12 = scf.for %scan3A_34 = %scan3A_8 to %scan3A_10 step %scan3A_11 iter_args(%scan3A_35 = %scan3A_7) -> (i32)  : i32 {
      %mul3A_36 = arith.constant 3128 : i32
      %mul3A_37 = arith.muli %arg1, %mul3A_36 : i32
      %mul3A_38 = arith.constant 136 : i32
      %mul3A_39 = arith.muli %scan3A_34, %mul3A_38 : i32
      %add3A = arith.addi %mul3A_37, %mul3A_39 : i32
      "tpu.region"() ({
        %run_scoped3A = tpu.sem_alloc : memref<!tpu.dma_semaphore, #tpu.memory_space<semaphore_mem>>
        %dma_start3A = arith.constant 0 : i32
        %dma_start3A_41 = tpu.memref_slice %arg10[%add3A, %dma_start3A] : memref<50048x32xf32, #tpu.memory_space<vmem_shared>> -> memref<136x32xf32, #tpu.memory_space<vmem_shared>>
        %dma_start3A_42 = arith.constant 0 : i32
        %dma_start3A_43 = tpu.memref_slice %arg10[%add3A, %dma_start3A_42] : memref<50048x32xf32, #tpu.memory_space<vmem_shared>> -> memref<136x32xf32, #tpu.memory_space<vmem_shared>>
        tpu.enqueue_dma source(%arg9 : memref<136x32xf32, #tpu.memory_space<vmem>>) target(%dma_start3A_43 : memref<136x32xf32, #tpu.memory_space<vmem_shared>>) target_semaphore(%run_scoped3A : memref<!tpu.dma_semaphore, #tpu.memory_space<semaphore_mem>>)
        %dma_wait3A = arith.constant 0 : i32
        %dma_wait3A_44 = tpu.memref_slice %arg10[%add3A, %dma_wait3A] : memref<50048x32xf32, #tpu.memory_space<vmem_shared>> -> memref<136x32xf32, #tpu.memory_space<vmem_shared>>
        %dma_wait3A_45 = arith.constant 0 : i32
        %dma_wait3A_46 = tpu.memref_slice %arg10[%add3A, %dma_wait3A_45] : memref<50048x32xf32, #tpu.memory_space<vmem_shared>> -> memref<136x32xf32, #tpu.memory_space<vmem_shared>>
        tpu.wait_dma2 semaphore(%run_scoped3A : memref<!tpu.dma_semaphore, #tpu.memory_space<semaphore_mem>>) src(%arg9 : memref<136x32xf32, #tpu.memory_space<vmem>>) dst(%dma_wait3A_46 : memref<136x32xf32, #tpu.memory_space<vmem_shared>>)
        tpu.yield
      }) : () -> ()
      %scan3A_40 = arith.constant 0 : i32
      scf.yield %scan3A_40 : i32
    }
    %scan3A_13 = arith.constant 23 : i32
    %barrier3A = arith.constant 0 : index
    tpu.barrier barrier_id(%barrier3A)
    %mul3A = arith.constant 400000 : i32
    %mul3A_14 = arith.muli %arg0, %mul3A : i32
    %scan3A_15 = arith.constant 0 : i32
    %scan3A_16 = arith.constant 0 : i32
    %scan3A_17 = arith.constant 195 : i32
    %scan3A_18 = arith.addi %scan3A_16, %scan3A_17 : i32
    %scan3A_19 = arith.constant 1 : i32
    %scan3A_20 = scf.for %scan3A_34 = %scan3A_16 to %scan3A_18 step %scan3A_19 iter_args(%scan3A_35 = %scan3A_15) -> (i32)  : i32 {
      %mul3A_36 = arith.constant 16 : i32
      %mul3A_37 = arith.muli %scan3A_34, %mul3A_36 : i32
      %add3A = arith.addi %mul3A_37, %arg1 : i32
      %mul3A_38 = arith.constant 128 : i32
      %mul3A_39 = arith.muli %add3A, %mul3A_38 : i32
      %add3A_40 = arith.addi %mul3A_14, %mul3A_39 : i32
      "tpu.region"() ({
        %run_scoped3A = tpu.sem_alloc : memref<!tpu.dma_semaphore, #tpu.memory_space<semaphore_mem>>
        %dma_start3A_46 = tpu.memref_slice %arg3[%add3A_40] : memref<800000xi32, #tpu.memory_space<hbm>> -> memref<128xi32, #tpu.memory_space<hbm>>
        %dma_start3A_47 = tpu.memref_slice %arg3[%add3A_40] : memref<800000xi32, #tpu.memory_space<hbm>> -> memref<128xi32, #tpu.memory_space<hbm>>
        tpu.enqueue_dma source(%dma_start3A_47 : memref<128xi32, #tpu.memory_space<hbm>>) target(%arg6 : memref<128xi32, #tpu.memory_space<vmem>>) target_semaphore(%run_scoped3A : memref<!tpu.dma_semaphore, #tpu.memory_space<semaphore_mem>>)
        %dma_wait3A_48 = tpu.memref_slice %arg3[%add3A_40] : memref<800000xi32, #tpu.memory_space<hbm>> -> memref<128xi32, #tpu.memory_space<hbm>>
        %dma_wait3A_49 = tpu.memref_slice %arg3[%add3A_40] : memref<800000xi32, #tpu.memory_space<hbm>> -> memref<128xi32, #tpu.memory_space<hbm>>
        tpu.wait_dma2 semaphore(%run_scoped3A : memref<!tpu.dma_semaphore, #tpu.memory_space<semaphore_mem>>) src(%dma_wait3A_49 : memref<128xi32, #tpu.memory_space<hbm>>) dst(%arg6 : memref<128xi32, #tpu.memory_space<vmem>>)
        tpu.yield
      }) : () -> ()
      "tpu.region"() ({
        %run_scoped3A = tpu.sem_alloc : memref<!tpu.dma_semaphore, #tpu.memory_space<semaphore_mem>>
        %dma_start3A_46 = tpu.memref_slice %arg4[%add3A_40] : memref<800000xi32, #tpu.memory_space<hbm>> -> memref<128xi32, #tpu.memory_space<hbm>>
        %dma_start3A_47 = tpu.memref_slice %arg4[%add3A_40] : memref<800000xi32, #tpu.memory_space<hbm>> -> memref<128xi32, #tpu.memory_space<hbm>>
        tpu.enqueue_dma source(%dma_start3A_47 : memref<128xi32, #tpu.memory_space<hbm>>) target(%arg7 : memref<128xi32, #tpu.memory_space<vmem>>) target_semaphore(%run_scoped3A : memref<!tpu.dma_semaphore, #tpu.memory_space<semaphore_mem>>)
        %dma_wait3A_48 = tpu.memref_slice %arg4[%add3A_40] : memref<800000xi32, #tpu.memory_space<hbm>> -> memref<128xi32, #tpu.memory_space<hbm>>
        %dma_wait3A_49 = tpu.memref_slice %arg4[%add3A_40] : memref<800000xi32, #tpu.memory_space<hbm>> -> memref<128xi32, #tpu.memory_space<hbm>>
        tpu.wait_dma2 semaphore(%run_scoped3A : memref<!tpu.dma_semaphore, #tpu.memory_space<semaphore_mem>>) src(%dma_wait3A_49 : memref<128xi32, #tpu.memory_space<hbm>>) dst(%arg7 : memref<128xi32, #tpu.memory_space<vmem>>)
        tpu.yield
      }) : () -> ()
      %dma_start3A = arith.constant 0 : i32
      %dma_start3A_41 = arith.constant 0 : i32
      %dma_start3A_42 = tpu.memref_slice %arg2[%dma_start3A, %dma_start3A_41] : memref<50000x32xf32, #tpu.memory_space<hbm>> -> memref<50000x32xf32, #tpu.memory_space<hbm>>
      tpu.enqueue_indirect_dma source(%dma_start3A_42 : memref<50000x32xf32, #tpu.memory_space<hbm>>) target(%arg8 : memref<128x32xf32, #tpu.memory_space<vmem>>) offsets(%arg6 : memref<128xi32, #tpu.memory_space<vmem>>) semaphore(%arg11 : memref<!tpu.dma_semaphore, #tpu.memory_space<semaphore_mem>>)
      %dma_wait3A = arith.constant 0 : i32
      %dma_wait3A_43 = arith.constant 0 : i32
      %dma_wait3A_44 = tpu.memref_slice %arg2[%dma_wait3A, %dma_wait3A_43] : memref<50000x32xf32, #tpu.memory_space<hbm>> -> memref<50000x32xf32, #tpu.memory_space<hbm>>
      tpu.wait_indirect_dma semaphore(%arg11 : memref<!tpu.dma_semaphore, #tpu.memory_space<semaphore_mem>>) src(%dma_wait3A_44 : memref<50000x32xf32, #tpu.memory_space<hbm>>) dst(%arg8 : memref<128x32xf32, #tpu.memory_space<vmem>>)
      "tpu.region"() ({
        %run_scoped3A = tpu.sem_alloc : memref<!tpu.dma_semaphore, #tpu.memory_space<semaphore_mem>>
        %dma_start3A_46 = arith.constant 0 : i32
        %dma_start3A_47 = arith.constant 0 : i32
        %dma_start3A_48 = tpu.memref_slice %arg10[%dma_start3A_46, %dma_start3A_47] : memref<50048x32xf32, #tpu.memory_space<vmem_shared>> -> memref<50048x32xf32, #tpu.memory_space<vmem_shared>>
        tpu.enqueue_indirect_dma source(%arg8 : memref<128x32xf32, #tpu.memory_space<vmem>>) target(%dma_start3A_48 : memref<50048x32xf32, #tpu.memory_space<vmem_shared>>) offsets(%arg7 : memref<128xi32, #tpu.memory_space<vmem>>) semaphore(%run_scoped3A : memref<!tpu.dma_semaphore, #tpu.memory_space<semaphore_mem>>) {add = true}
        %dma_wait3A_49 = arith.constant 0 : i32
        %dma_wait3A_50 = arith.constant 0 : i32
        %dma_wait3A_51 = tpu.memref_slice %arg10[%dma_wait3A_49, %dma_wait3A_50] : memref<50048x32xf32, #tpu.memory_space<vmem_shared>> -> memref<50048x32xf32, #tpu.memory_space<vmem_shared>>
        tpu.wait_indirect_dma semaphore(%run_scoped3A : memref<!tpu.dma_semaphore, #tpu.memory_space<semaphore_mem>>) src(%arg8 : memref<128x32xf32, #tpu.memory_space<vmem>>) dst(%dma_wait3A_51 : memref<50048x32xf32, #tpu.memory_space<vmem_shared>>)
        tpu.yield
      }) : () -> ()
      %scan3A_45 = arith.constant 0 : i32
      scf.yield %scan3A_45 : i32
    }
    %scan3A_21 = arith.constant 195 : i32
    %lt3A = arith.constant 5 : i32
    %lt3A_22 = arith.cmpi slt, %arg1, %lt3A : i32
    %convert_element_type3A = arith.extui %lt3A_22 : i1 to i32
    %cond3A = arith.constant 0 : i32
    %cond3A_23 = arith.cmpi ne, %convert_element_type3A, %cond3A : i32
    scf.if %cond3A_23 {
      %add3A = arith.constant 3120 : i32
      %add3A_34 = arith.addi %add3A, %arg1 : i32
      %mul3A_35 = arith.constant 128 : i32
      %mul3A_36 = arith.muli %add3A_34, %mul3A_35 : i32
      %add3A_37 = arith.addi %mul3A_14, %mul3A_36 : i32
      "tpu.region"() ({
        %run_scoped3A = tpu.sem_alloc : memref<!tpu.dma_semaphore, #tpu.memory_space<semaphore_mem>>
        %dma_start3A_42 = tpu.memref_slice %arg3[%add3A_37] : memref<800000xi32, #tpu.memory_space<hbm>> -> memref<128xi32, #tpu.memory_space<hbm>>
        %dma_start3A_43 = tpu.memref_slice %arg3[%add3A_37] : memref<800000xi32, #tpu.memory_space<hbm>> -> memref<128xi32, #tpu.memory_space<hbm>>
        tpu.enqueue_dma source(%dma_start3A_43 : memref<128xi32, #tpu.memory_space<hbm>>) target(%arg6 : memref<128xi32, #tpu.memory_space<vmem>>) target_semaphore(%run_scoped3A : memref<!tpu.dma_semaphore, #tpu.memory_space<semaphore_mem>>)
        %dma_wait3A_44 = tpu.memref_slice %arg3[%add3A_37] : memref<800000xi32, #tpu.memory_space<hbm>> -> memref<128xi32, #tpu.memory_space<hbm>>
        %dma_wait3A_45 = tpu.memref_slice %arg3[%add3A_37] : memref<800000xi32, #tpu.memory_space<hbm>> -> memref<128xi32, #tpu.memory_space<hbm>>
        tpu.wait_dma2 semaphore(%run_scoped3A : memref<!tpu.dma_semaphore, #tpu.memory_space<semaphore_mem>>) src(%dma_wait3A_45 : memref<128xi32, #tpu.memory_space<hbm>>) dst(%arg6 : memref<128xi32, #tpu.memory_space<vmem>>)
        tpu.yield
      }) : () -> ()
      "tpu.region"() ({
        %run_scoped3A = tpu.sem_alloc : memref<!tpu.dma_semaphore, #tpu.memory_space<semaphore_mem>>
        %dma_start3A_42 = tpu.memref_slice %arg4[%add3A_37] : memref<800000xi32, #tpu.memory_space<hbm>> -> memref<128xi32, #tpu.memory_space<hbm>>
        %dma_start3A_43 = tpu.memref_slice %arg4[%add3A_37] : memref<800000xi32, #tpu.memory_space<hbm>> -> memref<128xi32, #tpu.memory_space<hbm>>
        tpu.enqueue_dma source(%dma_start3A_43 : memref<128xi32, #tpu.memory_space<hbm>>) target(%arg7 : memref<128xi32, #tpu.memory_space<vmem>>) target_semaphore(%run_scoped3A : memref<!tpu.dma_semaphore, #tpu.memory_space<semaphore_mem>>)
        %dma_wait3A_44 = tpu.memref_slice %arg4[%add3A_37] : memref<800000xi32, #tpu.memory_space<hbm>> -> memref<128xi32, #tpu.memory_space<hbm>>
        %dma_wait3A_45 = tpu.memref_slice %arg4[%add3A_37] : memref<800000xi32, #tpu.memory_space<hbm>> -> memref<128xi32, #tpu.memory_space<hbm>>
        tpu.wait_dma2 semaphore(%run_scoped3A : memref<!tpu.dma_semaphore, #tpu.memory_space<semaphore_mem>>) src(%dma_wait3A_45 : memref<128xi32, #tpu.memory_space<hbm>>) dst(%arg7 : memref<128xi32, #tpu.memory_space<vmem>>)
        tpu.yield
      }) : () -> ()
      %dma_start3A = arith.constant 0 : i32
      %dma_start3A_38 = arith.constant 0 : i32
      %dma_start3A_39 = tpu.memref_slice %arg2[%dma_start3A, %dma_start3A_38] : memref<50000x32xf32, #tpu.memory_space<hbm>> -> memref<50000x32xf32, #tpu.memory_space<hbm>>
      tpu.enqueue_indirect_dma source(%dma_start3A_39 : memref<50000x32xf32, #tpu.memory_space<hbm>>) target(%arg8 : memref<128x32xf32, #tpu.memory_space<vmem>>) offsets(%arg6 : memref<128xi32, #tpu.memory_space<vmem>>) semaphore(%arg11 : memref<!tpu.dma_semaphore, #tpu.memory_space<semaphore_mem>>)
      %dma_wait3A = arith.constant 0 : i32
      %dma_wait3A_40 = arith.constant 0 : i32
      %dma_wait3A_41 = tpu.memref_slice %arg2[%dma_wait3A, %dma_wait3A_40] : memref<50000x32xf32, #tpu.memory_space<hbm>> -> memref<50000x32xf32, #tpu.memory_space<hbm>>
      tpu.wait_indirect_dma semaphore(%arg11 : memref<!tpu.dma_semaphore, #tpu.memory_space<semaphore_mem>>) src(%dma_wait3A_41 : memref<50000x32xf32, #tpu.memory_space<hbm>>) dst(%arg8 : memref<128x32xf32, #tpu.memory_space<vmem>>)
      "tpu.region"() ({
        %run_scoped3A = tpu.sem_alloc : memref<!tpu.dma_semaphore, #tpu.memory_space<semaphore_mem>>
        %dma_start3A_42 = arith.constant 0 : i32
        %dma_start3A_43 = arith.constant 0 : i32
        %dma_start3A_44 = tpu.memref_slice %arg10[%dma_start3A_42, %dma_start3A_43] : memref<50048x32xf32, #tpu.memory_space<vmem_shared>> -> memref<50048x32xf32, #tpu.memory_space<vmem_shared>>
        tpu.enqueue_indirect_dma source(%arg8 : memref<128x32xf32, #tpu.memory_space<vmem>>) target(%dma_start3A_44 : memref<50048x32xf32, #tpu.memory_space<vmem_shared>>) offsets(%arg7 : memref<128xi32, #tpu.memory_space<vmem>>) semaphore(%run_scoped3A : memref<!tpu.dma_semaphore, #tpu.memory_space<semaphore_mem>>) {add = true}
        %dma_wait3A_45 = arith.constant 0 : i32
        %dma_wait3A_46 = arith.constant 0 : i32
        %dma_wait3A_47 = tpu.memref_slice %arg10[%dma_wait3A_45, %dma_wait3A_46] : memref<50048x32xf32, #tpu.memory_space<vmem_shared>> -> memref<50048x32xf32, #tpu.memory_space<vmem_shared>>
        tpu.wait_indirect_dma semaphore(%run_scoped3A : memref<!tpu.dma_semaphore, #tpu.memory_space<semaphore_mem>>) src(%arg8 : memref<128x32xf32, #tpu.memory_space<vmem>>) dst(%dma_wait3A_47 : memref<50048x32xf32, #tpu.memory_space<vmem_shared>>)
        tpu.yield
      }) : () -> ()
    } else {
    }
    %barrier3A_24 = arith.constant 0 : index
    tpu.barrier barrier_id(%barrier3A_24)
    %eq3A = arith.constant 0 : i32
    %eq3A_25 = arith.cmpi eq, %arg0, %eq3A : i32
    %convert_element_type3A_26 = arith.extui %eq3A_25 : i1 to i32
    %cond3A_27 = arith.constant 0 : i32
    %cond3A_28 = arith.cmpi ne, %convert_element_type3A_26, %cond3A_27 : i32
    scf.if %cond3A_28 {
      %mul3A_34 = arith.constant 3128 : i32
      %mul3A_35 = arith.muli %arg1, %mul3A_34 : i32
      %mul3A_36 = arith.constant 3128 : i32
      %mul3A_37 = arith.muli %arg1, %mul3A_36 : i32
      %run_scoped3A = arith.constant 0 : i32
      "tpu.region"() ({
        %run_scoped3A_38 = tpu.sem_alloc : memref<!tpu.dma_semaphore, #tpu.memory_space<semaphore_mem>>
        %dma_start3A = arith.constant 0 : i32
        %dma_start3A_39 = tpu.memref_slice %arg5[%run_scoped3A, %mul3A_37, %dma_start3A] : memref<2x50048x32xf32, #tpu.memory_space<hbm>> -> memref<1x3128x32xf32, #tpu.memory_space<hbm>>
        %dma_start3A_40 = tpu.memref_squeeze %dma_start3A_39 : memref<1x3128x32xf32, #tpu.memory_space<hbm>> -> memref<3128x32xf32, #tpu.memory_space<hbm>>
        %dma_start3A_41 = arith.constant 0 : i32
        %dma_start3A_42 = tpu.memref_slice %arg10[%mul3A_35, %dma_start3A_41] : memref<50048x32xf32, #tpu.memory_space<vmem_shared>> -> memref<3128x32xf32, #tpu.memory_space<vmem_shared>>
        tpu.enqueue_dma source(%dma_start3A_42 : memref<3128x32xf32, #tpu.memory_space<vmem_shared>>) target(%dma_start3A_40 : memref<3128x32xf32, #tpu.memory_space<hbm>>) target_semaphore(%run_scoped3A_38 : memref<!tpu.dma_semaphore, #tpu.memory_space<semaphore_mem>>)
        %dma_wait3A = arith.constant 0 : i32
        %dma_wait3A_43 = tpu.memref_slice %arg5[%run_scoped3A, %mul3A_37, %dma_wait3A] : memref<2x50048x32xf32, #tpu.memory_space<hbm>> -> memref<1x3128x32xf32, #tpu.memory_space<hbm>>
        %dma_wait3A_44 = tpu.memref_squeeze %dma_wait3A_43 : memref<1x3128x32xf32, #tpu.memory_space<hbm>> -> memref<3128x32xf32, #tpu.memory_space<hbm>>
        %dma_wait3A_45 = arith.constant 0 : i32
        %dma_wait3A_46 = tpu.memref_slice %arg10[%mul3A_35, %dma_wait3A_45] : memref<50048x32xf32, #tpu.memory_space<vmem_shared>> -> memref<3128x32xf32, #tpu.memory_space<vmem_shared>>
        tpu.wait_dma2 semaphore(%run_scoped3A_38 : memref<!tpu.dma_semaphore, #tpu.memory_space<semaphore_mem>>) src(%dma_wait3A_46 : memref<3128x32xf32, #tpu.memory_space<vmem_shared>>) dst(%dma_wait3A_44 : memref<3128x32xf32, #tpu.memory_space<hbm>>)
        tpu.yield
      }) : () -> ()
    } else {
    }
    %eq3A_29 = arith.constant 1 : i32
    %eq3A_30 = arith.cmpi eq, %arg0, %eq3A_29 : i32
    %convert_element_type3A_31 = arith.extui %eq3A_30 : i1 to i32
    %cond3A_32 = arith.constant 0 : i32
    %cond3A_33 = arith.cmpi ne, %convert_element_type3A_31, %cond3A_32 : i32
    scf.if %cond3A_33 {
      %mul3A_34 = arith.constant 3128 : i32
      %mul3A_35 = arith.muli %arg1, %mul3A_34 : i32
      %mul3A_36 = arith.constant 3128 : i32
      %mul3A_37 = arith.muli %arg1, %mul3A_36 : i32
      %run_scoped3A = arith.constant 1 : i32
      "tpu.region"() ({
        %run_scoped3A_38 = tpu.sem_alloc : memref<!tpu.dma_semaphore, #tpu.memory_space<semaphore_mem>>
        %dma_start3A = arith.constant 0 : i32
        %dma_start3A_39 = tpu.memref_slice %arg5[%run_scoped3A, %mul3A_37, %dma_start3A] : memref<2x50048x32xf32, #tpu.memory_space<hbm>> -> memref<1x3128x32xf32, #tpu.memory_space<hbm>>
        %dma_start3A_40 = tpu.memref_squeeze %dma_start3A_39 : memref<1x3128x32xf32, #tpu.memory_space<hbm>> -> memref<3128x32xf32, #tpu.memory_space<hbm>>
        %dma_start3A_41 = arith.constant 0 : i32
        %dma_start3A_42 = tpu.memref_slice %arg10[%mul3A_35, %dma_start3A_41] : memref<50048x32xf32, #tpu.memory_space<vmem_shared>> -> memref<3128x32xf32, #tpu.memory_space<vmem_shared>>
        tpu.enqueue_dma source(%dma_start3A_42 : memref<3128x32xf32, #tpu.memory_space<vmem_shared>>) target(%dma_start3A_40 : memref<3128x32xf32, #tpu.memory_space<hbm>>) target_semaphore(%run_scoped3A_38 : memref<!tpu.dma_semaphore, #tpu.memory_space<semaphore_mem>>)
        %dma_wait3A = arith.constant 0 : i32
        %dma_wait3A_43 = tpu.memref_slice %arg5[%run_scoped3A, %mul3A_37, %dma_wait3A] : memref<2x50048x32xf32, #tpu.memory_space<hbm>> -> memref<1x3128x32xf32, #tpu.memory_space<hbm>>
        %dma_wait3A_44 = tpu.memref_squeeze %dma_wait3A_43 : memref<1x3128x32xf32, #tpu.memory_space<hbm>> -> memref<3128x32xf32, #tpu.memory_space<hbm>>
        %dma_wait3A_45 = arith.constant 0 : i32
        %dma_wait3A_46 = tpu.memref_slice %arg10[%mul3A_35, %dma_wait3A_45] : memref<50048x32xf32, #tpu.memory_space<vmem_shared>> -> memref<3128x32xf32, #tpu.memory_space<vmem_shared>>
        tpu.wait_dma2 semaphore(%run_scoped3A_38 : memref<!tpu.dma_semaphore, #tpu.memory_space<semaphore_mem>>) src(%dma_wait3A_46 : memref<3128x32xf32, #tpu.memory_space<vmem_shared>>) dst(%dma_wait3A_44 : memref<3128x32xf32, #tpu.memory_space<hbm>>)
        tpu.yield
      }) : () -> ()
    } else {
    }
    return
  }
}

#map = affine_map<(d0, d1) -> (0, 0)>
#map1 = affine_map<(d0, d1) -> (0)>
#map2 = affine_map<(d0, d1) -> (0, 0, 0)>
module attributes {stable_mosaic.version = 14 : i64} {
  func.func @_sc2_body(%arg0: i32, %arg1: i32, %arg2: memref<200000x32xf32, #tpu.memory_space<hbm>>, %arg3: memref<800000xi32, #tpu.memory_space<hbm>>, %arg4: memref<800000xi32, #tpu.memory_space<hbm>>, %arg5: memref<4x50048x32xf32, #tpu.memory_space<hbm>>, %arg6: memref<128xi32, #tpu.memory_space<vmem>>, %arg7: memref<128xi32, #tpu.memory_space<vmem>>, %arg8: memref<128x32xf32, #tpu.memory_space<vmem>>, %arg9: memref<136x32xf32, #tpu.memory_space<vmem>>, %arg10: memref<50048x32xf32, #tpu.memory_space<vmem_shared>>, %arg11: memref<!tpu.dma_semaphore, #tpu.memory_space<semaphore_mem>>) attributes {dimension_semantics = [#tpu.dimension_semantics<core_parallel>, #tpu.dimension_semantics<subcore_parallel>], iteration_bounds = array<i64: 2, 16>, scalar_prefetch = 0 : i64, scratch_operands = 6 : i64, tpu.core_type = #tpu.core_type<sc_vector_subcore>, window_params = [{transform_indices = #map}, {transform_indices = #map1}, {transform_indices = #map1}, {transform_indices = #map2}]} {
    %broadcast_in_dim3A = arith.constant 0.000000e+00 : f32
    %broadcast_in_dim3A_0 = vector.broadcast %broadcast_in_dim3A : f32 to vector<16xf32>
    %scan3A = arith.constant 0 : i32
    %scan3A_1 = arith.constant 0 : i32
    %scan3A_2 = arith.constant 136 : i32
    %scan3A_3 = arith.addi %scan3A_1, %scan3A_2 : i32
    %scan3A_4 = arith.constant 1 : i32
    %scan3A_5 = scf.for %scan3A_24 = %scan3A_1 to %scan3A_3 step %scan3A_4 iter_args(%scan3A_25 = %scan3A) -> (i32)  : i32 {
      %swap3A = arith.index_cast %scan3A_24 : i32 to index
      %swap3A_26 = arith.constant 0 : index
      %swap3A_27 = tpu.vector_load %arg9[%swap3A, %swap3A_26] {strides = array<i32>} : memref<136x32xf32, #tpu.memory_space<vmem>>, vector<1x16xf32>,
      %swap3A_28 = vector.shape_cast %swap3A_27 : vector<1x16xf32> to vector<16xf32>
      %swap3A_29 = vector.shape_cast %broadcast_in_dim3A_0 : vector<16xf32> to vector<1x16xf32>
      tpu.vector_store %arg9[%swap3A, %swap3A_26], %swap3A_29 {strides = array<i32>} : memref<136x32xf32, #tpu.memory_space<vmem>>, vector<1x16xf32>,
      %swap3A_30 = arith.index_cast %scan3A_24 : i32 to index
      %swap3A_31 = arith.constant 16 : index
      %swap3A_32 = tpu.vector_load %arg9[%swap3A_30, %swap3A_31] {strides = array<i32>} : memref<136x32xf32, #tpu.memory_space<vmem>>, vector<1x16xf32>,
      %swap3A_33 = vector.shape_cast %swap3A_32 : vector<1x16xf32> to vector<16xf32>
      %swap3A_34 = vector.shape_cast %broadcast_in_dim3A_0 : vector<16xf32> to vector<1x16xf32>
      tpu.vector_store %arg9[%swap3A_30, %swap3A_31], %swap3A_34 {strides = array<i32>} : memref<136x32xf32, #tpu.memory_space<vmem>>, vector<1x16xf32>,
      %scan3A_35 = arith.constant 0 : i32
      scf.yield %scan3A_35 : i32
    }
    %scan3A_6 = arith.constant 136 : i32
    %eq3A = arith.constant 0 : i32
    %eq3A_7 = arith.cmpi eq, %arg0, %eq3A : i32
    %convert_element_type3A = arith.extui %eq3A_7 : i1 to i32
    %cond3A = arith.constant 0 : i32
    %cond3A_8 = arith.cmpi ne, %convert_element_type3A, %cond3A : i32
    scf.if %cond3A_8 {
      %scan3A_24 = arith.constant 0 : i32
      %scan3A_25 = arith.constant 0 : i32
      %scan3A_26 = arith.constant 23 : i32
      %scan3A_27 = arith.addi %scan3A_25, %scan3A_26 : i32
      %scan3A_28 = arith.constant 1 : i32
      %scan3A_29 = scf.for %scan3A_46 = %scan3A_25 to %scan3A_27 step %scan3A_28 iter_args(%scan3A_47 = %scan3A_24) -> (i32)  : i32 {
        %mul3A_48 = arith.constant 3128 : i32
        %mul3A_49 = arith.muli %arg1, %mul3A_48 : i32
        %mul3A_50 = arith.constant 136 : i32
        %mul3A_51 = arith.muli %scan3A_46, %mul3A_50 : i32
        %add3A = arith.addi %mul3A_49, %mul3A_51 : i32
        "tpu.region"() ({
          %run_scoped3A_53 = tpu.sem_alloc : memref<!tpu.dma_semaphore, #tpu.memory_space<semaphore_mem>>
          %dma_start3A = arith.constant 0 : i32
          %dma_start3A_54 = tpu.memref_slice %arg10[%add3A, %dma_start3A] : memref<50048x32xf32, #tpu.memory_space<vmem_shared>> -> memref<136x32xf32, #tpu.memory_space<vmem_shared>>
          %dma_start3A_55 = arith.constant 0 : i32
          %dma_start3A_56 = tpu.memref_slice %arg10[%add3A, %dma_start3A_55] : memref<50048x32xf32, #tpu.memory_space<vmem_shared>> -> memref<136x32xf32, #tpu.memory_space<vmem_shared>>
          tpu.enqueue_dma source(%arg9 : memref<136x32xf32, #tpu.memory_space<vmem>>) target(%dma_start3A_56 : memref<136x32xf32, #tpu.memory_space<vmem_shared>>) target_semaphore(%run_scoped3A_53 : memref<!tpu.dma_semaphore, #tpu.memory_space<semaphore_mem>>)
          %dma_wait3A = arith.constant 0 : i32
          %dma_wait3A_57 = tpu.memref_slice %arg10[%add3A, %dma_wait3A] : memref<50048x32xf32, #tpu.memory_space<vmem_shared>> -> memref<136x32xf32, #tpu.memory_space<vmem_shared>>
          %dma_wait3A_58 = arith.constant 0 : i32
          %dma_wait3A_59 = tpu.memref_slice %arg10[%add3A, %dma_wait3A_58] : memref<50048x32xf32, #tpu.memory_space<vmem_shared>> -> memref<136x32xf32, #tpu.memory_space<vmem_shared>>
          tpu.wait_dma2 semaphore(%run_scoped3A_53 : memref<!tpu.dma_semaphore, #tpu.memory_space<semaphore_mem>>) src(%arg9 : memref<136x32xf32, #tpu.memory_space<vmem>>) dst(%dma_wait3A_59 : memref<136x32xf32, #tpu.memory_space<vmem_shared>>)
          tpu.yield
        }) : () -> ()
        %scan3A_52 = arith.constant 0 : i32
        scf.yield %scan3A_52 : i32
      }
      %scan3A_30 = arith.constant 23 : i32
      %barrier3A = arith.constant 0 : index
      tpu.barrier barrier_id(%barrier3A)
      %scan3A_31 = arith.constant 0 : i32
      %scan3A_32 = arith.constant 0 : i32
      %scan3A_33 = arith.constant 390 : i32
      %scan3A_34 = arith.addi %scan3A_32, %scan3A_33 : i32
      %scan3A_35 = arith.constant 1 : i32
      %scan3A_36 = scf.for %scan3A_46 = %scan3A_32 to %scan3A_34 step %scan3A_35 iter_args(%scan3A_47 = %scan3A_31) -> (i32)  : i32 {
        %mul3A_48 = arith.constant 16 : i32
        %mul3A_49 = arith.muli %scan3A_46, %mul3A_48 : i32
        %add3A = arith.addi %mul3A_49, %arg1 : i32
        %mul3A_50 = arith.constant 128 : i32
        %mul3A_51 = arith.muli %add3A, %mul3A_50 : i32
        "tpu.region"() ({
          %run_scoped3A_57 = tpu.sem_alloc : memref<!tpu.dma_semaphore, #tpu.memory_space<semaphore_mem>>
          %dma_start3A_58 = tpu.memref_slice %arg3[%mul3A_51] : memref<800000xi32, #tpu.memory_space<hbm>> -> memref<128xi32, #tpu.memory_space<hbm>>
          %dma_start3A_59 = tpu.memref_slice %arg3[%mul3A_51] : memref<800000xi32, #tpu.memory_space<hbm>> -> memref<128xi32, #tpu.memory_space<hbm>>
          tpu.enqueue_dma source(%dma_start3A_59 : memref<128xi32, #tpu.memory_space<hbm>>) target(%arg6 : memref<128xi32, #tpu.memory_space<vmem>>) target_semaphore(%run_scoped3A_57 : memref<!tpu.dma_semaphore, #tpu.memory_space<semaphore_mem>>)
          %dma_wait3A_60 = tpu.memref_slice %arg3[%mul3A_51] : memref<800000xi32, #tpu.memory_space<hbm>> -> memref<128xi32, #tpu.memory_space<hbm>>
          %dma_wait3A_61 = tpu.memref_slice %arg3[%mul3A_51] : memref<800000xi32, #tpu.memory_space<hbm>> -> memref<128xi32, #tpu.memory_space<hbm>>
          tpu.wait_dma2 semaphore(%run_scoped3A_57 : memref<!tpu.dma_semaphore, #tpu.memory_space<semaphore_mem>>) src(%dma_wait3A_61 : memref<128xi32, #tpu.memory_space<hbm>>) dst(%arg6 : memref<128xi32, #tpu.memory_space<vmem>>)
          tpu.yield
        }) : () -> ()
        "tpu.region"() ({
          %run_scoped3A_57 = tpu.sem_alloc : memref<!tpu.dma_semaphore, #tpu.memory_space<semaphore_mem>>
          %dma_start3A_58 = tpu.memref_slice %arg4[%mul3A_51] : memref<800000xi32, #tpu.memory_space<hbm>> -> memref<128xi32, #tpu.memory_space<hbm>>
          %dma_start3A_59 = tpu.memref_slice %arg4[%mul3A_51] : memref<800000xi32, #tpu.memory_space<hbm>> -> memref<128xi32, #tpu.memory_space<hbm>>
          tpu.enqueue_dma source(%dma_start3A_59 : memref<128xi32, #tpu.memory_space<hbm>>) target(%arg7 : memref<128xi32, #tpu.memory_space<vmem>>) target_semaphore(%run_scoped3A_57 : memref<!tpu.dma_semaphore, #tpu.memory_space<semaphore_mem>>)
          %dma_wait3A_60 = tpu.memref_slice %arg4[%mul3A_51] : memref<800000xi32, #tpu.memory_space<hbm>> -> memref<128xi32, #tpu.memory_space<hbm>>
          %dma_wait3A_61 = tpu.memref_slice %arg4[%mul3A_51] : memref<800000xi32, #tpu.memory_space<hbm>> -> memref<128xi32, #tpu.memory_space<hbm>>
          tpu.wait_dma2 semaphore(%run_scoped3A_57 : memref<!tpu.dma_semaphore, #tpu.memory_space<semaphore_mem>>) src(%dma_wait3A_61 : memref<128xi32, #tpu.memory_space<hbm>>) dst(%arg7 : memref<128xi32, #tpu.memory_space<vmem>>)
          tpu.yield
        }) : () -> ()
        %dma_start3A = arith.constant 0 : i32
        %dma_start3A_52 = arith.constant 0 : i32
        %dma_start3A_53 = tpu.memref_slice %arg2[%dma_start3A, %dma_start3A_52] : memref<200000x32xf32, #tpu.memory_space<hbm>> -> memref<200000x32xf32, #tpu.memory_space<hbm>>
        tpu.enqueue_indirect_dma source(%dma_start3A_53 : memref<200000x32xf32, #tpu.memory_space<hbm>>) target(%arg8 : memref<128x32xf32, #tpu.memory_space<vmem>>) offsets(%arg6 : memref<128xi32, #tpu.memory_space<vmem>>) semaphore(%arg11 : memref<!tpu.dma_semaphore, #tpu.memory_space<semaphore_mem>>)
        %dma_wait3A = arith.constant 0 : i32
        %dma_wait3A_54 = arith.constant 0 : i32
        %dma_wait3A_55 = tpu.memref_slice %arg2[%dma_wait3A, %dma_wait3A_54] : memref<200000x32xf32, #tpu.memory_space<hbm>> -> memref<200000x32xf32, #tpu.memory_space<hbm>>
        tpu.wait_indirect_dma semaphore(%arg11 : memref<!tpu.dma_semaphore, #tpu.memory_space<semaphore_mem>>) src(%dma_wait3A_55 : memref<200000x32xf32, #tpu.memory_space<hbm>>) dst(%arg8 : memref<128x32xf32, #tpu.memory_space<vmem>>)
        "tpu.region"() ({
          %run_scoped3A_57 = tpu.sem_alloc : memref<!tpu.dma_semaphore, #tpu.memory_space<semaphore_mem>>
          %dma_start3A_58 = arith.constant 0 : i32
          %dma_start3A_59 = arith.constant 0 : i32
          %dma_start3A_60 = tpu.memref_slice %arg10[%dma_start3A_58, %dma_start3A_59] : memref<50048x32xf32, #tpu.memory_space<vmem_shared>> -> memref<50048x32xf32, #tpu.memory_space<vmem_shared>>
          tpu.enqueue_indirect_dma source(%arg8 : memref<128x32xf32, #tpu.memory_space<vmem>>) target(%dma_start3A_60 : memref<50048x32xf32, #tpu.memory_space<vmem_shared>>) offsets(%arg7 : memref<128xi32, #tpu.memory_space<vmem>>) semaphore(%run_scoped3A_57 : memref<!tpu.dma_semaphore, #tpu.memory_space<semaphore_mem>>) {add = true}
          %dma_wait3A_61 = arith.constant 0 : i32
          %dma_wait3A_62 = arith.constant 0 : i32
          %dma_wait3A_63 = tpu.memref_slice %arg10[%dma_wait3A_61, %dma_wait3A_62] : memref<50048x32xf32, #tpu.memory_space<vmem_shared>> -> memref<50048x32xf32, #tpu.memory_space<vmem_shared>>
          tpu.wait_indirect_dma semaphore(%run_scoped3A_57 : memref<!tpu.dma_semaphore, #tpu.memory_space<semaphore_mem>>) src(%arg8 : memref<128x32xf32, #tpu.memory_space<vmem>>) dst(%dma_wait3A_63 : memref<50048x32xf32, #tpu.memory_space<vmem_shared>>)
          tpu.yield
        }) : () -> ()
        %scan3A_56 = arith.constant 0 : i32
        scf.yield %scan3A_56 : i32
      }
      %scan3A_37 = arith.constant 390 : i32
      %lt3A = arith.constant 10 : i32
      %lt3A_38 = arith.cmpi slt, %arg1, %lt3A : i32
      %convert_element_type3A_39 = arith.extui %lt3A_38 : i1 to i32
      %cond3A_40 = arith.constant 0 : i32
      %cond3A_41 = arith.cmpi ne, %convert_element_type3A_39, %cond3A_40 : i32
      scf.if %cond3A_41 {
        %add3A = arith.constant 6240 : i32
        %add3A_46 = arith.addi %add3A, %arg1 : i32
        %mul3A_47 = arith.constant 128 : i32
        %mul3A_48 = arith.muli %add3A_46, %mul3A_47 : i32
        "tpu.region"() ({
          %run_scoped3A_53 = tpu.sem_alloc : memref<!tpu.dma_semaphore, #tpu.memory_space<semaphore_mem>>
          %dma_start3A_54 = tpu.memref_slice %arg3[%mul3A_48] : memref<800000xi32, #tpu.memory_space<hbm>> -> memref<128xi32, #tpu.memory_space<hbm>>
          %dma_start3A_55 = tpu.memref_slice %arg3[%mul3A_48] : memref<800000xi32, #tpu.memory_space<hbm>> -> memref<128xi32, #tpu.memory_space<hbm>>
          tpu.enqueue_dma source(%dma_start3A_55 : memref<128xi32, #tpu.memory_space<hbm>>) target(%arg6 : memref<128xi32, #tpu.memory_space<vmem>>) target_semaphore(%run_scoped3A_53 : memref<!tpu.dma_semaphore, #tpu.memory_space<semaphore_mem>>)
          %dma_wait3A_56 = tpu.memref_slice %arg3[%mul3A_48] : memref<800000xi32, #tpu.memory_space<hbm>> -> memref<128xi32, #tpu.memory_space<hbm>>
          %dma_wait3A_57 = tpu.memref_slice %arg3[%mul3A_48] : memref<800000xi32, #tpu.memory_space<hbm>> -> memref<128xi32, #tpu.memory_space<hbm>>
          tpu.wait_dma2 semaphore(%run_scoped3A_53 : memref<!tpu.dma_semaphore, #tpu.memory_space<semaphore_mem>>) src(%dma_wait3A_57 : memref<128xi32, #tpu.memory_space<hbm>>) dst(%arg6 : memref<128xi32, #tpu.memory_space<vmem>>)
          tpu.yield
        }) : () -> ()
        "tpu.region"() ({
          %run_scoped3A_53 = tpu.sem_alloc : memref<!tpu.dma_semaphore, #tpu.memory_space<semaphore_mem>>
          %dma_start3A_54 = tpu.memref_slice %arg4[%mul3A_48] : memref<800000xi32, #tpu.memory_space<hbm>> -> memref<128xi32, #tpu.memory_space<hbm>>
          %dma_start3A_55 = tpu.memref_slice %arg4[%mul3A_48] : memref<800000xi32, #tpu.memory_space<hbm>> -> memref<128xi32, #tpu.memory_space<hbm>>
          tpu.enqueue_dma source(%dma_start3A_55 : memref<128xi32, #tpu.memory_space<hbm>>) target(%arg7 : memref<128xi32, #tpu.memory_space<vmem>>) target_semaphore(%run_scoped3A_53 : memref<!tpu.dma_semaphore, #tpu.memory_space<semaphore_mem>>)
          %dma_wait3A_56 = tpu.memref_slice %arg4[%mul3A_48] : memref<800000xi32, #tpu.memory_space<hbm>> -> memref<128xi32, #tpu.memory_space<hbm>>
          %dma_wait3A_57 = tpu.memref_slice %arg4[%mul3A_48] : memref<800000xi32, #tpu.memory_space<hbm>> -> memref<128xi32, #tpu.memory_space<hbm>>
          tpu.wait_dma2 semaphore(%run_scoped3A_53 : memref<!tpu.dma_semaphore, #tpu.memory_space<semaphore_mem>>) src(%dma_wait3A_57 : memref<128xi32, #tpu.memory_space<hbm>>) dst(%arg7 : memref<128xi32, #tpu.memory_space<vmem>>)
          tpu.yield
        }) : () -> ()
        %dma_start3A = arith.constant 0 : i32
        %dma_start3A_49 = arith.constant 0 : i32
        %dma_start3A_50 = tpu.memref_slice %arg2[%dma_start3A, %dma_start3A_49] : memref<200000x32xf32, #tpu.memory_space<hbm>> -> memref<200000x32xf32, #tpu.memory_space<hbm>>
        tpu.enqueue_indirect_dma source(%dma_start3A_50 : memref<200000x32xf32, #tpu.memory_space<hbm>>) target(%arg8 : memref<128x32xf32, #tpu.memory_space<vmem>>) offsets(%arg6 : memref<128xi32, #tpu.memory_space<vmem>>) semaphore(%arg11 : memref<!tpu.dma_semaphore, #tpu.memory_space<semaphore_mem>>)
        %dma_wait3A = arith.constant 0 : i32
        %dma_wait3A_51 = arith.constant 0 : i32
        %dma_wait3A_52 = tpu.memref_slice %arg2[%dma_wait3A, %dma_wait3A_51] : memref<200000x32xf32, #tpu.memory_space<hbm>> -> memref<200000x32xf32, #tpu.memory_space<hbm>>
        tpu.wait_indirect_dma semaphore(%arg11 : memref<!tpu.dma_semaphore, #tpu.memory_space<semaphore_mem>>) src(%dma_wait3A_52 : memref<200000x32xf32, #tpu.memory_space<hbm>>) dst(%arg8 : memref<128x32xf32, #tpu.memory_space<vmem>>)
        "tpu.region"() ({
          %run_scoped3A_53 = tpu.sem_alloc : memref<!tpu.dma_semaphore, #tpu.memory_space<semaphore_mem>>
          %dma_start3A_54 = arith.constant 0 : i32
          %dma_start3A_55 = arith.constant 0 : i32
          %dma_start3A_56 = tpu.memref_slice %arg10[%dma_start3A_54, %dma_start3A_55] : memref<50048x32xf32, #tpu.memory_space<vmem_shared>> -> memref<50048x32xf32, #tpu.memory_space<vmem_shared>>
          tpu.enqueue_indirect_dma source(%arg8 : memref<128x32xf32, #tpu.memory_space<vmem>>) target(%dma_start3A_56 : memref<50048x32xf32, #tpu.memory_space<vmem_shared>>) offsets(%arg7 : memref<128xi32, #tpu.memory_space<vmem>>) semaphore(%run_scoped3A_53 : memref<!tpu.dma_semaphore, #tpu.memory_space<semaphore_mem>>) {add = true}
          %dma_wait3A_57 = arith.constant 0 : i32
          %dma_wait3A_58 = arith.constant 0 : i32
          %dma_wait3A_59 = tpu.memref_slice %arg10[%dma_wait3A_57, %dma_wait3A_58] : memref<50048x32xf32, #tpu.memory_space<vmem_shared>> -> memref<50048x32xf32, #tpu.memory_space<vmem_shared>>
          tpu.wait_indirect_dma semaphore(%run_scoped3A_53 : memref<!tpu.dma_semaphore, #tpu.memory_space<semaphore_mem>>) src(%arg8 : memref<128x32xf32, #tpu.memory_space<vmem>>) dst(%dma_wait3A_59 : memref<50048x32xf32, #tpu.memory_space<vmem_shared>>)
          tpu.yield
        }) : () -> ()
      } else {
      }
      %barrier3A_42 = arith.constant 0 : index
      tpu.barrier barrier_id(%barrier3A_42)
      %mul3A = arith.constant 3128 : i32
      %mul3A_43 = arith.muli %arg1, %mul3A : i32
      %mul3A_44 = arith.constant 3128 : i32
      %mul3A_45 = arith.muli %arg1, %mul3A_44 : i32
      %run_scoped3A = arith.constant 0 : i32
      "tpu.region"() ({
        %run_scoped3A_46 = tpu.sem_alloc : memref<!tpu.dma_semaphore, #tpu.memory_space<semaphore_mem>>
        %dma_start3A = arith.constant 0 : i32
        %dma_start3A_47 = tpu.memref_slice %arg5[%run_scoped3A, %mul3A_45, %dma_start3A] : memref<4x50048x32xf32, #tpu.memory_space<hbm>> -> memref<1x3128x32xf32, #tpu.memory_space<hbm>>
        %dma_start3A_48 = tpu.memref_squeeze %dma_start3A_47 : memref<1x3128x32xf32, #tpu.memory_space<hbm>> -> memref<3128x32xf32, #tpu.memory_space<hbm>>
        %dma_start3A_49 = arith.constant 0 : i32
        %dma_start3A_50 = tpu.memref_slice %arg10[%mul3A_43, %dma_start3A_49] : memref<50048x32xf32, #tpu.memory_space<vmem_shared>> -> memref<3128x32xf32, #tpu.memory_space<vmem_shared>>
        tpu.enqueue_dma source(%dma_start3A_50 : memref<3128x32xf32, #tpu.memory_space<vmem_shared>>) target(%dma_start3A_48 : memref<3128x32xf32, #tpu.memory_space<hbm>>) target_semaphore(%run_scoped3A_46 : memref<!tpu.dma_semaphore, #tpu.memory_space<semaphore_mem>>)
        %dma_wait3A = arith.constant 0 : i32
        %dma_wait3A_51 = tpu.memref_slice %arg5[%run_scoped3A, %mul3A_45, %dma_wait3A] : memref<4x50048x32xf32, #tpu.memory_space<hbm>> -> memref<1x3128x32xf32, #tpu.memory_space<hbm>>
        %dma_wait3A_52 = tpu.memref_squeeze %dma_wait3A_51 : memref<1x3128x32xf32, #tpu.memory_space<hbm>> -> memref<3128x32xf32, #tpu.memory_space<hbm>>
        %dma_wait3A_53 = arith.constant 0 : i32
        %dma_wait3A_54 = tpu.memref_slice %arg10[%mul3A_43, %dma_wait3A_53] : memref<50048x32xf32, #tpu.memory_space<vmem_shared>> -> memref<3128x32xf32, #tpu.memory_space<vmem_shared>>
        tpu.wait_dma2 semaphore(%run_scoped3A_46 : memref<!tpu.dma_semaphore, #tpu.memory_space<semaphore_mem>>) src(%dma_wait3A_54 : memref<3128x32xf32, #tpu.memory_space<vmem_shared>>) dst(%dma_wait3A_52 : memref<3128x32xf32, #tpu.memory_space<hbm>>)
        tpu.yield
      }) : () -> ()
    } else {
    }
    %eq3A_9 = arith.constant 0 : i32
    %eq3A_10 = arith.cmpi eq, %arg0, %eq3A_9 : i32
    %convert_element_type3A_11 = arith.extui %eq3A_10 : i1 to i32
    %cond3A_12 = arith.constant 0 : i32
    %cond3A_13 = arith.cmpi ne, %convert_element_type3A_11, %cond3A_12 : i32
    scf.if %cond3A_13 {
      %scan3A_24 = arith.constant 0 : i32
      %scan3A_25 = arith.constant 0 : i32
      %scan3A_26 = arith.constant 23 : i32
      %scan3A_27 = arith.addi %scan3A_25, %scan3A_26 : i32
      %scan3A_28 = arith.constant 1 : i32
      %scan3A_29 = scf.for %scan3A_46 = %scan3A_25 to %scan3A_27 step %scan3A_28 iter_args(%scan3A_47 = %scan3A_24) -> (i32)  : i32 {
        %mul3A_48 = arith.constant 3128 : i32
        %mul3A_49 = arith.muli %arg1, %mul3A_48 : i32
        %mul3A_50 = arith.constant 136 : i32
        %mul3A_51 = arith.muli %scan3A_46, %mul3A_50 : i32
        %add3A = arith.addi %mul3A_49, %mul3A_51 : i32
        "tpu.region"() ({
          %run_scoped3A_53 = tpu.sem_alloc : memref<!tpu.dma_semaphore, #tpu.memory_space<semaphore_mem>>
          %dma_start3A = arith.constant 0 : i32
          %dma_start3A_54 = tpu.memref_slice %arg10[%add3A, %dma_start3A] : memref<50048x32xf32, #tpu.memory_space<vmem_shared>> -> memref<136x32xf32, #tpu.memory_space<vmem_shared>>
          %dma_start3A_55 = arith.constant 0 : i32
          %dma_start3A_56 = tpu.memref_slice %arg10[%add3A, %dma_start3A_55] : memref<50048x32xf32, #tpu.memory_space<vmem_shared>> -> memref<136x32xf32, #tpu.memory_space<vmem_shared>>
          tpu.enqueue_dma source(%arg9 : memref<136x32xf32, #tpu.memory_space<vmem>>) target(%dma_start3A_56 : memref<136x32xf32, #tpu.memory_space<vmem_shared>>) target_semaphore(%run_scoped3A_53 : memref<!tpu.dma_semaphore, #tpu.memory_space<semaphore_mem>>)
          %dma_wait3A = arith.constant 0 : i32
          %dma_wait3A_57 = tpu.memref_slice %arg10[%add3A, %dma_wait3A] : memref<50048x32xf32, #tpu.memory_space<vmem_shared>> -> memref<136x32xf32, #tpu.memory_space<vmem_shared>>
          %dma_wait3A_58 = arith.constant 0 : i32
          %dma_wait3A_59 = tpu.memref_slice %arg10[%add3A, %dma_wait3A_58] : memref<50048x32xf32, #tpu.memory_space<vmem_shared>> -> memref<136x32xf32, #tpu.memory_space<vmem_shared>>
          tpu.wait_dma2 semaphore(%run_scoped3A_53 : memref<!tpu.dma_semaphore, #tpu.memory_space<semaphore_mem>>) src(%arg9 : memref<136x32xf32, #tpu.memory_space<vmem>>) dst(%dma_wait3A_59 : memref<136x32xf32, #tpu.memory_space<vmem_shared>>)
          tpu.yield
        }) : () -> ()
        %scan3A_52 = arith.constant 0 : i32
        scf.yield %scan3A_52 : i32
      }
      %scan3A_30 = arith.constant 23 : i32
      %barrier3A = arith.constant 0 : index
      tpu.barrier barrier_id(%barrier3A)
      %scan3A_31 = arith.constant 0 : i32
      %scan3A_32 = arith.constant 0 : i32
      %scan3A_33 = arith.constant 390 : i32
      %scan3A_34 = arith.addi %scan3A_32, %scan3A_33 : i32
      %scan3A_35 = arith.constant 1 : i32
      %scan3A_36 = scf.for %scan3A_46 = %scan3A_32 to %scan3A_34 step %scan3A_35 iter_args(%scan3A_47 = %scan3A_31) -> (i32)  : i32 {
        %mul3A_48 = arith.constant 16 : i32
        %mul3A_49 = arith.muli %scan3A_46, %mul3A_48 : i32
        %add3A = arith.addi %mul3A_49, %arg1 : i32
        %mul3A_50 = arith.constant 128 : i32
        %mul3A_51 = arith.muli %add3A, %mul3A_50 : i32
        "tpu.region"() ({
          %run_scoped3A_66 = tpu.sem_alloc : memref<!tpu.dma_semaphore, #tpu.memory_space<semaphore_mem>>
          %dma_start3A_67 = tpu.memref_slice %arg3[%mul3A_51] : memref<800000xi32, #tpu.memory_space<hbm>> -> memref<128xi32, #tpu.memory_space<hbm>>
          %dma_start3A_68 = tpu.memref_slice %arg3[%mul3A_51] : memref<800000xi32, #tpu.memory_space<hbm>> -> memref<128xi32, #tpu.memory_space<hbm>>
          tpu.enqueue_dma source(%dma_start3A_68 : memref<128xi32, #tpu.memory_space<hbm>>) target(%arg6 : memref<128xi32, #tpu.memory_space<vmem>>) target_semaphore(%run_scoped3A_66 : memref<!tpu.dma_semaphore, #tpu.memory_space<semaphore_mem>>)
          %dma_wait3A_69 = tpu.memref_slice %arg3[%mul3A_51] : memref<800000xi32, #tpu.memory_space<hbm>> -> memref<128xi32, #tpu.memory_space<hbm>>
          %dma_wait3A_70 = tpu.memref_slice %arg3[%mul3A_51] : memref<800000xi32, #tpu.memory_space<hbm>> -> memref<128xi32, #tpu.memory_space<hbm>>
          tpu.wait_dma2 semaphore(%run_scoped3A_66 : memref<!tpu.dma_semaphore, #tpu.memory_space<semaphore_mem>>) src(%dma_wait3A_70 : memref<128xi32, #tpu.memory_space<hbm>>) dst(%arg6 : memref<128xi32, #tpu.memory_space<vmem>>)
          tpu.yield
        }) : () -> ()
        "tpu.region"() ({
          %run_scoped3A_66 = tpu.sem_alloc : memref<!tpu.dma_semaphore, #tpu.memory_space<semaphore_mem>>
          %dma_start3A_67 = tpu.memref_slice %arg4[%mul3A_51] : memref<800000xi32, #tpu.memory_space<hbm>> -> memref<128xi32, #tpu.memory_space<hbm>>
          %dma_start3A_68 = tpu.memref_slice %arg4[%mul3A_51] : memref<800000xi32, #tpu.memory_space<hbm>> -> memref<128xi32, #tpu.memory_space<hbm>>
          tpu.enqueue_dma source(%dma_start3A_68 : memref<128xi32, #tpu.memory_space<hbm>>) target(%arg7 : memref<128xi32, #tpu.memory_space<vmem>>) target_semaphore(%run_scoped3A_66 : memref<!tpu.dma_semaphore, #tpu.memory_space<semaphore_mem>>)
          %dma_wait3A_69 = tpu.memref_slice %arg4[%mul3A_51] : memref<800000xi32, #tpu.memory_space<hbm>> -> memref<128xi32, #tpu.memory_space<hbm>>
          %dma_wait3A_70 = tpu.memref_slice %arg4[%mul3A_51] : memref<800000xi32, #tpu.memory_space<hbm>> -> memref<128xi32, #tpu.memory_space<hbm>>
          tpu.wait_dma2 semaphore(%run_scoped3A_66 : memref<!tpu.dma_semaphore, #tpu.memory_space<semaphore_mem>>) src(%dma_wait3A_70 : memref<128xi32, #tpu.memory_space<hbm>>) dst(%arg7 : memref<128xi32, #tpu.memory_space<vmem>>)
          tpu.yield
        }) : () -> ()
        %broadcast_in_dim3A_52 = arith.constant 50000 : i32
        %broadcast_in_dim3A_53 = vector.broadcast %broadcast_in_dim3A_52 : i32 to vector<16xi32>
        %scan3A_54 = arith.constant 0 : i32
        %scan3A_55 = arith.constant 0 : i32
        %scan3A_56 = arith.constant 8 : i32
        %scan3A_57 = arith.addi %scan3A_55, %scan3A_56 : i32
        %scan3A_58 = arith.constant 1 : i32
        %scan3A_59 = scf.for %scan3A_66 = %scan3A_55 to %scan3A_57 step %scan3A_58 iter_args(%scan3A_67 = %scan3A_54) -> (i32)  : i32 {
          %mul3A_68 = arith.constant 16 : i32
          %mul3A_69 = arith.muli %scan3A_66, %mul3A_68 : i32
          %get3A = arith.index_cast %mul3A_69 : i32 to index
          %get3A_70 = tpu.vector_load %arg6[%get3A] {strides = array<i32>} : memref<128xi32, #tpu.memory_space<vmem>>, vector<16xi32>,
          %get3A_71 = vector.shape_cast %get3A_70 : vector<16xi32> to vector<16xi32>
          %add3A_72 = arith.addi %get3A_71, %broadcast_in_dim3A_53 : vector<16xi32>
          %mul3A_73 = arith.constant 16 : i32
          %mul3A_74 = arith.muli %scan3A_66, %mul3A_73 : i32
          %swap3A = arith.index_cast %mul3A_74 : i32 to index
          %swap3A_75 = tpu.vector_load %arg6[%swap3A] {strides = array<i32>} : memref<128xi32, #tpu.memory_space<vmem>>, vector<16xi32>,
          %swap3A_76 = vector.shape_cast %swap3A_75 : vector<16xi32> to vector<16xi32>
          %swap3A_77 = vector.shape_cast %add3A_72 : vector<16xi32> to vector<16xi32>
          tpu.vector_store %arg6[%swap3A], %swap3A_77 {strides = array<i32>} : memref<128xi32, #tpu.memory_space<vmem>>, vector<16xi32>,
          %scan3A_78 = arith.constant 0 : i32
          scf.yield %scan3A_78 : i32
        }
        %scan3A_60 = arith.constant 8 : i32
        %dma_start3A = arith.constant 0 : i32
        %dma_start3A_61 = arith.constant 0 : i32
        %dma_start3A_62 = tpu.memref_slice %arg2[%dma_start3A, %dma_start3A_61] : memref<200000x32xf32, #tpu.memory_space<hbm>> -> memref<200000x32xf32, #tpu.memory_space<hbm>>
        tpu.enqueue_indirect_dma source(%dma_start3A_62 : memref<200000x32xf32, #tpu.memory_space<hbm>>) target(%arg8 : memref<128x32xf32, #tpu.memory_space<vmem>>) offsets(%arg6 : memref<128xi32, #tpu.memory_space<vmem>>) semaphore(%arg11 : memref<!tpu.dma_semaphore, #tpu.memory_space<semaphore_mem>>)
        %dma_wait3A = arith.constant 0 : i32
        %dma_wait3A_63 = arith.constant 0 : i32
        %dma_wait3A_64 = tpu.memref_slice %arg2[%dma_wait3A, %dma_wait3A_63] : memref<200000x32xf32, #tpu.memory_space<hbm>> -> memref<200000x32xf32, #tpu.memory_space<hbm>>
        tpu.wait_indirect_dma semaphore(%arg11 : memref<!tpu.dma_semaphore, #tpu.memory_space<semaphore_mem>>) src(%dma_wait3A_64 : memref<200000x32xf32, #tpu.memory_space<hbm>>) dst(%arg8 : memref<128x32xf32, #tpu.memory_space<vmem>>)
        "tpu.region"() ({
          %run_scoped3A_66 = tpu.sem_alloc : memref<!tpu.dma_semaphore, #tpu.memory_space<semaphore_mem>>
          %dma_start3A_67 = arith.constant 0 : i32
          %dma_start3A_68 = arith.constant 0 : i32
          %dma_start3A_69 = tpu.memref_slice %arg10[%dma_start3A_67, %dma_start3A_68] : memref<50048x32xf32, #tpu.memory_space<vmem_shared>> -> memref<50048x32xf32, #tpu.memory_space<vmem_shared>>
          tpu.enqueue_indirect_dma source(%arg8 : memref<128x32xf32, #tpu.memory_space<vmem>>) target(%dma_start3A_69 : memref<50048x32xf32, #tpu.memory_space<vmem_shared>>) offsets(%arg7 : memref<128xi32, #tpu.memory_space<vmem>>) semaphore(%run_scoped3A_66 : memref<!tpu.dma_semaphore, #tpu.memory_space<semaphore_mem>>) {add = true}
          %dma_wait3A_70 = arith.constant 0 : i32
          %dma_wait3A_71 = arith.constant 0 : i32
          %dma_wait3A_72 = tpu.memref_slice %arg10[%dma_wait3A_70, %dma_wait3A_71] : memref<50048x32xf32, #tpu.memory_space<vmem_shared>> -> memref<50048x32xf32, #tpu.memory_space<vmem_shared>>
          tpu.wait_indirect_dma semaphore(%run_scoped3A_66 : memref<!tpu.dma_semaphore, #tpu.memory_space<semaphore_mem>>) src(%arg8 : memref<128x32xf32, #tpu.memory_space<vmem>>) dst(%dma_wait3A_72 : memref<50048x32xf32, #tpu.memory_space<vmem_shared>>)
          tpu.yield
        }) : () -> ()
        %scan3A_65 = arith.constant 0 : i32
        scf.yield %scan3A_65 : i32
      }
      %scan3A_37 = arith.constant 390 : i32
      %lt3A = arith.constant 10 : i32
      %lt3A_38 = arith.cmpi slt, %arg1, %lt3A : i32
      %convert_element_type3A_39 = arith.extui %lt3A_38 : i1 to i32
      %cond3A_40 = arith.constant 0 : i32
      %cond3A_41 = arith.cmpi ne, %convert_element_type3A_39, %cond3A_40 : i32
      scf.if %cond3A_41 {
        %add3A = arith.constant 6240 : i32
        %add3A_46 = arith.addi %add3A, %arg1 : i32
        %mul3A_47 = arith.constant 128 : i32
        %mul3A_48 = arith.muli %add3A_46, %mul3A_47 : i32
        "tpu.region"() ({
          %run_scoped3A_62 = tpu.sem_alloc : memref<!tpu.dma_semaphore, #tpu.memory_space<semaphore_mem>>
          %dma_start3A_63 = tpu.memref_slice %arg3[%mul3A_48] : memref<800000xi32, #tpu.memory_space<hbm>> -> memref<128xi32, #tpu.memory_space<hbm>>
          %dma_start3A_64 = tpu.memref_slice %arg3[%mul3A_48] : memref<800000xi32, #tpu.memory_space<hbm>> -> memref<128xi32, #tpu.memory_space<hbm>>
          tpu.enqueue_dma source(%dma_start3A_64 : memref<128xi32, #tpu.memory_space<hbm>>) target(%arg6 : memref<128xi32, #tpu.memory_space<vmem>>) target_semaphore(%run_scoped3A_62 : memref<!tpu.dma_semaphore, #tpu.memory_space<semaphore_mem>>)
          %dma_wait3A_65 = tpu.memref_slice %arg3[%mul3A_48] : memref<800000xi32, #tpu.memory_space<hbm>> -> memref<128xi32, #tpu.memory_space<hbm>>
          %dma_wait3A_66 = tpu.memref_slice %arg3[%mul3A_48] : memref<800000xi32, #tpu.memory_space<hbm>> -> memref<128xi32, #tpu.memory_space<hbm>>
          tpu.wait_dma2 semaphore(%run_scoped3A_62 : memref<!tpu.dma_semaphore, #tpu.memory_space<semaphore_mem>>) src(%dma_wait3A_66 : memref<128xi32, #tpu.memory_space<hbm>>) dst(%arg6 : memref<128xi32, #tpu.memory_space<vmem>>)
          tpu.yield
        }) : () -> ()
        "tpu.region"() ({
          %run_scoped3A_62 = tpu.sem_alloc : memref<!tpu.dma_semaphore, #tpu.memory_space<semaphore_mem>>
          %dma_start3A_63 = tpu.memref_slice %arg4[%mul3A_48] : memref<800000xi32, #tpu.memory_space<hbm>> -> memref<128xi32, #tpu.memory_space<hbm>>
          %dma_start3A_64 = tpu.memref_slice %arg4[%mul3A_48] : memref<800000xi32, #tpu.memory_space<hbm>> -> memref<128xi32, #tpu.memory_space<hbm>>
          tpu.enqueue_dma source(%dma_start3A_64 : memref<128xi32, #tpu.memory_space<hbm>>) target(%arg7 : memref<128xi32, #tpu.memory_space<vmem>>) target_semaphore(%run_scoped3A_62 : memref<!tpu.dma_semaphore, #tpu.memory_space<semaphore_mem>>)
          %dma_wait3A_65 = tpu.memref_slice %arg4[%mul3A_48] : memref<800000xi32, #tpu.memory_space<hbm>> -> memref<128xi32, #tpu.memory_space<hbm>>
          %dma_wait3A_66 = tpu.memref_slice %arg4[%mul3A_48] : memref<800000xi32, #tpu.memory_space<hbm>> -> memref<128xi32, #tpu.memory_space<hbm>>
          tpu.wait_dma2 semaphore(%run_scoped3A_62 : memref<!tpu.dma_semaphore, #tpu.memory_space<semaphore_mem>>) src(%dma_wait3A_66 : memref<128xi32, #tpu.memory_space<hbm>>) dst(%arg7 : memref<128xi32, #tpu.memory_space<vmem>>)
          tpu.yield
        }) : () -> ()
        %broadcast_in_dim3A_49 = arith.constant 50000 : i32
        %broadcast_in_dim3A_50 = vector.broadcast %broadcast_in_dim3A_49 : i32 to vector<16xi32>
        %scan3A_51 = arith.constant 0 : i32
        %scan3A_52 = arith.constant 0 : i32
        %scan3A_53 = arith.constant 8 : i32
        %scan3A_54 = arith.addi %scan3A_52, %scan3A_53 : i32
        %scan3A_55 = arith.constant 1 : i32
        %scan3A_56 = scf.for %scan3A_62 = %scan3A_52 to %scan3A_54 step %scan3A_55 iter_args(%scan3A_63 = %scan3A_51) -> (i32)  : i32 {
          %mul3A_64 = arith.constant 16 : i32
          %mul3A_65 = arith.muli %scan3A_62, %mul3A_64 : i32
          %get3A = arith.index_cast %mul3A_65 : i32 to index
          %get3A_66 = tpu.vector_load %arg6[%get3A] {strides = array<i32>} : memref<128xi32, #tpu.memory_space<vmem>>, vector<16xi32>,
          %get3A_67 = vector.shape_cast %get3A_66 : vector<16xi32> to vector<16xi32>
          %add3A_68 = arith.addi %get3A_67, %broadcast_in_dim3A_50 : vector<16xi32>
          %mul3A_69 = arith.constant 16 : i32
          %mul3A_70 = arith.muli %scan3A_62, %mul3A_69 : i32
          %swap3A = arith.index_cast %mul3A_70 : i32 to index
          %swap3A_71 = tpu.vector_load %arg6[%swap3A] {strides = array<i32>} : memref<128xi32, #tpu.memory_space<vmem>>, vector<16xi32>,
          %swap3A_72 = vector.shape_cast %swap3A_71 : vector<16xi32> to vector<16xi32>
          %swap3A_73 = vector.shape_cast %add3A_68 : vector<16xi32> to vector<16xi32>
          tpu.vector_store %arg6[%swap3A], %swap3A_73 {strides = array<i32>} : memref<128xi32, #tpu.memory_space<vmem>>, vector<16xi32>,
          %scan3A_74 = arith.constant 0 : i32
          scf.yield %scan3A_74 : i32
        }
        %scan3A_57 = arith.constant 8 : i32
        %dma_start3A = arith.constant 0 : i32
        %dma_start3A_58 = arith.constant 0 : i32
        %dma_start3A_59 = tpu.memref_slice %arg2[%dma_start3A, %dma_start3A_58] : memref<200000x32xf32, #tpu.memory_space<hbm>> -> memref<200000x32xf32, #tpu.memory_space<hbm>>
        tpu.enqueue_indirect_dma source(%dma_start3A_59 : memref<200000x32xf32, #tpu.memory_space<hbm>>) target(%arg8 : memref<128x32xf32, #tpu.memory_space<vmem>>) offsets(%arg6 : memref<128xi32, #tpu.memory_space<vmem>>) semaphore(%arg11 : memref<!tpu.dma_semaphore, #tpu.memory_space<semaphore_mem>>)
        %dma_wait3A = arith.constant 0 : i32
        %dma_wait3A_60 = arith.constant 0 : i32
        %dma_wait3A_61 = tpu.memref_slice %arg2[%dma_wait3A, %dma_wait3A_60] : memref<200000x32xf32, #tpu.memory_space<hbm>> -> memref<200000x32xf32, #tpu.memory_space<hbm>>
        tpu.wait_indirect_dma semaphore(%arg11 : memref<!tpu.dma_semaphore, #tpu.memory_space<semaphore_mem>>) src(%dma_wait3A_61 : memref<200000x32xf32, #tpu.memory_space<hbm>>) dst(%arg8 : memref<128x32xf32, #tpu.memory_space<vmem>>)
        "tpu.region"() ({
          %run_scoped3A_62 = tpu.sem_alloc : memref<!tpu.dma_semaphore, #tpu.memory_space<semaphore_mem>>
          %dma_start3A_63 = arith.constant 0 : i32
          %dma_start3A_64 = arith.constant 0 : i32
          %dma_start3A_65 = tpu.memref_slice %arg10[%dma_start3A_63, %dma_start3A_64] : memref<50048x32xf32, #tpu.memory_space<vmem_shared>> -> memref<50048x32xf32, #tpu.memory_space<vmem_shared>>
          tpu.enqueue_indirect_dma source(%arg8 : memref<128x32xf32, #tpu.memory_space<vmem>>) target(%dma_start3A_65 : memref<50048x32xf32, #tpu.memory_space<vmem_shared>>) offsets(%arg7 : memref<128xi32, #tpu.memory_space<vmem>>) semaphore(%run_scoped3A_62 : memref<!tpu.dma_semaphore, #tpu.memory_space<semaphore_mem>>) {add = true}
          %dma_wait3A_66 = arith.constant 0 : i32
          %dma_wait3A_67 = arith.constant 0 : i32
          %dma_wait3A_68 = tpu.memref_slice %arg10[%dma_wait3A_66, %dma_wait3A_67] : memref<50048x32xf32, #tpu.memory_space<vmem_shared>> -> memref<50048x32xf32, #tpu.memory_space<vmem_shared>>
          tpu.wait_indirect_dma semaphore(%run_scoped3A_62 : memref<!tpu.dma_semaphore, #tpu.memory_space<semaphore_mem>>) src(%arg8 : memref<128x32xf32, #tpu.memory_space<vmem>>) dst(%dma_wait3A_68 : memref<50048x32xf32, #tpu.memory_space<vmem_shared>>)
          tpu.yield
        }) : () -> ()
      } else {
      }
      %barrier3A_42 = arith.constant 0 : index
      tpu.barrier barrier_id(%barrier3A_42)
      %mul3A = arith.constant 3128 : i32
      %mul3A_43 = arith.muli %arg1, %mul3A : i32
      %mul3A_44 = arith.constant 3128 : i32
      %mul3A_45 = arith.muli %arg1, %mul3A_44 : i32
      %run_scoped3A = arith.constant 1 : i32
      "tpu.region"() ({
        %run_scoped3A_46 = tpu.sem_alloc : memref<!tpu.dma_semaphore, #tpu.memory_space<semaphore_mem>>
        %dma_start3A = arith.constant 0 : i32
        %dma_start3A_47 = tpu.memref_slice %arg5[%run_scoped3A, %mul3A_45, %dma_start3A] : memref<4x50048x32xf32, #tpu.memory_space<hbm>> -> memref<1x3128x32xf32, #tpu.memory_space<hbm>>
        %dma_start3A_48 = tpu.memref_squeeze %dma_start3A_47 : memref<1x3128x32xf32, #tpu.memory_space<hbm>> -> memref<3128x32xf32, #tpu.memory_space<hbm>>
        %dma_start3A_49 = arith.constant 0 : i32
        %dma_start3A_50 = tpu.memref_slice %arg10[%mul3A_43, %dma_start3A_49] : memref<50048x32xf32, #tpu.memory_space<vmem_shared>> -> memref<3128x32xf32, #tpu.memory_space<vmem_shared>>
        tpu.enqueue_dma source(%dma_start3A_50 : memref<3128x32xf32, #tpu.memory_space<vmem_shared>>) target(%dma_start3A_48 : memref<3128x32xf32, #tpu.memory_space<hbm>>) target_semaphore(%run_scoped3A_46 : memref<!tpu.dma_semaphore, #tpu.memory_space<semaphore_mem>>)
        %dma_wait3A = arith.constant 0 : i32
        %dma_wait3A_51 = tpu.memref_slice %arg5[%run_scoped3A, %mul3A_45, %dma_wait3A] : memref<4x50048x32xf32, #tpu.memory_space<hbm>> -> memref<1x3128x32xf32, #tpu.memory_space<hbm>>
        %dma_wait3A_52 = tpu.memref_squeeze %dma_wait3A_51 : memref<1x3128x32xf32, #tpu.memory_space<hbm>> -> memref<3128x32xf32, #tpu.memory_space<hbm>>
        %dma_wait3A_53 = arith.constant 0 : i32
        %dma_wait3A_54 = tpu.memref_slice %arg10[%mul3A_43, %dma_wait3A_53] : memref<50048x32xf32, #tpu.memory_space<vmem_shared>> -> memref<3128x32xf32, #tpu.memory_space<vmem_shared>>
        tpu.wait_dma2 semaphore(%run_scoped3A_46 : memref<!tpu.dma_semaphore, #tpu.memory_space<semaphore_mem>>) src(%dma_wait3A_54 : memref<3128x32xf32, #tpu.memory_space<vmem_shared>>) dst(%dma_wait3A_52 : memref<3128x32xf32, #tpu.memory_space<hbm>>)
        tpu.yield
      }) : () -> ()
    } else {
    }
    %eq3A_14 = arith.constant 1 : i32
    %eq3A_15 = arith.cmpi eq, %arg0, %eq3A_14 : i32
    %convert_element_type3A_16 = arith.extui %eq3A_15 : i1 to i32
    %cond3A_17 = arith.constant 0 : i32
    %cond3A_18 = arith.cmpi ne, %convert_element_type3A_16, %cond3A_17 : i32
    scf.if %cond3A_18 {
      %scan3A_24 = arith.constant 0 : i32
      %scan3A_25 = arith.constant 0 : i32
      %scan3A_26 = arith.constant 23 : i32
      %scan3A_27 = arith.addi %scan3A_25, %scan3A_26 : i32
      %scan3A_28 = arith.constant 1 : i32
      %scan3A_29 = scf.for %scan3A_46 = %scan3A_25 to %scan3A_27 step %scan3A_28 iter_args(%scan3A_47 = %scan3A_24) -> (i32)  : i32 {
        %mul3A_48 = arith.constant 3128 : i32
        %mul3A_49 = arith.muli %arg1, %mul3A_48 : i32
        %mul3A_50 = arith.constant 136 : i32
        %mul3A_51 = arith.muli %scan3A_46, %mul3A_50 : i32
        %add3A = arith.addi %mul3A_49, %mul3A_51 : i32
        "tpu.region"() ({
          %run_scoped3A_53 = tpu.sem_alloc : memref<!tpu.dma_semaphore, #tpu.memory_space<semaphore_mem>>
          %dma_start3A = arith.constant 0 : i32
          %dma_start3A_54 = tpu.memref_slice %arg10[%add3A, %dma_start3A] : memref<50048x32xf32, #tpu.memory_space<vmem_shared>> -> memref<136x32xf32, #tpu.memory_space<vmem_shared>>
          %dma_start3A_55 = arith.constant 0 : i32
          %dma_start3A_56 = tpu.memref_slice %arg10[%add3A, %dma_start3A_55] : memref<50048x32xf32, #tpu.memory_space<vmem_shared>> -> memref<136x32xf32, #tpu.memory_space<vmem_shared>>
          tpu.enqueue_dma source(%arg9 : memref<136x32xf32, #tpu.memory_space<vmem>>) target(%dma_start3A_56 : memref<136x32xf32, #tpu.memory_space<vmem_shared>>) target_semaphore(%run_scoped3A_53 : memref<!tpu.dma_semaphore, #tpu.memory_space<semaphore_mem>>)
          %dma_wait3A = arith.constant 0 : i32
          %dma_wait3A_57 = tpu.memref_slice %arg10[%add3A, %dma_wait3A] : memref<50048x32xf32, #tpu.memory_space<vmem_shared>> -> memref<136x32xf32, #tpu.memory_space<vmem_shared>>
          %dma_wait3A_58 = arith.constant 0 : i32
          %dma_wait3A_59 = tpu.memref_slice %arg10[%add3A, %dma_wait3A_58] : memref<50048x32xf32, #tpu.memory_space<vmem_shared>> -> memref<136x32xf32, #tpu.memory_space<vmem_shared>>
          tpu.wait_dma2 semaphore(%run_scoped3A_53 : memref<!tpu.dma_semaphore, #tpu.memory_space<semaphore_mem>>) src(%arg9 : memref<136x32xf32, #tpu.memory_space<vmem>>) dst(%dma_wait3A_59 : memref<136x32xf32, #tpu.memory_space<vmem_shared>>)
          tpu.yield
        }) : () -> ()
        %scan3A_52 = arith.constant 0 : i32
        scf.yield %scan3A_52 : i32
      }
      %scan3A_30 = arith.constant 23 : i32
      %barrier3A = arith.constant 0 : index
      tpu.barrier barrier_id(%barrier3A)
      %scan3A_31 = arith.constant 0 : i32
      %scan3A_32 = arith.constant 0 : i32
      %scan3A_33 = arith.constant 390 : i32
      %scan3A_34 = arith.addi %scan3A_32, %scan3A_33 : i32
      %scan3A_35 = arith.constant 1 : i32
      %scan3A_36 = scf.for %scan3A_46 = %scan3A_32 to %scan3A_34 step %scan3A_35 iter_args(%scan3A_47 = %scan3A_31) -> (i32)  : i32 {
        %mul3A_48 = arith.constant 16 : i32
        %mul3A_49 = arith.muli %scan3A_46, %mul3A_48 : i32
        %add3A = arith.addi %mul3A_49, %arg1 : i32
        %mul3A_50 = arith.constant 128 : i32
        %mul3A_51 = arith.muli %add3A, %mul3A_50 : i32
        "tpu.region"() ({
          %run_scoped3A_66 = tpu.sem_alloc : memref<!tpu.dma_semaphore, #tpu.memory_space<semaphore_mem>>
          %dma_start3A_67 = tpu.memref_slice %arg3[%mul3A_51] : memref<800000xi32, #tpu.memory_space<hbm>> -> memref<128xi32, #tpu.memory_space<hbm>>
          %dma_start3A_68 = tpu.memref_slice %arg3[%mul3A_51] : memref<800000xi32, #tpu.memory_space<hbm>> -> memref<128xi32, #tpu.memory_space<hbm>>
          tpu.enqueue_dma source(%dma_start3A_68 : memref<128xi32, #tpu.memory_space<hbm>>) target(%arg6 : memref<128xi32, #tpu.memory_space<vmem>>) target_semaphore(%run_scoped3A_66 : memref<!tpu.dma_semaphore, #tpu.memory_space<semaphore_mem>>)
          %dma_wait3A_69 = tpu.memref_slice %arg3[%mul3A_51] : memref<800000xi32, #tpu.memory_space<hbm>> -> memref<128xi32, #tpu.memory_space<hbm>>
          %dma_wait3A_70 = tpu.memref_slice %arg3[%mul3A_51] : memref<800000xi32, #tpu.memory_space<hbm>> -> memref<128xi32, #tpu.memory_space<hbm>>
          tpu.wait_dma2 semaphore(%run_scoped3A_66 : memref<!tpu.dma_semaphore, #tpu.memory_space<semaphore_mem>>) src(%dma_wait3A_70 : memref<128xi32, #tpu.memory_space<hbm>>) dst(%arg6 : memref<128xi32, #tpu.memory_space<vmem>>)
          tpu.yield
        }) : () -> ()
        "tpu.region"() ({
          %run_scoped3A_66 = tpu.sem_alloc : memref<!tpu.dma_semaphore, #tpu.memory_space<semaphore_mem>>
          %dma_start3A_67 = tpu.memref_slice %arg4[%mul3A_51] : memref<800000xi32, #tpu.memory_space<hbm>> -> memref<128xi32, #tpu.memory_space<hbm>>
          %dma_start3A_68 = tpu.memref_slice %arg4[%mul3A_51] : memref<800000xi32, #tpu.memory_space<hbm>> -> memref<128xi32, #tpu.memory_space<hbm>>
          tpu.enqueue_dma source(%dma_start3A_68 : memref<128xi32, #tpu.memory_space<hbm>>) target(%arg7 : memref<128xi32, #tpu.memory_space<vmem>>) target_semaphore(%run_scoped3A_66 : memref<!tpu.dma_semaphore, #tpu.memory_space<semaphore_mem>>)
          %dma_wait3A_69 = tpu.memref_slice %arg4[%mul3A_51] : memref<800000xi32, #tpu.memory_space<hbm>> -> memref<128xi32, #tpu.memory_space<hbm>>
          %dma_wait3A_70 = tpu.memref_slice %arg4[%mul3A_51] : memref<800000xi32, #tpu.memory_space<hbm>> -> memref<128xi32, #tpu.memory_space<hbm>>
          tpu.wait_dma2 semaphore(%run_scoped3A_66 : memref<!tpu.dma_semaphore, #tpu.memory_space<semaphore_mem>>) src(%dma_wait3A_70 : memref<128xi32, #tpu.memory_space<hbm>>) dst(%arg7 : memref<128xi32, #tpu.memory_space<vmem>>)
          tpu.yield
        }) : () -> ()
        %broadcast_in_dim3A_52 = arith.constant 100000 : i32
        %broadcast_in_dim3A_53 = vector.broadcast %broadcast_in_dim3A_52 : i32 to vector<16xi32>
        %scan3A_54 = arith.constant 0 : i32
        %scan3A_55 = arith.constant 0 : i32
        %scan3A_56 = arith.constant 8 : i32
        %scan3A_57 = arith.addi %scan3A_55, %scan3A_56 : i32
        %scan3A_58 = arith.constant 1 : i32
        %scan3A_59 = scf.for %scan3A_66 = %scan3A_55 to %scan3A_57 step %scan3A_58 iter_args(%scan3A_67 = %scan3A_54) -> (i32)  : i32 {
          %mul3A_68 = arith.constant 16 : i32
          %mul3A_69 = arith.muli %scan3A_66, %mul3A_68 : i32
          %get3A = arith.index_cast %mul3A_69 : i32 to index
          %get3A_70 = tpu.vector_load %arg6[%get3A] {strides = array<i32>} : memref<128xi32, #tpu.memory_space<vmem>>, vector<16xi32>,
          %get3A_71 = vector.shape_cast %get3A_70 : vector<16xi32> to vector<16xi32>
          %add3A_72 = arith.addi %get3A_71, %broadcast_in_dim3A_53 : vector<16xi32>
          %mul3A_73 = arith.constant 16 : i32
          %mul3A_74 = arith.muli %scan3A_66, %mul3A_73 : i32
          %swap3A = arith.index_cast %mul3A_74 : i32 to index
          %swap3A_75 = tpu.vector_load %arg6[%swap3A] {strides = array<i32>} : memref<128xi32, #tpu.memory_space<vmem>>, vector<16xi32>,
          %swap3A_76 = vector.shape_cast %swap3A_75 : vector<16xi32> to vector<16xi32>
          %swap3A_77 = vector.shape_cast %add3A_72 : vector<16xi32> to vector<16xi32>
          tpu.vector_store %arg6[%swap3A], %swap3A_77 {strides = array<i32>} : memref<128xi32, #tpu.memory_space<vmem>>, vector<16xi32>,
          %scan3A_78 = arith.constant 0 : i32
          scf.yield %scan3A_78 : i32
        }
        %scan3A_60 = arith.constant 8 : i32
        %dma_start3A = arith.constant 0 : i32
        %dma_start3A_61 = arith.constant 0 : i32
        %dma_start3A_62 = tpu.memref_slice %arg2[%dma_start3A, %dma_start3A_61] : memref<200000x32xf32, #tpu.memory_space<hbm>> -> memref<200000x32xf32, #tpu.memory_space<hbm>>
        tpu.enqueue_indirect_dma source(%dma_start3A_62 : memref<200000x32xf32, #tpu.memory_space<hbm>>) target(%arg8 : memref<128x32xf32, #tpu.memory_space<vmem>>) offsets(%arg6 : memref<128xi32, #tpu.memory_space<vmem>>) semaphore(%arg11 : memref<!tpu.dma_semaphore, #tpu.memory_space<semaphore_mem>>)
        %dma_wait3A = arith.constant 0 : i32
        %dma_wait3A_63 = arith.constant 0 : i32
        %dma_wait3A_64 = tpu.memref_slice %arg2[%dma_wait3A, %dma_wait3A_63] : memref<200000x32xf32, #tpu.memory_space<hbm>> -> memref<200000x32xf32, #tpu.memory_space<hbm>>
        tpu.wait_indirect_dma semaphore(%arg11 : memref<!tpu.dma_semaphore, #tpu.memory_space<semaphore_mem>>) src(%dma_wait3A_64 : memref<200000x32xf32, #tpu.memory_space<hbm>>) dst(%arg8 : memref<128x32xf32, #tpu.memory_space<vmem>>)
        "tpu.region"() ({
          %run_scoped3A_66 = tpu.sem_alloc : memref<!tpu.dma_semaphore, #tpu.memory_space<semaphore_mem>>
          %dma_start3A_67 = arith.constant 0 : i32
          %dma_start3A_68 = arith.constant 0 : i32
          %dma_start3A_69 = tpu.memref_slice %arg10[%dma_start3A_67, %dma_start3A_68] : memref<50048x32xf32, #tpu.memory_space<vmem_shared>> -> memref<50048x32xf32, #tpu.memory_space<vmem_shared>>
          tpu.enqueue_indirect_dma source(%arg8 : memref<128x32xf32, #tpu.memory_space<vmem>>) target(%dma_start3A_69 : memref<50048x32xf32, #tpu.memory_space<vmem_shared>>) offsets(%arg7 : memref<128xi32, #tpu.memory_space<vmem>>) semaphore(%run_scoped3A_66 : memref<!tpu.dma_semaphore, #tpu.memory_space<semaphore_mem>>) {add = true}
          %dma_wait3A_70 = arith.constant 0 : i32
          %dma_wait3A_71 = arith.constant 0 : i32
          %dma_wait3A_72 = tpu.memref_slice %arg10[%dma_wait3A_70, %dma_wait3A_71] : memref<50048x32xf32, #tpu.memory_space<vmem_shared>> -> memref<50048x32xf32, #tpu.memory_space<vmem_shared>>
          tpu.wait_indirect_dma semaphore(%run_scoped3A_66 : memref<!tpu.dma_semaphore, #tpu.memory_space<semaphore_mem>>) src(%arg8 : memref<128x32xf32, #tpu.memory_space<vmem>>) dst(%dma_wait3A_72 : memref<50048x32xf32, #tpu.memory_space<vmem_shared>>)
          tpu.yield
        }) : () -> ()
        %scan3A_65 = arith.constant 0 : i32
        scf.yield %scan3A_65 : i32
      }
      %scan3A_37 = arith.constant 390 : i32
      %lt3A = arith.constant 10 : i32
      %lt3A_38 = arith.cmpi slt, %arg1, %lt3A : i32
      %convert_element_type3A_39 = arith.extui %lt3A_38 : i1 to i32
      %cond3A_40 = arith.constant 0 : i32
      %cond3A_41 = arith.cmpi ne, %convert_element_type3A_39, %cond3A_40 : i32
      scf.if %cond3A_41 {
        %add3A = arith.constant 6240 : i32
        %add3A_46 = arith.addi %add3A, %arg1 : i32
        %mul3A_47 = arith.constant 128 : i32
        %mul3A_48 = arith.muli %add3A_46, %mul3A_47 : i32
        "tpu.region"() ({
          %run_scoped3A_62 = tpu.sem_alloc : memref<!tpu.dma_semaphore, #tpu.memory_space<semaphore_mem>>
          %dma_start3A_63 = tpu.memref_slice %arg3[%mul3A_48] : memref<800000xi32, #tpu.memory_space<hbm>> -> memref<128xi32, #tpu.memory_space<hbm>>
          %dma_start3A_64 = tpu.memref_slice %arg3[%mul3A_48] : memref<800000xi32, #tpu.memory_space<hbm>> -> memref<128xi32, #tpu.memory_space<hbm>>
          tpu.enqueue_dma source(%dma_start3A_64 : memref<128xi32, #tpu.memory_space<hbm>>) target(%arg6 : memref<128xi32, #tpu.memory_space<vmem>>) target_semaphore(%run_scoped3A_62 : memref<!tpu.dma_semaphore, #tpu.memory_space<semaphore_mem>>)
          %dma_wait3A_65 = tpu.memref_slice %arg3[%mul3A_48] : memref<800000xi32, #tpu.memory_space<hbm>> -> memref<128xi32, #tpu.memory_space<hbm>>
          %dma_wait3A_66 = tpu.memref_slice %arg3[%mul3A_48] : memref<800000xi32, #tpu.memory_space<hbm>> -> memref<128xi32, #tpu.memory_space<hbm>>
          tpu.wait_dma2 semaphore(%run_scoped3A_62 : memref<!tpu.dma_semaphore, #tpu.memory_space<semaphore_mem>>) src(%dma_wait3A_66 : memref<128xi32, #tpu.memory_space<hbm>>) dst(%arg6 : memref<128xi32, #tpu.memory_space<vmem>>)
          tpu.yield
        }) : () -> ()
        "tpu.region"() ({
          %run_scoped3A_62 = tpu.sem_alloc : memref<!tpu.dma_semaphore, #tpu.memory_space<semaphore_mem>>
          %dma_start3A_63 = tpu.memref_slice %arg4[%mul3A_48] : memref<800000xi32, #tpu.memory_space<hbm>> -> memref<128xi32, #tpu.memory_space<hbm>>
          %dma_start3A_64 = tpu.memref_slice %arg4[%mul3A_48] : memref<800000xi32, #tpu.memory_space<hbm>> -> memref<128xi32, #tpu.memory_space<hbm>>
          tpu.enqueue_dma source(%dma_start3A_64 : memref<128xi32, #tpu.memory_space<hbm>>) target(%arg7 : memref<128xi32, #tpu.memory_space<vmem>>) target_semaphore(%run_scoped3A_62 : memref<!tpu.dma_semaphore, #tpu.memory_space<semaphore_mem>>)
          %dma_wait3A_65 = tpu.memref_slice %arg4[%mul3A_48] : memref<800000xi32, #tpu.memory_space<hbm>> -> memref<128xi32, #tpu.memory_space<hbm>>
          %dma_wait3A_66 = tpu.memref_slice %arg4[%mul3A_48] : memref<800000xi32, #tpu.memory_space<hbm>> -> memref<128xi32, #tpu.memory_space<hbm>>
          tpu.wait_dma2 semaphore(%run_scoped3A_62 : memref<!tpu.dma_semaphore, #tpu.memory_space<semaphore_mem>>) src(%dma_wait3A_66 : memref<128xi32, #tpu.memory_space<hbm>>) dst(%arg7 : memref<128xi32, #tpu.memory_space<vmem>>)
          tpu.yield
        }) : () -> ()
        %broadcast_in_dim3A_49 = arith.constant 100000 : i32
        %broadcast_in_dim3A_50 = vector.broadcast %broadcast_in_dim3A_49 : i32 to vector<16xi32>
        %scan3A_51 = arith.constant 0 : i32
        %scan3A_52 = arith.constant 0 : i32
        %scan3A_53 = arith.constant 8 : i32
        %scan3A_54 = arith.addi %scan3A_52, %scan3A_53 : i32
        %scan3A_55 = arith.constant 1 : i32
        %scan3A_56 = scf.for %scan3A_62 = %scan3A_52 to %scan3A_54 step %scan3A_55 iter_args(%scan3A_63 = %scan3A_51) -> (i32)  : i32 {
          %mul3A_64 = arith.constant 16 : i32
          %mul3A_65 = arith.muli %scan3A_62, %mul3A_64 : i32
          %get3A = arith.index_cast %mul3A_65 : i32 to index
          %get3A_66 = tpu.vector_load %arg6[%get3A] {strides = array<i32>} : memref<128xi32, #tpu.memory_space<vmem>>, vector<16xi32>,
          %get3A_67 = vector.shape_cast %get3A_66 : vector<16xi32> to vector<16xi32>
          %add3A_68 = arith.addi %get3A_67, %broadcast_in_dim3A_50 : vector<16xi32>
          %mul3A_69 = arith.constant 16 : i32
          %mul3A_70 = arith.muli %scan3A_62, %mul3A_69 : i32
          %swap3A = arith.index_cast %mul3A_70 : i32 to index
          %swap3A_71 = tpu.vector_load %arg6[%swap3A] {strides = array<i32>} : memref<128xi32, #tpu.memory_space<vmem>>, vector<16xi32>,
          %swap3A_72 = vector.shape_cast %swap3A_71 : vector<16xi32> to vector<16xi32>
          %swap3A_73 = vector.shape_cast %add3A_68 : vector<16xi32> to vector<16xi32>
          tpu.vector_store %arg6[%swap3A], %swap3A_73 {strides = array<i32>} : memref<128xi32, #tpu.memory_space<vmem>>, vector<16xi32>,
          %scan3A_74 = arith.constant 0 : i32
          scf.yield %scan3A_74 : i32
        }
        %scan3A_57 = arith.constant 8 : i32
        %dma_start3A = arith.constant 0 : i32
        %dma_start3A_58 = arith.constant 0 : i32
        %dma_start3A_59 = tpu.memref_slice %arg2[%dma_start3A, %dma_start3A_58] : memref<200000x32xf32, #tpu.memory_space<hbm>> -> memref<200000x32xf32, #tpu.memory_space<hbm>>
        tpu.enqueue_indirect_dma source(%dma_start3A_59 : memref<200000x32xf32, #tpu.memory_space<hbm>>) target(%arg8 : memref<128x32xf32, #tpu.memory_space<vmem>>) offsets(%arg6 : memref<128xi32, #tpu.memory_space<vmem>>) semaphore(%arg11 : memref<!tpu.dma_semaphore, #tpu.memory_space<semaphore_mem>>)
        %dma_wait3A = arith.constant 0 : i32
        %dma_wait3A_60 = arith.constant 0 : i32
        %dma_wait3A_61 = tpu.memref_slice %arg2[%dma_wait3A, %dma_wait3A_60] : memref<200000x32xf32, #tpu.memory_space<hbm>> -> memref<200000x32xf32, #tpu.memory_space<hbm>>
        tpu.wait_indirect_dma semaphore(%arg11 : memref<!tpu.dma_semaphore, #tpu.memory_space<semaphore_mem>>) src(%dma_wait3A_61 : memref<200000x32xf32, #tpu.memory_space<hbm>>) dst(%arg8 : memref<128x32xf32, #tpu.memory_space<vmem>>)
        "tpu.region"() ({
          %run_scoped3A_62 = tpu.sem_alloc : memref<!tpu.dma_semaphore, #tpu.memory_space<semaphore_mem>>
          %dma_start3A_63 = arith.constant 0 : i32
          %dma_start3A_64 = arith.constant 0 : i32
          %dma_start3A_65 = tpu.memref_slice %arg10[%dma_start3A_63, %dma_start3A_64] : memref<50048x32xf32, #tpu.memory_space<vmem_shared>> -> memref<50048x32xf32, #tpu.memory_space<vmem_shared>>
          tpu.enqueue_indirect_dma source(%arg8 : memref<128x32xf32, #tpu.memory_space<vmem>>) target(%dma_start3A_65 : memref<50048x32xf32, #tpu.memory_space<vmem_shared>>) offsets(%arg7 : memref<128xi32, #tpu.memory_space<vmem>>) semaphore(%run_scoped3A_62 : memref<!tpu.dma_semaphore, #tpu.memory_space<semaphore_mem>>) {add = true}
          %dma_wait3A_66 = arith.constant 0 : i32
          %dma_wait3A_67 = arith.constant 0 : i32
          %dma_wait3A_68 = tpu.memref_slice %arg10[%dma_wait3A_66, %dma_wait3A_67] : memref<50048x32xf32, #tpu.memory_space<vmem_shared>> -> memref<50048x32xf32, #tpu.memory_space<vmem_shared>>
          tpu.wait_indirect_dma semaphore(%run_scoped3A_62 : memref<!tpu.dma_semaphore, #tpu.memory_space<semaphore_mem>>) src(%arg8 : memref<128x32xf32, #tpu.memory_space<vmem>>) dst(%dma_wait3A_68 : memref<50048x32xf32, #tpu.memory_space<vmem_shared>>)
          tpu.yield
        }) : () -> ()
      } else {
      }
      %barrier3A_42 = arith.constant 0 : index
      tpu.barrier barrier_id(%barrier3A_42)
      %mul3A = arith.constant 3128 : i32
      %mul3A_43 = arith.muli %arg1, %mul3A : i32
      %mul3A_44 = arith.constant 3128 : i32
      %mul3A_45 = arith.muli %arg1, %mul3A_44 : i32
      %run_scoped3A = arith.constant 2 : i32
      "tpu.region"() ({
        %run_scoped3A_46 = tpu.sem_alloc : memref<!tpu.dma_semaphore, #tpu.memory_space<semaphore_mem>>
        %dma_start3A = arith.constant 0 : i32
        %dma_start3A_47 = tpu.memref_slice %arg5[%run_scoped3A, %mul3A_45, %dma_start3A] : memref<4x50048x32xf32, #tpu.memory_space<hbm>> -> memref<1x3128x32xf32, #tpu.memory_space<hbm>>
        %dma_start3A_48 = tpu.memref_squeeze %dma_start3A_47 : memref<1x3128x32xf32, #tpu.memory_space<hbm>> -> memref<3128x32xf32, #tpu.memory_space<hbm>>
        %dma_start3A_49 = arith.constant 0 : i32
        %dma_start3A_50 = tpu.memref_slice %arg10[%mul3A_43, %dma_start3A_49] : memref<50048x32xf32, #tpu.memory_space<vmem_shared>> -> memref<3128x32xf32, #tpu.memory_space<vmem_shared>>
        tpu.enqueue_dma source(%dma_start3A_50 : memref<3128x32xf32, #tpu.memory_space<vmem_shared>>) target(%dma_start3A_48 : memref<3128x32xf32, #tpu.memory_space<hbm>>) target_semaphore(%run_scoped3A_46 : memref<!tpu.dma_semaphore, #tpu.memory_space<semaphore_mem>>)
        %dma_wait3A = arith.constant 0 : i32
        %dma_wait3A_51 = tpu.memref_slice %arg5[%run_scoped3A, %mul3A_45, %dma_wait3A] : memref<4x50048x32xf32, #tpu.memory_space<hbm>> -> memref<1x3128x32xf32, #tpu.memory_space<hbm>>
        %dma_wait3A_52 = tpu.memref_squeeze %dma_wait3A_51 : memref<1x3128x32xf32, #tpu.memory_space<hbm>> -> memref<3128x32xf32, #tpu.memory_space<hbm>>
        %dma_wait3A_53 = arith.constant 0 : i32
        %dma_wait3A_54 = tpu.memref_slice %arg10[%mul3A_43, %dma_wait3A_53] : memref<50048x32xf32, #tpu.memory_space<vmem_shared>> -> memref<3128x32xf32, #tpu.memory_space<vmem_shared>>
        tpu.wait_dma2 semaphore(%run_scoped3A_46 : memref<!tpu.dma_semaphore, #tpu.memory_space<semaphore_mem>>) src(%dma_wait3A_54 : memref<3128x32xf32, #tpu.memory_space<vmem_shared>>) dst(%dma_wait3A_52 : memref<3128x32xf32, #tpu.memory_space<hbm>>)
        tpu.yield
      }) : () -> ()
    } else {
    }
    %eq3A_19 = arith.constant 1 : i32
    %eq3A_20 = arith.cmpi eq, %arg0, %eq3A_19 : i32
    %convert_element_type3A_21 = arith.extui %eq3A_20 : i1 to i32
    %cond3A_22 = arith.constant 0 : i32
    %cond3A_23 = arith.cmpi ne, %convert_element_type3A_21, %cond3A_22 : i32
    scf.if %cond3A_23 {
      %scan3A_24 = arith.constant 0 : i32
      %scan3A_25 = arith.constant 0 : i32
      %scan3A_26 = arith.constant 23 : i32
      %scan3A_27 = arith.addi %scan3A_25, %scan3A_26 : i32
      %scan3A_28 = arith.constant 1 : i32
      %scan3A_29 = scf.for %scan3A_46 = %scan3A_25 to %scan3A_27 step %scan3A_28 iter_args(%scan3A_47 = %scan3A_24) -> (i32)  : i32 {
        %mul3A_48 = arith.constant 3128 : i32
        %mul3A_49 = arith.muli %arg1, %mul3A_48 : i32
        %mul3A_50 = arith.constant 136 : i32
        %mul3A_51 = arith.muli %scan3A_46, %mul3A_50 : i32
        %add3A = arith.addi %mul3A_49, %mul3A_51 : i32
        "tpu.region"() ({
          %run_scoped3A_53 = tpu.sem_alloc : memref<!tpu.dma_semaphore, #tpu.memory_space<semaphore_mem>>
          %dma_start3A = arith.constant 0 : i32
          %dma_start3A_54 = tpu.memref_slice %arg10[%add3A, %dma_start3A] : memref<50048x32xf32, #tpu.memory_space<vmem_shared>> -> memref<136x32xf32, #tpu.memory_space<vmem_shared>>
          %dma_start3A_55 = arith.constant 0 : i32
          %dma_start3A_56 = tpu.memref_slice %arg10[%add3A, %dma_start3A_55] : memref<50048x32xf32, #tpu.memory_space<vmem_shared>> -> memref<136x32xf32, #tpu.memory_space<vmem_shared>>
          tpu.enqueue_dma source(%arg9 : memref<136x32xf32, #tpu.memory_space<vmem>>) target(%dma_start3A_56 : memref<136x32xf32, #tpu.memory_space<vmem_shared>>) target_semaphore(%run_scoped3A_53 : memref<!tpu.dma_semaphore, #tpu.memory_space<semaphore_mem>>)
          %dma_wait3A = arith.constant 0 : i32
          %dma_wait3A_57 = tpu.memref_slice %arg10[%add3A, %dma_wait3A] : memref<50048x32xf32, #tpu.memory_space<vmem_shared>> -> memref<136x32xf32, #tpu.memory_space<vmem_shared>>
          %dma_wait3A_58 = arith.constant 0 : i32
          %dma_wait3A_59 = tpu.memref_slice %arg10[%add3A, %dma_wait3A_58] : memref<50048x32xf32, #tpu.memory_space<vmem_shared>> -> memref<136x32xf32, #tpu.memory_space<vmem_shared>>
          tpu.wait_dma2 semaphore(%run_scoped3A_53 : memref<!tpu.dma_semaphore, #tpu.memory_space<semaphore_mem>>) src(%arg9 : memref<136x32xf32, #tpu.memory_space<vmem>>) dst(%dma_wait3A_59 : memref<136x32xf32, #tpu.memory_space<vmem_shared>>)
          tpu.yield
        }) : () -> ()
        %scan3A_52 = arith.constant 0 : i32
        scf.yield %scan3A_52 : i32
      }
      %scan3A_30 = arith.constant 23 : i32
      %barrier3A = arith.constant 0 : index
      tpu.barrier barrier_id(%barrier3A)
      %scan3A_31 = arith.constant 0 : i32
      %scan3A_32 = arith.constant 0 : i32
      %scan3A_33 = arith.constant 390 : i32
      %scan3A_34 = arith.addi %scan3A_32, %scan3A_33 : i32
      %scan3A_35 = arith.constant 1 : i32
      %scan3A_36 = scf.for %scan3A_46 = %scan3A_32 to %scan3A_34 step %scan3A_35 iter_args(%scan3A_47 = %scan3A_31) -> (i32)  : i32 {
        %mul3A_48 = arith.constant 16 : i32
        %mul3A_49 = arith.muli %scan3A_46, %mul3A_48 : i32
        %add3A = arith.addi %mul3A_49, %arg1 : i32
        %mul3A_50 = arith.constant 128 : i32
        %mul3A_51 = arith.muli %add3A, %mul3A_50 : i32
        "tpu.region"() ({
          %run_scoped3A_66 = tpu.sem_alloc : memref<!tpu.dma_semaphore, #tpu.memory_space<semaphore_mem>>
          %dma_start3A_67 = tpu.memref_slice %arg3[%mul3A_51] : memref<800000xi32, #tpu.memory_space<hbm>> -> memref<128xi32, #tpu.memory_space<hbm>>
          %dma_start3A_68 = tpu.memref_slice %arg3[%mul3A_51] : memref<800000xi32, #tpu.memory_space<hbm>> -> memref<128xi32, #tpu.memory_space<hbm>>
          tpu.enqueue_dma source(%dma_start3A_68 : memref<128xi32, #tpu.memory_space<hbm>>) target(%arg6 : memref<128xi32, #tpu.memory_space<vmem>>) target_semaphore(%run_scoped3A_66 : memref<!tpu.dma_semaphore, #tpu.memory_space<semaphore_mem>>)
          %dma_wait3A_69 = tpu.memref_slice %arg3[%mul3A_51] : memref<800000xi32, #tpu.memory_space<hbm>> -> memref<128xi32, #tpu.memory_space<hbm>>
          %dma_wait3A_70 = tpu.memref_slice %arg3[%mul3A_51] : memref<800000xi32, #tpu.memory_space<hbm>> -> memref<128xi32, #tpu.memory_space<hbm>>
          tpu.wait_dma2 semaphore(%run_scoped3A_66 : memref<!tpu.dma_semaphore, #tpu.memory_space<semaphore_mem>>) src(%dma_wait3A_70 : memref<128xi32, #tpu.memory_space<hbm>>) dst(%arg6 : memref<128xi32, #tpu.memory_space<vmem>>)
          tpu.yield
        }) : () -> ()
        "tpu.region"() ({
          %run_scoped3A_66 = tpu.sem_alloc : memref<!tpu.dma_semaphore, #tpu.memory_space<semaphore_mem>>
          %dma_start3A_67 = tpu.memref_slice %arg4[%mul3A_51] : memref<800000xi32, #tpu.memory_space<hbm>> -> memref<128xi32, #tpu.memory_space<hbm>>
          %dma_start3A_68 = tpu.memref_slice %arg4[%mul3A_51] : memref<800000xi32, #tpu.memory_space<hbm>> -> memref<128xi32, #tpu.memory_space<hbm>>
          tpu.enqueue_dma source(%dma_start3A_68 : memref<128xi32, #tpu.memory_space<hbm>>) target(%arg7 : memref<128xi32, #tpu.memory_space<vmem>>) target_semaphore(%run_scoped3A_66 : memref<!tpu.dma_semaphore, #tpu.memory_space<semaphore_mem>>)
          %dma_wait3A_69 = tpu.memref_slice %arg4[%mul3A_51] : memref<800000xi32, #tpu.memory_space<hbm>> -> memref<128xi32, #tpu.memory_space<hbm>>
          %dma_wait3A_70 = tpu.memref_slice %arg4[%mul3A_51] : memref<800000xi32, #tpu.memory_space<hbm>> -> memref<128xi32, #tpu.memory_space<hbm>>
          tpu.wait_dma2 semaphore(%run_scoped3A_66 : memref<!tpu.dma_semaphore, #tpu.memory_space<semaphore_mem>>) src(%dma_wait3A_70 : memref<128xi32, #tpu.memory_space<hbm>>) dst(%arg7 : memref<128xi32, #tpu.memory_space<vmem>>)
          tpu.yield
        }) : () -> ()
        %broadcast_in_dim3A_52 = arith.constant 150000 : i32
        %broadcast_in_dim3A_53 = vector.broadcast %broadcast_in_dim3A_52 : i32 to vector<16xi32>
        %scan3A_54 = arith.constant 0 : i32
        %scan3A_55 = arith.constant 0 : i32
        %scan3A_56 = arith.constant 8 : i32
        %scan3A_57 = arith.addi %scan3A_55, %scan3A_56 : i32
        %scan3A_58 = arith.constant 1 : i32
        %scan3A_59 = scf.for %scan3A_66 = %scan3A_55 to %scan3A_57 step %scan3A_58 iter_args(%scan3A_67 = %scan3A_54) -> (i32)  : i32 {
          %mul3A_68 = arith.constant 16 : i32
          %mul3A_69 = arith.muli %scan3A_66, %mul3A_68 : i32
          %get3A = arith.index_cast %mul3A_69 : i32 to index
          %get3A_70 = tpu.vector_load %arg6[%get3A] {strides = array<i32>} : memref<128xi32, #tpu.memory_space<vmem>>, vector<16xi32>,
          %get3A_71 = vector.shape_cast %get3A_70 : vector<16xi32> to vector<16xi32>
          %add3A_72 = arith.addi %get3A_71, %broadcast_in_dim3A_53 : vector<16xi32>
          %mul3A_73 = arith.constant 16 : i32
          %mul3A_74 = arith.muli %scan3A_66, %mul3A_73 : i32
          %swap3A = arith.index_cast %mul3A_74 : i32 to index
          %swap3A_75 = tpu.vector_load %arg6[%swap3A] {strides = array<i32>} : memref<128xi32, #tpu.memory_space<vmem>>, vector<16xi32>,
          %swap3A_76 = vector.shape_cast %swap3A_75 : vector<16xi32> to vector<16xi32>
          %swap3A_77 = vector.shape_cast %add3A_72 : vector<16xi32> to vector<16xi32>
          tpu.vector_store %arg6[%swap3A], %swap3A_77 {strides = array<i32>} : memref<128xi32, #tpu.memory_space<vmem>>, vector<16xi32>,
          %scan3A_78 = arith.constant 0 : i32
          scf.yield %scan3A_78 : i32
        }
        %scan3A_60 = arith.constant 8 : i32
        %dma_start3A = arith.constant 0 : i32
        %dma_start3A_61 = arith.constant 0 : i32
        %dma_start3A_62 = tpu.memref_slice %arg2[%dma_start3A, %dma_start3A_61] : memref<200000x32xf32, #tpu.memory_space<hbm>> -> memref<200000x32xf32, #tpu.memory_space<hbm>>
        tpu.enqueue_indirect_dma source(%dma_start3A_62 : memref<200000x32xf32, #tpu.memory_space<hbm>>) target(%arg8 : memref<128x32xf32, #tpu.memory_space<vmem>>) offsets(%arg6 : memref<128xi32, #tpu.memory_space<vmem>>) semaphore(%arg11 : memref<!tpu.dma_semaphore, #tpu.memory_space<semaphore_mem>>)
        %dma_wait3A = arith.constant 0 : i32
        %dma_wait3A_63 = arith.constant 0 : i32
        %dma_wait3A_64 = tpu.memref_slice %arg2[%dma_wait3A, %dma_wait3A_63] : memref<200000x32xf32, #tpu.memory_space<hbm>> -> memref<200000x32xf32, #tpu.memory_space<hbm>>
        tpu.wait_indirect_dma semaphore(%arg11 : memref<!tpu.dma_semaphore, #tpu.memory_space<semaphore_mem>>) src(%dma_wait3A_64 : memref<200000x32xf32, #tpu.memory_space<hbm>>) dst(%arg8 : memref<128x32xf32, #tpu.memory_space<vmem>>)
        "tpu.region"() ({
          %run_scoped3A_66 = tpu.sem_alloc : memref<!tpu.dma_semaphore, #tpu.memory_space<semaphore_mem>>
          %dma_start3A_67 = arith.constant 0 : i32
          %dma_start3A_68 = arith.constant 0 : i32
          %dma_start3A_69 = tpu.memref_slice %arg10[%dma_start3A_67, %dma_start3A_68] : memref<50048x32xf32, #tpu.memory_space<vmem_shared>> -> memref<50048x32xf32, #tpu.memory_space<vmem_shared>>
          tpu.enqueue_indirect_dma source(%arg8 : memref<128x32xf32, #tpu.memory_space<vmem>>) target(%dma_start3A_69 : memref<50048x32xf32, #tpu.memory_space<vmem_shared>>) offsets(%arg7 : memref<128xi32, #tpu.memory_space<vmem>>) semaphore(%run_scoped3A_66 : memref<!tpu.dma_semaphore, #tpu.memory_space<semaphore_mem>>) {add = true}
          %dma_wait3A_70 = arith.constant 0 : i32
          %dma_wait3A_71 = arith.constant 0 : i32
          %dma_wait3A_72 = tpu.memref_slice %arg10[%dma_wait3A_70, %dma_wait3A_71] : memref<50048x32xf32, #tpu.memory_space<vmem_shared>> -> memref<50048x32xf32, #tpu.memory_space<vmem_shared>>
          tpu.wait_indirect_dma semaphore(%run_scoped3A_66 : memref<!tpu.dma_semaphore, #tpu.memory_space<semaphore_mem>>) src(%arg8 : memref<128x32xf32, #tpu.memory_space<vmem>>) dst(%dma_wait3A_72 : memref<50048x32xf32, #tpu.memory_space<vmem_shared>>)
          tpu.yield
        }) : () -> ()
        %scan3A_65 = arith.constant 0 : i32
        scf.yield %scan3A_65 : i32
      }
      %scan3A_37 = arith.constant 390 : i32
      %lt3A = arith.constant 10 : i32
      %lt3A_38 = arith.cmpi slt, %arg1, %lt3A : i32
      %convert_element_type3A_39 = arith.extui %lt3A_38 : i1 to i32
      %cond3A_40 = arith.constant 0 : i32
      %cond3A_41 = arith.cmpi ne, %convert_element_type3A_39, %cond3A_40 : i32
      scf.if %cond3A_41 {
        %add3A = arith.constant 6240 : i32
        %add3A_46 = arith.addi %add3A, %arg1 : i32
        %mul3A_47 = arith.constant 128 : i32
        %mul3A_48 = arith.muli %add3A_46, %mul3A_47 : i32
        "tpu.region"() ({
          %run_scoped3A_62 = tpu.sem_alloc : memref<!tpu.dma_semaphore, #tpu.memory_space<semaphore_mem>>
          %dma_start3A_63 = tpu.memref_slice %arg3[%mul3A_48] : memref<800000xi32, #tpu.memory_space<hbm>> -> memref<128xi32, #tpu.memory_space<hbm>>
          %dma_start3A_64 = tpu.memref_slice %arg3[%mul3A_48] : memref<800000xi32, #tpu.memory_space<hbm>> -> memref<128xi32, #tpu.memory_space<hbm>>
          tpu.enqueue_dma source(%dma_start3A_64 : memref<128xi32, #tpu.memory_space<hbm>>) target(%arg6 : memref<128xi32, #tpu.memory_space<vmem>>) target_semaphore(%run_scoped3A_62 : memref<!tpu.dma_semaphore, #tpu.memory_space<semaphore_mem>>)
          %dma_wait3A_65 = tpu.memref_slice %arg3[%mul3A_48] : memref<800000xi32, #tpu.memory_space<hbm>> -> memref<128xi32, #tpu.memory_space<hbm>>
          %dma_wait3A_66 = tpu.memref_slice %arg3[%mul3A_48] : memref<800000xi32, #tpu.memory_space<hbm>> -> memref<128xi32, #tpu.memory_space<hbm>>
          tpu.wait_dma2 semaphore(%run_scoped3A_62 : memref<!tpu.dma_semaphore, #tpu.memory_space<semaphore_mem>>) src(%dma_wait3A_66 : memref<128xi32, #tpu.memory_space<hbm>>) dst(%arg6 : memref<128xi32, #tpu.memory_space<vmem>>)
          tpu.yield
        }) : () -> ()
        "tpu.region"() ({
          %run_scoped3A_62 = tpu.sem_alloc : memref<!tpu.dma_semaphore, #tpu.memory_space<semaphore_mem>>
          %dma_start3A_63 = tpu.memref_slice %arg4[%mul3A_48] : memref<800000xi32, #tpu.memory_space<hbm>> -> memref<128xi32, #tpu.memory_space<hbm>>
          %dma_start3A_64 = tpu.memref_slice %arg4[%mul3A_48] : memref<800000xi32, #tpu.memory_space<hbm>> -> memref<128xi32, #tpu.memory_space<hbm>>
          tpu.enqueue_dma source(%dma_start3A_64 : memref<128xi32, #tpu.memory_space<hbm>>) target(%arg7 : memref<128xi32, #tpu.memory_space<vmem>>) target_semaphore(%run_scoped3A_62 : memref<!tpu.dma_semaphore, #tpu.memory_space<semaphore_mem>>)
          %dma_wait3A_65 = tpu.memref_slice %arg4[%mul3A_48] : memref<800000xi32, #tpu.memory_space<hbm>> -> memref<128xi32, #tpu.memory_space<hbm>>
          %dma_wait3A_66 = tpu.memref_slice %arg4[%mul3A_48] : memref<800000xi32, #tpu.memory_space<hbm>> -> memref<128xi32, #tpu.memory_space<hbm>>
          tpu.wait_dma2 semaphore(%run_scoped3A_62 : memref<!tpu.dma_semaphore, #tpu.memory_space<semaphore_mem>>) src(%dma_wait3A_66 : memref<128xi32, #tpu.memory_space<hbm>>) dst(%arg7 : memref<128xi32, #tpu.memory_space<vmem>>)
          tpu.yield
        }) : () -> ()
        %broadcast_in_dim3A_49 = arith.constant 150000 : i32
        %broadcast_in_dim3A_50 = vector.broadcast %broadcast_in_dim3A_49 : i32 to vector<16xi32>
        %scan3A_51 = arith.constant 0 : i32
        %scan3A_52 = arith.constant 0 : i32
        %scan3A_53 = arith.constant 8 : i32
        %scan3A_54 = arith.addi %scan3A_52, %scan3A_53 : i32
        %scan3A_55 = arith.constant 1 : i32
        %scan3A_56 = scf.for %scan3A_62 = %scan3A_52 to %scan3A_54 step %scan3A_55 iter_args(%scan3A_63 = %scan3A_51) -> (i32)  : i32 {
          %mul3A_64 = arith.constant 16 : i32
          %mul3A_65 = arith.muli %scan3A_62, %mul3A_64 : i32
          %get3A = arith.index_cast %mul3A_65 : i32 to index
          %get3A_66 = tpu.vector_load %arg6[%get3A] {strides = array<i32>} : memref<128xi32, #tpu.memory_space<vmem>>, vector<16xi32>,
          %get3A_67 = vector.shape_cast %get3A_66 : vector<16xi32> to vector<16xi32>
          %add3A_68 = arith.addi %get3A_67, %broadcast_in_dim3A_50 : vector<16xi32>
          %mul3A_69 = arith.constant 16 : i32
          %mul3A_70 = arith.muli %scan3A_62, %mul3A_69 : i32
          %swap3A = arith.index_cast %mul3A_70 : i32 to index
          %swap3A_71 = tpu.vector_load %arg6[%swap3A] {strides = array<i32>} : memref<128xi32, #tpu.memory_space<vmem>>, vector<16xi32>,
          %swap3A_72 = vector.shape_cast %swap3A_71 : vector<16xi32> to vector<16xi32>
          %swap3A_73 = vector.shape_cast %add3A_68 : vector<16xi32> to vector<16xi32>
          tpu.vector_store %arg6[%swap3A], %swap3A_73 {strides = array<i32>} : memref<128xi32, #tpu.memory_space<vmem>>, vector<16xi32>,
          %scan3A_74 = arith.constant 0 : i32
          scf.yield %scan3A_74 : i32
        }
        %scan3A_57 = arith.constant 8 : i32
        %dma_start3A = arith.constant 0 : i32
        %dma_start3A_58 = arith.constant 0 : i32
        %dma_start3A_59 = tpu.memref_slice %arg2[%dma_start3A, %dma_start3A_58] : memref<200000x32xf32, #tpu.memory_space<hbm>> -> memref<200000x32xf32, #tpu.memory_space<hbm>>
        tpu.enqueue_indirect_dma source(%dma_start3A_59 : memref<200000x32xf32, #tpu.memory_space<hbm>>) target(%arg8 : memref<128x32xf32, #tpu.memory_space<vmem>>) offsets(%arg6 : memref<128xi32, #tpu.memory_space<vmem>>) semaphore(%arg11 : memref<!tpu.dma_semaphore, #tpu.memory_space<semaphore_mem>>)
        %dma_wait3A = arith.constant 0 : i32
        %dma_wait3A_60 = arith.constant 0 : i32
        %dma_wait3A_61 = tpu.memref_slice %arg2[%dma_wait3A, %dma_wait3A_60] : memref<200000x32xf32, #tpu.memory_space<hbm>> -> memref<200000x32xf32, #tpu.memory_space<hbm>>
        tpu.wait_indirect_dma semaphore(%arg11 : memref<!tpu.dma_semaphore, #tpu.memory_space<semaphore_mem>>) src(%dma_wait3A_61 : memref<200000x32xf32, #tpu.memory_space<hbm>>) dst(%arg8 : memref<128x32xf32, #tpu.memory_space<vmem>>)
        "tpu.region"() ({
          %run_scoped3A_62 = tpu.sem_alloc : memref<!tpu.dma_semaphore, #tpu.memory_space<semaphore_mem>>
          %dma_start3A_63 = arith.constant 0 : i32
          %dma_start3A_64 = arith.constant 0 : i32
          %dma_start3A_65 = tpu.memref_slice %arg10[%dma_start3A_63, %dma_start3A_64] : memref<50048x32xf32, #tpu.memory_space<vmem_shared>> -> memref<50048x32xf32, #tpu.memory_space<vmem_shared>>
          tpu.enqueue_indirect_dma source(%arg8 : memref<128x32xf32, #tpu.memory_space<vmem>>) target(%dma_start3A_65 : memref<50048x32xf32, #tpu.memory_space<vmem_shared>>) offsets(%arg7 : memref<128xi32, #tpu.memory_space<vmem>>) semaphore(%run_scoped3A_62 : memref<!tpu.dma_semaphore, #tpu.memory_space<semaphore_mem>>) {add = true}
          %dma_wait3A_66 = arith.constant 0 : i32
          %dma_wait3A_67 = arith.constant 0 : i32
          %dma_wait3A_68 = tpu.memref_slice %arg10[%dma_wait3A_66, %dma_wait3A_67] : memref<50048x32xf32, #tpu.memory_space<vmem_shared>> -> memref<50048x32xf32, #tpu.memory_space<vmem_shared>>
          tpu.wait_indirect_dma semaphore(%run_scoped3A_62 : memref<!tpu.dma_semaphore, #tpu.memory_space<semaphore_mem>>) src(%arg8 : memref<128x32xf32, #tpu.memory_space<vmem>>) dst(%dma_wait3A_68 : memref<50048x32xf32, #tpu.memory_space<vmem_shared>>)
          tpu.yield
        }) : () -> ()
      } else {
      }
      %barrier3A_42 = arith.constant 0 : index
      tpu.barrier barrier_id(%barrier3A_42)
      %mul3A = arith.constant 3128 : i32
      %mul3A_43 = arith.muli %arg1, %mul3A : i32
      %mul3A_44 = arith.constant 3128 : i32
      %mul3A_45 = arith.muli %arg1, %mul3A_44 : i32
      %run_scoped3A = arith.constant 3 : i32
      "tpu.region"() ({
        %run_scoped3A_46 = tpu.sem_alloc : memref<!tpu.dma_semaphore, #tpu.memory_space<semaphore_mem>>
        %dma_start3A = arith.constant 0 : i32
        %dma_start3A_47 = tpu.memref_slice %arg5[%run_scoped3A, %mul3A_45, %dma_start3A] : memref<4x50048x32xf32, #tpu.memory_space<hbm>> -> memref<1x3128x32xf32, #tpu.memory_space<hbm>>
        %dma_start3A_48 = tpu.memref_squeeze %dma_start3A_47 : memref<1x3128x32xf32, #tpu.memory_space<hbm>> -> memref<3128x32xf32, #tpu.memory_space<hbm>>
        %dma_start3A_49 = arith.constant 0 : i32
        %dma_start3A_50 = tpu.memref_slice %arg10[%mul3A_43, %dma_start3A_49] : memref<50048x32xf32, #tpu.memory_space<vmem_shared>> -> memref<3128x32xf32, #tpu.memory_space<vmem_shared>>
        tpu.enqueue_dma source(%dma_start3A_50 : memref<3128x32xf32, #tpu.memory_space<vmem_shared>>) target(%dma_start3A_48 : memref<3128x32xf32, #tpu.memory_space<hbm>>) target_semaphore(%run_scoped3A_46 : memref<!tpu.dma_semaphore, #tpu.memory_space<semaphore_mem>>)
        %dma_wait3A = arith.constant 0 : i32
        %dma_wait3A_51 = tpu.memref_slice %arg5[%run_scoped3A, %mul3A_45, %dma_wait3A] : memref<4x50048x32xf32, #tpu.memory_space<hbm>> -> memref<1x3128x32xf32, #tpu.memory_space<hbm>>
        %dma_wait3A_52 = tpu.memref_squeeze %dma_wait3A_51 : memref<1x3128x32xf32, #tpu.memory_space<hbm>> -> memref<3128x32xf32, #tpu.memory_space<hbm>>
        %dma_wait3A_53 = arith.constant 0 : i32
        %dma_wait3A_54 = tpu.memref_slice %arg10[%mul3A_43, %dma_wait3A_53] : memref<50048x32xf32, #tpu.memory_space<vmem_shared>> -> memref<3128x32xf32, #tpu.memory_space<vmem_shared>>
        tpu.wait_dma2 semaphore(%run_scoped3A_46 : memref<!tpu.dma_semaphore, #tpu.memory_space<semaphore_mem>>) src(%dma_wait3A_54 : memref<3128x32xf32, #tpu.memory_space<vmem_shared>>) dst(%dma_wait3A_52 : memref<3128x32xf32, #tpu.memory_space<hbm>>)
        tpu.yield
      }) : () -> ()
    } else {
    }
    return
  }
}

#map = affine_map<(d0, d1) -> (0)>
#map1 = affine_map<(d0, d1) -> (0, 0)>
module attributes {stable_mosaic.version = 14 : i64} {
  func.func @_sc3_body(%arg0: i32, %arg1: i32, %arg2: memref<51200xf32, #tpu.memory_space<hbm>>, %arg3: memref<400x128xi32, #tpu.memory_space<hbm>>, %arg4: memref<50000x64xf32, #tpu.memory_space<hbm>>, %arg5: memref<4096xf32, #tpu.memory_space<hbm>>, %arg6: memref<4096xi32, #tpu.memory_space<hbm>>, %arg7: memref<4096x64xf32, #tpu.memory_space<hbm>>, %arg8: memref<2048xf32, #tpu.memory_space<vmem>>, %arg9: memref<80xf32, #tpu.memory_space<vmem>>, %arg10: memref<80xi32, #tpu.memory_space<vmem>>, %arg11: memref<16x128xi32, #tpu.memory_space<vmem>>, %arg12: memref<16x128xi32, #tpu.memory_space<vmem>>, %arg13: memref<128x64xf32, #tpu.memory_space<vmem>>, %arg14: memref<!tpu.dma_semaphore, #tpu.memory_space<semaphore_mem>>) attributes {dimension_semantics = [#tpu.dimension_semantics<core_parallel>, #tpu.dimension_semantics<subcore_parallel>], iteration_bounds = array<i64: 2, 16>, scalar_prefetch = 0 : i64, scratch_operands = 7 : i64, tpu.core_type = #tpu.core_type<sc_vector_subcore>, window_params = [{transform_indices = #map}, {transform_indices = #map1}, {transform_indices = #map1}, {transform_indices = #map}, {transform_indices = #map}, {transform_indices = #map1}]} {
    %mul3A = arith.constant 2 : i32
    %mul3A_0 = arith.muli %arg1, %mul3A : i32
    %add3A = arith.addi %mul3A_0, %arg0 : i32
    %lt3A = arith.constant 25 : i32
    %lt3A_1 = arith.cmpi slt, %add3A, %lt3A : i32
    %convert_element_type3A = arith.extui %lt3A_1 : i1 to i32
    %cond3A = arith.constant 0 : i32
    %cond3A_2 = arith.cmpi ne, %convert_element_type3A, %cond3A : i32
    scf.if %cond3A_2 {
      %mul3A_3 = arith.constant 2048 : i32
      %mul3A_4 = arith.muli %add3A, %mul3A_3 : i32
      "tpu.region"() ({
        %run_scoped3A = tpu.sem_alloc : memref<!tpu.dma_semaphore, #tpu.memory_space<semaphore_mem>>
        %dma_start3A_1044 = tpu.memref_slice %arg2[%mul3A_4] : memref<51200xf32, #tpu.memory_space<hbm>> -> memref<2048xf32, #tpu.memory_space<hbm>>
        %dma_start3A_1045 = tpu.memref_slice %arg2[%mul3A_4] : memref<51200xf32, #tpu.memory_space<hbm>> -> memref<2048xf32, #tpu.memory_space<hbm>>
        tpu.enqueue_dma source(%dma_start3A_1045 : memref<2048xf32, #tpu.memory_space<hbm>>) target(%arg8 : memref<2048xf32, #tpu.memory_space<vmem>>) target_semaphore(%run_scoped3A : memref<!tpu.dma_semaphore, #tpu.memory_space<semaphore_mem>>)
        %dma_wait3A_1046 = tpu.memref_slice %arg2[%mul3A_4] : memref<51200xf32, #tpu.memory_space<hbm>> -> memref<2048xf32, #tpu.memory_space<hbm>>
        %dma_wait3A_1047 = tpu.memref_slice %arg2[%mul3A_4] : memref<51200xf32, #tpu.memory_space<hbm>> -> memref<2048xf32, #tpu.memory_space<hbm>>
        tpu.wait_dma2 semaphore(%run_scoped3A : memref<!tpu.dma_semaphore, #tpu.memory_space<semaphore_mem>>) src(%dma_wait3A_1047 : memref<2048xf32, #tpu.memory_space<hbm>>) dst(%arg8 : memref<2048xf32, #tpu.memory_space<vmem>>)
        tpu.yield
      }) : () -> ()
      %mul3A_5 = arith.constant 16 : i32
      %mul3A_6 = arith.muli %add3A, %mul3A_5 : i32
      "tpu.region"() ({
        %run_scoped3A = tpu.sem_alloc : memref<!tpu.dma_semaphore, #tpu.memory_space<semaphore_mem>>
        %dma_start3A_1044 = arith.constant 0 : i32
        %dma_start3A_1045 = tpu.memref_slice %arg3[%mul3A_6, %dma_start3A_1044] : memref<400x128xi32, #tpu.memory_space<hbm>> -> memref<16x128xi32, #tpu.memory_space<hbm>>
        %dma_start3A_1046 = arith.constant 0 : i32
        %dma_start3A_1047 = tpu.memref_slice %arg3[%mul3A_6, %dma_start3A_1046] : memref<400x128xi32, #tpu.memory_space<hbm>> -> memref<16x128xi32, #tpu.memory_space<hbm>>
        tpu.enqueue_dma source(%dma_start3A_1047 : memref<16x128xi32, #tpu.memory_space<hbm>>) target(%arg11 : memref<16x128xi32, #tpu.memory_space<vmem>>) target_semaphore(%run_scoped3A : memref<!tpu.dma_semaphore, #tpu.memory_space<semaphore_mem>>)
        %dma_wait3A_1048 = arith.constant 0 : i32
        %dma_wait3A_1049 = tpu.memref_slice %arg3[%mul3A_6, %dma_wait3A_1048] : memref<400x128xi32, #tpu.memory_space<hbm>> -> memref<16x128xi32, #tpu.memory_space<hbm>>
        %dma_wait3A_1050 = arith.constant 0 : i32
        %dma_wait3A_1051 = tpu.memref_slice %arg3[%mul3A_6, %dma_wait3A_1050] : memref<400x128xi32, #tpu.memory_space<hbm>> -> memref<16x128xi32, #tpu.memory_space<hbm>>
        tpu.wait_dma2 semaphore(%run_scoped3A : memref<!tpu.dma_semaphore, #tpu.memory_space<semaphore_mem>>) src(%dma_wait3A_1051 : memref<16x128xi32, #tpu.memory_space<hbm>>) dst(%arg11 : memref<16x128xi32, #tpu.memory_space<vmem>>)
        tpu.yield
      }) : () -> ()
      %broadcast_in_dim3A = arith.constant -2.000000e+00 : f32
      %broadcast_in_dim3A_7 = vector.broadcast %broadcast_in_dim3A : f32 to vector<16xf32>
      %broadcast_in_dim3A_8 = arith.constant 0 : i32
      %broadcast_in_dim3A_9 = vector.broadcast %broadcast_in_dim3A_8 : i32 to vector<16xi32>
      %broadcast_in_dim3A_10 = arith.constant 0.000000e+00 : f32
      %broadcast_in_dim3A_11 = vector.broadcast %broadcast_in_dim3A_10 : f32 to vector<16xf32>
      %iota3A = tpu.iota {dimensions = array<i32: 0>} : vector<16xi32>
      %scan3A = arith.constant 0 : i32
      %scan3A_12 = arith.constant 0 : i32
      %scan3A_13 = arith.constant 128 : i32
      %scan3A_14 = arith.addi %scan3A_12, %scan3A_13 : i32
      %scan3A_15 = arith.constant 1 : i32
      %scan3A_16 = scf.for %scan3A_1044 = %scan3A_12 to %scan3A_14 step %scan3A_15 iter_args(%scan3A_1045 = %scan3A) -> (i32)  : i32 {
        %mul3A_1046 = arith.constant 2048 : i32
        %mul3A_1047 = arith.muli %add3A, %mul3A_1046 : i32
        %mul3A_1048 = arith.constant 16 : i32
        %mul3A_1049 = arith.muli %scan3A_1044, %mul3A_1048 : i32
        %add3A_1050 = arith.addi %mul3A_1047, %mul3A_1049 : i32
        %add3A_1051 = vector.broadcast %add3A_1050 : i32 to vector<16xi32>
        %add3A_1052 = arith.addi %add3A_1051, %iota3A : vector<16xi32>
        %min3A = arith.constant 49999 : i32
        %min3A_1053 = vector.broadcast %min3A : i32 to vector<16xi32>
        %min3A_1054 = arith.minsi %add3A_1052, %min3A_1053 : vector<16xi32>
        %jit3A = arith.constant 8 : i32
        %div3A = arith.divsi %scan3A_1044, %jit3A : i32
        %sign3A = arith.constant 0 : i32
        %sign3A_1055 = arith.cmpi sgt, %scan3A_1044, %sign3A : i32
        %sign3A_1056 = arith.extui %sign3A_1055 : i1 to i32
        %sign3A_1057 = arith.constant 0 : i32
        %sign3A_1058 = arith.cmpi slt, %scan3A_1044, %sign3A_1057 : i32
        %sign3A_1059 = arith.extui %sign3A_1058 : i1 to i32
        %sign3A_1060 = arith.subi %sign3A_1056, %sign3A_1059 : i32
        %sign3A_1061 = arith.constant 0 : i32
        %sign3A_1062 = arith.cmpi sgt, %jit3A, %sign3A_1061 : i32
        %sign3A_1063 = arith.extui %sign3A_1062 : i1 to i32
        %sign3A_1064 = arith.constant 0 : i32
        %sign3A_1065 = arith.cmpi slt, %jit3A, %sign3A_1064 : i32
        %sign3A_1066 = arith.extui %sign3A_1065 : i1 to i32
        %sign3A_1067 = arith.subi %sign3A_1063, %sign3A_1066 : i32
        %ne3A = arith.cmpi ne, %sign3A_1060, %sign3A_1067 : i32
        %rem3A = arith.remsi %scan3A_1044, %jit3A : i32
        %ne3A_1068 = arith.constant 0 : i32
        %ne3A_1069 = arith.cmpi ne, %rem3A, %ne3A_1068 : i32
        %and3A = arith.andi %ne3A, %ne3A_1069 : i1
        %sub3A = arith.constant 1 : i32
        %sub3A_1070 = arith.subi %div3A, %sub3A : i32
        %select_n3A = arith.select %and3A, %sub3A_1070, %div3A : i32
        %jit3A_1071 = arith.constant 8 : i32
        %eq3A_1072 = arith.constant 0 : i32
        %eq3A_1073 = arith.cmpi eq, %jit3A_1071, %eq3A_1072 : i32
        %jit3A_1074 = arith.constant 1 : i32
        %select_n3A_1075 = arith.select %eq3A_1073, %jit3A_1074, %jit3A_1071 : i32
        %rem3A_1076 = arith.remsi %scan3A_1044, %select_n3A_1075 : i32
        %ne3A_1077 = arith.constant 0 : i32
        %ne3A_1078 = arith.cmpi ne, %rem3A_1076, %ne3A_1077 : i32
        %lt3A_1079 = arith.constant 0 : i32
        %lt3A_1080 = arith.cmpi slt, %rem3A_1076, %lt3A_1079 : i32
        %lt3A_1081 = arith.constant 0 : i32
        %lt3A_1082 = arith.cmpi slt, %select_n3A_1075, %lt3A_1081 : i32
        %ne3A_1083 = arith.xori %lt3A_1080, %lt3A_1082 : i1
        %and3A_1084 = arith.andi %ne3A_1083, %ne3A_1078 : i1
        %add3A_1085 = arith.addi %rem3A_1076, %select_n3A_1075 : i32
        %select_n3A_1086 = arith.select %and3A_1084, %add3A_1085, %rem3A_1076 : i32
        %mul3A_1087 = arith.constant 16 : i32
        %mul3A_1088 = arith.muli %select_n3A_1086, %mul3A_1087 : i32
        %swap3A = arith.index_cast %select_n3A : i32 to index
        %swap3A_1089 = arith.index_cast %mul3A_1088 : i32 to index
        %swap3A_1090 = tpu.vector_load %arg12[%swap3A, %swap3A_1089] {strides = array<i32>} : memref<16x128xi32, #tpu.memory_space<vmem>>, vector<1x16xi32>,
        %swap3A_1091 = vector.shape_cast %swap3A_1090 : vector<1x16xi32> to vector<16xi32>
        %swap3A_1092 = vector.shape_cast %min3A_1054 : vector<16xi32> to vector<1x16xi32>
        tpu.vector_store %arg12[%swap3A, %swap3A_1089], %swap3A_1092 {strides = array<i32>} : memref<16x128xi32, #tpu.memory_space<vmem>>, vector<1x16xi32>,
        %scan3A_1093 = arith.constant 0 : i32
        scf.yield %scan3A_1093 : i32
      }
      %scan3A_17 = arith.constant 128 : i32
      %eq3A = arith.constant 0 : i32
      %eq3A_18 = arith.cmpi eq, %add3A, %eq3A : i32
      %convert_element_type3A_19 = arith.extui %eq3A_18 : i1 to i32
      %cond3A_20 = arith.constant 0 : i32
      %cond3A_21 = arith.cmpi ne, %convert_element_type3A_19, %cond3A_20 : i32
      scf.if %cond3A_21 {
        %scan3A_1044 = arith.constant 0 : i32
        %scan3A_1045 = arith.constant 0 : i32
        %scan3A_1046 = arith.constant 3 : i32
        %scan3A_1047 = arith.addi %scan3A_1045, %scan3A_1046 : i32
        %scan3A_1048 = arith.constant 1 : i32
        %scan3A_1049 = scf.for %scan3A_1058 = %scan3A_1045 to %scan3A_1047 step %scan3A_1048 iter_args(%scan3A_1059 = %scan3A_1044) -> (i32)  : i32 {
          %mul3A_1060 = arith.constant 16 : i32
          %mul3A_1061 = arith.muli %scan3A_1058, %mul3A_1060 : i32
          %swap3A = arith.index_cast %mul3A_1061 : i32 to index
          %swap3A_1062 = tpu.vector_load %arg9[%swap3A] {strides = array<i32>} : memref<80xf32, #tpu.memory_space<vmem>>, vector<16xf32>,
          %swap3A_1063 = vector.shape_cast %swap3A_1062 : vector<16xf32> to vector<16xf32>
          %swap3A_1064 = vector.shape_cast %broadcast_in_dim3A_7 : vector<16xf32> to vector<16xf32>
          tpu.vector_store %arg9[%swap3A], %swap3A_1064 {strides = array<i32>} : memref<80xf32, #tpu.memory_space<vmem>>, vector<16xf32>,
          %mul3A_1065 = arith.constant 16 : i32
          %mul3A_1066 = arith.muli %scan3A_1058, %mul3A_1065 : i32
          %swap3A_1067 = arith.index_cast %mul3A_1066 : i32 to index
          %swap3A_1068 = tpu.vector_load %arg10[%swap3A_1067] {strides = array<i32>} : memref<80xi32, #tpu.memory_space<vmem>>, vector<16xi32>,
          %swap3A_1069 = vector.shape_cast %swap3A_1068 : vector<16xi32> to vector<16xi32>
          %swap3A_1070 = vector.shape_cast %broadcast_in_dim3A_9 : vector<16xi32> to vector<16xi32>
          tpu.vector_store %arg10[%swap3A_1067], %swap3A_1070 {strides = array<i32>} : memref<80xi32, #tpu.memory_space<vmem>>, vector<16xi32>,
          %scan3A_1071 = arith.constant 0 : i32
          scf.yield %scan3A_1071 : i32
        }
        %scan3A_1050 = arith.constant 3 : i32
        %scan3A_1051 = arith.constant 0 : i32
        %scan3A_1052 = arith.constant 0 : i32
        %scan3A_1053 = arith.constant 48 : i32
        %scan3A_1054 = arith.addi %scan3A_1052, %scan3A_1053 : i32
        %scan3A_1055 = arith.constant 1 : i32
        %scan3A_1056 = scf.for %scan3A_1058 = %scan3A_1052 to %scan3A_1054 step %scan3A_1055 iter_args(%scan3A_1059 = %scan3A_1051) -> (i32)  : i32 {
          %swap3A = arith.index_cast %scan3A_1058 : i32 to index
          %swap3A_1060 = arith.constant 0 : index
          %swap3A_1061 = tpu.vector_load %arg13[%swap3A, %swap3A_1060] {strides = array<i32>} : memref<128x64xf32, #tpu.memory_space<vmem>>, vector<1x16xf32>,
          %swap3A_1062 = vector.shape_cast %swap3A_1061 : vector<1x16xf32> to vector<16xf32>
          %swap3A_1063 = vector.shape_cast %broadcast_in_dim3A_11 : vector<16xf32> to vector<1x16xf32>
          tpu.vector_store %arg13[%swap3A, %swap3A_1060], %swap3A_1063 {strides = array<i32>} : memref<128x64xf32, #tpu.memory_space<vmem>>, vector<1x16xf32>,
          %swap3A_1064 = arith.index_cast %scan3A_1058 : i32 to index
          %swap3A_1065 = arith.constant 16 : index
          %swap3A_1066 = tpu.vector_load %arg13[%swap3A_1064, %swap3A_1065] {strides = array<i32>} : memref<128x64xf32, #tpu.memory_space<vmem>>, vector<1x16xf32>,
          %swap3A_1067 = vector.shape_cast %swap3A_1066 : vector<1x16xf32> to vector<16xf32>
          %swap3A_1068 = vector.shape_cast %broadcast_in_dim3A_11 : vector<16xf32> to vector<1x16xf32>
          tpu.vector_store %arg13[%swap3A_1064, %swap3A_1065], %swap3A_1068 {strides = array<i32>} : memref<128x64xf32, #tpu.memory_space<vmem>>, vector<1x16xf32>,
          %swap3A_1069 = arith.index_cast %scan3A_1058 : i32 to index
          %swap3A_1070 = arith.constant 32 : index
          %swap3A_1071 = tpu.vector_load %arg13[%swap3A_1069, %swap3A_1070] {strides = array<i32>} : memref<128x64xf32, #tpu.memory_space<vmem>>, vector<1x16xf32>,
          %swap3A_1072 = vector.shape_cast %swap3A_1071 : vector<1x16xf32> to vector<16xf32>
          %swap3A_1073 = vector.shape_cast %broadcast_in_dim3A_11 : vector<16xf32> to vector<1x16xf32>
          tpu.vector_store %arg13[%swap3A_1069, %swap3A_1070], %swap3A_1073 {strides = array<i32>} : memref<128x64xf32, #tpu.memory_space<vmem>>, vector<1x16xf32>,
          %swap3A_1074 = arith.index_cast %scan3A_1058 : i32 to index
          %swap3A_1075 = arith.constant 48 : index
          %swap3A_1076 = tpu.vector_load %arg13[%swap3A_1074, %swap3A_1075] {strides = array<i32>} : memref<128x64xf32, #tpu.memory_space<vmem>>, vector<1x16xf32>,
          %swap3A_1077 = vector.shape_cast %swap3A_1076 : vector<1x16xf32> to vector<16xf32>
          %swap3A_1078 = vector.shape_cast %broadcast_in_dim3A_11 : vector<16xf32> to vector<1x16xf32>
          tpu.vector_store %arg13[%swap3A_1074, %swap3A_1075], %swap3A_1078 {strides = array<i32>} : memref<128x64xf32, #tpu.memory_space<vmem>>, vector<1x16xf32>,
          %scan3A_1079 = arith.constant 0 : i32
          scf.yield %scan3A_1079 : i32
        }
        %scan3A_1057 = arith.constant 48 : i32
        "tpu.region"() ({
          %run_scoped3A = tpu.sem_alloc : memref<!tpu.dma_semaphore, #tpu.memory_space<semaphore_mem>>
          %dma_start3A_1058 = arith.constant 0 : i32
          %dma_start3A_1059 = tpu.memref_slice %arg9[%dma_start3A_1058] : memref<80xf32, #tpu.memory_space<vmem>> -> memref<48xf32, #tpu.memory_space<vmem>>
          %dma_start3A_1060 = arith.constant 2000 : i32
          %dma_start3A_1061 = tpu.memref_slice %arg5[%dma_start3A_1060] : memref<4096xf32, #tpu.memory_space<hbm>> -> memref<48xf32, #tpu.memory_space<hbm>>
          %dma_start3A_1062 = arith.constant 2000 : i32
          %dma_start3A_1063 = tpu.memref_slice %arg5[%dma_start3A_1062] : memref<4096xf32, #tpu.memory_space<hbm>> -> memref<48xf32, #tpu.memory_space<hbm>>
          %dma_start3A_1064 = arith.constant 0 : i32
          %dma_start3A_1065 = tpu.memref_slice %arg9[%dma_start3A_1064] : memref<80xf32, #tpu.memory_space<vmem>> -> memref<48xf32, #tpu.memory_space<vmem>>
          tpu.enqueue_dma source(%dma_start3A_1065 : memref<48xf32, #tpu.memory_space<vmem>>) target(%dma_start3A_1063 : memref<48xf32, #tpu.memory_space<hbm>>) target_semaphore(%run_scoped3A : memref<!tpu.dma_semaphore, #tpu.memory_space<semaphore_mem>>)
          %dma_wait3A_1066 = arith.constant 0 : i32
          %dma_wait3A_1067 = tpu.memref_slice %arg9[%dma_wait3A_1066] : memref<80xf32, #tpu.memory_space<vmem>> -> memref<48xf32, #tpu.memory_space<vmem>>
          %dma_wait3A_1068 = arith.constant 2000 : i32
          %dma_wait3A_1069 = tpu.memref_slice %arg5[%dma_wait3A_1068] : memref<4096xf32, #tpu.memory_space<hbm>> -> memref<48xf32, #tpu.memory_space<hbm>>
          %dma_wait3A_1070 = arith.constant 2000 : i32
          %dma_wait3A_1071 = tpu.memref_slice %arg5[%dma_wait3A_1070] : memref<4096xf32, #tpu.memory_space<hbm>> -> memref<48xf32, #tpu.memory_space<hbm>>
          %dma_wait3A_1072 = arith.constant 0 : i32
          %dma_wait3A_1073 = tpu.memref_slice %arg9[%dma_wait3A_1072] : memref<80xf32, #tpu.memory_space<vmem>> -> memref<48xf32, #tpu.memory_space<vmem>>
          tpu.wait_dma2 semaphore(%run_scoped3A : memref<!tpu.dma_semaphore, #tpu.memory_space<semaphore_mem>>) src(%dma_wait3A_1073 : memref<48xf32, #tpu.memory_space<vmem>>) dst(%dma_wait3A_1071 : memref<48xf32, #tpu.memory_space<hbm>>)
          tpu.yield
        }) : () -> ()
        "tpu.region"() ({
          %run_scoped3A = tpu.sem_alloc : memref<!tpu.dma_semaphore, #tpu.memory_space<semaphore_mem>>
          %dma_start3A_1058 = arith.constant 0 : i32
          %dma_start3A_1059 = tpu.memref_slice %arg10[%dma_start3A_1058] : memref<80xi32, #tpu.memory_space<vmem>> -> memref<48xi32, #tpu.memory_space<vmem>>
          %dma_start3A_1060 = arith.constant 2000 : i32
          %dma_start3A_1061 = tpu.memref_slice %arg6[%dma_start3A_1060] : memref<4096xi32, #tpu.memory_space<hbm>> -> memref<48xi32, #tpu.memory_space<hbm>>
          %dma_start3A_1062 = arith.constant 2000 : i32
          %dma_start3A_1063 = tpu.memref_slice %arg6[%dma_start3A_1062] : memref<4096xi32, #tpu.memory_space<hbm>> -> memref<48xi32, #tpu.memory_space<hbm>>
          %dma_start3A_1064 = arith.constant 0 : i32
          %dma_start3A_1065 = tpu.memref_slice %arg10[%dma_start3A_1064] : memref<80xi32, #tpu.memory_space<vmem>> -> memref<48xi32, #tpu.memory_space<vmem>>
          tpu.enqueue_dma source(%dma_start3A_1065 : memref<48xi32, #tpu.memory_space<vmem>>) target(%dma_start3A_1063 : memref<48xi32, #tpu.memory_space<hbm>>) target_semaphore(%run_scoped3A : memref<!tpu.dma_semaphore, #tpu.memory_space<semaphore_mem>>)
          %dma_wait3A_1066 = arith.constant 0 : i32
          %dma_wait3A_1067 = tpu.memref_slice %arg10[%dma_wait3A_1066] : memref<80xi32, #tpu.memory_space<vmem>> -> memref<48xi32, #tpu.memory_space<vmem>>
          %dma_wait3A_1068 = arith.constant 2000 : i32
          %dma_wait3A_1069 = tpu.memref_slice %arg6[%dma_wait3A_1068] : memref<4096xi32, #tpu.memory_space<hbm>> -> memref<48xi32, #tpu.memory_space<hbm>>
          %dma_wait3A_1070 = arith.constant 2000 : i32
          %dma_wait3A_1071 = tpu.memref_slice %arg6[%dma_wait3A_1070] : memref<4096xi32, #tpu.memory_space<hbm>> -> memref<48xi32, #tpu.memory_space<hbm>>
          %dma_wait3A_1072 = arith.constant 0 : i32
          %dma_wait3A_1073 = tpu.memref_slice %arg10[%dma_wait3A_1072] : memref<80xi32, #tpu.memory_space<vmem>> -> memref<48xi32, #tpu.memory_space<vmem>>
          tpu.wait_dma2 semaphore(%run_scoped3A : memref<!tpu.dma_semaphore, #tpu.memory_space<semaphore_mem>>) src(%dma_wait3A_1073 : memref<48xi32, #tpu.memory_space<vmem>>) dst(%dma_wait3A_1071 : memref<48xi32, #tpu.memory_space<hbm>>)
          tpu.yield
        }) : () -> ()
        "tpu.region"() ({
          %run_scoped3A = tpu.sem_alloc : memref<!tpu.dma_semaphore, #tpu.memory_space<semaphore_mem>>
          %dma_start3A_1058 = arith.constant 0 : i32
          %dma_start3A_1059 = arith.constant 0 : i32
          %dma_start3A_1060 = tpu.memref_slice %arg13[%dma_start3A_1058, %dma_start3A_1059] : memref<128x64xf32, #tpu.memory_space<vmem>> -> memref<48x64xf32, #tpu.memory_space<vmem>>
          %dma_start3A_1061 = arith.constant 2000 : i32
          %dma_start3A_1062 = arith.constant 0 : i32
          %dma_start3A_1063 = tpu.memref_slice %arg7[%dma_start3A_1061, %dma_start3A_1062] : memref<4096x64xf32, #tpu.memory_space<hbm>> -> memref<48x64xf32, #tpu.memory_space<hbm>>
          %dma_start3A_1064 = arith.constant 2000 : i32
          %dma_start3A_1065 = arith.constant 0 : i32
          %dma_start3A_1066 = tpu.memref_slice %arg7[%dma_start3A_1064, %dma_start3A_1065] : memref<4096x64xf32, #tpu.memory_space<hbm>> -> memref<48x64xf32, #tpu.memory_space<hbm>>
          %dma_start3A_1067 = arith.constant 0 : i32
          %dma_start3A_1068 = arith.constant 0 : i32
          %dma_start3A_1069 = tpu.memref_slice %arg13[%dma_start3A_1067, %dma_start3A_1068] : memref<128x64xf32, #tpu.memory_space<vmem>> -> memref<48x64xf32, #tpu.memory_space<vmem>>
          tpu.enqueue_dma source(%dma_start3A_1069 : memref<48x64xf32, #tpu.memory_space<vmem>>) target(%dma_start3A_1066 : memref<48x64xf32, #tpu.memory_space<hbm>>) target_semaphore(%run_scoped3A : memref<!tpu.dma_semaphore, #tpu.memory_space<semaphore_mem>>)
          %dma_wait3A_1070 = arith.constant 0 : i32
          %dma_wait3A_1071 = arith.constant 0 : i32
          %dma_wait3A_1072 = tpu.memref_slice %arg13[%dma_wait3A_1070, %dma_wait3A_1071] : memref<128x64xf32, #tpu.memory_space<vmem>> -> memref<48x64xf32, #tpu.memory_space<vmem>>
          %dma_wait3A_1073 = arith.constant 2000 : i32
          %dma_wait3A_1074 = arith.constant 0 : i32
          %dma_wait3A_1075 = tpu.memref_slice %arg7[%dma_wait3A_1073, %dma_wait3A_1074] : memref<4096x64xf32, #tpu.memory_space<hbm>> -> memref<48x64xf32, #tpu.memory_space<hbm>>
          %dma_wait3A_1076 = arith.constant 2000 : i32
          %dma_wait3A_1077 = arith.constant 0 : i32
          %dma_wait3A_1078 = tpu.memref_slice %arg7[%dma_wait3A_1076, %dma_wait3A_1077] : memref<4096x64xf32, #tpu.memory_space<hbm>> -> memref<48x64xf32, #tpu.memory_space<hbm>>
          %dma_wait3A_1079 = arith.constant 0 : i32
          %dma_wait3A_1080 = arith.constant 0 : i32
          %dma_wait3A_1081 = tpu.memref_slice %arg13[%dma_wait3A_1079, %dma_wait3A_1080] : memref<128x64xf32, #tpu.memory_space<vmem>> -> memref<48x64xf32, #tpu.memory_space<vmem>>
          tpu.wait_dma2 semaphore(%run_scoped3A : memref<!tpu.dma_semaphore, #tpu.memory_space<semaphore_mem>>) src(%dma_wait3A_1081 : memref<48x64xf32, #tpu.memory_space<vmem>>) dst(%dma_wait3A_1078 : memref<48x64xf32, #tpu.memory_space<hbm>>)
          tpu.yield
        }) : () -> ()
      } else {
      }
      %dma_start3A = arith.constant 0 : i32
      %dma_start3A_22 = arith.constant 0 : i32
      %dma_start3A_23 = tpu.memref_slice %arg8[%dma_start3A_22] : memref<2048xf32, #tpu.memory_space<vmem>> -> memref<128xf32, #tpu.memory_space<vmem>>
      %dma_start3A_24 = arith.constant 0 : i32
      %dma_start3A_25 = tpu.memref_slice %arg11[%dma_start3A, %dma_start3A_24] : memref<16x128xi32, #tpu.memory_space<vmem>> -> memref<1x128xi32, #tpu.memory_space<vmem>>
      %dma_start3A_26 = tpu.memref_squeeze %dma_start3A_25 : memref<1x128xi32, #tpu.memory_space<vmem>> -> memref<128xi32, #tpu.memory_space<vmem>>
      %dma_start3A_27 = arith.constant 0 : i32
      %dma_start3A_28 = tpu.memref_slice %arg5[%dma_start3A_27] : memref<4096xf32, #tpu.memory_space<hbm>> -> memref<4096xf32, #tpu.memory_space<hbm>>
      tpu.enqueue_indirect_dma source(%dma_start3A_23 : memref<128xf32, #tpu.memory_space<vmem>>) target(%dma_start3A_28 : memref<4096xf32, #tpu.memory_space<hbm>>) offsets(%dma_start3A_26 : memref<128xi32, #tpu.memory_space<vmem>>) semaphore(%arg14 : memref<!tpu.dma_semaphore, #tpu.memory_space<semaphore_mem>>)
      %dma_wait3A = arith.constant 0 : i32
      %dma_wait3A_29 = arith.constant 0 : i32
      %dma_wait3A_30 = tpu.memref_slice %arg8[%dma_wait3A_29] : memref<2048xf32, #tpu.memory_space<vmem>> -> memref<128xf32, #tpu.memory_space<vmem>>
      %dma_wait3A_31 = arith.constant 0 : i32
      %dma_wait3A_32 = tpu.memref_slice %arg11[%dma_wait3A, %dma_wait3A_31] : memref<16x128xi32, #tpu.memory_space<vmem>> -> memref<1x128xi32, #tpu.memory_space<vmem>>
      %dma_wait3A_33 = tpu.memref_squeeze %dma_wait3A_32 : memref<1x128xi32, #tpu.memory_space<vmem>> -> memref<128xi32, #tpu.memory_space<vmem>>
      %dma_wait3A_34 = arith.constant 0 : i32
      %dma_wait3A_35 = tpu.memref_slice %arg5[%dma_wait3A_34] : memref<4096xf32, #tpu.memory_space<hbm>> -> memref<4096xf32, #tpu.memory_space<hbm>>
      tpu.wait_indirect_dma semaphore(%arg14 : memref<!tpu.dma_semaphore, #tpu.memory_space<semaphore_mem>>) src(%dma_wait3A_30 : memref<128xf32, #tpu.memory_space<vmem>>) dst(%dma_wait3A_35 : memref<4096xf32, #tpu.memory_space<hbm>>)
      %dma_start3A_36 = arith.constant 0 : i32
      %dma_start3A_37 = arith.constant 0 : i32
      %dma_start3A_38 = arith.constant 0 : i32
      %dma_start3A_39 = tpu.memref_slice %arg12[%dma_start3A_36, %dma_start3A_38] : memref<16x128xi32, #tpu.memory_space<vmem>> -> memref<1x128xi32, #tpu.memory_space<vmem>>
      %dma_start3A_40 = tpu.memref_squeeze %dma_start3A_39 : memref<1x128xi32, #tpu.memory_space<vmem>> -> memref<128xi32, #tpu.memory_space<vmem>>
      %dma_start3A_41 = arith.constant 0 : i32
      %dma_start3A_42 = tpu.memref_slice %arg11[%dma_start3A_37, %dma_start3A_41] : memref<16x128xi32, #tpu.memory_space<vmem>> -> memref<1x128xi32, #tpu.memory_space<vmem>>
      %dma_start3A_43 = tpu.memref_squeeze %dma_start3A_42 : memref<1x128xi32, #tpu.memory_space<vmem>> -> memref<128xi32, #tpu.memory_space<vmem>>
      %dma_start3A_44 = arith.constant 0 : i32
      %dma_start3A_45 = tpu.memref_slice %arg6[%dma_start3A_44] : memref<4096xi32, #tpu.memory_space<hbm>> -> memref<4096xi32, #tpu.memory_space<hbm>>
      tpu.enqueue_indirect_dma source(%dma_start3A_40 : memref<128xi32, #tpu.memory_space<vmem>>) target(%dma_start3A_45 : memref<4096xi32, #tpu.memory_space<hbm>>) offsets(%dma_start3A_43 : memref<128xi32, #tpu.memory_space<vmem>>) semaphore(%arg14 : memref<!tpu.dma_semaphore, #tpu.memory_space<semaphore_mem>>)
      %dma_wait3A_46 = arith.constant 0 : i32
      %dma_wait3A_47 = arith.constant 0 : i32
      %dma_wait3A_48 = arith.constant 0 : i32
      %dma_wait3A_49 = tpu.memref_slice %arg12[%dma_wait3A_46, %dma_wait3A_48] : memref<16x128xi32, #tpu.memory_space<vmem>> -> memref<1x128xi32, #tpu.memory_space<vmem>>
      %dma_wait3A_50 = tpu.memref_squeeze %dma_wait3A_49 : memref<1x128xi32, #tpu.memory_space<vmem>> -> memref<128xi32, #tpu.memory_space<vmem>>
      %dma_wait3A_51 = arith.constant 0 : i32
      %dma_wait3A_52 = tpu.memref_slice %arg11[%dma_wait3A_47, %dma_wait3A_51] : memref<16x128xi32, #tpu.memory_space<vmem>> -> memref<1x128xi32, #tpu.memory_space<vmem>>
      %dma_wait3A_53 = tpu.memref_squeeze %dma_wait3A_52 : memref<1x128xi32, #tpu.memory_space<vmem>> -> memref<128xi32, #tpu.memory_space<vmem>>
      %dma_wait3A_54 = arith.constant 0 : i32
      %dma_wait3A_55 = tpu.memref_slice %arg6[%dma_wait3A_54] : memref<4096xi32, #tpu.memory_space<hbm>> -> memref<4096xi32, #tpu.memory_space<hbm>>
      tpu.wait_indirect_dma semaphore(%arg14 : memref<!tpu.dma_semaphore, #tpu.memory_space<semaphore_mem>>) src(%dma_wait3A_50 : memref<128xi32, #tpu.memory_space<vmem>>) dst(%dma_wait3A_55 : memref<4096xi32, #tpu.memory_space<hbm>>)
      %dma_start3A_56 = arith.constant 0 : i32
      %dma_start3A_57 = arith.constant 0 : i32
      %dma_start3A_58 = tpu.memref_slice %arg12[%dma_start3A_56, %dma_start3A_57] : memref<16x128xi32, #tpu.memory_space<vmem>> -> memref<1x128xi32, #tpu.memory_space<vmem>>
      %dma_start3A_59 = tpu.memref_squeeze %dma_start3A_58 : memref<1x128xi32, #tpu.memory_space<vmem>> -> memref<128xi32, #tpu.memory_space<vmem>>
      %dma_start3A_60 = arith.constant 0 : i32
      %dma_start3A_61 = arith.constant 0 : i32
      %dma_start3A_62 = tpu.memref_slice %arg4[%dma_start3A_60, %dma_start3A_61] : memref<50000x64xf32, #tpu.memory_space<hbm>> -> memref<50000x64xf32, #tpu.memory_space<hbm>>
      tpu.enqueue_indirect_dma source(%dma_start3A_62 : memref<50000x64xf32, #tpu.memory_space<hbm>>) target(%arg13 : memref<128x64xf32, #tpu.memory_space<vmem>>) offsets(%dma_start3A_59 : memref<128xi32, #tpu.memory_space<vmem>>) semaphore(%arg14 : memref<!tpu.dma_semaphore, #tpu.memory_space<semaphore_mem>>)
      %dma_wait3A_63 = arith.constant 0 : i32
      %dma_wait3A_64 = arith.constant 0 : i32
      %dma_wait3A_65 = tpu.memref_slice %arg12[%dma_wait3A_63, %dma_wait3A_64] : memref<16x128xi32, #tpu.memory_space<vmem>> -> memref<1x128xi32, #tpu.memory_space<vmem>>
      %dma_wait3A_66 = tpu.memref_squeeze %dma_wait3A_65 : memref<1x128xi32, #tpu.memory_space<vmem>> -> memref<128xi32, #tpu.memory_space<vmem>>
      %dma_wait3A_67 = arith.constant 0 : i32
      %dma_wait3A_68 = arith.constant 0 : i32
      %dma_wait3A_69 = tpu.memref_slice %arg4[%dma_wait3A_67, %dma_wait3A_68] : memref<50000x64xf32, #tpu.memory_space<hbm>> -> memref<50000x64xf32, #tpu.memory_space<hbm>>
      tpu.wait_indirect_dma semaphore(%arg14 : memref<!tpu.dma_semaphore, #tpu.memory_space<semaphore_mem>>) src(%dma_wait3A_69 : memref<50000x64xf32, #tpu.memory_space<hbm>>) dst(%arg13 : memref<128x64xf32, #tpu.memory_space<vmem>>)
      %dma_start3A_70 = arith.constant 0 : i32
      %dma_start3A_71 = arith.constant 0 : i32
      %dma_start3A_72 = tpu.memref_slice %arg11[%dma_start3A_70, %dma_start3A_71] : memref<16x128xi32, #tpu.memory_space<vmem>> -> memref<1x128xi32, #tpu.memory_space<vmem>>
      %dma_start3A_73 = tpu.memref_squeeze %dma_start3A_72 : memref<1x128xi32, #tpu.memory_space<vmem>> -> memref<128xi32, #tpu.memory_space<vmem>>
      %dma_start3A_74 = arith.constant 0 : i32
      %dma_start3A_75 = arith.constant 0 : i32
      %dma_start3A_76 = tpu.memref_slice %arg7[%dma_start3A_74, %dma_start3A_75] : memref<4096x64xf32, #tpu.memory_space<hbm>> -> memref<4096x64xf32, #tpu.memory_space<hbm>>
      tpu.enqueue_indirect_dma source(%arg13 : memref<128x64xf32, #tpu.memory_space<vmem>>) target(%dma_start3A_76 : memref<4096x64xf32, #tpu.memory_space<hbm>>) offsets(%dma_start3A_73 : memref<128xi32, #tpu.memory_space<vmem>>) semaphore(%arg14 : memref<!tpu.dma_semaphore, #tpu.memory_space<semaphore_mem>>)
      %dma_wait3A_77 = arith.constant 0 : i32
      %dma_wait3A_78 = arith.constant 0 : i32
      %dma_wait3A_79 = tpu.memref_slice %arg11[%dma_wait3A_77, %dma_wait3A_78] : memref<16x128xi32, #tpu.memory_space<vmem>> -> memref<1x128xi32, #tpu.memory_space<vmem>>
      %dma_wait3A_80 = tpu.memref_squeeze %dma_wait3A_79 : memref<1x128xi32, #tpu.memory_space<vmem>> -> memref<128xi32, #tpu.memory_space<vmem>>
      %dma_wait3A_81 = arith.constant 0 : i32
      %dma_wait3A_82 = arith.constant 0 : i32
      %dma_wait3A_83 = tpu.memref_slice %arg7[%dma_wait3A_81, %dma_wait3A_82] : memref<4096x64xf32, #tpu.memory_space<hbm>> -> memref<4096x64xf32, #tpu.memory_space<hbm>>
      tpu.wait_indirect_dma semaphore(%arg14 : memref<!tpu.dma_semaphore, #tpu.memory_space<semaphore_mem>>) src(%arg13 : memref<128x64xf32, #tpu.memory_space<vmem>>) dst(%dma_wait3A_83 : memref<4096x64xf32, #tpu.memory_space<hbm>>)
      %dma_start3A_84 = arith.constant 1 : i32
      %dma_start3A_85 = arith.constant 128 : i32
      %dma_start3A_86 = tpu.memref_slice %arg8[%dma_start3A_85] : memref<2048xf32, #tpu.memory_space<vmem>> -> memref<128xf32, #tpu.memory_space<vmem>>
      %dma_start3A_87 = arith.constant 0 : i32
      %dma_start3A_88 = tpu.memref_slice %arg11[%dma_start3A_84, %dma_start3A_87] : memref<16x128xi32, #tpu.memory_space<vmem>> -> memref<1x128xi32, #tpu.memory_space<vmem>>
      %dma_start3A_89 = tpu.memref_squeeze %dma_start3A_88 : memref<1x128xi32, #tpu.memory_space<vmem>> -> memref<128xi32, #tpu.memory_space<vmem>>
      %dma_start3A_90 = arith.constant 0 : i32
      %dma_start3A_91 = tpu.memref_slice %arg5[%dma_start3A_90] : memref<4096xf32, #tpu.memory_space<hbm>> -> memref<4096xf32, #tpu.memory_space<hbm>>
      tpu.enqueue_indirect_dma source(%dma_start3A_86 : memref<128xf32, #tpu.memory_space<vmem>>) target(%dma_start3A_91 : memref<4096xf32, #tpu.memory_space<hbm>>) offsets(%dma_start3A_89 : memref<128xi32, #tpu.memory_space<vmem>>) semaphore(%arg14 : memref<!tpu.dma_semaphore, #tpu.memory_space<semaphore_mem>>)
      %dma_wait3A_92 = arith.constant 1 : i32
      %dma_wait3A_93 = arith.constant 128 : i32
      %dma_wait3A_94 = tpu.memref_slice %arg8[%dma_wait3A_93] : memref<2048xf32, #tpu.memory_space<vmem>> -> memref<128xf32, #tpu.memory_space<vmem>>
      %dma_wait3A_95 = arith.constant 0 : i32
      %dma_wait3A_96 = tpu.memref_slice %arg11[%dma_wait3A_92, %dma_wait3A_95] : memref<16x128xi32, #tpu.memory_space<vmem>> -> memref<1x128xi32, #tpu.memory_space<vmem>>
      %dma_wait3A_97 = tpu.memref_squeeze %dma_wait3A_96 : memref<1x128xi32, #tpu.memory_space<vmem>> -> memref<128xi32, #tpu.memory_space<vmem>>
      %dma_wait3A_98 = arith.constant 0 : i32
      %dma_wait3A_99 = tpu.memref_slice %arg5[%dma_wait3A_98] : memref<4096xf32, #tpu.memory_space<hbm>> -> memref<4096xf32, #tpu.memory_space<hbm>>
      tpu.wait_indirect_dma semaphore(%arg14 : memref<!tpu.dma_semaphore, #tpu.memory_space<semaphore_mem>>) src(%dma_wait3A_94 : memref<128xf32, #tpu.memory_space<vmem>>) dst(%dma_wait3A_99 : memref<4096xf32, #tpu.memory_space<hbm>>)
      %dma_start3A_100 = arith.constant 1 : i32
      %dma_start3A_101 = arith.constant 1 : i32
      %dma_start3A_102 = arith.constant 0 : i32
      %dma_start3A_103 = tpu.memref_slice %arg12[%dma_start3A_100, %dma_start3A_102] : memref<16x128xi32, #tpu.memory_space<vmem>> -> memref<1x128xi32, #tpu.memory_space<vmem>>
      %dma_start3A_104 = tpu.memref_squeeze %dma_start3A_103 : memref<1x128xi32, #tpu.memory_space<vmem>> -> memref<128xi32, #tpu.memory_space<vmem>>
      %dma_start3A_105 = arith.constant 0 : i32
      %dma_start3A_106 = tpu.memref_slice %arg11[%dma_start3A_101, %dma_start3A_105] : memref<16x128xi32, #tpu.memory_space<vmem>> -> memref<1x128xi32, #tpu.memory_space<vmem>>
      %dma_start3A_107 = tpu.memref_squeeze %dma_start3A_106 : memref<1x128xi32, #tpu.memory_space<vmem>> -> memref<128xi32, #tpu.memory_space<vmem>>
      %dma_start3A_108 = arith.constant 0 : i32
      %dma_start3A_109 = tpu.memref_slice %arg6[%dma_start3A_108] : memref<4096xi32, #tpu.memory_space<hbm>> -> memref<4096xi32, #tpu.memory_space<hbm>>
      tpu.enqueue_indirect_dma source(%dma_start3A_104 : memref<128xi32, #tpu.memory_space<vmem>>) target(%dma_start3A_109 : memref<4096xi32, #tpu.memory_space<hbm>>) offsets(%dma_start3A_107 : memref<128xi32, #tpu.memory_space<vmem>>) semaphore(%arg14 : memref<!tpu.dma_semaphore, #tpu.memory_space<semaphore_mem>>)
      %dma_wait3A_110 = arith.constant 1 : i32
      %dma_wait3A_111 = arith.constant 1 : i32
      %dma_wait3A_112 = arith.constant 0 : i32
      %dma_wait3A_113 = tpu.memref_slice %arg12[%dma_wait3A_110, %dma_wait3A_112] : memref<16x128xi32, #tpu.memory_space<vmem>> -> memref<1x128xi32, #tpu.memory_space<vmem>>
      %dma_wait3A_114 = tpu.memref_squeeze %dma_wait3A_113 : memref<1x128xi32, #tpu.memory_space<vmem>> -> memref<128xi32, #tpu.memory_space<vmem>>
      %dma_wait3A_115 = arith.constant 0 : i32
      %dma_wait3A_116 = tpu.memref_slice %arg11[%dma_wait3A_111, %dma_wait3A_115] : memref<16x128xi32, #tpu.memory_space<vmem>> -> memref<1x128xi32, #tpu.memory_space<vmem>>
      %dma_wait3A_117 = tpu.memref_squeeze %dma_wait3A_116 : memref<1x128xi32, #tpu.memory_space<vmem>> -> memref<128xi32, #tpu.memory_space<vmem>>
      %dma_wait3A_118 = arith.constant 0 : i32
      %dma_wait3A_119 = tpu.memref_slice %arg6[%dma_wait3A_118] : memref<4096xi32, #tpu.memory_space<hbm>> -> memref<4096xi32, #tpu.memory_space<hbm>>
      tpu.wait_indirect_dma semaphore(%arg14 : memref<!tpu.dma_semaphore, #tpu.memory_space<semaphore_mem>>) src(%dma_wait3A_114 : memref<128xi32, #tpu.memory_space<vmem>>) dst(%dma_wait3A_119 : memref<4096xi32, #tpu.memory_space<hbm>>)
      %dma_start3A_120 = arith.constant 1 : i32
      %dma_start3A_121 = arith.constant 0 : i32
      %dma_start3A_122 = tpu.memref_slice %arg12[%dma_start3A_120, %dma_start3A_121] : memref<16x128xi32, #tpu.memory_space<vmem>> -> memref<1x128xi32, #tpu.memory_space<vmem>>
      %dma_start3A_123 = tpu.memref_squeeze %dma_start3A_122 : memref<1x128xi32, #tpu.memory_space<vmem>> -> memref<128xi32, #tpu.memory_space<vmem>>
      %dma_start3A_124 = arith.constant 0 : i32
      %dma_start3A_125 = arith.constant 0 : i32
      %dma_start3A_126 = tpu.memref_slice %arg4[%dma_start3A_124, %dma_start3A_125] : memref<50000x64xf32, #tpu.memory_space<hbm>> -> memref<50000x64xf32, #tpu.memory_space<hbm>>
      tpu.enqueue_indirect_dma source(%dma_start3A_126 : memref<50000x64xf32, #tpu.memory_space<hbm>>) target(%arg13 : memref<128x64xf32, #tpu.memory_space<vmem>>) offsets(%dma_start3A_123 : memref<128xi32, #tpu.memory_space<vmem>>) semaphore(%arg14 : memref<!tpu.dma_semaphore, #tpu.memory_space<semaphore_mem>>)
      %dma_wait3A_127 = arith.constant 1 : i32
      %dma_wait3A_128 = arith.constant 0 : i32
      %dma_wait3A_129 = tpu.memref_slice %arg12[%dma_wait3A_127, %dma_wait3A_128] : memref<16x128xi32, #tpu.memory_space<vmem>> -> memref<1x128xi32, #tpu.memory_space<vmem>>
      %dma_wait3A_130 = tpu.memref_squeeze %dma_wait3A_129 : memref<1x128xi32, #tpu.memory_space<vmem>> -> memref<128xi32, #tpu.memory_space<vmem>>
      %dma_wait3A_131 = arith.constant 0 : i32
      %dma_wait3A_132 = arith.constant 0 : i32
      %dma_wait3A_133 = tpu.memref_slice %arg4[%dma_wait3A_131, %dma_wait3A_132] : memref<50000x64xf32, #tpu.memory_space<hbm>> -> memref<50000x64xf32, #tpu.memory_space<hbm>>
      tpu.wait_indirect_dma semaphore(%arg14 : memref<!tpu.dma_semaphore, #tpu.memory_space<semaphore_mem>>) src(%dma_wait3A_133 : memref<50000x64xf32, #tpu.memory_space<hbm>>) dst(%arg13 : memref<128x64xf32, #tpu.memory_space<vmem>>)
      %dma_start3A_134 = arith.constant 1 : i32
      %dma_start3A_135 = arith.constant 0 : i32
      %dma_start3A_136 = tpu.memref_slice %arg11[%dma_start3A_134, %dma_start3A_135] : memref<16x128xi32, #tpu.memory_space<vmem>> -> memref<1x128xi32, #tpu.memory_space<vmem>>
      %dma_start3A_137 = tpu.memref_squeeze %dma_start3A_136 : memref<1x128xi32, #tpu.memory_space<vmem>> -> memref<128xi32, #tpu.memory_space<vmem>>
      %dma_start3A_138 = arith.constant 0 : i32
      %dma_start3A_139 = arith.constant 0 : i32
      %dma_start3A_140 = tpu.memref_slice %arg7[%dma_start3A_138, %dma_start3A_139] : memref<4096x64xf32, #tpu.memory_space<hbm>> -> memref<4096x64xf32, #tpu.memory_space<hbm>>
      tpu.enqueue_indirect_dma source(%arg13 : memref<128x64xf32, #tpu.memory_space<vmem>>) target(%dma_start3A_140 : memref<4096x64xf32, #tpu.memory_space<hbm>>) offsets(%dma_start3A_137 : memref<128xi32, #tpu.memory_space<vmem>>) semaphore(%arg14 : memref<!tpu.dma_semaphore, #tpu.memory_space<semaphore_mem>>)
      %dma_wait3A_141 = arith.constant 1 : i32
      %dma_wait3A_142 = arith.constant 0 : i32
      %dma_wait3A_143 = tpu.memref_slice %arg11[%dma_wait3A_141, %dma_wait3A_142] : memref<16x128xi32, #tpu.memory_space<vmem>> -> memref<1x128xi32, #tpu.memory_space<vmem>>
      %dma_wait3A_144 = tpu.memref_squeeze %dma_wait3A_143 : memref<1x128xi32, #tpu.memory_space<vmem>> -> memref<128xi32, #tpu.memory_space<vmem>>
      %dma_wait3A_145 = arith.constant 0 : i32
      %dma_wait3A_146 = arith.constant 0 : i32
      %dma_wait3A_147 = tpu.memref_slice %arg7[%dma_wait3A_145, %dma_wait3A_146] : memref<4096x64xf32, #tpu.memory_space<hbm>> -> memref<4096x64xf32, #tpu.memory_space<hbm>>
      tpu.wait_indirect_dma semaphore(%arg14 : memref<!tpu.dma_semaphore, #tpu.memory_space<semaphore_mem>>) src(%arg13 : memref<128x64xf32, #tpu.memory_space<vmem>>) dst(%dma_wait3A_147 : memref<4096x64xf32, #tpu.memory_space<hbm>>)
      %dma_start3A_148 = arith.constant 2 : i32
      %dma_start3A_149 = arith.constant 256 : i32
      %dma_start3A_150 = tpu.memref_slice %arg8[%dma_start3A_149] : memref<2048xf32, #tpu.memory_space<vmem>> -> memref<128xf32, #tpu.memory_space<vmem>>
      %dma_start3A_151 = arith.constant 0 : i32
      %dma_start3A_152 = tpu.memref_slice %arg11[%dma_start3A_148, %dma_start3A_151] : memref<16x128xi32, #tpu.memory_space<vmem>> -> memref<1x128xi32, #tpu.memory_space<vmem>>
      %dma_start3A_153 = tpu.memref_squeeze %dma_start3A_152 : memref<1x128xi32, #tpu.memory_space<vmem>> -> memref<128xi32, #tpu.memory_space<vmem>>
      %dma_start3A_154 = arith.constant 0 : i32
      %dma_start3A_155 = tpu.memref_slice %arg5[%dma_start3A_154] : memref<4096xf32, #tpu.memory_space<hbm>> -> memref<4096xf32, #tpu.memory_space<hbm>>
      tpu.enqueue_indirect_dma source(%dma_start3A_150 : memref<128xf32, #tpu.memory_space<vmem>>) target(%dma_start3A_155 : memref<4096xf32, #tpu.memory_space<hbm>>) offsets(%dma_start3A_153 : memref<128xi32, #tpu.memory_space<vmem>>) semaphore(%arg14 : memref<!tpu.dma_semaphore, #tpu.memory_space<semaphore_mem>>)
      %dma_wait3A_156 = arith.constant 2 : i32
      %dma_wait3A_157 = arith.constant 256 : i32
      %dma_wait3A_158 = tpu.memref_slice %arg8[%dma_wait3A_157] : memref<2048xf32, #tpu.memory_space<vmem>> -> memref<128xf32, #tpu.memory_space<vmem>>
      %dma_wait3A_159 = arith.constant 0 : i32
      %dma_wait3A_160 = tpu.memref_slice %arg11[%dma_wait3A_156, %dma_wait3A_159] : memref<16x128xi32, #tpu.memory_space<vmem>> -> memref<1x128xi32, #tpu.memory_space<vmem>>
      %dma_wait3A_161 = tpu.memref_squeeze %dma_wait3A_160 : memref<1x128xi32, #tpu.memory_space<vmem>> -> memref<128xi32, #tpu.memory_space<vmem>>
      %dma_wait3A_162 = arith.constant 0 : i32
      %dma_wait3A_163 = tpu.memref_slice %arg5[%dma_wait3A_162] : memref<4096xf32, #tpu.memory_space<hbm>> -> memref<4096xf32, #tpu.memory_space<hbm>>
      tpu.wait_indirect_dma semaphore(%arg14 : memref<!tpu.dma_semaphore, #tpu.memory_space<semaphore_mem>>) src(%dma_wait3A_158 : memref<128xf32, #tpu.memory_space<vmem>>) dst(%dma_wait3A_163 : memref<4096xf32, #tpu.memory_space<hbm>>)
      %dma_start3A_164 = arith.constant 2 : i32
      %dma_start3A_165 = arith.constant 2 : i32
      %dma_start3A_166 = arith.constant 0 : i32
      %dma_start3A_167 = tpu.memref_slice %arg12[%dma_start3A_164, %dma_start3A_166] : memref<16x128xi32, #tpu.memory_space<vmem>> -> memref<1x128xi32, #tpu.memory_space<vmem>>
      %dma_start3A_168 = tpu.memref_squeeze %dma_start3A_167 : memref<1x128xi32, #tpu.memory_space<vmem>> -> memref<128xi32, #tpu.memory_space<vmem>>
      %dma_start3A_169 = arith.constant 0 : i32
      %dma_start3A_170 = tpu.memref_slice %arg11[%dma_start3A_165, %dma_start3A_169] : memref<16x128xi32, #tpu.memory_space<vmem>> -> memref<1x128xi32, #tpu.memory_space<vmem>>
      %dma_start3A_171 = tpu.memref_squeeze %dma_start3A_170 : memref<1x128xi32, #tpu.memory_space<vmem>> -> memref<128xi32, #tpu.memory_space<vmem>>
      %dma_start3A_172 = arith.constant 0 : i32
      %dma_start3A_173 = tpu.memref_slice %arg6[%dma_start3A_172] : memref<4096xi32, #tpu.memory_space<hbm>> -> memref<4096xi32, #tpu.memory_space<hbm>>
      tpu.enqueue_indirect_dma source(%dma_start3A_168 : memref<128xi32, #tpu.memory_space<vmem>>) target(%dma_start3A_173 : memref<4096xi32, #tpu.memory_space<hbm>>) offsets(%dma_start3A_171 : memref<128xi32, #tpu.memory_space<vmem>>) semaphore(%arg14 : memref<!tpu.dma_semaphore, #tpu.memory_space<semaphore_mem>>)
      %dma_wait3A_174 = arith.constant 2 : i32
      %dma_wait3A_175 = arith.constant 2 : i32
      %dma_wait3A_176 = arith.constant 0 : i32
      %dma_wait3A_177 = tpu.memref_slice %arg12[%dma_wait3A_174, %dma_wait3A_176] : memref<16x128xi32, #tpu.memory_space<vmem>> -> memref<1x128xi32, #tpu.memory_space<vmem>>
      %dma_wait3A_178 = tpu.memref_squeeze %dma_wait3A_177 : memref<1x128xi32, #tpu.memory_space<vmem>> -> memref<128xi32, #tpu.memory_space<vmem>>
      %dma_wait3A_179 = arith.constant 0 : i32
      %dma_wait3A_180 = tpu.memref_slice %arg11[%dma_wait3A_175, %dma_wait3A_179] : memref<16x128xi32, #tpu.memory_space<vmem>> -> memref<1x128xi32, #tpu.memory_space<vmem>>
      %dma_wait3A_181 = tpu.memref_squeeze %dma_wait3A_180 : memref<1x128xi32, #tpu.memory_space<vmem>> -> memref<128xi32, #tpu.memory_space<vmem>>
      %dma_wait3A_182 = arith.constant 0 : i32
      %dma_wait3A_183 = tpu.memref_slice %arg6[%dma_wait3A_182] : memref<4096xi32, #tpu.memory_space<hbm>> -> memref<4096xi32, #tpu.memory_space<hbm>>
      tpu.wait_indirect_dma semaphore(%arg14 : memref<!tpu.dma_semaphore, #tpu.memory_space<semaphore_mem>>) src(%dma_wait3A_178 : memref<128xi32, #tpu.memory_space<vmem>>) dst(%dma_wait3A_183 : memref<4096xi32, #tpu.memory_space<hbm>>)
      %dma_start3A_184 = arith.constant 2 : i32
      %dma_start3A_185 = arith.constant 0 : i32
      %dma_start3A_186 = tpu.memref_slice %arg12[%dma_start3A_184, %dma_start3A_185] : memref<16x128xi32, #tpu.memory_space<vmem>> -> memref<1x128xi32, #tpu.memory_space<vmem>>
      %dma_start3A_187 = tpu.memref_squeeze %dma_start3A_186 : memref<1x128xi32, #tpu.memory_space<vmem>> -> memref<128xi32, #tpu.memory_space<vmem>>
      %dma_start3A_188 = arith.constant 0 : i32
      %dma_start3A_189 = arith.constant 0 : i32
      %dma_start3A_190 = tpu.memref_slice %arg4[%dma_start3A_188, %dma_start3A_189] : memref<50000x64xf32, #tpu.memory_space<hbm>> -> memref<50000x64xf32, #tpu.memory_space<hbm>>
      tpu.enqueue_indirect_dma source(%dma_start3A_190 : memref<50000x64xf32, #tpu.memory_space<hbm>>) target(%arg13 : memref<128x64xf32, #tpu.memory_space<vmem>>) offsets(%dma_start3A_187 : memref<128xi32, #tpu.memory_space<vmem>>) semaphore(%arg14 : memref<!tpu.dma_semaphore, #tpu.memory_space<semaphore_mem>>)
      %dma_wait3A_191 = arith.constant 2 : i32
      %dma_wait3A_192 = arith.constant 0 : i32
      %dma_wait3A_193 = tpu.memref_slice %arg12[%dma_wait3A_191, %dma_wait3A_192] : memref<16x128xi32, #tpu.memory_space<vmem>> -> memref<1x128xi32, #tpu.memory_space<vmem>>
      %dma_wait3A_194 = tpu.memref_squeeze %dma_wait3A_193 : memref<1x128xi32, #tpu.memory_space<vmem>> -> memref<128xi32, #tpu.memory_space<vmem>>
      %dma_wait3A_195 = arith.constant 0 : i32
      %dma_wait3A_196 = arith.constant 0 : i32
      %dma_wait3A_197 = tpu.memref_slice %arg4[%dma_wait3A_195, %dma_wait3A_196] : memref<50000x64xf32, #tpu.memory_space<hbm>> -> memref<50000x64xf32, #tpu.memory_space<hbm>>
      tpu.wait_indirect_dma semaphore(%arg14 : memref<!tpu.dma_semaphore, #tpu.memory_space<semaphore_mem>>) src(%dma_wait3A_197 : memref<50000x64xf32, #tpu.memory_space<hbm>>) dst(%arg13 : memref<128x64xf32, #tpu.memory_space<vmem>>)
      %dma_start3A_198 = arith.constant 2 : i32
      %dma_start3A_199 = arith.constant 0 : i32
      %dma_start3A_200 = tpu.memref_slice %arg11[%dma_start3A_198, %dma_start3A_199] : memref<16x128xi32, #tpu.memory_space<vmem>> -> memref<1x128xi32, #tpu.memory_space<vmem>>
      %dma_start3A_201 = tpu.memref_squeeze %dma_start3A_200 : memref<1x128xi32, #tpu.memory_space<vmem>> -> memref<128xi32, #tpu.memory_space<vmem>>
      %dma_start3A_202 = arith.constant 0 : i32
      %dma_start3A_203 = arith.constant 0 : i32
      %dma_start3A_204 = tpu.memref_slice %arg7[%dma_start3A_202, %dma_start3A_203] : memref<4096x64xf32, #tpu.memory_space<hbm>> -> memref<4096x64xf32, #tpu.memory_space<hbm>>
      tpu.enqueue_indirect_dma source(%arg13 : memref<128x64xf32, #tpu.memory_space<vmem>>) target(%dma_start3A_204 : memref<4096x64xf32, #tpu.memory_space<hbm>>) offsets(%dma_start3A_201 : memref<128xi32, #tpu.memory_space<vmem>>) semaphore(%arg14 : memref<!tpu.dma_semaphore, #tpu.memory_space<semaphore_mem>>)
      %dma_wait3A_205 = arith.constant 2 : i32
      %dma_wait3A_206 = arith.constant 0 : i32
      %dma_wait3A_207 = tpu.memref_slice %arg11[%dma_wait3A_205, %dma_wait3A_206] : memref<16x128xi32, #tpu.memory_space<vmem>> -> memref<1x128xi32, #tpu.memory_space<vmem>>
      %dma_wait3A_208 = tpu.memref_squeeze %dma_wait3A_207 : memref<1x128xi32, #tpu.memory_space<vmem>> -> memref<128xi32, #tpu.memory_space<vmem>>
      %dma_wait3A_209 = arith.constant 0 : i32
      %dma_wait3A_210 = arith.constant 0 : i32
      %dma_wait3A_211 = tpu.memref_slice %arg7[%dma_wait3A_209, %dma_wait3A_210] : memref<4096x64xf32, #tpu.memory_space<hbm>> -> memref<4096x64xf32, #tpu.memory_space<hbm>>
      tpu.wait_indirect_dma semaphore(%arg14 : memref<!tpu.dma_semaphore, #tpu.memory_space<semaphore_mem>>) src(%arg13 : memref<128x64xf32, #tpu.memory_space<vmem>>) dst(%dma_wait3A_211 : memref<4096x64xf32, #tpu.memory_space<hbm>>)
      %dma_start3A_212 = arith.constant 3 : i32
      %dma_start3A_213 = arith.constant 384 : i32
      %dma_start3A_214 = tpu.memref_slice %arg8[%dma_start3A_213] : memref<2048xf32, #tpu.memory_space<vmem>> -> memref<128xf32, #tpu.memory_space<vmem>>
      %dma_start3A_215 = arith.constant 0 : i32
      %dma_start3A_216 = tpu.memref_slice %arg11[%dma_start3A_212, %dma_start3A_215] : memref<16x128xi32, #tpu.memory_space<vmem>> -> memref<1x128xi32, #tpu.memory_space<vmem>>
      %dma_start3A_217 = tpu.memref_squeeze %dma_start3A_216 : memref<1x128xi32, #tpu.memory_space<vmem>> -> memref<128xi32, #tpu.memory_space<vmem>>
      %dma_start3A_218 = arith.constant 0 : i32
      %dma_start3A_219 = tpu.memref_slice %arg5[%dma_start3A_218] : memref<4096xf32, #tpu.memory_space<hbm>> -> memref<4096xf32, #tpu.memory_space<hbm>>
      tpu.enqueue_indirect_dma source(%dma_start3A_214 : memref<128xf32, #tpu.memory_space<vmem>>) target(%dma_start3A_219 : memref<4096xf32, #tpu.memory_space<hbm>>) offsets(%dma_start3A_217 : memref<128xi32, #tpu.memory_space<vmem>>) semaphore(%arg14 : memref<!tpu.dma_semaphore, #tpu.memory_space<semaphore_mem>>)
      %dma_wait3A_220 = arith.constant 3 : i32
      %dma_wait3A_221 = arith.constant 384 : i32
      %dma_wait3A_222 = tpu.memref_slice %arg8[%dma_wait3A_221] : memref<2048xf32, #tpu.memory_space<vmem>> -> memref<128xf32, #tpu.memory_space<vmem>>
      %dma_wait3A_223 = arith.constant 0 : i32
      %dma_wait3A_224 = tpu.memref_slice %arg11[%dma_wait3A_220, %dma_wait3A_223] : memref<16x128xi32, #tpu.memory_space<vmem>> -> memref<1x128xi32, #tpu.memory_space<vmem>>
      %dma_wait3A_225 = tpu.memref_squeeze %dma_wait3A_224 : memref<1x128xi32, #tpu.memory_space<vmem>> -> memref<128xi32, #tpu.memory_space<vmem>>
      %dma_wait3A_226 = arith.constant 0 : i32
      %dma_wait3A_227 = tpu.memref_slice %arg5[%dma_wait3A_226] : memref<4096xf32, #tpu.memory_space<hbm>> -> memref<4096xf32, #tpu.memory_space<hbm>>
      tpu.wait_indirect_dma semaphore(%arg14 : memref<!tpu.dma_semaphore, #tpu.memory_space<semaphore_mem>>) src(%dma_wait3A_222 : memref<128xf32, #tpu.memory_space<vmem>>) dst(%dma_wait3A_227 : memref<4096xf32, #tpu.memory_space<hbm>>)
      %dma_start3A_228 = arith.constant 3 : i32
      %dma_start3A_229 = arith.constant 3 : i32
      %dma_start3A_230 = arith.constant 0 : i32
      %dma_start3A_231 = tpu.memref_slice %arg12[%dma_start3A_228, %dma_start3A_230] : memref<16x128xi32, #tpu.memory_space<vmem>> -> memref<1x128xi32, #tpu.memory_space<vmem>>
      %dma_start3A_232 = tpu.memref_squeeze %dma_start3A_231 : memref<1x128xi32, #tpu.memory_space<vmem>> -> memref<128xi32, #tpu.memory_space<vmem>>
      %dma_start3A_233 = arith.constant 0 : i32
      %dma_start3A_234 = tpu.memref_slice %arg11[%dma_start3A_229, %dma_start3A_233] : memref<16x128xi32, #tpu.memory_space<vmem>> -> memref<1x128xi32, #tpu.memory_space<vmem>>
      %dma_start3A_235 = tpu.memref_squeeze %dma_start3A_234 : memref<1x128xi32, #tpu.memory_space<vmem>> -> memref<128xi32, #tpu.memory_space<vmem>>
      %dma_start3A_236 = arith.constant 0 : i32
      %dma_start3A_237 = tpu.memref_slice %arg6[%dma_start3A_236] : memref<4096xi32, #tpu.memory_space<hbm>> -> memref<4096xi32, #tpu.memory_space<hbm>>
      tpu.enqueue_indirect_dma source(%dma_start3A_232 : memref<128xi32, #tpu.memory_space<vmem>>) target(%dma_start3A_237 : memref<4096xi32, #tpu.memory_space<hbm>>) offsets(%dma_start3A_235 : memref<128xi32, #tpu.memory_space<vmem>>) semaphore(%arg14 : memref<!tpu.dma_semaphore, #tpu.memory_space<semaphore_mem>>)
      %dma_wait3A_238 = arith.constant 3 : i32
      %dma_wait3A_239 = arith.constant 3 : i32
      %dma_wait3A_240 = arith.constant 0 : i32
      %dma_wait3A_241 = tpu.memref_slice %arg12[%dma_wait3A_238, %dma_wait3A_240] : memref<16x128xi32, #tpu.memory_space<vmem>> -> memref<1x128xi32, #tpu.memory_space<vmem>>
      %dma_wait3A_242 = tpu.memref_squeeze %dma_wait3A_241 : memref<1x128xi32, #tpu.memory_space<vmem>> -> memref<128xi32, #tpu.memory_space<vmem>>
      %dma_wait3A_243 = arith.constant 0 : i32
      %dma_wait3A_244 = tpu.memref_slice %arg11[%dma_wait3A_239, %dma_wait3A_243] : memref<16x128xi32, #tpu.memory_space<vmem>> -> memref<1x128xi32, #tpu.memory_space<vmem>>
      %dma_wait3A_245 = tpu.memref_squeeze %dma_wait3A_244 : memref<1x128xi32, #tpu.memory_space<vmem>> -> memref<128xi32, #tpu.memory_space<vmem>>
      %dma_wait3A_246 = arith.constant 0 : i32
      %dma_wait3A_247 = tpu.memref_slice %arg6[%dma_wait3A_246] : memref<4096xi32, #tpu.memory_space<hbm>> -> memref<4096xi32, #tpu.memory_space<hbm>>
      tpu.wait_indirect_dma semaphore(%arg14 : memref<!tpu.dma_semaphore, #tpu.memory_space<semaphore_mem>>) src(%dma_wait3A_242 : memref<128xi32, #tpu.memory_space<vmem>>) dst(%dma_wait3A_247 : memref<4096xi32, #tpu.memory_space<hbm>>)
      %dma_start3A_248 = arith.constant 3 : i32
      %dma_start3A_249 = arith.constant 0 : i32
      %dma_start3A_250 = tpu.memref_slice %arg12[%dma_start3A_248, %dma_start3A_249] : memref<16x128xi32, #tpu.memory_space<vmem>> -> memref<1x128xi32, #tpu.memory_space<vmem>>
      %dma_start3A_251 = tpu.memref_squeeze %dma_start3A_250 : memref<1x128xi32, #tpu.memory_space<vmem>> -> memref<128xi32, #tpu.memory_space<vmem>>
      %dma_start3A_252 = arith.constant 0 : i32
      %dma_start3A_253 = arith.constant 0 : i32
      %dma_start3A_254 = tpu.memref_slice %arg4[%dma_start3A_252, %dma_start3A_253] : memref<50000x64xf32, #tpu.memory_space<hbm>> -> memref<50000x64xf32, #tpu.memory_space<hbm>>
      tpu.enqueue_indirect_dma source(%dma_start3A_254 : memref<50000x64xf32, #tpu.memory_space<hbm>>) target(%arg13 : memref<128x64xf32, #tpu.memory_space<vmem>>) offsets(%dma_start3A_251 : memref<128xi32, #tpu.memory_space<vmem>>) semaphore(%arg14 : memref<!tpu.dma_semaphore, #tpu.memory_space<semaphore_mem>>)
      %dma_wait3A_255 = arith.constant 3 : i32
      %dma_wait3A_256 = arith.constant 0 : i32
      %dma_wait3A_257 = tpu.memref_slice %arg12[%dma_wait3A_255, %dma_wait3A_256] : memref<16x128xi32, #tpu.memory_space<vmem>> -> memref<1x128xi32, #tpu.memory_space<vmem>>
      %dma_wait3A_258 = tpu.memref_squeeze %dma_wait3A_257 : memref<1x128xi32, #tpu.memory_space<vmem>> -> memref<128xi32, #tpu.memory_space<vmem>>
      %dma_wait3A_259 = arith.constant 0 : i32
      %dma_wait3A_260 = arith.constant 0 : i32
      %dma_wait3A_261 = tpu.memref_slice %arg4[%dma_wait3A_259, %dma_wait3A_260] : memref<50000x64xf32, #tpu.memory_space<hbm>> -> memref<50000x64xf32, #tpu.memory_space<hbm>>
      tpu.wait_indirect_dma semaphore(%arg14 : memref<!tpu.dma_semaphore, #tpu.memory_space<semaphore_mem>>) src(%dma_wait3A_261 : memref<50000x64xf32, #tpu.memory_space<hbm>>) dst(%arg13 : memref<128x64xf32, #tpu.memory_space<vmem>>)
      %dma_start3A_262 = arith.constant 3 : i32
      %dma_start3A_263 = arith.constant 0 : i32
      %dma_start3A_264 = tpu.memref_slice %arg11[%dma_start3A_262, %dma_start3A_263] : memref<16x128xi32, #tpu.memory_space<vmem>> -> memref<1x128xi32, #tpu.memory_space<vmem>>
      %dma_start3A_265 = tpu.memref_squeeze %dma_start3A_264 : memref<1x128xi32, #tpu.memory_space<vmem>> -> memref<128xi32, #tpu.memory_space<vmem>>
      %dma_start3A_266 = arith.constant 0 : i32
      %dma_start3A_267 = arith.constant 0 : i32
      %dma_start3A_268 = tpu.memref_slice %arg7[%dma_start3A_266, %dma_start3A_267] : memref<4096x64xf32, #tpu.memory_space<hbm>> -> memref<4096x64xf32, #tpu.memory_space<hbm>>
      tpu.enqueue_indirect_dma source(%arg13 : memref<128x64xf32, #tpu.memory_space<vmem>>) target(%dma_start3A_268 : memref<4096x64xf32, #tpu.memory_space<hbm>>) offsets(%dma_start3A_265 : memref<128xi32, #tpu.memory_space<vmem>>) semaphore(%arg14 : memref<!tpu.dma_semaphore, #tpu.memory_space<semaphore_mem>>)
      %dma_wait3A_269 = arith.constant 3 : i32
      %dma_wait3A_270 = arith.constant 0 : i32
      %dma_wait3A_271 = tpu.memref_slice %arg11[%dma_wait3A_269, %dma_wait3A_270] : memref<16x128xi32, #tpu.memory_space<vmem>> -> memref<1x128xi32, #tpu.memory_space<vmem>>
      %dma_wait3A_272 = tpu.memref_squeeze %dma_wait3A_271 : memref<1x128xi32, #tpu.memory_space<vmem>> -> memref<128xi32, #tpu.memory_space<vmem>>
      %dma_wait3A_273 = arith.constant 0 : i32
      %dma_wait3A_274 = arith.constant 0 : i32
      %dma_wait3A_275 = tpu.memref_slice %arg7[%dma_wait3A_273, %dma_wait3A_274] : memref<4096x64xf32, #tpu.memory_space<hbm>> -> memref<4096x64xf32, #tpu.memory_space<hbm>>
      tpu.wait_indirect_dma semaphore(%arg14 : memref<!tpu.dma_semaphore, #tpu.memory_space<semaphore_mem>>) src(%arg13 : memref<128x64xf32, #tpu.memory_space<vmem>>) dst(%dma_wait3A_275 : memref<4096x64xf32, #tpu.memory_space<hbm>>)
      %dma_start3A_276 = arith.constant 4 : i32
      %dma_start3A_277 = arith.constant 512 : i32
      %dma_start3A_278 = tpu.memref_slice %arg8[%dma_start3A_277] : memref<2048xf32, #tpu.memory_space<vmem>> -> memref<128xf32, #tpu.memory_space<vmem>>
      %dma_start3A_279 = arith.constant 0 : i32
      %dma_start3A_280 = tpu.memref_slice %arg11[%dma_start3A_276, %dma_start3A_279] : memref<16x128xi32, #tpu.memory_space<vmem>> -> memref<1x128xi32, #tpu.memory_space<vmem>>
      %dma_start3A_281 = tpu.memref_squeeze %dma_start3A_280 : memref<1x128xi32, #tpu.memory_space<vmem>> -> memref<128xi32, #tpu.memory_space<vmem>>
      %dma_start3A_282 = arith.constant 0 : i32
      %dma_start3A_283 = tpu.memref_slice %arg5[%dma_start3A_282] : memref<4096xf32, #tpu.memory_space<hbm>> -> memref<4096xf32, #tpu.memory_space<hbm>>
      tpu.enqueue_indirect_dma source(%dma_start3A_278 : memref<128xf32, #tpu.memory_space<vmem>>) target(%dma_start3A_283 : memref<4096xf32, #tpu.memory_space<hbm>>) offsets(%dma_start3A_281 : memref<128xi32, #tpu.memory_space<vmem>>) semaphore(%arg14 : memref<!tpu.dma_semaphore, #tpu.memory_space<semaphore_mem>>)
      %dma_wait3A_284 = arith.constant 4 : i32
      %dma_wait3A_285 = arith.constant 512 : i32
      %dma_wait3A_286 = tpu.memref_slice %arg8[%dma_wait3A_285] : memref<2048xf32, #tpu.memory_space<vmem>> -> memref<128xf32, #tpu.memory_space<vmem>>
      %dma_wait3A_287 = arith.constant 0 : i32
      %dma_wait3A_288 = tpu.memref_slice %arg11[%dma_wait3A_284, %dma_wait3A_287] : memref<16x128xi32, #tpu.memory_space<vmem>> -> memref<1x128xi32, #tpu.memory_space<vmem>>
      %dma_wait3A_289 = tpu.memref_squeeze %dma_wait3A_288 : memref<1x128xi32, #tpu.memory_space<vmem>> -> memref<128xi32, #tpu.memory_space<vmem>>
      %dma_wait3A_290 = arith.constant 0 : i32
      %dma_wait3A_291 = tpu.memref_slice %arg5[%dma_wait3A_290] : memref<4096xf32, #tpu.memory_space<hbm>> -> memref<4096xf32, #tpu.memory_space<hbm>>
      tpu.wait_indirect_dma semaphore(%arg14 : memref<!tpu.dma_semaphore, #tpu.memory_space<semaphore_mem>>) src(%dma_wait3A_286 : memref<128xf32, #tpu.memory_space<vmem>>) dst(%dma_wait3A_291 : memref<4096xf32, #tpu.memory_space<hbm>>)
      %dma_start3A_292 = arith.constant 4 : i32
      %dma_start3A_293 = arith.constant 4 : i32
      %dma_start3A_294 = arith.constant 0 : i32
      %dma_start3A_295 = tpu.memref_slice %arg12[%dma_start3A_292, %dma_start3A_294] : memref<16x128xi32, #tpu.memory_space<vmem>> -> memref<1x128xi32, #tpu.memory_space<vmem>>
      %dma_start3A_296 = tpu.memref_squeeze %dma_start3A_295 : memref<1x128xi32, #tpu.memory_space<vmem>> -> memref<128xi32, #tpu.memory_space<vmem>>
      %dma_start3A_297 = arith.constant 0 : i32
      %dma_start3A_298 = tpu.memref_slice %arg11[%dma_start3A_293, %dma_start3A_297] : memref<16x128xi32, #tpu.memory_space<vmem>> -> memref<1x128xi32, #tpu.memory_space<vmem>>
      %dma_start3A_299 = tpu.memref_squeeze %dma_start3A_298 : memref<1x128xi32, #tpu.memory_space<vmem>> -> memref<128xi32, #tpu.memory_space<vmem>>
      %dma_start3A_300 = arith.constant 0 : i32
      %dma_start3A_301 = tpu.memref_slice %arg6[%dma_start3A_300] : memref<4096xi32, #tpu.memory_space<hbm>> -> memref<4096xi32, #tpu.memory_space<hbm>>
      tpu.enqueue_indirect_dma source(%dma_start3A_296 : memref<128xi32, #tpu.memory_space<vmem>>) target(%dma_start3A_301 : memref<4096xi32, #tpu.memory_space<hbm>>) offsets(%dma_start3A_299 : memref<128xi32, #tpu.memory_space<vmem>>) semaphore(%arg14 : memref<!tpu.dma_semaphore, #tpu.memory_space<semaphore_mem>>)
      %dma_wait3A_302 = arith.constant 4 : i32
      %dma_wait3A_303 = arith.constant 4 : i32
      %dma_wait3A_304 = arith.constant 0 : i32
      %dma_wait3A_305 = tpu.memref_slice %arg12[%dma_wait3A_302, %dma_wait3A_304] : memref<16x128xi32, #tpu.memory_space<vmem>> -> memref<1x128xi32, #tpu.memory_space<vmem>>
      %dma_wait3A_306 = tpu.memref_squeeze %dma_wait3A_305 : memref<1x128xi32, #tpu.memory_space<vmem>> -> memref<128xi32, #tpu.memory_space<vmem>>
      %dma_wait3A_307 = arith.constant 0 : i32
      %dma_wait3A_308 = tpu.memref_slice %arg11[%dma_wait3A_303, %dma_wait3A_307] : memref<16x128xi32, #tpu.memory_space<vmem>> -> memref<1x128xi32, #tpu.memory_space<vmem>>
      %dma_wait3A_309 = tpu.memref_squeeze %dma_wait3A_308 : memref<1x128xi32, #tpu.memory_space<vmem>> -> memref<128xi32, #tpu.memory_space<vmem>>
      %dma_wait3A_310 = arith.constant 0 : i32
      %dma_wait3A_311 = tpu.memref_slice %arg6[%dma_wait3A_310] : memref<4096xi32, #tpu.memory_space<hbm>> -> memref<4096xi32, #tpu.memory_space<hbm>>
      tpu.wait_indirect_dma semaphore(%arg14 : memref<!tpu.dma_semaphore, #tpu.memory_space<semaphore_mem>>) src(%dma_wait3A_306 : memref<128xi32, #tpu.memory_space<vmem>>) dst(%dma_wait3A_311 : memref<4096xi32, #tpu.memory_space<hbm>>)
      %dma_start3A_312 = arith.constant 4 : i32
      %dma_start3A_313 = arith.constant 0 : i32
      %dma_start3A_314 = tpu.memref_slice %arg12[%dma_start3A_312, %dma_start3A_313] : memref<16x128xi32, #tpu.memory_space<vmem>> -> memref<1x128xi32, #tpu.memory_space<vmem>>
      %dma_start3A_315 = tpu.memref_squeeze %dma_start3A_314 : memref<1x128xi32, #tpu.memory_space<vmem>> -> memref<128xi32, #tpu.memory_space<vmem>>
      %dma_start3A_316 = arith.constant 0 : i32
      %dma_start3A_317 = arith.constant 0 : i32
      %dma_start3A_318 = tpu.memref_slice %arg4[%dma_start3A_316, %dma_start3A_317] : memref<50000x64xf32, #tpu.memory_space<hbm>> -> memref<50000x64xf32, #tpu.memory_space<hbm>>
      tpu.enqueue_indirect_dma source(%dma_start3A_318 : memref<50000x64xf32, #tpu.memory_space<hbm>>) target(%arg13 : memref<128x64xf32, #tpu.memory_space<vmem>>) offsets(%dma_start3A_315 : memref<128xi32, #tpu.memory_space<vmem>>) semaphore(%arg14 : memref<!tpu.dma_semaphore, #tpu.memory_space<semaphore_mem>>)
      %dma_wait3A_319 = arith.constant 4 : i32
      %dma_wait3A_320 = arith.constant 0 : i32
      %dma_wait3A_321 = tpu.memref_slice %arg12[%dma_wait3A_319, %dma_wait3A_320] : memref<16x128xi32, #tpu.memory_space<vmem>> -> memref<1x128xi32, #tpu.memory_space<vmem>>
      %dma_wait3A_322 = tpu.memref_squeeze %dma_wait3A_321 : memref<1x128xi32, #tpu.memory_space<vmem>> -> memref<128xi32, #tpu.memory_space<vmem>>
      %dma_wait3A_323 = arith.constant 0 : i32
      %dma_wait3A_324 = arith.constant 0 : i32
      %dma_wait3A_325 = tpu.memref_slice %arg4[%dma_wait3A_323, %dma_wait3A_324] : memref<50000x64xf32, #tpu.memory_space<hbm>> -> memref<50000x64xf32, #tpu.memory_space<hbm>>
      tpu.wait_indirect_dma semaphore(%arg14 : memref<!tpu.dma_semaphore, #tpu.memory_space<semaphore_mem>>) src(%dma_wait3A_325 : memref<50000x64xf32, #tpu.memory_space<hbm>>) dst(%arg13 : memref<128x64xf32, #tpu.memory_space<vmem>>)
      %dma_start3A_326 = arith.constant 4 : i32
      %dma_start3A_327 = arith.constant 0 : i32
      %dma_start3A_328 = tpu.memref_slice %arg11[%dma_start3A_326, %dma_start3A_327] : memref<16x128xi32, #tpu.memory_space<vmem>> -> memref<1x128xi32, #tpu.memory_space<vmem>>
      %dma_start3A_329 = tpu.memref_squeeze %dma_start3A_328 : memref<1x128xi32, #tpu.memory_space<vmem>> -> memref<128xi32, #tpu.memory_space<vmem>>
      %dma_start3A_330 = arith.constant 0 : i32
      %dma_start3A_331 = arith.constant 0 : i32
      %dma_start3A_332 = tpu.memref_slice %arg7[%dma_start3A_330, %dma_start3A_331] : memref<4096x64xf32, #tpu.memory_space<hbm>> -> memref<4096x64xf32, #tpu.memory_space<hbm>>
      tpu.enqueue_indirect_dma source(%arg13 : memref<128x64xf32, #tpu.memory_space<vmem>>) target(%dma_start3A_332 : memref<4096x64xf32, #tpu.memory_space<hbm>>) offsets(%dma_start3A_329 : memref<128xi32, #tpu.memory_space<vmem>>) semaphore(%arg14 : memref<!tpu.dma_semaphore, #tpu.memory_space<semaphore_mem>>)
      %dma_wait3A_333 = arith.constant 4 : i32
      %dma_wait3A_334 = arith.constant 0 : i32
      %dma_wait3A_335 = tpu.memref_slice %arg11[%dma_wait3A_333, %dma_wait3A_334] : memref<16x128xi32, #tpu.memory_space<vmem>> -> memref<1x128xi32, #tpu.memory_space<vmem>>
      %dma_wait3A_336 = tpu.memref_squeeze %dma_wait3A_335 : memref<1x128xi32, #tpu.memory_space<vmem>> -> memref<128xi32, #tpu.memory_space<vmem>>
      %dma_wait3A_337 = arith.constant 0 : i32
      %dma_wait3A_338 = arith.constant 0 : i32
      %dma_wait3A_339 = tpu.memref_slice %arg7[%dma_wait3A_337, %dma_wait3A_338] : memref<4096x64xf32, #tpu.memory_space<hbm>> -> memref<4096x64xf32, #tpu.memory_space<hbm>>
      tpu.wait_indirect_dma semaphore(%arg14 : memref<!tpu.dma_semaphore, #tpu.memory_space<semaphore_mem>>) src(%arg13 : memref<128x64xf32, #tpu.memory_space<vmem>>) dst(%dma_wait3A_339 : memref<4096x64xf32, #tpu.memory_space<hbm>>)
      %dma_start3A_340 = arith.constant 5 : i32
      %dma_start3A_341 = arith.constant 640 : i32
      %dma_start3A_342 = tpu.memref_slice %arg8[%dma_start3A_341] : memref<2048xf32, #tpu.memory_space<vmem>> -> memref<128xf32, #tpu.memory_space<vmem>>
      %dma_start3A_343 = arith.constant 0 : i32
      %dma_start3A_344 = tpu.memref_slice %arg11[%dma_start3A_340, %dma_start3A_343] : memref<16x128xi32, #tpu.memory_space<vmem>> -> memref<1x128xi32, #tpu.memory_space<vmem>>
      %dma_start3A_345 = tpu.memref_squeeze %dma_start3A_344 : memref<1x128xi32, #tpu.memory_space<vmem>> -> memref<128xi32, #tpu.memory_space<vmem>>
      %dma_start3A_346 = arith.constant 0 : i32
      %dma_start3A_347 = tpu.memref_slice %arg5[%dma_start3A_346] : memref<4096xf32, #tpu.memory_space<hbm>> -> memref<4096xf32, #tpu.memory_space<hbm>>
      tpu.enqueue_indirect_dma source(%dma_start3A_342 : memref<128xf32, #tpu.memory_space<vmem>>) target(%dma_start3A_347 : memref<4096xf32, #tpu.memory_space<hbm>>) offsets(%dma_start3A_345 : memref<128xi32, #tpu.memory_space<vmem>>) semaphore(%arg14 : memref<!tpu.dma_semaphore, #tpu.memory_space<semaphore_mem>>)
      %dma_wait3A_348 = arith.constant 5 : i32
      %dma_wait3A_349 = arith.constant 640 : i32
      %dma_wait3A_350 = tpu.memref_slice %arg8[%dma_wait3A_349] : memref<2048xf32, #tpu.memory_space<vmem>> -> memref<128xf32, #tpu.memory_space<vmem>>
      %dma_wait3A_351 = arith.constant 0 : i32
      %dma_wait3A_352 = tpu.memref_slice %arg11[%dma_wait3A_348, %dma_wait3A_351] : memref<16x128xi32, #tpu.memory_space<vmem>> -> memref<1x128xi32, #tpu.memory_space<vmem>>
      %dma_wait3A_353 = tpu.memref_squeeze %dma_wait3A_352 : memref<1x128xi32, #tpu.memory_space<vmem>> -> memref<128xi32, #tpu.memory_space<vmem>>
      %dma_wait3A_354 = arith.constant 0 : i32
      %dma_wait3A_355 = tpu.memref_slice %arg5[%dma_wait3A_354] : memref<4096xf32, #tpu.memory_space<hbm>> -> memref<4096xf32, #tpu.memory_space<hbm>>
      tpu.wait_indirect_dma semaphore(%arg14 : memref<!tpu.dma_semaphore, #tpu.memory_space<semaphore_mem>>) src(%dma_wait3A_350 : memref<128xf32, #tpu.memory_space<vmem>>) dst(%dma_wait3A_355 : memref<4096xf32, #tpu.memory_space<hbm>>)
      %dma_start3A_356 = arith.constant 5 : i32
      %dma_start3A_357 = arith.constant 5 : i32
      %dma_start3A_358 = arith.constant 0 : i32
      %dma_start3A_359 = tpu.memref_slice %arg12[%dma_start3A_356, %dma_start3A_358] : memref<16x128xi32, #tpu.memory_space<vmem>> -> memref<1x128xi32, #tpu.memory_space<vmem>>
      %dma_start3A_360 = tpu.memref_squeeze %dma_start3A_359 : memref<1x128xi32, #tpu.memory_space<vmem>> -> memref<128xi32, #tpu.memory_space<vmem>>
      %dma_start3A_361 = arith.constant 0 : i32
      %dma_start3A_362 = tpu.memref_slice %arg11[%dma_start3A_357, %dma_start3A_361] : memref<16x128xi32, #tpu.memory_space<vmem>> -> memref<1x128xi32, #tpu.memory_space<vmem>>
      %dma_start3A_363 = tpu.memref_squeeze %dma_start3A_362 : memref<1x128xi32, #tpu.memory_space<vmem>> -> memref<128xi32, #tpu.memory_space<vmem>>
      %dma_start3A_364 = arith.constant 0 : i32
      %dma_start3A_365 = tpu.memref_slice %arg6[%dma_start3A_364] : memref<4096xi32, #tpu.memory_space<hbm>> -> memref<4096xi32, #tpu.memory_space<hbm>>
      tpu.enqueue_indirect_dma source(%dma_start3A_360 : memref<128xi32, #tpu.memory_space<vmem>>) target(%dma_start3A_365 : memref<4096xi32, #tpu.memory_space<hbm>>) offsets(%dma_start3A_363 : memref<128xi32, #tpu.memory_space<vmem>>) semaphore(%arg14 : memref<!tpu.dma_semaphore, #tpu.memory_space<semaphore_mem>>)
      %dma_wait3A_366 = arith.constant 5 : i32
      %dma_wait3A_367 = arith.constant 5 : i32
      %dma_wait3A_368 = arith.constant 0 : i32
      %dma_wait3A_369 = tpu.memref_slice %arg12[%dma_wait3A_366, %dma_wait3A_368] : memref<16x128xi32, #tpu.memory_space<vmem>> -> memref<1x128xi32, #tpu.memory_space<vmem>>
      %dma_wait3A_370 = tpu.memref_squeeze %dma_wait3A_369 : memref<1x128xi32, #tpu.memory_space<vmem>> -> memref<128xi32, #tpu.memory_space<vmem>>
      %dma_wait3A_371 = arith.constant 0 : i32
      %dma_wait3A_372 = tpu.memref_slice %arg11[%dma_wait3A_367, %dma_wait3A_371] : memref<16x128xi32, #tpu.memory_space<vmem>> -> memref<1x128xi32, #tpu.memory_space<vmem>>
      %dma_wait3A_373 = tpu.memref_squeeze %dma_wait3A_372 : memref<1x128xi32, #tpu.memory_space<vmem>> -> memref<128xi32, #tpu.memory_space<vmem>>
      %dma_wait3A_374 = arith.constant 0 : i32
      %dma_wait3A_375 = tpu.memref_slice %arg6[%dma_wait3A_374] : memref<4096xi32, #tpu.memory_space<hbm>> -> memref<4096xi32, #tpu.memory_space<hbm>>
      tpu.wait_indirect_dma semaphore(%arg14 : memref<!tpu.dma_semaphore, #tpu.memory_space<semaphore_mem>>) src(%dma_wait3A_370 : memref<128xi32, #tpu.memory_space<vmem>>) dst(%dma_wait3A_375 : memref<4096xi32, #tpu.memory_space<hbm>>)
      %dma_start3A_376 = arith.constant 5 : i32
      %dma_start3A_377 = arith.constant 0 : i32
      %dma_start3A_378 = tpu.memref_slice %arg12[%dma_start3A_376, %dma_start3A_377] : memref<16x128xi32, #tpu.memory_space<vmem>> -> memref<1x128xi32, #tpu.memory_space<vmem>>
      %dma_start3A_379 = tpu.memref_squeeze %dma_start3A_378 : memref<1x128xi32, #tpu.memory_space<vmem>> -> memref<128xi32, #tpu.memory_space<vmem>>
      %dma_start3A_380 = arith.constant 0 : i32
      %dma_start3A_381 = arith.constant 0 : i32
      %dma_start3A_382 = tpu.memref_slice %arg4[%dma_start3A_380, %dma_start3A_381] : memref<50000x64xf32, #tpu.memory_space<hbm>> -> memref<50000x64xf32, #tpu.memory_space<hbm>>
      tpu.enqueue_indirect_dma source(%dma_start3A_382 : memref<50000x64xf32, #tpu.memory_space<hbm>>) target(%arg13 : memref<128x64xf32, #tpu.memory_space<vmem>>) offsets(%dma_start3A_379 : memref<128xi32, #tpu.memory_space<vmem>>) semaphore(%arg14 : memref<!tpu.dma_semaphore, #tpu.memory_space<semaphore_mem>>)
      %dma_wait3A_383 = arith.constant 5 : i32
      %dma_wait3A_384 = arith.constant 0 : i32
      %dma_wait3A_385 = tpu.memref_slice %arg12[%dma_wait3A_383, %dma_wait3A_384] : memref<16x128xi32, #tpu.memory_space<vmem>> -> memref<1x128xi32, #tpu.memory_space<vmem>>
      %dma_wait3A_386 = tpu.memref_squeeze %dma_wait3A_385 : memref<1x128xi32, #tpu.memory_space<vmem>> -> memref<128xi32, #tpu.memory_space<vmem>>
      %dma_wait3A_387 = arith.constant 0 : i32
      %dma_wait3A_388 = arith.constant 0 : i32
      %dma_wait3A_389 = tpu.memref_slice %arg4[%dma_wait3A_387, %dma_wait3A_388] : memref<50000x64xf32, #tpu.memory_space<hbm>> -> memref<50000x64xf32, #tpu.memory_space<hbm>>
      tpu.wait_indirect_dma semaphore(%arg14 : memref<!tpu.dma_semaphore, #tpu.memory_space<semaphore_mem>>) src(%dma_wait3A_389 : memref<50000x64xf32, #tpu.memory_space<hbm>>) dst(%arg13 : memref<128x64xf32, #tpu.memory_space<vmem>>)
      %dma_start3A_390 = arith.constant 5 : i32
      %dma_start3A_391 = arith.constant 0 : i32
      %dma_start3A_392 = tpu.memref_slice %arg11[%dma_start3A_390, %dma_start3A_391] : memref<16x128xi32, #tpu.memory_space<vmem>> -> memref<1x128xi32, #tpu.memory_space<vmem>>
      %dma_start3A_393 = tpu.memref_squeeze %dma_start3A_392 : memref<1x128xi32, #tpu.memory_space<vmem>> -> memref<128xi32, #tpu.memory_space<vmem>>
      %dma_start3A_394 = arith.constant 0 : i32
      %dma_start3A_395 = arith.constant 0 : i32
      %dma_start3A_396 = tpu.memref_slice %arg7[%dma_start3A_394, %dma_start3A_395] : memref<4096x64xf32, #tpu.memory_space<hbm>> -> memref<4096x64xf32, #tpu.memory_space<hbm>>
      tpu.enqueue_indirect_dma source(%arg13 : memref<128x64xf32, #tpu.memory_space<vmem>>) target(%dma_start3A_396 : memref<4096x64xf32, #tpu.memory_space<hbm>>) offsets(%dma_start3A_393 : memref<128xi32, #tpu.memory_space<vmem>>) semaphore(%arg14 : memref<!tpu.dma_semaphore, #tpu.memory_space<semaphore_mem>>)
      %dma_wait3A_397 = arith.constant 5 : i32
      %dma_wait3A_398 = arith.constant 0 : i32
      %dma_wait3A_399 = tpu.memref_slice %arg11[%dma_wait3A_397, %dma_wait3A_398] : memref<16x128xi32, #tpu.memory_space<vmem>> -> memref<1x128xi32, #tpu.memory_space<vmem>>
      %dma_wait3A_400 = tpu.memref_squeeze %dma_wait3A_399 : memref<1x128xi32, #tpu.memory_space<vmem>> -> memref<128xi32, #tpu.memory_space<vmem>>
      %dma_wait3A_401 = arith.constant 0 : i32
      %dma_wait3A_402 = arith.constant 0 : i32
      %dma_wait3A_403 = tpu.memref_slice %arg7[%dma_wait3A_401, %dma_wait3A_402] : memref<4096x64xf32, #tpu.memory_space<hbm>> -> memref<4096x64xf32, #tpu.memory_space<hbm>>
      tpu.wait_indirect_dma semaphore(%arg14 : memref<!tpu.dma_semaphore, #tpu.memory_space<semaphore_mem>>) src(%arg13 : memref<128x64xf32, #tpu.memory_space<vmem>>) dst(%dma_wait3A_403 : memref<4096x64xf32, #tpu.memory_space<hbm>>)
      %dma_start3A_404 = arith.constant 6 : i32
      %dma_start3A_405 = arith.constant 768 : i32
      %dma_start3A_406 = tpu.memref_slice %arg8[%dma_start3A_405] : memref<2048xf32, #tpu.memory_space<vmem>> -> memref<128xf32, #tpu.memory_space<vmem>>
      %dma_start3A_407 = arith.constant 0 : i32
      %dma_start3A_408 = tpu.memref_slice %arg11[%dma_start3A_404, %dma_start3A_407] : memref<16x128xi32, #tpu.memory_space<vmem>> -> memref<1x128xi32, #tpu.memory_space<vmem>>
      %dma_start3A_409 = tpu.memref_squeeze %dma_start3A_408 : memref<1x128xi32, #tpu.memory_space<vmem>> -> memref<128xi32, #tpu.memory_space<vmem>>
      %dma_start3A_410 = arith.constant 0 : i32
      %dma_start3A_411 = tpu.memref_slice %arg5[%dma_start3A_410] : memref<4096xf32, #tpu.memory_space<hbm>> -> memref<4096xf32, #tpu.memory_space<hbm>>
      tpu.enqueue_indirect_dma source(%dma_start3A_406 : memref<128xf32, #tpu.memory_space<vmem>>) target(%dma_start3A_411 : memref<4096xf32, #tpu.memory_space<hbm>>) offsets(%dma_start3A_409 : memref<128xi32, #tpu.memory_space<vmem>>) semaphore(%arg14 : memref<!tpu.dma_semaphore, #tpu.memory_space<semaphore_mem>>)
      %dma_wait3A_412 = arith.constant 6 : i32
      %dma_wait3A_413 = arith.constant 768 : i32
      %dma_wait3A_414 = tpu.memref_slice %arg8[%dma_wait3A_413] : memref<2048xf32, #tpu.memory_space<vmem>> -> memref<128xf32, #tpu.memory_space<vmem>>
      %dma_wait3A_415 = arith.constant 0 : i32
      %dma_wait3A_416 = tpu.memref_slice %arg11[%dma_wait3A_412, %dma_wait3A_415] : memref<16x128xi32, #tpu.memory_space<vmem>> -> memref<1x128xi32, #tpu.memory_space<vmem>>
      %dma_wait3A_417 = tpu.memref_squeeze %dma_wait3A_416 : memref<1x128xi32, #tpu.memory_space<vmem>> -> memref<128xi32, #tpu.memory_space<vmem>>
      %dma_wait3A_418 = arith.constant 0 : i32
      %dma_wait3A_419 = tpu.memref_slice %arg5[%dma_wait3A_418] : memref<4096xf32, #tpu.memory_space<hbm>> -> memref<4096xf32, #tpu.memory_space<hbm>>
      tpu.wait_indirect_dma semaphore(%arg14 : memref<!tpu.dma_semaphore, #tpu.memory_space<semaphore_mem>>) src(%dma_wait3A_414 : memref<128xf32, #tpu.memory_space<vmem>>) dst(%dma_wait3A_419 : memref<4096xf32, #tpu.memory_space<hbm>>)
      %dma_start3A_420 = arith.constant 6 : i32
      %dma_start3A_421 = arith.constant 6 : i32
      %dma_start3A_422 = arith.constant 0 : i32
      %dma_start3A_423 = tpu.memref_slice %arg12[%dma_start3A_420, %dma_start3A_422] : memref<16x128xi32, #tpu.memory_space<vmem>> -> memref<1x128xi32, #tpu.memory_space<vmem>>
      %dma_start3A_424 = tpu.memref_squeeze %dma_start3A_423 : memref<1x128xi32, #tpu.memory_space<vmem>> -> memref<128xi32, #tpu.memory_space<vmem>>
      %dma_start3A_425 = arith.constant 0 : i32
      %dma_start3A_426 = tpu.memref_slice %arg11[%dma_start3A_421, %dma_start3A_425] : memref<16x128xi32, #tpu.memory_space<vmem>> -> memref<1x128xi32, #tpu.memory_space<vmem>>
      %dma_start3A_427 = tpu.memref_squeeze %dma_start3A_426 : memref<1x128xi32, #tpu.memory_space<vmem>> -> memref<128xi32, #tpu.memory_space<vmem>>
      %dma_start3A_428 = arith.constant 0 : i32
      %dma_start3A_429 = tpu.memref_slice %arg6[%dma_start3A_428] : memref<4096xi32, #tpu.memory_space<hbm>> -> memref<4096xi32, #tpu.memory_space<hbm>>
      tpu.enqueue_indirect_dma source(%dma_start3A_424 : memref<128xi32, #tpu.memory_space<vmem>>) target(%dma_start3A_429 : memref<4096xi32, #tpu.memory_space<hbm>>) offsets(%dma_start3A_427 : memref<128xi32, #tpu.memory_space<vmem>>) semaphore(%arg14 : memref<!tpu.dma_semaphore, #tpu.memory_space<semaphore_mem>>)
      %dma_wait3A_430 = arith.constant 6 : i32
      %dma_wait3A_431 = arith.constant 6 : i32
      %dma_wait3A_432 = arith.constant 0 : i32
      %dma_wait3A_433 = tpu.memref_slice %arg12[%dma_wait3A_430, %dma_wait3A_432] : memref<16x128xi32, #tpu.memory_space<vmem>> -> memref<1x128xi32, #tpu.memory_space<vmem>>
      %dma_wait3A_434 = tpu.memref_squeeze %dma_wait3A_433 : memref<1x128xi32, #tpu.memory_space<vmem>> -> memref<128xi32, #tpu.memory_space<vmem>>
      %dma_wait3A_435 = arith.constant 0 : i32
      %dma_wait3A_436 = tpu.memref_slice %arg11[%dma_wait3A_431, %dma_wait3A_435] : memref<16x128xi32, #tpu.memory_space<vmem>> -> memref<1x128xi32, #tpu.memory_space<vmem>>
      %dma_wait3A_437 = tpu.memref_squeeze %dma_wait3A_436 : memref<1x128xi32, #tpu.memory_space<vmem>> -> memref<128xi32, #tpu.memory_space<vmem>>
      %dma_wait3A_438 = arith.constant 0 : i32
      %dma_wait3A_439 = tpu.memref_slice %arg6[%dma_wait3A_438] : memref<4096xi32, #tpu.memory_space<hbm>> -> memref<4096xi32, #tpu.memory_space<hbm>>
      tpu.wait_indirect_dma semaphore(%arg14 : memref<!tpu.dma_semaphore, #tpu.memory_space<semaphore_mem>>) src(%dma_wait3A_434 : memref<128xi32, #tpu.memory_space<vmem>>) dst(%dma_wait3A_439 : memref<4096xi32, #tpu.memory_space<hbm>>)
      %dma_start3A_440 = arith.constant 6 : i32
      %dma_start3A_441 = arith.constant 0 : i32
      %dma_start3A_442 = tpu.memref_slice %arg12[%dma_start3A_440, %dma_start3A_441] : memref<16x128xi32, #tpu.memory_space<vmem>> -> memref<1x128xi32, #tpu.memory_space<vmem>>
      %dma_start3A_443 = tpu.memref_squeeze %dma_start3A_442 : memref<1x128xi32, #tpu.memory_space<vmem>> -> memref<128xi32, #tpu.memory_space<vmem>>
      %dma_start3A_444 = arith.constant 0 : i32
      %dma_start3A_445 = arith.constant 0 : i32
      %dma_start3A_446 = tpu.memref_slice %arg4[%dma_start3A_444, %dma_start3A_445] : memref<50000x64xf32, #tpu.memory_space<hbm>> -> memref<50000x64xf32, #tpu.memory_space<hbm>>
      tpu.enqueue_indirect_dma source(%dma_start3A_446 : memref<50000x64xf32, #tpu.memory_space<hbm>>) target(%arg13 : memref<128x64xf32, #tpu.memory_space<vmem>>) offsets(%dma_start3A_443 : memref<128xi32, #tpu.memory_space<vmem>>) semaphore(%arg14 : memref<!tpu.dma_semaphore, #tpu.memory_space<semaphore_mem>>)
      %dma_wait3A_447 = arith.constant 6 : i32
      %dma_wait3A_448 = arith.constant 0 : i32
      %dma_wait3A_449 = tpu.memref_slice %arg12[%dma_wait3A_447, %dma_wait3A_448] : memref<16x128xi32, #tpu.memory_space<vmem>> -> memref<1x128xi32, #tpu.memory_space<vmem>>
      %dma_wait3A_450 = tpu.memref_squeeze %dma_wait3A_449 : memref<1x128xi32, #tpu.memory_space<vmem>> -> memref<128xi32, #tpu.memory_space<vmem>>
      %dma_wait3A_451 = arith.constant 0 : i32
      %dma_wait3A_452 = arith.constant 0 : i32
      %dma_wait3A_453 = tpu.memref_slice %arg4[%dma_wait3A_451, %dma_wait3A_452] : memref<50000x64xf32, #tpu.memory_space<hbm>> -> memref<50000x64xf32, #tpu.memory_space<hbm>>
      tpu.wait_indirect_dma semaphore(%arg14 : memref<!tpu.dma_semaphore, #tpu.memory_space<semaphore_mem>>) src(%dma_wait3A_453 : memref<50000x64xf32, #tpu.memory_space<hbm>>) dst(%arg13 : memref<128x64xf32, #tpu.memory_space<vmem>>)
      %dma_start3A_454 = arith.constant 6 : i32
      %dma_start3A_455 = arith.constant 0 : i32
      %dma_start3A_456 = tpu.memref_slice %arg11[%dma_start3A_454, %dma_start3A_455] : memref<16x128xi32, #tpu.memory_space<vmem>> -> memref<1x128xi32, #tpu.memory_space<vmem>>
      %dma_start3A_457 = tpu.memref_squeeze %dma_start3A_456 : memref<1x128xi32, #tpu.memory_space<vmem>> -> memref<128xi32, #tpu.memory_space<vmem>>
      %dma_start3A_458 = arith.constant 0 : i32
      %dma_start3A_459 = arith.constant 0 : i32
      %dma_start3A_460 = tpu.memref_slice %arg7[%dma_start3A_458, %dma_start3A_459] : memref<4096x64xf32, #tpu.memory_space<hbm>> -> memref<4096x64xf32, #tpu.memory_space<hbm>>
      tpu.enqueue_indirect_dma source(%arg13 : memref<128x64xf32, #tpu.memory_space<vmem>>) target(%dma_start3A_460 : memref<4096x64xf32, #tpu.memory_space<hbm>>) offsets(%dma_start3A_457 : memref<128xi32, #tpu.memory_space<vmem>>) semaphore(%arg14 : memref<!tpu.dma_semaphore, #tpu.memory_space<semaphore_mem>>)
      %dma_wait3A_461 = arith.constant 6 : i32
      %dma_wait3A_462 = arith.constant 0 : i32
      %dma_wait3A_463 = tpu.memref_slice %arg11[%dma_wait3A_461, %dma_wait3A_462] : memref<16x128xi32, #tpu.memory_space<vmem>> -> memref<1x128xi32, #tpu.memory_space<vmem>>
      %dma_wait3A_464 = tpu.memref_squeeze %dma_wait3A_463 : memref<1x128xi32, #tpu.memory_space<vmem>> -> memref<128xi32, #tpu.memory_space<vmem>>
      %dma_wait3A_465 = arith.constant 0 : i32
      %dma_wait3A_466 = arith.constant 0 : i32
      %dma_wait3A_467 = tpu.memref_slice %arg7[%dma_wait3A_465, %dma_wait3A_466] : memref<4096x64xf32, #tpu.memory_space<hbm>> -> memref<4096x64xf32, #tpu.memory_space<hbm>>
      tpu.wait_indirect_dma semaphore(%arg14 : memref<!tpu.dma_semaphore, #tpu.memory_space<semaphore_mem>>) src(%arg13 : memref<128x64xf32, #tpu.memory_space<vmem>>) dst(%dma_wait3A_467 : memref<4096x64xf32, #tpu.memory_space<hbm>>)
      %dma_start3A_468 = arith.constant 7 : i32
      %dma_start3A_469 = arith.constant 896 : i32
      %dma_start3A_470 = tpu.memref_slice %arg8[%dma_start3A_469] : memref<2048xf32, #tpu.memory_space<vmem>> -> memref<128xf32, #tpu.memory_space<vmem>>
      %dma_start3A_471 = arith.constant 0 : i32
      %dma_start3A_472 = tpu.memref_slice %arg11[%dma_start3A_468, %dma_start3A_471] : memref<16x128xi32, #tpu.memory_space<vmem>> -> memref<1x128xi32, #tpu.memory_space<vmem>>
      %dma_start3A_473 = tpu.memref_squeeze %dma_start3A_472 : memref<1x128xi32, #tpu.memory_space<vmem>> -> memref<128xi32, #tpu.memory_space<vmem>>
      %dma_start3A_474 = arith.constant 0 : i32
      %dma_start3A_475 = tpu.memref_slice %arg5[%dma_start3A_474] : memref<4096xf32, #tpu.memory_space<hbm>> -> memref<4096xf32, #tpu.memory_space<hbm>>
      tpu.enqueue_indirect_dma source(%dma_start3A_470 : memref<128xf32, #tpu.memory_space<vmem>>) target(%dma_start3A_475 : memref<4096xf32, #tpu.memory_space<hbm>>) offsets(%dma_start3A_473 : memref<128xi32, #tpu.memory_space<vmem>>) semaphore(%arg14 : memref<!tpu.dma_semaphore, #tpu.memory_space<semaphore_mem>>)
      %dma_wait3A_476 = arith.constant 7 : i32
      %dma_wait3A_477 = arith.constant 896 : i32
      %dma_wait3A_478 = tpu.memref_slice %arg8[%dma_wait3A_477] : memref<2048xf32, #tpu.memory_space<vmem>> -> memref<128xf32, #tpu.memory_space<vmem>>
      %dma_wait3A_479 = arith.constant 0 : i32
      %dma_wait3A_480 = tpu.memref_slice %arg11[%dma_wait3A_476, %dma_wait3A_479] : memref<16x128xi32, #tpu.memory_space<vmem>> -> memref<1x128xi32, #tpu.memory_space<vmem>>
      %dma_wait3A_481 = tpu.memref_squeeze %dma_wait3A_480 : memref<1x128xi32, #tpu.memory_space<vmem>> -> memref<128xi32, #tpu.memory_space<vmem>>
      %dma_wait3A_482 = arith.constant 0 : i32
      %dma_wait3A_483 = tpu.memref_slice %arg5[%dma_wait3A_482] : memref<4096xf32, #tpu.memory_space<hbm>> -> memref<4096xf32, #tpu.memory_space<hbm>>
      tpu.wait_indirect_dma semaphore(%arg14 : memref<!tpu.dma_semaphore, #tpu.memory_space<semaphore_mem>>) src(%dma_wait3A_478 : memref<128xf32, #tpu.memory_space<vmem>>) dst(%dma_wait3A_483 : memref<4096xf32, #tpu.memory_space<hbm>>)
      %dma_start3A_484 = arith.constant 7 : i32
      %dma_start3A_485 = arith.constant 7 : i32
      %dma_start3A_486 = arith.constant 0 : i32
      %dma_start3A_487 = tpu.memref_slice %arg12[%dma_start3A_484, %dma_start3A_486] : memref<16x128xi32, #tpu.memory_space<vmem>> -> memref<1x128xi32, #tpu.memory_space<vmem>>
      %dma_start3A_488 = tpu.memref_squeeze %dma_start3A_487 : memref<1x128xi32, #tpu.memory_space<vmem>> -> memref<128xi32, #tpu.memory_space<vmem>>
      %dma_start3A_489 = arith.constant 0 : i32
      %dma_start3A_490 = tpu.memref_slice %arg11[%dma_start3A_485, %dma_start3A_489] : memref<16x128xi32, #tpu.memory_space<vmem>> -> memref<1x128xi32, #tpu.memory_space<vmem>>
      %dma_start3A_491 = tpu.memref_squeeze %dma_start3A_490 : memref<1x128xi32, #tpu.memory_space<vmem>> -> memref<128xi32, #tpu.memory_space<vmem>>
      %dma_start3A_492 = arith.constant 0 : i32
      %dma_start3A_493 = tpu.memref_slice %arg6[%dma_start3A_492] : memref<4096xi32, #tpu.memory_space<hbm>> -> memref<4096xi32, #tpu.memory_space<hbm>>
      tpu.enqueue_indirect_dma source(%dma_start3A_488 : memref<128xi32, #tpu.memory_space<vmem>>) target(%dma_start3A_493 : memref<4096xi32, #tpu.memory_space<hbm>>) offsets(%dma_start3A_491 : memref<128xi32, #tpu.memory_space<vmem>>) semaphore(%arg14 : memref<!tpu.dma_semaphore, #tpu.memory_space<semaphore_mem>>)
      %dma_wait3A_494 = arith.constant 7 : i32
      %dma_wait3A_495 = arith.constant 7 : i32
      %dma_wait3A_496 = arith.constant 0 : i32
      %dma_wait3A_497 = tpu.memref_slice %arg12[%dma_wait3A_494, %dma_wait3A_496] : memref<16x128xi32, #tpu.memory_space<vmem>> -> memref<1x128xi32, #tpu.memory_space<vmem>>
      %dma_wait3A_498 = tpu.memref_squeeze %dma_wait3A_497 : memref<1x128xi32, #tpu.memory_space<vmem>> -> memref<128xi32, #tpu.memory_space<vmem>>
      %dma_wait3A_499 = arith.constant 0 : i32
      %dma_wait3A_500 = tpu.memref_slice %arg11[%dma_wait3A_495, %dma_wait3A_499] : memref<16x128xi32, #tpu.memory_space<vmem>> -> memref<1x128xi32, #tpu.memory_space<vmem>>
      %dma_wait3A_501 = tpu.memref_squeeze %dma_wait3A_500 : memref<1x128xi32, #tpu.memory_space<vmem>> -> memref<128xi32, #tpu.memory_space<vmem>>
      %dma_wait3A_502 = arith.constant 0 : i32
      %dma_wait3A_503 = tpu.memref_slice %arg6[%dma_wait3A_502] : memref<4096xi32, #tpu.memory_space<hbm>> -> memref<4096xi32, #tpu.memory_space<hbm>>
      tpu.wait_indirect_dma semaphore(%arg14 : memref<!tpu.dma_semaphore, #tpu.memory_space<semaphore_mem>>) src(%dma_wait3A_498 : memref<128xi32, #tpu.memory_space<vmem>>) dst(%dma_wait3A_503 : memref<4096xi32, #tpu.memory_space<hbm>>)
      %dma_start3A_504 = arith.constant 7 : i32
      %dma_start3A_505 = arith.constant 0 : i32
      %dma_start3A_506 = tpu.memref_slice %arg12[%dma_start3A_504, %dma_start3A_505] : memref<16x128xi32, #tpu.memory_space<vmem>> -> memref<1x128xi32, #tpu.memory_space<vmem>>
      %dma_start3A_507 = tpu.memref_squeeze %dma_start3A_506 : memref<1x128xi32, #tpu.memory_space<vmem>> -> memref<128xi32, #tpu.memory_space<vmem>>
      %dma_start3A_508 = arith.constant 0 : i32
      %dma_start3A_509 = arith.constant 0 : i32
      %dma_start3A_510 = tpu.memref_slice %arg4[%dma_start3A_508, %dma_start3A_509] : memref<50000x64xf32, #tpu.memory_space<hbm>> -> memref<50000x64xf32, #tpu.memory_space<hbm>>
      tpu.enqueue_indirect_dma source(%dma_start3A_510 : memref<50000x64xf32, #tpu.memory_space<hbm>>) target(%arg13 : memref<128x64xf32, #tpu.memory_space<vmem>>) offsets(%dma_start3A_507 : memref<128xi32, #tpu.memory_space<vmem>>) semaphore(%arg14 : memref<!tpu.dma_semaphore, #tpu.memory_space<semaphore_mem>>)
      %dma_wait3A_511 = arith.constant 7 : i32
      %dma_wait3A_512 = arith.constant 0 : i32
      %dma_wait3A_513 = tpu.memref_slice %arg12[%dma_wait3A_511, %dma_wait3A_512] : memref<16x128xi32, #tpu.memory_space<vmem>> -> memref<1x128xi32, #tpu.memory_space<vmem>>
      %dma_wait3A_514 = tpu.memref_squeeze %dma_wait3A_513 : memref<1x128xi32, #tpu.memory_space<vmem>> -> memref<128xi32, #tpu.memory_space<vmem>>
      %dma_wait3A_515 = arith.constant 0 : i32
      %dma_wait3A_516 = arith.constant 0 : i32
      %dma_wait3A_517 = tpu.memref_slice %arg4[%dma_wait3A_515, %dma_wait3A_516] : memref<50000x64xf32, #tpu.memory_space<hbm>> -> memref<50000x64xf32, #tpu.memory_space<hbm>>
      tpu.wait_indirect_dma semaphore(%arg14 : memref<!tpu.dma_semaphore, #tpu.memory_space<semaphore_mem>>) src(%dma_wait3A_517 : memref<50000x64xf32, #tpu.memory_space<hbm>>) dst(%arg13 : memref<128x64xf32, #tpu.memory_space<vmem>>)
      %dma_start3A_518 = arith.constant 7 : i32
      %dma_start3A_519 = arith.constant 0 : i32
      %dma_start3A_520 = tpu.memref_slice %arg11[%dma_start3A_518, %dma_start3A_519] : memref<16x128xi32, #tpu.memory_space<vmem>> -> memref<1x128xi32, #tpu.memory_space<vmem>>
      %dma_start3A_521 = tpu.memref_squeeze %dma_start3A_520 : memref<1x128xi32, #tpu.memory_space<vmem>> -> memref<128xi32, #tpu.memory_space<vmem>>
      %dma_start3A_522 = arith.constant 0 : i32
      %dma_start3A_523 = arith.constant 0 : i32
      %dma_start3A_524 = tpu.memref_slice %arg7[%dma_start3A_522, %dma_start3A_523] : memref<4096x64xf32, #tpu.memory_space<hbm>> -> memref<4096x64xf32, #tpu.memory_space<hbm>>
      tpu.enqueue_indirect_dma source(%arg13 : memref<128x64xf32, #tpu.memory_space<vmem>>) target(%dma_start3A_524 : memref<4096x64xf32, #tpu.memory_space<hbm>>) offsets(%dma_start3A_521 : memref<128xi32, #tpu.memory_space<vmem>>) semaphore(%arg14 : memref<!tpu.dma_semaphore, #tpu.memory_space<semaphore_mem>>)
      %dma_wait3A_525 = arith.constant 7 : i32
      %dma_wait3A_526 = arith.constant 0 : i32
      %dma_wait3A_527 = tpu.memref_slice %arg11[%dma_wait3A_525, %dma_wait3A_526] : memref<16x128xi32, #tpu.memory_space<vmem>> -> memref<1x128xi32, #tpu.memory_space<vmem>>
      %dma_wait3A_528 = tpu.memref_squeeze %dma_wait3A_527 : memref<1x128xi32, #tpu.memory_space<vmem>> -> memref<128xi32, #tpu.memory_space<vmem>>
      %dma_wait3A_529 = arith.constant 0 : i32
      %dma_wait3A_530 = arith.constant 0 : i32
      %dma_wait3A_531 = tpu.memref_slice %arg7[%dma_wait3A_529, %dma_wait3A_530] : memref<4096x64xf32, #tpu.memory_space<hbm>> -> memref<4096x64xf32, #tpu.memory_space<hbm>>
      tpu.wait_indirect_dma semaphore(%arg14 : memref<!tpu.dma_semaphore, #tpu.memory_space<semaphore_mem>>) src(%arg13 : memref<128x64xf32, #tpu.memory_space<vmem>>) dst(%dma_wait3A_531 : memref<4096x64xf32, #tpu.memory_space<hbm>>)
      %dma_start3A_532 = arith.constant 8 : i32
      %dma_start3A_533 = arith.constant 1024 : i32
      %dma_start3A_534 = tpu.memref_slice %arg8[%dma_start3A_533] : memref<2048xf32, #tpu.memory_space<vmem>> -> memref<128xf32, #tpu.memory_space<vmem>>
      %dma_start3A_535 = arith.constant 0 : i32
      %dma_start3A_536 = tpu.memref_slice %arg11[%dma_start3A_532, %dma_start3A_535] : memref<16x128xi32, #tpu.memory_space<vmem>> -> memref<1x128xi32, #tpu.memory_space<vmem>>
      %dma_start3A_537 = tpu.memref_squeeze %dma_start3A_536 : memref<1x128xi32, #tpu.memory_space<vmem>> -> memref<128xi32, #tpu.memory_space<vmem>>
      %dma_start3A_538 = arith.constant 0 : i32
      %dma_start3A_539 = tpu.memref_slice %arg5[%dma_start3A_538] : memref<4096xf32, #tpu.memory_space<hbm>> -> memref<4096xf32, #tpu.memory_space<hbm>>
      tpu.enqueue_indirect_dma source(%dma_start3A_534 : memref<128xf32, #tpu.memory_space<vmem>>) target(%dma_start3A_539 : memref<4096xf32, #tpu.memory_space<hbm>>) offsets(%dma_start3A_537 : memref<128xi32, #tpu.memory_space<vmem>>) semaphore(%arg14 : memref<!tpu.dma_semaphore, #tpu.memory_space<semaphore_mem>>)
      %dma_wait3A_540 = arith.constant 8 : i32
      %dma_wait3A_541 = arith.constant 1024 : i32
      %dma_wait3A_542 = tpu.memref_slice %arg8[%dma_wait3A_541] : memref<2048xf32, #tpu.memory_space<vmem>> -> memref<128xf32, #tpu.memory_space<vmem>>
      %dma_wait3A_543 = arith.constant 0 : i32
      %dma_wait3A_544 = tpu.memref_slice %arg11[%dma_wait3A_540, %dma_wait3A_543] : memref<16x128xi32, #tpu.memory_space<vmem>> -> memref<1x128xi32, #tpu.memory_space<vmem>>
      %dma_wait3A_545 = tpu.memref_squeeze %dma_wait3A_544 : memref<1x128xi32, #tpu.memory_space<vmem>> -> memref<128xi32, #tpu.memory_space<vmem>>
      %dma_wait3A_546 = arith.constant 0 : i32
      %dma_wait3A_547 = tpu.memref_slice %arg5[%dma_wait3A_546] : memref<4096xf32, #tpu.memory_space<hbm>> -> memref<4096xf32, #tpu.memory_space<hbm>>
      tpu.wait_indirect_dma semaphore(%arg14 : memref<!tpu.dma_semaphore, #tpu.memory_space<semaphore_mem>>) src(%dma_wait3A_542 : memref<128xf32, #tpu.memory_space<vmem>>) dst(%dma_wait3A_547 : memref<4096xf32, #tpu.memory_space<hbm>>)
      %dma_start3A_548 = arith.constant 8 : i32
      %dma_start3A_549 = arith.constant 8 : i32
      %dma_start3A_550 = arith.constant 0 : i32
      %dma_start3A_551 = tpu.memref_slice %arg12[%dma_start3A_548, %dma_start3A_550] : memref<16x128xi32, #tpu.memory_space<vmem>> -> memref<1x128xi32, #tpu.memory_space<vmem>>
      %dma_start3A_552 = tpu.memref_squeeze %dma_start3A_551 : memref<1x128xi32, #tpu.memory_space<vmem>> -> memref<128xi32, #tpu.memory_space<vmem>>
      %dma_start3A_553 = arith.constant 0 : i32
      %dma_start3A_554 = tpu.memref_slice %arg11[%dma_start3A_549, %dma_start3A_553] : memref<16x128xi32, #tpu.memory_space<vmem>> -> memref<1x128xi32, #tpu.memory_space<vmem>>
      %dma_start3A_555 = tpu.memref_squeeze %dma_start3A_554 : memref<1x128xi32, #tpu.memory_space<vmem>> -> memref<128xi32, #tpu.memory_space<vmem>>
      %dma_start3A_556 = arith.constant 0 : i32
      %dma_start3A_557 = tpu.memref_slice %arg6[%dma_start3A_556] : memref<4096xi32, #tpu.memory_space<hbm>> -> memref<4096xi32, #tpu.memory_space<hbm>>
      tpu.enqueue_indirect_dma source(%dma_start3A_552 : memref<128xi32, #tpu.memory_space<vmem>>) target(%dma_start3A_557 : memref<4096xi32, #tpu.memory_space<hbm>>) offsets(%dma_start3A_555 : memref<128xi32, #tpu.memory_space<vmem>>) semaphore(%arg14 : memref<!tpu.dma_semaphore, #tpu.memory_space<semaphore_mem>>)
      %dma_wait3A_558 = arith.constant 8 : i32
      %dma_wait3A_559 = arith.constant 8 : i32
      %dma_wait3A_560 = arith.constant 0 : i32
      %dma_wait3A_561 = tpu.memref_slice %arg12[%dma_wait3A_558, %dma_wait3A_560] : memref<16x128xi32, #tpu.memory_space<vmem>> -> memref<1x128xi32, #tpu.memory_space<vmem>>
      %dma_wait3A_562 = tpu.memref_squeeze %dma_wait3A_561 : memref<1x128xi32, #tpu.memory_space<vmem>> -> memref<128xi32, #tpu.memory_space<vmem>>
      %dma_wait3A_563 = arith.constant 0 : i32
      %dma_wait3A_564 = tpu.memref_slice %arg11[%dma_wait3A_559, %dma_wait3A_563] : memref<16x128xi32, #tpu.memory_space<vmem>> -> memref<1x128xi32, #tpu.memory_space<vmem>>
      %dma_wait3A_565 = tpu.memref_squeeze %dma_wait3A_564 : memref<1x128xi32, #tpu.memory_space<vmem>> -> memref<128xi32, #tpu.memory_space<vmem>>
      %dma_wait3A_566 = arith.constant 0 : i32
      %dma_wait3A_567 = tpu.memref_slice %arg6[%dma_wait3A_566] : memref<4096xi32, #tpu.memory_space<hbm>> -> memref<4096xi32, #tpu.memory_space<hbm>>
      tpu.wait_indirect_dma semaphore(%arg14 : memref<!tpu.dma_semaphore, #tpu.memory_space<semaphore_mem>>) src(%dma_wait3A_562 : memref<128xi32, #tpu.memory_space<vmem>>) dst(%dma_wait3A_567 : memref<4096xi32, #tpu.memory_space<hbm>>)
      %dma_start3A_568 = arith.constant 8 : i32
      %dma_start3A_569 = arith.constant 0 : i32
      %dma_start3A_570 = tpu.memref_slice %arg12[%dma_start3A_568, %dma_start3A_569] : memref<16x128xi32, #tpu.memory_space<vmem>> -> memref<1x128xi32, #tpu.memory_space<vmem>>
      %dma_start3A_571 = tpu.memref_squeeze %dma_start3A_570 : memref<1x128xi32, #tpu.memory_space<vmem>> -> memref<128xi32, #tpu.memory_space<vmem>>
      %dma_start3A_572 = arith.constant 0 : i32
      %dma_start3A_573 = arith.constant 0 : i32
      %dma_start3A_574 = tpu.memref_slice %arg4[%dma_start3A_572, %dma_start3A_573] : memref<50000x64xf32, #tpu.memory_space<hbm>> -> memref<50000x64xf32, #tpu.memory_space<hbm>>
      tpu.enqueue_indirect_dma source(%dma_start3A_574 : memref<50000x64xf32, #tpu.memory_space<hbm>>) target(%arg13 : memref<128x64xf32, #tpu.memory_space<vmem>>) offsets(%dma_start3A_571 : memref<128xi32, #tpu.memory_space<vmem>>) semaphore(%arg14 : memref<!tpu.dma_semaphore, #tpu.memory_space<semaphore_mem>>)
      %dma_wait3A_575 = arith.constant 8 : i32
      %dma_wait3A_576 = arith.constant 0 : i32
      %dma_wait3A_577 = tpu.memref_slice %arg12[%dma_wait3A_575, %dma_wait3A_576] : memref<16x128xi32, #tpu.memory_space<vmem>> -> memref<1x128xi32, #tpu.memory_space<vmem>>
      %dma_wait3A_578 = tpu.memref_squeeze %dma_wait3A_577 : memref<1x128xi32, #tpu.memory_space<vmem>> -> memref<128xi32, #tpu.memory_space<vmem>>
      %dma_wait3A_579 = arith.constant 0 : i32
      %dma_wait3A_580 = arith.constant 0 : i32
      %dma_wait3A_581 = tpu.memref_slice %arg4[%dma_wait3A_579, %dma_wait3A_580] : memref<50000x64xf32, #tpu.memory_space<hbm>> -> memref<50000x64xf32, #tpu.memory_space<hbm>>
      tpu.wait_indirect_dma semaphore(%arg14 : memref<!tpu.dma_semaphore, #tpu.memory_space<semaphore_mem>>) src(%dma_wait3A_581 : memref<50000x64xf32, #tpu.memory_space<hbm>>) dst(%arg13 : memref<128x64xf32, #tpu.memory_space<vmem>>)
      %dma_start3A_582 = arith.constant 8 : i32
      %dma_start3A_583 = arith.constant 0 : i32
      %dma_start3A_584 = tpu.memref_slice %arg11[%dma_start3A_582, %dma_start3A_583] : memref<16x128xi32, #tpu.memory_space<vmem>> -> memref<1x128xi32, #tpu.memory_space<vmem>>
      %dma_start3A_585 = tpu.memref_squeeze %dma_start3A_584 : memref<1x128xi32, #tpu.memory_space<vmem>> -> memref<128xi32, #tpu.memory_space<vmem>>
      %dma_start3A_586 = arith.constant 0 : i32
      %dma_start3A_587 = arith.constant 0 : i32
      %dma_start3A_588 = tpu.memref_slice %arg7[%dma_start3A_586, %dma_start3A_587] : memref<4096x64xf32, #tpu.memory_space<hbm>> -> memref<4096x64xf32, #tpu.memory_space<hbm>>
      tpu.enqueue_indirect_dma source(%arg13 : memref<128x64xf32, #tpu.memory_space<vmem>>) target(%dma_start3A_588 : memref<4096x64xf32, #tpu.memory_space<hbm>>) offsets(%dma_start3A_585 : memref<128xi32, #tpu.memory_space<vmem>>) semaphore(%arg14 : memref<!tpu.dma_semaphore, #tpu.memory_space<semaphore_mem>>)
      %dma_wait3A_589 = arith.constant 8 : i32
      %dma_wait3A_590 = arith.constant 0 : i32
      %dma_wait3A_591 = tpu.memref_slice %arg11[%dma_wait3A_589, %dma_wait3A_590] : memref<16x128xi32, #tpu.memory_space<vmem>> -> memref<1x128xi32, #tpu.memory_space<vmem>>
      %dma_wait3A_592 = tpu.memref_squeeze %dma_wait3A_591 : memref<1x128xi32, #tpu.memory_space<vmem>> -> memref<128xi32, #tpu.memory_space<vmem>>
      %dma_wait3A_593 = arith.constant 0 : i32
      %dma_wait3A_594 = arith.constant 0 : i32
      %dma_wait3A_595 = tpu.memref_slice %arg7[%dma_wait3A_593, %dma_wait3A_594] : memref<4096x64xf32, #tpu.memory_space<hbm>> -> memref<4096x64xf32, #tpu.memory_space<hbm>>
      tpu.wait_indirect_dma semaphore(%arg14 : memref<!tpu.dma_semaphore, #tpu.memory_space<semaphore_mem>>) src(%arg13 : memref<128x64xf32, #tpu.memory_space<vmem>>) dst(%dma_wait3A_595 : memref<4096x64xf32, #tpu.memory_space<hbm>>)
      %dma_start3A_596 = arith.constant 9 : i32
      %dma_start3A_597 = arith.constant 1152 : i32
      %dma_start3A_598 = tpu.memref_slice %arg8[%dma_start3A_597] : memref<2048xf32, #tpu.memory_space<vmem>> -> memref<128xf32, #tpu.memory_space<vmem>>
      %dma_start3A_599 = arith.constant 0 : i32
      %dma_start3A_600 = tpu.memref_slice %arg11[%dma_start3A_596, %dma_start3A_599] : memref<16x128xi32, #tpu.memory_space<vmem>> -> memref<1x128xi32, #tpu.memory_space<vmem>>
      %dma_start3A_601 = tpu.memref_squeeze %dma_start3A_600 : memref<1x128xi32, #tpu.memory_space<vmem>> -> memref<128xi32, #tpu.memory_space<vmem>>
      %dma_start3A_602 = arith.constant 0 : i32
      %dma_start3A_603 = tpu.memref_slice %arg5[%dma_start3A_602] : memref<4096xf32, #tpu.memory_space<hbm>> -> memref<4096xf32, #tpu.memory_space<hbm>>
      tpu.enqueue_indirect_dma source(%dma_start3A_598 : memref<128xf32, #tpu.memory_space<vmem>>) target(%dma_start3A_603 : memref<4096xf32, #tpu.memory_space<hbm>>) offsets(%dma_start3A_601 : memref<128xi32, #tpu.memory_space<vmem>>) semaphore(%arg14 : memref<!tpu.dma_semaphore, #tpu.memory_space<semaphore_mem>>)
      %dma_wait3A_604 = arith.constant 9 : i32
      %dma_wait3A_605 = arith.constant 1152 : i32
      %dma_wait3A_606 = tpu.memref_slice %arg8[%dma_wait3A_605] : memref<2048xf32, #tpu.memory_space<vmem>> -> memref<128xf32, #tpu.memory_space<vmem>>
      %dma_wait3A_607 = arith.constant 0 : i32
      %dma_wait3A_608 = tpu.memref_slice %arg11[%dma_wait3A_604, %dma_wait3A_607] : memref<16x128xi32, #tpu.memory_space<vmem>> -> memref<1x128xi32, #tpu.memory_space<vmem>>
      %dma_wait3A_609 = tpu.memref_squeeze %dma_wait3A_608 : memref<1x128xi32, #tpu.memory_space<vmem>> -> memref<128xi32, #tpu.memory_space<vmem>>
      %dma_wait3A_610 = arith.constant 0 : i32
      %dma_wait3A_611 = tpu.memref_slice %arg5[%dma_wait3A_610] : memref<4096xf32, #tpu.memory_space<hbm>> -> memref<4096xf32, #tpu.memory_space<hbm>>
      tpu.wait_indirect_dma semaphore(%arg14 : memref<!tpu.dma_semaphore, #tpu.memory_space<semaphore_mem>>) src(%dma_wait3A_606 : memref<128xf32, #tpu.memory_space<vmem>>) dst(%dma_wait3A_611 : memref<4096xf32, #tpu.memory_space<hbm>>)
      %dma_start3A_612 = arith.constant 9 : i32
      %dma_start3A_613 = arith.constant 9 : i32
      %dma_start3A_614 = arith.constant 0 : i32
      %dma_start3A_615 = tpu.memref_slice %arg12[%dma_start3A_612, %dma_start3A_614] : memref<16x128xi32, #tpu.memory_space<vmem>> -> memref<1x128xi32, #tpu.memory_space<vmem>>
      %dma_start3A_616 = tpu.memref_squeeze %dma_start3A_615 : memref<1x128xi32, #tpu.memory_space<vmem>> -> memref<128xi32, #tpu.memory_space<vmem>>
      %dma_start3A_617 = arith.constant 0 : i32
      %dma_start3A_618 = tpu.memref_slice %arg11[%dma_start3A_613, %dma_start3A_617] : memref<16x128xi32, #tpu.memory_space<vmem>> -> memref<1x128xi32, #tpu.memory_space<vmem>>
      %dma_start3A_619 = tpu.memref_squeeze %dma_start3A_618 : memref<1x128xi32, #tpu.memory_space<vmem>> -> memref<128xi32, #tpu.memory_space<vmem>>
      %dma_start3A_620 = arith.constant 0 : i32
      %dma_start3A_621 = tpu.memref_slice %arg6[%dma_start3A_620] : memref<4096xi32, #tpu.memory_space<hbm>> -> memref<4096xi32, #tpu.memory_space<hbm>>
      tpu.enqueue_indirect_dma source(%dma_start3A_616 : memref<128xi32, #tpu.memory_space<vmem>>) target(%dma_start3A_621 : memref<4096xi32, #tpu.memory_space<hbm>>) offsets(%dma_start3A_619 : memref<128xi32, #tpu.memory_space<vmem>>) semaphore(%arg14 : memref<!tpu.dma_semaphore, #tpu.memory_space<semaphore_mem>>)
      %dma_wait3A_622 = arith.constant 9 : i32
      %dma_wait3A_623 = arith.constant 9 : i32
      %dma_wait3A_624 = arith.constant 0 : i32
      %dma_wait3A_625 = tpu.memref_slice %arg12[%dma_wait3A_622, %dma_wait3A_624] : memref<16x128xi32, #tpu.memory_space<vmem>> -> memref<1x128xi32, #tpu.memory_space<vmem>>
      %dma_wait3A_626 = tpu.memref_squeeze %dma_wait3A_625 : memref<1x128xi32, #tpu.memory_space<vmem>> -> memref<128xi32, #tpu.memory_space<vmem>>
      %dma_wait3A_627 = arith.constant 0 : i32
      %dma_wait3A_628 = tpu.memref_slice %arg11[%dma_wait3A_623, %dma_wait3A_627] : memref<16x128xi32, #tpu.memory_space<vmem>> -> memref<1x128xi32, #tpu.memory_space<vmem>>
      %dma_wait3A_629 = tpu.memref_squeeze %dma_wait3A_628 : memref<1x128xi32, #tpu.memory_space<vmem>> -> memref<128xi32, #tpu.memory_space<vmem>>
      %dma_wait3A_630 = arith.constant 0 : i32
      %dma_wait3A_631 = tpu.memref_slice %arg6[%dma_wait3A_630] : memref<4096xi32, #tpu.memory_space<hbm>> -> memref<4096xi32, #tpu.memory_space<hbm>>
      tpu.wait_indirect_dma semaphore(%arg14 : memref<!tpu.dma_semaphore, #tpu.memory_space<semaphore_mem>>) src(%dma_wait3A_626 : memref<128xi32, #tpu.memory_space<vmem>>) dst(%dma_wait3A_631 : memref<4096xi32, #tpu.memory_space<hbm>>)
      %dma_start3A_632 = arith.constant 9 : i32
      %dma_start3A_633 = arith.constant 0 : i32
      %dma_start3A_634 = tpu.memref_slice %arg12[%dma_start3A_632, %dma_start3A_633] : memref<16x128xi32, #tpu.memory_space<vmem>> -> memref<1x128xi32, #tpu.memory_space<vmem>>
      %dma_start3A_635 = tpu.memref_squeeze %dma_start3A_634 : memref<1x128xi32, #tpu.memory_space<vmem>> -> memref<128xi32, #tpu.memory_space<vmem>>
      %dma_start3A_636 = arith.constant 0 : i32
      %dma_start3A_637 = arith.constant 0 : i32
      %dma_start3A_638 = tpu.memref_slice %arg4[%dma_start3A_636, %dma_start3A_637] : memref<50000x64xf32, #tpu.memory_space<hbm>> -> memref<50000x64xf32, #tpu.memory_space<hbm>>
      tpu.enqueue_indirect_dma source(%dma_start3A_638 : memref<50000x64xf32, #tpu.memory_space<hbm>>) target(%arg13 : memref<128x64xf32, #tpu.memory_space<vmem>>) offsets(%dma_start3A_635 : memref<128xi32, #tpu.memory_space<vmem>>) semaphore(%arg14 : memref<!tpu.dma_semaphore, #tpu.memory_space<semaphore_mem>>)
      %dma_wait3A_639 = arith.constant 9 : i32
      %dma_wait3A_640 = arith.constant 0 : i32
      %dma_wait3A_641 = tpu.memref_slice %arg12[%dma_wait3A_639, %dma_wait3A_640] : memref<16x128xi32, #tpu.memory_space<vmem>> -> memref<1x128xi32, #tpu.memory_space<vmem>>
      %dma_wait3A_642 = tpu.memref_squeeze %dma_wait3A_641 : memref<1x128xi32, #tpu.memory_space<vmem>> -> memref<128xi32, #tpu.memory_space<vmem>>
      %dma_wait3A_643 = arith.constant 0 : i32
      %dma_wait3A_644 = arith.constant 0 : i32
      %dma_wait3A_645 = tpu.memref_slice %arg4[%dma_wait3A_643, %dma_wait3A_644] : memref<50000x64xf32, #tpu.memory_space<hbm>> -> memref<50000x64xf32, #tpu.memory_space<hbm>>
      tpu.wait_indirect_dma semaphore(%arg14 : memref<!tpu.dma_semaphore, #tpu.memory_space<semaphore_mem>>) src(%dma_wait3A_645 : memref<50000x64xf32, #tpu.memory_space<hbm>>) dst(%arg13 : memref<128x64xf32, #tpu.memory_space<vmem>>)
      %dma_start3A_646 = arith.constant 9 : i32
      %dma_start3A_647 = arith.constant 0 : i32
      %dma_start3A_648 = tpu.memref_slice %arg11[%dma_start3A_646, %dma_start3A_647] : memref<16x128xi32, #tpu.memory_space<vmem>> -> memref<1x128xi32, #tpu.memory_space<vmem>>
      %dma_start3A_649 = tpu.memref_squeeze %dma_start3A_648 : memref<1x128xi32, #tpu.memory_space<vmem>> -> memref<128xi32, #tpu.memory_space<vmem>>
      %dma_start3A_650 = arith.constant 0 : i32
      %dma_start3A_651 = arith.constant 0 : i32
      %dma_start3A_652 = tpu.memref_slice %arg7[%dma_start3A_650, %dma_start3A_651] : memref<4096x64xf32, #tpu.memory_space<hbm>> -> memref<4096x64xf32, #tpu.memory_space<hbm>>
      tpu.enqueue_indirect_dma source(%arg13 : memref<128x64xf32, #tpu.memory_space<vmem>>) target(%dma_start3A_652 : memref<4096x64xf32, #tpu.memory_space<hbm>>) offsets(%dma_start3A_649 : memref<128xi32, #tpu.memory_space<vmem>>) semaphore(%arg14 : memref<!tpu.dma_semaphore, #tpu.memory_space<semaphore_mem>>)
      %dma_wait3A_653 = arith.constant 9 : i32
      %dma_wait3A_654 = arith.constant 0 : i32
      %dma_wait3A_655 = tpu.memref_slice %arg11[%dma_wait3A_653, %dma_wait3A_654] : memref<16x128xi32, #tpu.memory_space<vmem>> -> memref<1x128xi32, #tpu.memory_space<vmem>>
      %dma_wait3A_656 = tpu.memref_squeeze %dma_wait3A_655 : memref<1x128xi32, #tpu.memory_space<vmem>> -> memref<128xi32, #tpu.memory_space<vmem>>
      %dma_wait3A_657 = arith.constant 0 : i32
      %dma_wait3A_658 = arith.constant 0 : i32
      %dma_wait3A_659 = tpu.memref_slice %arg7[%dma_wait3A_657, %dma_wait3A_658] : memref<4096x64xf32, #tpu.memory_space<hbm>> -> memref<4096x64xf32, #tpu.memory_space<hbm>>
      tpu.wait_indirect_dma semaphore(%arg14 : memref<!tpu.dma_semaphore, #tpu.memory_space<semaphore_mem>>) src(%arg13 : memref<128x64xf32, #tpu.memory_space<vmem>>) dst(%dma_wait3A_659 : memref<4096x64xf32, #tpu.memory_space<hbm>>)
      %dma_start3A_660 = arith.constant 10 : i32
      %dma_start3A_661 = arith.constant 1280 : i32
      %dma_start3A_662 = tpu.memref_slice %arg8[%dma_start3A_661] : memref<2048xf32, #tpu.memory_space<vmem>> -> memref<128xf32, #tpu.memory_space<vmem>>
      %dma_start3A_663 = arith.constant 0 : i32
      %dma_start3A_664 = tpu.memref_slice %arg11[%dma_start3A_660, %dma_start3A_663] : memref<16x128xi32, #tpu.memory_space<vmem>> -> memref<1x128xi32, #tpu.memory_space<vmem>>
      %dma_start3A_665 = tpu.memref_squeeze %dma_start3A_664 : memref<1x128xi32, #tpu.memory_space<vmem>> -> memref<128xi32, #tpu.memory_space<vmem>>
      %dma_start3A_666 = arith.constant 0 : i32
      %dma_start3A_667 = tpu.memref_slice %arg5[%dma_start3A_666] : memref<4096xf32, #tpu.memory_space<hbm>> -> memref<4096xf32, #tpu.memory_space<hbm>>
      tpu.enqueue_indirect_dma source(%dma_start3A_662 : memref<128xf32, #tpu.memory_space<vmem>>) target(%dma_start3A_667 : memref<4096xf32, #tpu.memory_space<hbm>>) offsets(%dma_start3A_665 : memref<128xi32, #tpu.memory_space<vmem>>) semaphore(%arg14 : memref<!tpu.dma_semaphore, #tpu.memory_space<semaphore_mem>>)
      %dma_wait3A_668 = arith.constant 10 : i32
      %dma_wait3A_669 = arith.constant 1280 : i32
      %dma_wait3A_670 = tpu.memref_slice %arg8[%dma_wait3A_669] : memref<2048xf32, #tpu.memory_space<vmem>> -> memref<128xf32, #tpu.memory_space<vmem>>
      %dma_wait3A_671 = arith.constant 0 : i32
      %dma_wait3A_672 = tpu.memref_slice %arg11[%dma_wait3A_668, %dma_wait3A_671] : memref<16x128xi32, #tpu.memory_space<vmem>> -> memref<1x128xi32, #tpu.memory_space<vmem>>
      %dma_wait3A_673 = tpu.memref_squeeze %dma_wait3A_672 : memref<1x128xi32, #tpu.memory_space<vmem>> -> memref<128xi32, #tpu.memory_space<vmem>>
      %dma_wait3A_674 = arith.constant 0 : i32
      %dma_wait3A_675 = tpu.memref_slice %arg5[%dma_wait3A_674] : memref<4096xf32, #tpu.memory_space<hbm>> -> memref<4096xf32, #tpu.memory_space<hbm>>
      tpu.wait_indirect_dma semaphore(%arg14 : memref<!tpu.dma_semaphore, #tpu.memory_space<semaphore_mem>>) src(%dma_wait3A_670 : memref<128xf32, #tpu.memory_space<vmem>>) dst(%dma_wait3A_675 : memref<4096xf32, #tpu.memory_space<hbm>>)
      %dma_start3A_676 = arith.constant 10 : i32
      %dma_start3A_677 = arith.constant 10 : i32
      %dma_start3A_678 = arith.constant 0 : i32
      %dma_start3A_679 = tpu.memref_slice %arg12[%dma_start3A_676, %dma_start3A_678] : memref<16x128xi32, #tpu.memory_space<vmem>> -> memref<1x128xi32, #tpu.memory_space<vmem>>
      %dma_start3A_680 = tpu.memref_squeeze %dma_start3A_679 : memref<1x128xi32, #tpu.memory_space<vmem>> -> memref<128xi32, #tpu.memory_space<vmem>>
      %dma_start3A_681 = arith.constant 0 : i32
      %dma_start3A_682 = tpu.memref_slice %arg11[%dma_start3A_677, %dma_start3A_681] : memref<16x128xi32, #tpu.memory_space<vmem>> -> memref<1x128xi32, #tpu.memory_space<vmem>>
      %dma_start3A_683 = tpu.memref_squeeze %dma_start3A_682 : memref<1x128xi32, #tpu.memory_space<vmem>> -> memref<128xi32, #tpu.memory_space<vmem>>
      %dma_start3A_684 = arith.constant 0 : i32
      %dma_start3A_685 = tpu.memref_slice %arg6[%dma_start3A_684] : memref<4096xi32, #tpu.memory_space<hbm>> -> memref<4096xi32, #tpu.memory_space<hbm>>
      tpu.enqueue_indirect_dma source(%dma_start3A_680 : memref<128xi32, #tpu.memory_space<vmem>>) target(%dma_start3A_685 : memref<4096xi32, #tpu.memory_space<hbm>>) offsets(%dma_start3A_683 : memref<128xi32, #tpu.memory_space<vmem>>) semaphore(%arg14 : memref<!tpu.dma_semaphore, #tpu.memory_space<semaphore_mem>>)
      %dma_wait3A_686 = arith.constant 10 : i32
      %dma_wait3A_687 = arith.constant 10 : i32
      %dma_wait3A_688 = arith.constant 0 : i32
      %dma_wait3A_689 = tpu.memref_slice %arg12[%dma_wait3A_686, %dma_wait3A_688] : memref<16x128xi32, #tpu.memory_space<vmem>> -> memref<1x128xi32, #tpu.memory_space<vmem>>
      %dma_wait3A_690 = tpu.memref_squeeze %dma_wait3A_689 : memref<1x128xi32, #tpu.memory_space<vmem>> -> memref<128xi32, #tpu.memory_space<vmem>>
      %dma_wait3A_691 = arith.constant 0 : i32
      %dma_wait3A_692 = tpu.memref_slice %arg11[%dma_wait3A_687, %dma_wait3A_691] : memref<16x128xi32, #tpu.memory_space<vmem>> -> memref<1x128xi32, #tpu.memory_space<vmem>>
      %dma_wait3A_693 = tpu.memref_squeeze %dma_wait3A_692 : memref<1x128xi32, #tpu.memory_space<vmem>> -> memref<128xi32, #tpu.memory_space<vmem>>
      %dma_wait3A_694 = arith.constant 0 : i32
      %dma_wait3A_695 = tpu.memref_slice %arg6[%dma_wait3A_694] : memref<4096xi32, #tpu.memory_space<hbm>> -> memref<4096xi32, #tpu.memory_space<hbm>>
      tpu.wait_indirect_dma semaphore(%arg14 : memref<!tpu.dma_semaphore, #tpu.memory_space<semaphore_mem>>) src(%dma_wait3A_690 : memref<128xi32, #tpu.memory_space<vmem>>) dst(%dma_wait3A_695 : memref<4096xi32, #tpu.memory_space<hbm>>)
      %dma_start3A_696 = arith.constant 10 : i32
      %dma_start3A_697 = arith.constant 0 : i32
      %dma_start3A_698 = tpu.memref_slice %arg12[%dma_start3A_696, %dma_start3A_697] : memref<16x128xi32, #tpu.memory_space<vmem>> -> memref<1x128xi32, #tpu.memory_space<vmem>>
      %dma_start3A_699 = tpu.memref_squeeze %dma_start3A_698 : memref<1x128xi32, #tpu.memory_space<vmem>> -> memref<128xi32, #tpu.memory_space<vmem>>
      %dma_start3A_700 = arith.constant 0 : i32
      %dma_start3A_701 = arith.constant 0 : i32
      %dma_start3A_702 = tpu.memref_slice %arg4[%dma_start3A_700, %dma_start3A_701] : memref<50000x64xf32, #tpu.memory_space<hbm>> -> memref<50000x64xf32, #tpu.memory_space<hbm>>
      tpu.enqueue_indirect_dma source(%dma_start3A_702 : memref<50000x64xf32, #tpu.memory_space<hbm>>) target(%arg13 : memref<128x64xf32, #tpu.memory_space<vmem>>) offsets(%dma_start3A_699 : memref<128xi32, #tpu.memory_space<vmem>>) semaphore(%arg14 : memref<!tpu.dma_semaphore, #tpu.memory_space<semaphore_mem>>)
      %dma_wait3A_703 = arith.constant 10 : i32
      %dma_wait3A_704 = arith.constant 0 : i32
      %dma_wait3A_705 = tpu.memref_slice %arg12[%dma_wait3A_703, %dma_wait3A_704] : memref<16x128xi32, #tpu.memory_space<vmem>> -> memref<1x128xi32, #tpu.memory_space<vmem>>
      %dma_wait3A_706 = tpu.memref_squeeze %dma_wait3A_705 : memref<1x128xi32, #tpu.memory_space<vmem>> -> memref<128xi32, #tpu.memory_space<vmem>>
      %dma_wait3A_707 = arith.constant 0 : i32
      %dma_wait3A_708 = arith.constant 0 : i32
      %dma_wait3A_709 = tpu.memref_slice %arg4[%dma_wait3A_707, %dma_wait3A_708] : memref<50000x64xf32, #tpu.memory_space<hbm>> -> memref<50000x64xf32, #tpu.memory_space<hbm>>
      tpu.wait_indirect_dma semaphore(%arg14 : memref<!tpu.dma_semaphore, #tpu.memory_space<semaphore_mem>>) src(%dma_wait3A_709 : memref<50000x64xf32, #tpu.memory_space<hbm>>) dst(%arg13 : memref<128x64xf32, #tpu.memory_space<vmem>>)
      %dma_start3A_710 = arith.constant 10 : i32
      %dma_start3A_711 = arith.constant 0 : i32
      %dma_start3A_712 = tpu.memref_slice %arg11[%dma_start3A_710, %dma_start3A_711] : memref<16x128xi32, #tpu.memory_space<vmem>> -> memref<1x128xi32, #tpu.memory_space<vmem>>
      %dma_start3A_713 = tpu.memref_squeeze %dma_start3A_712 : memref<1x128xi32, #tpu.memory_space<vmem>> -> memref<128xi32, #tpu.memory_space<vmem>>
      %dma_start3A_714 = arith.constant 0 : i32
      %dma_start3A_715 = arith.constant 0 : i32
      %dma_start3A_716 = tpu.memref_slice %arg7[%dma_start3A_714, %dma_start3A_715] : memref<4096x64xf32, #tpu.memory_space<hbm>> -> memref<4096x64xf32, #tpu.memory_space<hbm>>
      tpu.enqueue_indirect_dma source(%arg13 : memref<128x64xf32, #tpu.memory_space<vmem>>) target(%dma_start3A_716 : memref<4096x64xf32, #tpu.memory_space<hbm>>) offsets(%dma_start3A_713 : memref<128xi32, #tpu.memory_space<vmem>>) semaphore(%arg14 : memref<!tpu.dma_semaphore, #tpu.memory_space<semaphore_mem>>)
      %dma_wait3A_717 = arith.constant 10 : i32
      %dma_wait3A_718 = arith.constant 0 : i32
      %dma_wait3A_719 = tpu.memref_slice %arg11[%dma_wait3A_717, %dma_wait3A_718] : memref<16x128xi32, #tpu.memory_space<vmem>> -> memref<1x128xi32, #tpu.memory_space<vmem>>
      %dma_wait3A_720 = tpu.memref_squeeze %dma_wait3A_719 : memref<1x128xi32, #tpu.memory_space<vmem>> -> memref<128xi32, #tpu.memory_space<vmem>>
      %dma_wait3A_721 = arith.constant 0 : i32
      %dma_wait3A_722 = arith.constant 0 : i32
      %dma_wait3A_723 = tpu.memref_slice %arg7[%dma_wait3A_721, %dma_wait3A_722] : memref<4096x64xf32, #tpu.memory_space<hbm>> -> memref<4096x64xf32, #tpu.memory_space<hbm>>
      tpu.wait_indirect_dma semaphore(%arg14 : memref<!tpu.dma_semaphore, #tpu.memory_space<semaphore_mem>>) src(%arg13 : memref<128x64xf32, #tpu.memory_space<vmem>>) dst(%dma_wait3A_723 : memref<4096x64xf32, #tpu.memory_space<hbm>>)
      %dma_start3A_724 = arith.constant 11 : i32
      %dma_start3A_725 = arith.constant 1408 : i32
      %dma_start3A_726 = tpu.memref_slice %arg8[%dma_start3A_725] : memref<2048xf32, #tpu.memory_space<vmem>> -> memref<128xf32, #tpu.memory_space<vmem>>
      %dma_start3A_727 = arith.constant 0 : i32
      %dma_start3A_728 = tpu.memref_slice %arg11[%dma_start3A_724, %dma_start3A_727] : memref<16x128xi32, #tpu.memory_space<vmem>> -> memref<1x128xi32, #tpu.memory_space<vmem>>
      %dma_start3A_729 = tpu.memref_squeeze %dma_start3A_728 : memref<1x128xi32, #tpu.memory_space<vmem>> -> memref<128xi32, #tpu.memory_space<vmem>>
      %dma_start3A_730 = arith.constant 0 : i32
      %dma_start3A_731 = tpu.memref_slice %arg5[%dma_start3A_730] : memref<4096xf32, #tpu.memory_space<hbm>> -> memref<4096xf32, #tpu.memory_space<hbm>>
      tpu.enqueue_indirect_dma source(%dma_start3A_726 : memref<128xf32, #tpu.memory_space<vmem>>) target(%dma_start3A_731 : memref<4096xf32, #tpu.memory_space<hbm>>) offsets(%dma_start3A_729 : memref<128xi32, #tpu.memory_space<vmem>>) semaphore(%arg14 : memref<!tpu.dma_semaphore, #tpu.memory_space<semaphore_mem>>)
      %dma_wait3A_732 = arith.constant 11 : i32
      %dma_wait3A_733 = arith.constant 1408 : i32
      %dma_wait3A_734 = tpu.memref_slice %arg8[%dma_wait3A_733] : memref<2048xf32, #tpu.memory_space<vmem>> -> memref<128xf32, #tpu.memory_space<vmem>>
      %dma_wait3A_735 = arith.constant 0 : i32
      %dma_wait3A_736 = tpu.memref_slice %arg11[%dma_wait3A_732, %dma_wait3A_735] : memref<16x128xi32, #tpu.memory_space<vmem>> -> memref<1x128xi32, #tpu.memory_space<vmem>>
      %dma_wait3A_737 = tpu.memref_squeeze %dma_wait3A_736 : memref<1x128xi32, #tpu.memory_space<vmem>> -> memref<128xi32, #tpu.memory_space<vmem>>
      %dma_wait3A_738 = arith.constant 0 : i32
      %dma_wait3A_739 = tpu.memref_slice %arg5[%dma_wait3A_738] : memref<4096xf32, #tpu.memory_space<hbm>> -> memref<4096xf32, #tpu.memory_space<hbm>>
      tpu.wait_indirect_dma semaphore(%arg14 : memref<!tpu.dma_semaphore, #tpu.memory_space<semaphore_mem>>) src(%dma_wait3A_734 : memref<128xf32, #tpu.memory_space<vmem>>) dst(%dma_wait3A_739 : memref<4096xf32, #tpu.memory_space<hbm>>)
      %dma_start3A_740 = arith.constant 11 : i32
      %dma_start3A_741 = arith.constant 11 : i32
      %dma_start3A_742 = arith.constant 0 : i32
      %dma_start3A_743 = tpu.memref_slice %arg12[%dma_start3A_740, %dma_start3A_742] : memref<16x128xi32, #tpu.memory_space<vmem>> -> memref<1x128xi32, #tpu.memory_space<vmem>>
      %dma_start3A_744 = tpu.memref_squeeze %dma_start3A_743 : memref<1x128xi32, #tpu.memory_space<vmem>> -> memref<128xi32, #tpu.memory_space<vmem>>
      %dma_start3A_745 = arith.constant 0 : i32
      %dma_start3A_746 = tpu.memref_slice %arg11[%dma_start3A_741, %dma_start3A_745] : memref<16x128xi32, #tpu.memory_space<vmem>> -> memref<1x128xi32, #tpu.memory_space<vmem>>
      %dma_start3A_747 = tpu.memref_squeeze %dma_start3A_746 : memref<1x128xi32, #tpu.memory_space<vmem>> -> memref<128xi32, #tpu.memory_space<vmem>>
      %dma_start3A_748 = arith.constant 0 : i32
      %dma_start3A_749 = tpu.memref_slice %arg6[%dma_start3A_748] : memref<4096xi32, #tpu.memory_space<hbm>> -> memref<4096xi32, #tpu.memory_space<hbm>>
      tpu.enqueue_indirect_dma source(%dma_start3A_744 : memref<128xi32, #tpu.memory_space<vmem>>) target(%dma_start3A_749 : memref<4096xi32, #tpu.memory_space<hbm>>) offsets(%dma_start3A_747 : memref<128xi32, #tpu.memory_space<vmem>>) semaphore(%arg14 : memref<!tpu.dma_semaphore, #tpu.memory_space<semaphore_mem>>)
      %dma_wait3A_750 = arith.constant 11 : i32
      %dma_wait3A_751 = arith.constant 11 : i32
      %dma_wait3A_752 = arith.constant 0 : i32
      %dma_wait3A_753 = tpu.memref_slice %arg12[%dma_wait3A_750, %dma_wait3A_752] : memref<16x128xi32, #tpu.memory_space<vmem>> -> memref<1x128xi32, #tpu.memory_space<vmem>>
      %dma_wait3A_754 = tpu.memref_squeeze %dma_wait3A_753 : memref<1x128xi32, #tpu.memory_space<vmem>> -> memref<128xi32, #tpu.memory_space<vmem>>
      %dma_wait3A_755 = arith.constant 0 : i32
      %dma_wait3A_756 = tpu.memref_slice %arg11[%dma_wait3A_751, %dma_wait3A_755] : memref<16x128xi32, #tpu.memory_space<vmem>> -> memref<1x128xi32, #tpu.memory_space<vmem>>
      %dma_wait3A_757 = tpu.memref_squeeze %dma_wait3A_756 : memref<1x128xi32, #tpu.memory_space<vmem>> -> memref<128xi32, #tpu.memory_space<vmem>>
      %dma_wait3A_758 = arith.constant 0 : i32
      %dma_wait3A_759 = tpu.memref_slice %arg6[%dma_wait3A_758] : memref<4096xi32, #tpu.memory_space<hbm>> -> memref<4096xi32, #tpu.memory_space<hbm>>
      tpu.wait_indirect_dma semaphore(%arg14 : memref<!tpu.dma_semaphore, #tpu.memory_space<semaphore_mem>>) src(%dma_wait3A_754 : memref<128xi32, #tpu.memory_space<vmem>>) dst(%dma_wait3A_759 : memref<4096xi32, #tpu.memory_space<hbm>>)
      %dma_start3A_760 = arith.constant 11 : i32
      %dma_start3A_761 = arith.constant 0 : i32
      %dma_start3A_762 = tpu.memref_slice %arg12[%dma_start3A_760, %dma_start3A_761] : memref<16x128xi32, #tpu.memory_space<vmem>> -> memref<1x128xi32, #tpu.memory_space<vmem>>
      %dma_start3A_763 = tpu.memref_squeeze %dma_start3A_762 : memref<1x128xi32, #tpu.memory_space<vmem>> -> memref<128xi32, #tpu.memory_space<vmem>>
      %dma_start3A_764 = arith.constant 0 : i32
      %dma_start3A_765 = arith.constant 0 : i32
      %dma_start3A_766 = tpu.memref_slice %arg4[%dma_start3A_764, %dma_start3A_765] : memref<50000x64xf32, #tpu.memory_space<hbm>> -> memref<50000x64xf32, #tpu.memory_space<hbm>>
      tpu.enqueue_indirect_dma source(%dma_start3A_766 : memref<50000x64xf32, #tpu.memory_space<hbm>>) target(%arg13 : memref<128x64xf32, #tpu.memory_space<vmem>>) offsets(%dma_start3A_763 : memref<128xi32, #tpu.memory_space<vmem>>) semaphore(%arg14 : memref<!tpu.dma_semaphore, #tpu.memory_space<semaphore_mem>>)
      %dma_wait3A_767 = arith.constant 11 : i32
      %dma_wait3A_768 = arith.constant 0 : i32
      %dma_wait3A_769 = tpu.memref_slice %arg12[%dma_wait3A_767, %dma_wait3A_768] : memref<16x128xi32, #tpu.memory_space<vmem>> -> memref<1x128xi32, #tpu.memory_space<vmem>>
      %dma_wait3A_770 = tpu.memref_squeeze %dma_wait3A_769 : memref<1x128xi32, #tpu.memory_space<vmem>> -> memref<128xi32, #tpu.memory_space<vmem>>
      %dma_wait3A_771 = arith.constant 0 : i32
      %dma_wait3A_772 = arith.constant 0 : i32
      %dma_wait3A_773 = tpu.memref_slice %arg4[%dma_wait3A_771, %dma_wait3A_772] : memref<50000x64xf32, #tpu.memory_space<hbm>> -> memref<50000x64xf32, #tpu.memory_space<hbm>>
      tpu.wait_indirect_dma semaphore(%arg14 : memref<!tpu.dma_semaphore, #tpu.memory_space<semaphore_mem>>) src(%dma_wait3A_773 : memref<50000x64xf32, #tpu.memory_space<hbm>>) dst(%arg13 : memref<128x64xf32, #tpu.memory_space<vmem>>)
      %dma_start3A_774 = arith.constant 11 : i32
      %dma_start3A_775 = arith.constant 0 : i32
      %dma_start3A_776 = tpu.memref_slice %arg11[%dma_start3A_774, %dma_start3A_775] : memref<16x128xi32, #tpu.memory_space<vmem>> -> memref<1x128xi32, #tpu.memory_space<vmem>>
      %dma_start3A_777 = tpu.memref_squeeze %dma_start3A_776 : memref<1x128xi32, #tpu.memory_space<vmem>> -> memref<128xi32, #tpu.memory_space<vmem>>
      %dma_start3A_778 = arith.constant 0 : i32
      %dma_start3A_779 = arith.constant 0 : i32
      %dma_start3A_780 = tpu.memref_slice %arg7[%dma_start3A_778, %dma_start3A_779] : memref<4096x64xf32, #tpu.memory_space<hbm>> -> memref<4096x64xf32, #tpu.memory_space<hbm>>
      tpu.enqueue_indirect_dma source(%arg13 : memref<128x64xf32, #tpu.memory_space<vmem>>) target(%dma_start3A_780 : memref<4096x64xf32, #tpu.memory_space<hbm>>) offsets(%dma_start3A_777 : memref<128xi32, #tpu.memory_space<vmem>>) semaphore(%arg14 : memref<!tpu.dma_semaphore, #tpu.memory_space<semaphore_mem>>)
      %dma_wait3A_781 = arith.constant 11 : i32
      %dma_wait3A_782 = arith.constant 0 : i32
      %dma_wait3A_783 = tpu.memref_slice %arg11[%dma_wait3A_781, %dma_wait3A_782] : memref<16x128xi32, #tpu.memory_space<vmem>> -> memref<1x128xi32, #tpu.memory_space<vmem>>
      %dma_wait3A_784 = tpu.memref_squeeze %dma_wait3A_783 : memref<1x128xi32, #tpu.memory_space<vmem>> -> memref<128xi32, #tpu.memory_space<vmem>>
      %dma_wait3A_785 = arith.constant 0 : i32
      %dma_wait3A_786 = arith.constant 0 : i32
      %dma_wait3A_787 = tpu.memref_slice %arg7[%dma_wait3A_785, %dma_wait3A_786] : memref<4096x64xf32, #tpu.memory_space<hbm>> -> memref<4096x64xf32, #tpu.memory_space<hbm>>
      tpu.wait_indirect_dma semaphore(%arg14 : memref<!tpu.dma_semaphore, #tpu.memory_space<semaphore_mem>>) src(%arg13 : memref<128x64xf32, #tpu.memory_space<vmem>>) dst(%dma_wait3A_787 : memref<4096x64xf32, #tpu.memory_space<hbm>>)
      %dma_start3A_788 = arith.constant 12 : i32
      %dma_start3A_789 = arith.constant 1536 : i32
      %dma_start3A_790 = tpu.memref_slice %arg8[%dma_start3A_789] : memref<2048xf32, #tpu.memory_space<vmem>> -> memref<128xf32, #tpu.memory_space<vmem>>
      %dma_start3A_791 = arith.constant 0 : i32
      %dma_start3A_792 = tpu.memref_slice %arg11[%dma_start3A_788, %dma_start3A_791] : memref<16x128xi32, #tpu.memory_space<vmem>> -> memref<1x128xi32, #tpu.memory_space<vmem>>
      %dma_start3A_793 = tpu.memref_squeeze %dma_start3A_792 : memref<1x128xi32, #tpu.memory_space<vmem>> -> memref<128xi32, #tpu.memory_space<vmem>>
      %dma_start3A_794 = arith.constant 0 : i32
      %dma_start3A_795 = tpu.memref_slice %arg5[%dma_start3A_794] : memref<4096xf32, #tpu.memory_space<hbm>> -> memref<4096xf32, #tpu.memory_space<hbm>>
      tpu.enqueue_indirect_dma source(%dma_start3A_790 : memref<128xf32, #tpu.memory_space<vmem>>) target(%dma_start3A_795 : memref<4096xf32, #tpu.memory_space<hbm>>) offsets(%dma_start3A_793 : memref<128xi32, #tpu.memory_space<vmem>>) semaphore(%arg14 : memref<!tpu.dma_semaphore, #tpu.memory_space<semaphore_mem>>)
      %dma_wait3A_796 = arith.constant 12 : i32
      %dma_wait3A_797 = arith.constant 1536 : i32
      %dma_wait3A_798 = tpu.memref_slice %arg8[%dma_wait3A_797] : memref<2048xf32, #tpu.memory_space<vmem>> -> memref<128xf32, #tpu.memory_space<vmem>>
      %dma_wait3A_799 = arith.constant 0 : i32
      %dma_wait3A_800 = tpu.memref_slice %arg11[%dma_wait3A_796, %dma_wait3A_799] : memref<16x128xi32, #tpu.memory_space<vmem>> -> memref<1x128xi32, #tpu.memory_space<vmem>>
      %dma_wait3A_801 = tpu.memref_squeeze %dma_wait3A_800 : memref<1x128xi32, #tpu.memory_space<vmem>> -> memref<128xi32, #tpu.memory_space<vmem>>
      %dma_wait3A_802 = arith.constant 0 : i32
      %dma_wait3A_803 = tpu.memref_slice %arg5[%dma_wait3A_802] : memref<4096xf32, #tpu.memory_space<hbm>> -> memref<4096xf32, #tpu.memory_space<hbm>>
      tpu.wait_indirect_dma semaphore(%arg14 : memref<!tpu.dma_semaphore, #tpu.memory_space<semaphore_mem>>) src(%dma_wait3A_798 : memref<128xf32, #tpu.memory_space<vmem>>) dst(%dma_wait3A_803 : memref<4096xf32, #tpu.memory_space<hbm>>)
      %dma_start3A_804 = arith.constant 12 : i32
      %dma_start3A_805 = arith.constant 12 : i32
      %dma_start3A_806 = arith.constant 0 : i32
      %dma_start3A_807 = tpu.memref_slice %arg12[%dma_start3A_804, %dma_start3A_806] : memref<16x128xi32, #tpu.memory_space<vmem>> -> memref<1x128xi32, #tpu.memory_space<vmem>>
      %dma_start3A_808 = tpu.memref_squeeze %dma_start3A_807 : memref<1x128xi32, #tpu.memory_space<vmem>> -> memref<128xi32, #tpu.memory_space<vmem>>
      %dma_start3A_809 = arith.constant 0 : i32
      %dma_start3A_810 = tpu.memref_slice %arg11[%dma_start3A_805, %dma_start3A_809] : memref<16x128xi32, #tpu.memory_space<vmem>> -> memref<1x128xi32, #tpu.memory_space<vmem>>
      %dma_start3A_811 = tpu.memref_squeeze %dma_start3A_810 : memref<1x128xi32, #tpu.memory_space<vmem>> -> memref<128xi32, #tpu.memory_space<vmem>>
      %dma_start3A_812 = arith.constant 0 : i32
      %dma_start3A_813 = tpu.memref_slice %arg6[%dma_start3A_812] : memref<4096xi32, #tpu.memory_space<hbm>> -> memref<4096xi32, #tpu.memory_space<hbm>>
      tpu.enqueue_indirect_dma source(%dma_start3A_808 : memref<128xi32, #tpu.memory_space<vmem>>) target(%dma_start3A_813 : memref<4096xi32, #tpu.memory_space<hbm>>) offsets(%dma_start3A_811 : memref<128xi32, #tpu.memory_space<vmem>>) semaphore(%arg14 : memref<!tpu.dma_semaphore, #tpu.memory_space<semaphore_mem>>)
      %dma_wait3A_814 = arith.constant 12 : i32
      %dma_wait3A_815 = arith.constant 12 : i32
      %dma_wait3A_816 = arith.constant 0 : i32
      %dma_wait3A_817 = tpu.memref_slice %arg12[%dma_wait3A_814, %dma_wait3A_816] : memref<16x128xi32, #tpu.memory_space<vmem>> -> memref<1x128xi32, #tpu.memory_space<vmem>>
      %dma_wait3A_818 = tpu.memref_squeeze %dma_wait3A_817 : memref<1x128xi32, #tpu.memory_space<vmem>> -> memref<128xi32, #tpu.memory_space<vmem>>
      %dma_wait3A_819 = arith.constant 0 : i32
      %dma_wait3A_820 = tpu.memref_slice %arg11[%dma_wait3A_815, %dma_wait3A_819] : memref<16x128xi32, #tpu.memory_space<vmem>> -> memref<1x128xi32, #tpu.memory_space<vmem>>
      %dma_wait3A_821 = tpu.memref_squeeze %dma_wait3A_820 : memref<1x128xi32, #tpu.memory_space<vmem>> -> memref<128xi32, #tpu.memory_space<vmem>>
      %dma_wait3A_822 = arith.constant 0 : i32
      %dma_wait3A_823 = tpu.memref_slice %arg6[%dma_wait3A_822] : memref<4096xi32, #tpu.memory_space<hbm>> -> memref<4096xi32, #tpu.memory_space<hbm>>
      tpu.wait_indirect_dma semaphore(%arg14 : memref<!tpu.dma_semaphore, #tpu.memory_space<semaphore_mem>>) src(%dma_wait3A_818 : memref<128xi32, #tpu.memory_space<vmem>>) dst(%dma_wait3A_823 : memref<4096xi32, #tpu.memory_space<hbm>>)
      %dma_start3A_824 = arith.constant 12 : i32
      %dma_start3A_825 = arith.constant 0 : i32
      %dma_start3A_826 = tpu.memref_slice %arg12[%dma_start3A_824, %dma_start3A_825] : memref<16x128xi32, #tpu.memory_space<vmem>> -> memref<1x128xi32, #tpu.memory_space<vmem>>
      %dma_start3A_827 = tpu.memref_squeeze %dma_start3A_826 : memref<1x128xi32, #tpu.memory_space<vmem>> -> memref<128xi32, #tpu.memory_space<vmem>>
      %dma_start3A_828 = arith.constant 0 : i32
      %dma_start3A_829 = arith.constant 0 : i32
      %dma_start3A_830 = tpu.memref_slice %arg4[%dma_start3A_828, %dma_start3A_829] : memref<50000x64xf32, #tpu.memory_space<hbm>> -> memref<50000x64xf32, #tpu.memory_space<hbm>>
      tpu.enqueue_indirect_dma source(%dma_start3A_830 : memref<50000x64xf32, #tpu.memory_space<hbm>>) target(%arg13 : memref<128x64xf32, #tpu.memory_space<vmem>>) offsets(%dma_start3A_827 : memref<128xi32, #tpu.memory_space<vmem>>) semaphore(%arg14 : memref<!tpu.dma_semaphore, #tpu.memory_space<semaphore_mem>>)
      %dma_wait3A_831 = arith.constant 12 : i32
      %dma_wait3A_832 = arith.constant 0 : i32
      %dma_wait3A_833 = tpu.memref_slice %arg12[%dma_wait3A_831, %dma_wait3A_832] : memref<16x128xi32, #tpu.memory_space<vmem>> -> memref<1x128xi32, #tpu.memory_space<vmem>>
      %dma_wait3A_834 = tpu.memref_squeeze %dma_wait3A_833 : memref<1x128xi32, #tpu.memory_space<vmem>> -> memref<128xi32, #tpu.memory_space<vmem>>
      %dma_wait3A_835 = arith.constant 0 : i32
      %dma_wait3A_836 = arith.constant 0 : i32
      %dma_wait3A_837 = tpu.memref_slice %arg4[%dma_wait3A_835, %dma_wait3A_836] : memref<50000x64xf32, #tpu.memory_space<hbm>> -> memref<50000x64xf32, #tpu.memory_space<hbm>>
      tpu.wait_indirect_dma semaphore(%arg14 : memref<!tpu.dma_semaphore, #tpu.memory_space<semaphore_mem>>) src(%dma_wait3A_837 : memref<50000x64xf32, #tpu.memory_space<hbm>>) dst(%arg13 : memref<128x64xf32, #tpu.memory_space<vmem>>)
      %dma_start3A_838 = arith.constant 12 : i32
      %dma_start3A_839 = arith.constant 0 : i32
      %dma_start3A_840 = tpu.memref_slice %arg11[%dma_start3A_838, %dma_start3A_839] : memref<16x128xi32, #tpu.memory_space<vmem>> -> memref<1x128xi32, #tpu.memory_space<vmem>>
      %dma_start3A_841 = tpu.memref_squeeze %dma_start3A_840 : memref<1x128xi32, #tpu.memory_space<vmem>> -> memref<128xi32, #tpu.memory_space<vmem>>
      %dma_start3A_842 = arith.constant 0 : i32
      %dma_start3A_843 = arith.constant 0 : i32
      %dma_start3A_844 = tpu.memref_slice %arg7[%dma_start3A_842, %dma_start3A_843] : memref<4096x64xf32, #tpu.memory_space<hbm>> -> memref<4096x64xf32, #tpu.memory_space<hbm>>
      tpu.enqueue_indirect_dma source(%arg13 : memref<128x64xf32, #tpu.memory_space<vmem>>) target(%dma_start3A_844 : memref<4096x64xf32, #tpu.memory_space<hbm>>) offsets(%dma_start3A_841 : memref<128xi32, #tpu.memory_space<vmem>>) semaphore(%arg14 : memref<!tpu.dma_semaphore, #tpu.memory_space<semaphore_mem>>)
      %dma_wait3A_845 = arith.constant 12 : i32
      %dma_wait3A_846 = arith.constant 0 : i32
      %dma_wait3A_847 = tpu.memref_slice %arg11[%dma_wait3A_845, %dma_wait3A_846] : memref<16x128xi32, #tpu.memory_space<vmem>> -> memref<1x128xi32, #tpu.memory_space<vmem>>
      %dma_wait3A_848 = tpu.memref_squeeze %dma_wait3A_847 : memref<1x128xi32, #tpu.memory_space<vmem>> -> memref<128xi32, #tpu.memory_space<vmem>>
      %dma_wait3A_849 = arith.constant 0 : i32
      %dma_wait3A_850 = arith.constant 0 : i32
      %dma_wait3A_851 = tpu.memref_slice %arg7[%dma_wait3A_849, %dma_wait3A_850] : memref<4096x64xf32, #tpu.memory_space<hbm>> -> memref<4096x64xf32, #tpu.memory_space<hbm>>
      tpu.wait_indirect_dma semaphore(%arg14 : memref<!tpu.dma_semaphore, #tpu.memory_space<semaphore_mem>>) src(%arg13 : memref<128x64xf32, #tpu.memory_space<vmem>>) dst(%dma_wait3A_851 : memref<4096x64xf32, #tpu.memory_space<hbm>>)
      %dma_start3A_852 = arith.constant 13 : i32
      %dma_start3A_853 = arith.constant 1664 : i32
      %dma_start3A_854 = tpu.memref_slice %arg8[%dma_start3A_853] : memref<2048xf32, #tpu.memory_space<vmem>> -> memref<128xf32, #tpu.memory_space<vmem>>
      %dma_start3A_855 = arith.constant 0 : i32
      %dma_start3A_856 = tpu.memref_slice %arg11[%dma_start3A_852, %dma_start3A_855] : memref<16x128xi32, #tpu.memory_space<vmem>> -> memref<1x128xi32, #tpu.memory_space<vmem>>
      %dma_start3A_857 = tpu.memref_squeeze %dma_start3A_856 : memref<1x128xi32, #tpu.memory_space<vmem>> -> memref<128xi32, #tpu.memory_space<vmem>>
      %dma_start3A_858 = arith.constant 0 : i32
      %dma_start3A_859 = tpu.memref_slice %arg5[%dma_start3A_858] : memref<4096xf32, #tpu.memory_space<hbm>> -> memref<4096xf32, #tpu.memory_space<hbm>>
      tpu.enqueue_indirect_dma source(%dma_start3A_854 : memref<128xf32, #tpu.memory_space<vmem>>) target(%dma_start3A_859 : memref<4096xf32, #tpu.memory_space<hbm>>) offsets(%dma_start3A_857 : memref<128xi32, #tpu.memory_space<vmem>>) semaphore(%arg14 : memref<!tpu.dma_semaphore, #tpu.memory_space<semaphore_mem>>)
      %dma_wait3A_860 = arith.constant 13 : i32
      %dma_wait3A_861 = arith.constant 1664 : i32
      %dma_wait3A_862 = tpu.memref_slice %arg8[%dma_wait3A_861] : memref<2048xf32, #tpu.memory_space<vmem>> -> memref<128xf32, #tpu.memory_space<vmem>>
      %dma_wait3A_863 = arith.constant 0 : i32
      %dma_wait3A_864 = tpu.memref_slice %arg11[%dma_wait3A_860, %dma_wait3A_863] : memref<16x128xi32, #tpu.memory_space<vmem>> -> memref<1x128xi32, #tpu.memory_space<vmem>>
      %dma_wait3A_865 = tpu.memref_squeeze %dma_wait3A_864 : memref<1x128xi32, #tpu.memory_space<vmem>> -> memref<128xi32, #tpu.memory_space<vmem>>
      %dma_wait3A_866 = arith.constant 0 : i32
      %dma_wait3A_867 = tpu.memref_slice %arg5[%dma_wait3A_866] : memref<4096xf32, #tpu.memory_space<hbm>> -> memref<4096xf32, #tpu.memory_space<hbm>>
      tpu.wait_indirect_dma semaphore(%arg14 : memref<!tpu.dma_semaphore, #tpu.memory_space<semaphore_mem>>) src(%dma_wait3A_862 : memref<128xf32, #tpu.memory_space<vmem>>) dst(%dma_wait3A_867 : memref<4096xf32, #tpu.memory_space<hbm>>)
      %dma_start3A_868 = arith.constant 13 : i32
      %dma_start3A_869 = arith.constant 13 : i32
      %dma_start3A_870 = arith.constant 0 : i32
      %dma_start3A_871 = tpu.memref_slice %arg12[%dma_start3A_868, %dma_start3A_870] : memref<16x128xi32, #tpu.memory_space<vmem>> -> memref<1x128xi32, #tpu.memory_space<vmem>>
      %dma_start3A_872 = tpu.memref_squeeze %dma_start3A_871 : memref<1x128xi32, #tpu.memory_space<vmem>> -> memref<128xi32, #tpu.memory_space<vmem>>
      %dma_start3A_873 = arith.constant 0 : i32
      %dma_start3A_874 = tpu.memref_slice %arg11[%dma_start3A_869, %dma_start3A_873] : memref<16x128xi32, #tpu.memory_space<vmem>> -> memref<1x128xi32, #tpu.memory_space<vmem>>
      %dma_start3A_875 = tpu.memref_squeeze %dma_start3A_874 : memref<1x128xi32, #tpu.memory_space<vmem>> -> memref<128xi32, #tpu.memory_space<vmem>>
      %dma_start3A_876 = arith.constant 0 : i32
      %dma_start3A_877 = tpu.memref_slice %arg6[%dma_start3A_876] : memref<4096xi32, #tpu.memory_space<hbm>> -> memref<4096xi32, #tpu.memory_space<hbm>>
      tpu.enqueue_indirect_dma source(%dma_start3A_872 : memref<128xi32, #tpu.memory_space<vmem>>) target(%dma_start3A_877 : memref<4096xi32, #tpu.memory_space<hbm>>) offsets(%dma_start3A_875 : memref<128xi32, #tpu.memory_space<vmem>>) semaphore(%arg14 : memref<!tpu.dma_semaphore, #tpu.memory_space<semaphore_mem>>)
      %dma_wait3A_878 = arith.constant 13 : i32
      %dma_wait3A_879 = arith.constant 13 : i32
      %dma_wait3A_880 = arith.constant 0 : i32
      %dma_wait3A_881 = tpu.memref_slice %arg12[%dma_wait3A_878, %dma_wait3A_880] : memref<16x128xi32, #tpu.memory_space<vmem>> -> memref<1x128xi32, #tpu.memory_space<vmem>>
      %dma_wait3A_882 = tpu.memref_squeeze %dma_wait3A_881 : memref<1x128xi32, #tpu.memory_space<vmem>> -> memref<128xi32, #tpu.memory_space<vmem>>
      %dma_wait3A_883 = arith.constant 0 : i32
      %dma_wait3A_884 = tpu.memref_slice %arg11[%dma_wait3A_879, %dma_wait3A_883] : memref<16x128xi32, #tpu.memory_space<vmem>> -> memref<1x128xi32, #tpu.memory_space<vmem>>
      %dma_wait3A_885 = tpu.memref_squeeze %dma_wait3A_884 : memref<1x128xi32, #tpu.memory_space<vmem>> -> memref<128xi32, #tpu.memory_space<vmem>>
      %dma_wait3A_886 = arith.constant 0 : i32
      %dma_wait3A_887 = tpu.memref_slice %arg6[%dma_wait3A_886] : memref<4096xi32, #tpu.memory_space<hbm>> -> memref<4096xi32, #tpu.memory_space<hbm>>
      tpu.wait_indirect_dma semaphore(%arg14 : memref<!tpu.dma_semaphore, #tpu.memory_space<semaphore_mem>>) src(%dma_wait3A_882 : memref<128xi32, #tpu.memory_space<vmem>>) dst(%dma_wait3A_887 : memref<4096xi32, #tpu.memory_space<hbm>>)
      %dma_start3A_888 = arith.constant 13 : i32
      %dma_start3A_889 = arith.constant 0 : i32
      %dma_start3A_890 = tpu.memref_slice %arg12[%dma_start3A_888, %dma_start3A_889] : memref<16x128xi32, #tpu.memory_space<vmem>> -> memref<1x128xi32, #tpu.memory_space<vmem>>
      %dma_start3A_891 = tpu.memref_squeeze %dma_start3A_890 : memref<1x128xi32, #tpu.memory_space<vmem>> -> memref<128xi32, #tpu.memory_space<vmem>>
      %dma_start3A_892 = arith.constant 0 : i32
      %dma_start3A_893 = arith.constant 0 : i32
      %dma_start3A_894 = tpu.memref_slice %arg4[%dma_start3A_892, %dma_start3A_893] : memref<50000x64xf32, #tpu.memory_space<hbm>> -> memref<50000x64xf32, #tpu.memory_space<hbm>>
      tpu.enqueue_indirect_dma source(%dma_start3A_894 : memref<50000x64xf32, #tpu.memory_space<hbm>>) target(%arg13 : memref<128x64xf32, #tpu.memory_space<vmem>>) offsets(%dma_start3A_891 : memref<128xi32, #tpu.memory_space<vmem>>) semaphore(%arg14 : memref<!tpu.dma_semaphore, #tpu.memory_space<semaphore_mem>>)
      %dma_wait3A_895 = arith.constant 13 : i32
      %dma_wait3A_896 = arith.constant 0 : i32
      %dma_wait3A_897 = tpu.memref_slice %arg12[%dma_wait3A_895, %dma_wait3A_896] : memref<16x128xi32, #tpu.memory_space<vmem>> -> memref<1x128xi32, #tpu.memory_space<vmem>>
      %dma_wait3A_898 = tpu.memref_squeeze %dma_wait3A_897 : memref<1x128xi32, #tpu.memory_space<vmem>> -> memref<128xi32, #tpu.memory_space<vmem>>
      %dma_wait3A_899 = arith.constant 0 : i32
      %dma_wait3A_900 = arith.constant 0 : i32
      %dma_wait3A_901 = tpu.memref_slice %arg4[%dma_wait3A_899, %dma_wait3A_900] : memref<50000x64xf32, #tpu.memory_space<hbm>> -> memref<50000x64xf32, #tpu.memory_space<hbm>>
      tpu.wait_indirect_dma semaphore(%arg14 : memref<!tpu.dma_semaphore, #tpu.memory_space<semaphore_mem>>) src(%dma_wait3A_901 : memref<50000x64xf32, #tpu.memory_space<hbm>>) dst(%arg13 : memref<128x64xf32, #tpu.memory_space<vmem>>)
      %dma_start3A_902 = arith.constant 13 : i32
      %dma_start3A_903 = arith.constant 0 : i32
      %dma_start3A_904 = tpu.memref_slice %arg11[%dma_start3A_902, %dma_start3A_903] : memref<16x128xi32, #tpu.memory_space<vmem>> -> memref<1x128xi32, #tpu.memory_space<vmem>>
      %dma_start3A_905 = tpu.memref_squeeze %dma_start3A_904 : memref<1x128xi32, #tpu.memory_space<vmem>> -> memref<128xi32, #tpu.memory_space<vmem>>
      %dma_start3A_906 = arith.constant 0 : i32
      %dma_start3A_907 = arith.constant 0 : i32
      %dma_start3A_908 = tpu.memref_slice %arg7[%dma_start3A_906, %dma_start3A_907] : memref<4096x64xf32, #tpu.memory_space<hbm>> -> memref<4096x64xf32, #tpu.memory_space<hbm>>
      tpu.enqueue_indirect_dma source(%arg13 : memref<128x64xf32, #tpu.memory_space<vmem>>) target(%dma_start3A_908 : memref<4096x64xf32, #tpu.memory_space<hbm>>) offsets(%dma_start3A_905 : memref<128xi32, #tpu.memory_space<vmem>>) semaphore(%arg14 : memref<!tpu.dma_semaphore, #tpu.memory_space<semaphore_mem>>)
      %dma_wait3A_909 = arith.constant 13 : i32
      %dma_wait3A_910 = arith.constant 0 : i32
      %dma_wait3A_911 = tpu.memref_slice %arg11[%dma_wait3A_909, %dma_wait3A_910] : memref<16x128xi32, #tpu.memory_space<vmem>> -> memref<1x128xi32, #tpu.memory_space<vmem>>
      %dma_wait3A_912 = tpu.memref_squeeze %dma_wait3A_911 : memref<1x128xi32, #tpu.memory_space<vmem>> -> memref<128xi32, #tpu.memory_space<vmem>>
      %dma_wait3A_913 = arith.constant 0 : i32
      %dma_wait3A_914 = arith.constant 0 : i32
      %dma_wait3A_915 = tpu.memref_slice %arg7[%dma_wait3A_913, %dma_wait3A_914] : memref<4096x64xf32, #tpu.memory_space<hbm>> -> memref<4096x64xf32, #tpu.memory_space<hbm>>
      tpu.wait_indirect_dma semaphore(%arg14 : memref<!tpu.dma_semaphore, #tpu.memory_space<semaphore_mem>>) src(%arg13 : memref<128x64xf32, #tpu.memory_space<vmem>>) dst(%dma_wait3A_915 : memref<4096x64xf32, #tpu.memory_space<hbm>>)
      %dma_start3A_916 = arith.constant 14 : i32
      %dma_start3A_917 = arith.constant 1792 : i32
      %dma_start3A_918 = tpu.memref_slice %arg8[%dma_start3A_917] : memref<2048xf32, #tpu.memory_space<vmem>> -> memref<128xf32, #tpu.memory_space<vmem>>
      %dma_start3A_919 = arith.constant 0 : i32
      %dma_start3A_920 = tpu.memref_slice %arg11[%dma_start3A_916, %dma_start3A_919] : memref<16x128xi32, #tpu.memory_space<vmem>> -> memref<1x128xi32, #tpu.memory_space<vmem>>
      %dma_start3A_921 = tpu.memref_squeeze %dma_start3A_920 : memref<1x128xi32, #tpu.memory_space<vmem>> -> memref<128xi32, #tpu.memory_space<vmem>>
      %dma_start3A_922 = arith.constant 0 : i32
      %dma_start3A_923 = tpu.memref_slice %arg5[%dma_start3A_922] : memref<4096xf32, #tpu.memory_space<hbm>> -> memref<4096xf32, #tpu.memory_space<hbm>>
      tpu.enqueue_indirect_dma source(%dma_start3A_918 : memref<128xf32, #tpu.memory_space<vmem>>) target(%dma_start3A_923 : memref<4096xf32, #tpu.memory_space<hbm>>) offsets(%dma_start3A_921 : memref<128xi32, #tpu.memory_space<vmem>>) semaphore(%arg14 : memref<!tpu.dma_semaphore, #tpu.memory_space<semaphore_mem>>)
      %dma_wait3A_924 = arith.constant 14 : i32
      %dma_wait3A_925 = arith.constant 1792 : i32
      %dma_wait3A_926 = tpu.memref_slice %arg8[%dma_wait3A_925] : memref<2048xf32, #tpu.memory_space<vmem>> -> memref<128xf32, #tpu.memory_space<vmem>>
      %dma_wait3A_927 = arith.constant 0 : i32
      %dma_wait3A_928 = tpu.memref_slice %arg11[%dma_wait3A_924, %dma_wait3A_927] : memref<16x128xi32, #tpu.memory_space<vmem>> -> memref<1x128xi32, #tpu.memory_space<vmem>>
      %dma_wait3A_929 = tpu.memref_squeeze %dma_wait3A_928 : memref<1x128xi32, #tpu.memory_space<vmem>> -> memref<128xi32, #tpu.memory_space<vmem>>
      %dma_wait3A_930 = arith.constant 0 : i32
      %dma_wait3A_931 = tpu.memref_slice %arg5[%dma_wait3A_930] : memref<4096xf32, #tpu.memory_space<hbm>> -> memref<4096xf32, #tpu.memory_space<hbm>>
      tpu.wait_indirect_dma semaphore(%arg14 : memref<!tpu.dma_semaphore, #tpu.memory_space<semaphore_mem>>) src(%dma_wait3A_926 : memref<128xf32, #tpu.memory_space<vmem>>) dst(%dma_wait3A_931 : memref<4096xf32, #tpu.memory_space<hbm>>)
      %dma_start3A_932 = arith.constant 14 : i32
      %dma_start3A_933 = arith.constant 14 : i32
      %dma_start3A_934 = arith.constant 0 : i32
      %dma_start3A_935 = tpu.memref_slice %arg12[%dma_start3A_932, %dma_start3A_934] : memref<16x128xi32, #tpu.memory_space<vmem>> -> memref<1x128xi32, #tpu.memory_space<vmem>>
      %dma_start3A_936 = tpu.memref_squeeze %dma_start3A_935 : memref<1x128xi32, #tpu.memory_space<vmem>> -> memref<128xi32, #tpu.memory_space<vmem>>
      %dma_start3A_937 = arith.constant 0 : i32
      %dma_start3A_938 = tpu.memref_slice %arg11[%dma_start3A_933, %dma_start3A_937] : memref<16x128xi32, #tpu.memory_space<vmem>> -> memref<1x128xi32, #tpu.memory_space<vmem>>
      %dma_start3A_939 = tpu.memref_squeeze %dma_start3A_938 : memref<1x128xi32, #tpu.memory_space<vmem>> -> memref<128xi32, #tpu.memory_space<vmem>>
      %dma_start3A_940 = arith.constant 0 : i32
      %dma_start3A_941 = tpu.memref_slice %arg6[%dma_start3A_940] : memref<4096xi32, #tpu.memory_space<hbm>> -> memref<4096xi32, #tpu.memory_space<hbm>>
      tpu.enqueue_indirect_dma source(%dma_start3A_936 : memref<128xi32, #tpu.memory_space<vmem>>) target(%dma_start3A_941 : memref<4096xi32, #tpu.memory_space<hbm>>) offsets(%dma_start3A_939 : memref<128xi32, #tpu.memory_space<vmem>>) semaphore(%arg14 : memref<!tpu.dma_semaphore, #tpu.memory_space<semaphore_mem>>)
      %dma_wait3A_942 = arith.constant 14 : i32
      %dma_wait3A_943 = arith.constant 14 : i32
      %dma_wait3A_944 = arith.constant 0 : i32
      %dma_wait3A_945 = tpu.memref_slice %arg12[%dma_wait3A_942, %dma_wait3A_944] : memref<16x128xi32, #tpu.memory_space<vmem>> -> memref<1x128xi32, #tpu.memory_space<vmem>>
      %dma_wait3A_946 = tpu.memref_squeeze %dma_wait3A_945 : memref<1x128xi32, #tpu.memory_space<vmem>> -> memref<128xi32, #tpu.memory_space<vmem>>
      %dma_wait3A_947 = arith.constant 0 : i32
      %dma_wait3A_948 = tpu.memref_slice %arg11[%dma_wait3A_943, %dma_wait3A_947] : memref<16x128xi32, #tpu.memory_space<vmem>> -> memref<1x128xi32, #tpu.memory_space<vmem>>
      %dma_wait3A_949 = tpu.memref_squeeze %dma_wait3A_948 : memref<1x128xi32, #tpu.memory_space<vmem>> -> memref<128xi32, #tpu.memory_space<vmem>>
      %dma_wait3A_950 = arith.constant 0 : i32
      %dma_wait3A_951 = tpu.memref_slice %arg6[%dma_wait3A_950] : memref<4096xi32, #tpu.memory_space<hbm>> -> memref<4096xi32, #tpu.memory_space<hbm>>
      tpu.wait_indirect_dma semaphore(%arg14 : memref<!tpu.dma_semaphore, #tpu.memory_space<semaphore_mem>>) src(%dma_wait3A_946 : memref<128xi32, #tpu.memory_space<vmem>>) dst(%dma_wait3A_951 : memref<4096xi32, #tpu.memory_space<hbm>>)
      %dma_start3A_952 = arith.constant 14 : i32
      %dma_start3A_953 = arith.constant 0 : i32
      %dma_start3A_954 = tpu.memref_slice %arg12[%dma_start3A_952, %dma_start3A_953] : memref<16x128xi32, #tpu.memory_space<vmem>> -> memref<1x128xi32, #tpu.memory_space<vmem>>
      %dma_start3A_955 = tpu.memref_squeeze %dma_start3A_954 : memref<1x128xi32, #tpu.memory_space<vmem>> -> memref<128xi32, #tpu.memory_space<vmem>>
      %dma_start3A_956 = arith.constant 0 : i32
      %dma_start3A_957 = arith.constant 0 : i32
      %dma_start3A_958 = tpu.memref_slice %arg4[%dma_start3A_956, %dma_start3A_957] : memref<50000x64xf32, #tpu.memory_space<hbm>> -> memref<50000x64xf32, #tpu.memory_space<hbm>>
      tpu.enqueue_indirect_dma source(%dma_start3A_958 : memref<50000x64xf32, #tpu.memory_space<hbm>>) target(%arg13 : memref<128x64xf32, #tpu.memory_space<vmem>>) offsets(%dma_start3A_955 : memref<128xi32, #tpu.memory_space<vmem>>) semaphore(%arg14 : memref<!tpu.dma_semaphore, #tpu.memory_space<semaphore_mem>>)
      %dma_wait3A_959 = arith.constant 14 : i32
      %dma_wait3A_960 = arith.constant 0 : i32
      %dma_wait3A_961 = tpu.memref_slice %arg12[%dma_wait3A_959, %dma_wait3A_960] : memref<16x128xi32, #tpu.memory_space<vmem>> -> memref<1x128xi32, #tpu.memory_space<vmem>>
      %dma_wait3A_962 = tpu.memref_squeeze %dma_wait3A_961 : memref<1x128xi32, #tpu.memory_space<vmem>> -> memref<128xi32, #tpu.memory_space<vmem>>
      %dma_wait3A_963 = arith.constant 0 : i32
      %dma_wait3A_964 = arith.constant 0 : i32
      %dma_wait3A_965 = tpu.memref_slice %arg4[%dma_wait3A_963, %dma_wait3A_964] : memref<50000x64xf32, #tpu.memory_space<hbm>> -> memref<50000x64xf32, #tpu.memory_space<hbm>>
      tpu.wait_indirect_dma semaphore(%arg14 : memref<!tpu.dma_semaphore, #tpu.memory_space<semaphore_mem>>) src(%dma_wait3A_965 : memref<50000x64xf32, #tpu.memory_space<hbm>>) dst(%arg13 : memref<128x64xf32, #tpu.memory_space<vmem>>)
      %dma_start3A_966 = arith.constant 14 : i32
      %dma_start3A_967 = arith.constant 0 : i32
      %dma_start3A_968 = tpu.memref_slice %arg11[%dma_start3A_966, %dma_start3A_967] : memref<16x128xi32, #tpu.memory_space<vmem>> -> memref<1x128xi32, #tpu.memory_space<vmem>>
      %dma_start3A_969 = tpu.memref_squeeze %dma_start3A_968 : memref<1x128xi32, #tpu.memory_space<vmem>> -> memref<128xi32, #tpu.memory_space<vmem>>
      %dma_start3A_970 = arith.constant 0 : i32
      %dma_start3A_971 = arith.constant 0 : i32
      %dma_start3A_972 = tpu.memref_slice %arg7[%dma_start3A_970, %dma_start3A_971] : memref<4096x64xf32, #tpu.memory_space<hbm>> -> memref<4096x64xf32, #tpu.memory_space<hbm>>
      tpu.enqueue_indirect_dma source(%arg13 : memref<128x64xf32, #tpu.memory_space<vmem>>) target(%dma_start3A_972 : memref<4096x64xf32, #tpu.memory_space<hbm>>) offsets(%dma_start3A_969 : memref<128xi32, #tpu.memory_space<vmem>>) semaphore(%arg14 : memref<!tpu.dma_semaphore, #tpu.memory_space<semaphore_mem>>)
      %dma_wait3A_973 = arith.constant 14 : i32
      %dma_wait3A_974 = arith.constant 0 : i32
      %dma_wait3A_975 = tpu.memref_slice %arg11[%dma_wait3A_973, %dma_wait3A_974] : memref<16x128xi32, #tpu.memory_space<vmem>> -> memref<1x128xi32, #tpu.memory_space<vmem>>
      %dma_wait3A_976 = tpu.memref_squeeze %dma_wait3A_975 : memref<1x128xi32, #tpu.memory_space<vmem>> -> memref<128xi32, #tpu.memory_space<vmem>>
      %dma_wait3A_977 = arith.constant 0 : i32
      %dma_wait3A_978 = arith.constant 0 : i32
      %dma_wait3A_979 = tpu.memref_slice %arg7[%dma_wait3A_977, %dma_wait3A_978] : memref<4096x64xf32, #tpu.memory_space<hbm>> -> memref<4096x64xf32, #tpu.memory_space<hbm>>
      tpu.wait_indirect_dma semaphore(%arg14 : memref<!tpu.dma_semaphore, #tpu.memory_space<semaphore_mem>>) src(%arg13 : memref<128x64xf32, #tpu.memory_space<vmem>>) dst(%dma_wait3A_979 : memref<4096x64xf32, #tpu.memory_space<hbm>>)
      %dma_start3A_980 = arith.constant 15 : i32
      %dma_start3A_981 = arith.constant 1920 : i32
      %dma_start3A_982 = tpu.memref_slice %arg8[%dma_start3A_981] : memref<2048xf32, #tpu.memory_space<vmem>> -> memref<128xf32, #tpu.memory_space<vmem>>
      %dma_start3A_983 = arith.constant 0 : i32
      %dma_start3A_984 = tpu.memref_slice %arg11[%dma_start3A_980, %dma_start3A_983] : memref<16x128xi32, #tpu.memory_space<vmem>> -> memref<1x128xi32, #tpu.memory_space<vmem>>
      %dma_start3A_985 = tpu.memref_squeeze %dma_start3A_984 : memref<1x128xi32, #tpu.memory_space<vmem>> -> memref<128xi32, #tpu.memory_space<vmem>>
      %dma_start3A_986 = arith.constant 0 : i32
      %dma_start3A_987 = tpu.memref_slice %arg5[%dma_start3A_986] : memref<4096xf32, #tpu.memory_space<hbm>> -> memref<4096xf32, #tpu.memory_space<hbm>>
      tpu.enqueue_indirect_dma source(%dma_start3A_982 : memref<128xf32, #tpu.memory_space<vmem>>) target(%dma_start3A_987 : memref<4096xf32, #tpu.memory_space<hbm>>) offsets(%dma_start3A_985 : memref<128xi32, #tpu.memory_space<vmem>>) semaphore(%arg14 : memref<!tpu.dma_semaphore, #tpu.memory_space<semaphore_mem>>)
      %dma_wait3A_988 = arith.constant 15 : i32
      %dma_wait3A_989 = arith.constant 1920 : i32
      %dma_wait3A_990 = tpu.memref_slice %arg8[%dma_wait3A_989] : memref<2048xf32, #tpu.memory_space<vmem>> -> memref<128xf32, #tpu.memory_space<vmem>>
      %dma_wait3A_991 = arith.constant 0 : i32
      %dma_wait3A_992 = tpu.memref_slice %arg11[%dma_wait3A_988, %dma_wait3A_991] : memref<16x128xi32, #tpu.memory_space<vmem>> -> memref<1x128xi32, #tpu.memory_space<vmem>>
      %dma_wait3A_993 = tpu.memref_squeeze %dma_wait3A_992 : memref<1x128xi32, #tpu.memory_space<vmem>> -> memref<128xi32, #tpu.memory_space<vmem>>
      %dma_wait3A_994 = arith.constant 0 : i32
      %dma_wait3A_995 = tpu.memref_slice %arg5[%dma_wait3A_994] : memref<4096xf32, #tpu.memory_space<hbm>> -> memref<4096xf32, #tpu.memory_space<hbm>>
      tpu.wait_indirect_dma semaphore(%arg14 : memref<!tpu.dma_semaphore, #tpu.memory_space<semaphore_mem>>) src(%dma_wait3A_990 : memref<128xf32, #tpu.memory_space<vmem>>) dst(%dma_wait3A_995 : memref<4096xf32, #tpu.memory_space<hbm>>)
      %dma_start3A_996 = arith.constant 15 : i32
      %dma_start3A_997 = arith.constant 15 : i32
      %dma_start3A_998 = arith.constant 0 : i32
      %dma_start3A_999 = tpu.memref_slice %arg12[%dma_start3A_996, %dma_start3A_998] : memref<16x128xi32, #tpu.memory_space<vmem>> -> memref<1x128xi32, #tpu.memory_space<vmem>>
      %dma_start3A_1000 = tpu.memref_squeeze %dma_start3A_999 : memref<1x128xi32, #tpu.memory_space<vmem>> -> memref<128xi32, #tpu.memory_space<vmem>>
      %dma_start3A_1001 = arith.constant 0 : i32
      %dma_start3A_1002 = tpu.memref_slice %arg11[%dma_start3A_997, %dma_start3A_1001] : memref<16x128xi32, #tpu.memory_space<vmem>> -> memref<1x128xi32, #tpu.memory_space<vmem>>
      %dma_start3A_1003 = tpu.memref_squeeze %dma_start3A_1002 : memref<1x128xi32, #tpu.memory_space<vmem>> -> memref<128xi32, #tpu.memory_space<vmem>>
      %dma_start3A_1004 = arith.constant 0 : i32
      %dma_start3A_1005 = tpu.memref_slice %arg6[%dma_start3A_1004] : memref<4096xi32, #tpu.memory_space<hbm>> -> memref<4096xi32, #tpu.memory_space<hbm>>
      tpu.enqueue_indirect_dma source(%dma_start3A_1000 : memref<128xi32, #tpu.memory_space<vmem>>) target(%dma_start3A_1005 : memref<4096xi32, #tpu.memory_space<hbm>>) offsets(%dma_start3A_1003 : memref<128xi32, #tpu.memory_space<vmem>>) semaphore(%arg14 : memref<!tpu.dma_semaphore, #tpu.memory_space<semaphore_mem>>)
      %dma_wait3A_1006 = arith.constant 15 : i32
      %dma_wait3A_1007 = arith.constant 15 : i32
      %dma_wait3A_1008 = arith.constant 0 : i32
      %dma_wait3A_1009 = tpu.memref_slice %arg12[%dma_wait3A_1006, %dma_wait3A_1008] : memref<16x128xi32, #tpu.memory_space<vmem>> -> memref<1x128xi32, #tpu.memory_space<vmem>>
      %dma_wait3A_1010 = tpu.memref_squeeze %dma_wait3A_1009 : memref<1x128xi32, #tpu.memory_space<vmem>> -> memref<128xi32, #tpu.memory_space<vmem>>
      %dma_wait3A_1011 = arith.constant 0 : i32
      %dma_wait3A_1012 = tpu.memref_slice %arg11[%dma_wait3A_1007, %dma_wait3A_1011] : memref<16x128xi32, #tpu.memory_space<vmem>> -> memref<1x128xi32, #tpu.memory_space<vmem>>
      %dma_wait3A_1013 = tpu.memref_squeeze %dma_wait3A_1012 : memref<1x128xi32, #tpu.memory_space<vmem>> -> memref<128xi32, #tpu.memory_space<vmem>>
      %dma_wait3A_1014 = arith.constant 0 : i32
      %dma_wait3A_1015 = tpu.memref_slice %arg6[%dma_wait3A_1014] : memref<4096xi32, #tpu.memory_space<hbm>> -> memref<4096xi32, #tpu.memory_space<hbm>>
      tpu.wait_indirect_dma semaphore(%arg14 : memref<!tpu.dma_semaphore, #tpu.memory_space<semaphore_mem>>) src(%dma_wait3A_1010 : memref<128xi32, #tpu.memory_space<vmem>>) dst(%dma_wait3A_1015 : memref<4096xi32, #tpu.memory_space<hbm>>)
      %dma_start3A_1016 = arith.constant 15 : i32
      %dma_start3A_1017 = arith.constant 0 : i32
      %dma_start3A_1018 = tpu.memref_slice %arg12[%dma_start3A_1016, %dma_start3A_1017] : memref<16x128xi32, #tpu.memory_space<vmem>> -> memref<1x128xi32, #tpu.memory_space<vmem>>
      %dma_start3A_1019 = tpu.memref_squeeze %dma_start3A_1018 : memref<1x128xi32, #tpu.memory_space<vmem>> -> memref<128xi32, #tpu.memory_space<vmem>>
      %dma_start3A_1020 = arith.constant 0 : i32
      %dma_start3A_1021 = arith.constant 0 : i32
      %dma_start3A_1022 = tpu.memref_slice %arg4[%dma_start3A_1020, %dma_start3A_1021] : memref<50000x64xf32, #tpu.memory_space<hbm>> -> memref<50000x64xf32, #tpu.memory_space<hbm>>
      tpu.enqueue_indirect_dma source(%dma_start3A_1022 : memref<50000x64xf32, #tpu.memory_space<hbm>>) target(%arg13 : memref<128x64xf32, #tpu.memory_space<vmem>>) offsets(%dma_start3A_1019 : memref<128xi32, #tpu.memory_space<vmem>>) semaphore(%arg14 : memref<!tpu.dma_semaphore, #tpu.memory_space<semaphore_mem>>)
      %dma_wait3A_1023 = arith.constant 15 : i32
      %dma_wait3A_1024 = arith.constant 0 : i32
      %dma_wait3A_1025 = tpu.memref_slice %arg12[%dma_wait3A_1023, %dma_wait3A_1024] : memref<16x128xi32, #tpu.memory_space<vmem>> -> memref<1x128xi32, #tpu.memory_space<vmem>>
      %dma_wait3A_1026 = tpu.memref_squeeze %dma_wait3A_1025 : memref<1x128xi32, #tpu.memory_space<vmem>> -> memref<128xi32, #tpu.memory_space<vmem>>
      %dma_wait3A_1027 = arith.constant 0 : i32
      %dma_wait3A_1028 = arith.constant 0 : i32
      %dma_wait3A_1029 = tpu.memref_slice %arg4[%dma_wait3A_1027, %dma_wait3A_1028] : memref<50000x64xf32, #tpu.memory_space<hbm>> -> memref<50000x64xf32, #tpu.memory_space<hbm>>
      tpu.wait_indirect_dma semaphore(%arg14 : memref<!tpu.dma_semaphore, #tpu.memory_space<semaphore_mem>>) src(%dma_wait3A_1029 : memref<50000x64xf32, #tpu.memory_space<hbm>>) dst(%arg13 : memref<128x64xf32, #tpu.memory_space<vmem>>)
      %dma_start3A_1030 = arith.constant 15 : i32
      %dma_start3A_1031 = arith.constant 0 : i32
      %dma_start3A_1032 = tpu.memref_slice %arg11[%dma_start3A_1030, %dma_start3A_1031] : memref<16x128xi32, #tpu.memory_space<vmem>> -> memref<1x128xi32, #tpu.memory_space<vmem>>
      %dma_start3A_1033 = tpu.memref_squeeze %dma_start3A_1032 : memref<1x128xi32, #tpu.memory_space<vmem>> -> memref<128xi32, #tpu.memory_space<vmem>>
      %dma_start3A_1034 = arith.constant 0 : i32
      %dma_start3A_1035 = arith.constant 0 : i32
      %dma_start3A_1036 = tpu.memref_slice %arg7[%dma_start3A_1034, %dma_start3A_1035] : memref<4096x64xf32, #tpu.memory_space<hbm>> -> memref<4096x64xf32, #tpu.memory_space<hbm>>
      tpu.enqueue_indirect_dma source(%arg13 : memref<128x64xf32, #tpu.memory_space<vmem>>) target(%dma_start3A_1036 : memref<4096x64xf32, #tpu.memory_space<hbm>>) offsets(%dma_start3A_1033 : memref<128xi32, #tpu.memory_space<vmem>>) semaphore(%arg14 : memref<!tpu.dma_semaphore, #tpu.memory_space<semaphore_mem>>)
      %dma_wait3A_1037 = arith.constant 15 : i32
      %dma_wait3A_1038 = arith.constant 0 : i32
      %dma_wait3A_1039 = tpu.memref_slice %arg11[%dma_wait3A_1037, %dma_wait3A_1038] : memref<16x128xi32, #tpu.memory_space<vmem>> -> memref<1x128xi32, #tpu.memory_space<vmem>>
      %dma_wait3A_1040 = tpu.memref_squeeze %dma_wait3A_1039 : memref<1x128xi32, #tpu.memory_space<vmem>> -> memref<128xi32, #tpu.memory_space<vmem>>
      %dma_wait3A_1041 = arith.constant 0 : i32
      %dma_wait3A_1042 = arith.constant 0 : i32
      %dma_wait3A_1043 = tpu.memref_slice %arg7[%dma_wait3A_1041, %dma_wait3A_1042] : memref<4096x64xf32, #tpu.memory_space<hbm>> -> memref<4096x64xf32, #tpu.memory_space<hbm>>
      tpu.wait_indirect_dma semaphore(%arg14 : memref<!tpu.dma_semaphore, #tpu.memory_space<semaphore_mem>>) src(%arg13 : memref<128x64xf32, #tpu.memory_space<vmem>>) dst(%dma_wait3A_1043 : memref<4096x64xf32, #tpu.memory_space<hbm>>)
    } else {
    }
    return
  }
}

module attributes {stable_mosaic.version = 14 : i64} {
  func.func @_tc_a_body(%arg0: i32, %arg1: memref<2048x3xf32, #tpu.memory_space<vmem>>, %arg2: memref<3x16xf32, #tpu.memory_space<vmem>>, %arg3: memref<1x16xf32, #tpu.memory_space<vmem>>, %arg4: memref<3x16xf32, #tpu.memory_space<vmem>>, %arg5: memref<1x16xf32, #tpu.memory_space<vmem>>, %arg6: memref<2048x32xf32, #tpu.memory_space<vmem>>, %arg7: memref<2048x16xf32, #tpu.memory_space<vmem>>) attributes {dimension_semantics = [#tpu.dimension_semantics<arbitrary>], iteration_bounds = array<i64: 25>, scalar_prefetch = 0 : i64, scratch_operands = 0 : i64, tpu.core_type = #tpu.core_type<tc>, window_params = [{transform_indices = @transform_0, window_bounds = array<i64: 2048, 3>}, {pipeline_mode = #tpu.pipeline_mode<synchronous>, transform_indices = @transform_1, window_bounds = array<i64: 3, 16>}, {pipeline_mode = #tpu.pipeline_mode<synchronous>, transform_indices = @transform_2, window_bounds = array<i64: 1, 16>}, {pipeline_mode = #tpu.pipeline_mode<synchronous>, transform_indices = @transform_3, window_bounds = array<i64: 3, 16>}, {pipeline_mode = #tpu.pipeline_mode<synchronous>, transform_indices = @transform_4, window_bounds = array<i64: 1, 16>}, {transform_indices = @transform_5, window_bounds = array<i64: 2048, 32>}, {transform_indices = @transform_6, window_bounds = array<i64: 2048, 16>}]} {
    %get3A = arith.constant 0 : index
    %get3A_0 = arith.constant 0 : index
    %get3A_1 = vector.load %arg1[%get3A, %get3A_0] : memref<2048x3xf32, #tpu.memory_space<vmem>>, vector<2048x3xf32>
    %get3A_2 = arith.constant 0 : index
    %get3A_3 = arith.constant 0 : index
    %get3A_4 = vector.load %arg2[%get3A_2, %get3A_3] : memref<3x16xf32, #tpu.memory_space<vmem>>, vector<3x16xf32>
    %dot_general3A = arith.constant dense<0.000000e+00> : vector<2048x16xf32>
    %dot_general3A_5 = tpu.matmul %get3A_1, %get3A_4, %dot_general3A {dimension_numbers = #tpu.dot_dimension_numbers<[1], [0], [0], [1], [0, 0, 1, 1], [], []>, transpose_lhs_hint = false} : vector<2048x3xf32>, vector<3x16xf32>, vector<2048x16xf32> -> vector<2048x16xf32>
    %get3A_6 = arith.constant 0 : index
    %get3A_7 = arith.constant 0 : index
    %get3A_8 = vector.load %arg3[%get3A_6, %get3A_7] : memref<1x16xf32, #tpu.memory_space<vmem>>, vector<1x16xf32>
    %add3A = vector.broadcast %get3A_8 : vector<1x16xf32> to vector<2048x16xf32>
    %add3A_9 = arith.addf %dot_general3A_5, %add3A : vector<2048x16xf32>
    %max3A = arith.constant 0.000000e+00 : f32
    %max3A_10 = vector.broadcast %max3A : f32 to vector<2048x16xf32>
    %max3A_11 = arith.maximumf %add3A_9, %max3A_10 : vector<2048x16xf32>
    %add3A_12 = arith.constant 1.000000e-07 : f32
    %add3A_13 = vector.broadcast %add3A_12 : f32 to vector<2048x16xf32>
    %add3A_14 = arith.addf %max3A_11, %add3A_13 : vector<2048x16xf32>
    %exp3A = math.exp %add3A_14 : vector<2048x16xf32>
    %swap3A = arith.constant 0 : index
    %swap3A_15 = arith.constant 0 : index
    %swap3A_16 = vector.load %arg6[%swap3A, %swap3A_15] : memref<2048x32xf32, #tpu.memory_space<vmem>>, vector<2048x16xf32>
    tpu.vector_store %arg6[%swap3A, %swap3A_15], %exp3A {strides = array<i32>} : memref<2048x32xf32, #tpu.memory_space<vmem>>, vector<2048x16xf32>,
    %mul3A = arith.mulf %add3A_14, %exp3A : vector<2048x16xf32>
    %swap3A_17 = arith.constant 0 : index
    %swap3A_18 = arith.constant 16 : index
    %swap3A_19 = vector.load %arg6[%swap3A_17, %swap3A_18] : memref<2048x32xf32, #tpu.memory_space<vmem>>, vector<2048x16xf32>
    tpu.vector_store %arg6[%swap3A_17, %swap3A_18], %mul3A {strides = array<i32>} : memref<2048x32xf32, #tpu.memory_space<vmem>>, vector<2048x16xf32>,
    %get3A_20 = arith.constant 0 : index
    %get3A_21 = arith.constant 0 : index
    %get3A_22 = vector.load %arg4[%get3A_20, %get3A_21] : memref<3x16xf32, #tpu.memory_space<vmem>>, vector<3x16xf32>
    %dot_general3A_23 = arith.constant dense<0.000000e+00> : vector<2048x16xf32>
    %dot_general3A_24 = tpu.matmul %get3A_1, %get3A_22, %dot_general3A_23 {dimension_numbers = #tpu.dot_dimension_numbers<[1], [0], [0], [1], [0, 0, 1, 1], [], []>, transpose_lhs_hint = false} : vector<2048x3xf32>, vector<3x16xf32>, vector<2048x16xf32> -> vector<2048x16xf32>
    %get3A_25 = arith.constant 0 : index
    %get3A_26 = arith.constant 0 : index
    %get3A_27 = vector.load %arg5[%get3A_25, %get3A_26] : memref<1x16xf32, #tpu.memory_space<vmem>>, vector<1x16xf32>
    %add3A_28 = vector.broadcast %get3A_27 : vector<1x16xf32> to vector<2048x16xf32>
    %add3A_29 = arith.addf %dot_general3A_24, %add3A_28 : vector<2048x16xf32>
    %swap3A_30 = arith.constant 0 : index
    %swap3A_31 = arith.constant 0 : index
    %swap3A_32 = vector.load %arg7[%swap3A_30, %swap3A_31] : memref<2048x16xf32, #tpu.memory_space<vmem>>, vector<2048x16xf32>
    tpu.vector_store %arg7[%swap3A_30, %swap3A_31], %add3A_29 {strides = array<i32>} : memref<2048x16xf32, #tpu.memory_space<vmem>>, vector<2048x16xf32>,
    return
  }
  func.func @transform_0(%arg0: i32) -> (i32, i32) {
    %c0_i32 = arith.constant 0 : i32
    %c0_i32_0 = arith.constant 0 : i32
    return %arg0, %c0_i32 : i32, i32
  }
  func.func @transform_1(%arg0: i32) -> (i32, i32) {
    %c0_i32 = arith.constant 0 : i32
    %c0_i32_0 = arith.constant 0 : i32
    %c0_i32_1 = arith.constant 0 : i32
    return %c0_i32, %c0_i32_0 : i32, i32
  }
  func.func @transform_2(%arg0: i32) -> (i32, i32) {
    %c0_i32 = arith.constant 0 : i32
    %c0_i32_0 = arith.constant 0 : i32
    %c0_i32_1 = arith.constant 0 : i32
    return %c0_i32, %c0_i32_0 : i32, i32
  }
  func.func @transform_3(%arg0: i32) -> (i32, i32) {
    %c0_i32 = arith.constant 0 : i32
    %c0_i32_0 = arith.constant 0 : i32
    %c0_i32_1 = arith.constant 0 : i32
    return %c0_i32, %c0_i32_0 : i32, i32
  }
  func.func @transform_4(%arg0: i32) -> (i32, i32) {
    %c0_i32 = arith.constant 0 : i32
    %c0_i32_0 = arith.constant 0 : i32
    %c0_i32_1 = arith.constant 0 : i32
    return %c0_i32, %c0_i32_0 : i32, i32
  }
  func.func @transform_5(%arg0: i32) -> (i32, i32) {
    %c0_i32 = arith.constant 0 : i32
    %c0_i32_0 = arith.constant 0 : i32
    return %arg0, %c0_i32 : i32, i32
  }
  func.func @transform_6(%arg0: i32) -> (i32, i32) {
    %c0_i32 = arith.constant 0 : i32
    %c0_i32_0 = arith.constant 0 : i32
    return %arg0, %c0_i32 : i32, i32
  }
}

module attributes {stable_mosaic.version = 14 : i64} {
  func.func @_tc_b_body(%arg0: i32, %arg1: memref<2x2048x32xf32, #tpu.memory_space<vmem>>, %arg2: memref<2048x16xf32, #tpu.memory_space<vmem>>, %arg3: memref<16x32xf32, #tpu.memory_space<vmem>>, %arg4: memref<1x32xf32, #tpu.memory_space<vmem>>, %arg5: memref<1x32xf32, #tpu.memory_space<vmem>>, %arg6: memref<1x32xf32, #tpu.memory_space<vmem>>, %arg7: memref<32x16xf32, #tpu.memory_space<vmem>>, %arg8: memref<1x16xf32, #tpu.memory_space<vmem>>, %arg9: memref<16x64xf32, #tpu.memory_space<vmem>>, %arg10: memref<1x64xf32, #tpu.memory_space<vmem>>, %arg11: memref<16x64xf32, #tpu.memory_space<vmem>>, %arg12: memref<1x64xf32, #tpu.memory_space<vmem>>, %arg13: memref<4x2048x32xf32, #tpu.memory_space<vmem>>, %arg14: memref<2048x64xf32, #tpu.memory_space<vmem>>) attributes {dimension_semantics = [#tpu.dimension_semantics<arbitrary>], iteration_bounds = array<i64: 25>, scalar_prefetch = 0 : i64, scratch_operands = 0 : i64, tpu.core_type = #tpu.core_type<tc>, window_params = [{transform_indices = @transform_0, window_bounds = array<i64: 2, 2048, 32>}, {transform_indices = @transform_1, window_bounds = array<i64: 2048, 16>}, {pipeline_mode = #tpu.pipeline_mode<synchronous>, transform_indices = @transform_2, window_bounds = array<i64: 16, 32>}, {pipeline_mode = #tpu.pipeline_mode<synchronous>, transform_indices = @transform_3, window_bounds = array<i64: 1, 32>}, {pipeline_mode = #tpu.pipeline_mode<synchronous>, transform_indices = @transform_4, window_bounds = array<i64: 1, 32>}, {pipeline_mode = #tpu.pipeline_mode<synchronous>, transform_indices = @transform_5, window_bounds = array<i64: 1, 32>}, {pipeline_mode = #tpu.pipeline_mode<synchronous>, transform_indices = @transform_6, window_bounds = array<i64: 32, 16>}, {pipeline_mode = #tpu.pipeline_mode<synchronous>, transform_indices = @transform_7, window_bounds = array<i64: 1, 16>}, {pipeline_mode = #tpu.pipeline_mode<synchronous>, transform_indices = @transform_8, window_bounds = array<i64: 16, 64>}, {pipeline_mode = #tpu.pipeline_mode<synchronous>, transform_indices = @transform_9, window_bounds = array<i64: 1, 64>}, {pipeline_mode = #tpu.pipeline_mode<synchronous>, transform_indices = @transform_10, window_bounds = array<i64: 16, 64>}, {pipeline_mode = #tpu.pipeline_mode<synchronous>, transform_indices = @transform_11, window_bounds = array<i64: 1, 64>}, {transform_indices = @transform_12, window_bounds = array<i64: 4, 2048, 32>}, {transform_indices = @transform_13, window_bounds = array<i64: 2048, 64>}]} {
    %get3A = arith.constant 0 : index
    %get3A_0 = arith.constant 0 : index
    %get3A_1 = arith.constant 0 : index
    %get3A_2 = vector.load %arg1[%get3A, %get3A_0, %get3A_1] : memref<2x2048x32xf32, #tpu.memory_space<vmem>>, vector<1x2048x16xf32>
    %get3A_3 = vector.shape_cast %get3A_2 : vector<1x2048x16xf32> to vector<2048x16xf32>
    %get3A_4 = arith.constant 1 : index
    %get3A_5 = arith.constant 0 : index
    %get3A_6 = arith.constant 0 : index
    %get3A_7 = vector.load %arg1[%get3A_4, %get3A_5, %get3A_6] : memref<2x2048x32xf32, #tpu.memory_space<vmem>>, vector<1x2048x16xf32>
    %get3A_8 = vector.shape_cast %get3A_7 : vector<1x2048x16xf32> to vector<2048x16xf32>
    %add3A = arith.addf %get3A_3, %get3A_8 : vector<2048x16xf32>
    %get3A_9 = arith.constant 0 : index
    %get3A_10 = arith.constant 0 : index
    %get3A_11 = arith.constant 16 : index
    %get3A_12 = vector.load %arg1[%get3A_9, %get3A_10, %get3A_11] : memref<2x2048x32xf32, #tpu.memory_space<vmem>>, vector<1x2048x16xf32>
    %get3A_13 = vector.shape_cast %get3A_12 : vector<1x2048x16xf32> to vector<2048x16xf32>
    %get3A_14 = arith.constant 1 : index
    %get3A_15 = arith.constant 0 : index
    %get3A_16 = arith.constant 16 : index
    %get3A_17 = vector.load %arg1[%get3A_14, %get3A_15, %get3A_16] : memref<2x2048x32xf32, #tpu.memory_space<vmem>>, vector<1x2048x16xf32>
    %get3A_18 = vector.shape_cast %get3A_17 : vector<1x2048x16xf32> to vector<2048x16xf32>
    %add3A_19 = arith.addf %get3A_13, %get3A_18 : vector<2048x16xf32>
    %add3A_20 = arith.constant 1.000000e-16 : f32
    %add3A_21 = vector.broadcast %add3A_20 : f32 to vector<2048x16xf32>
    %add3A_22 = arith.addf %add3A, %add3A_21 : vector<2048x16xf32>
    %div3A = arith.divf %add3A_19, %add3A_22 : vector<2048x16xf32>
    %get3A_23 = arith.constant 0 : index
    %get3A_24 = arith.constant 0 : index
    %get3A_25 = vector.load %arg2[%get3A_23, %get3A_24] : memref<2048x16xf32, #tpu.memory_space<vmem>>, vector<2048x16xf32>
    %add3A_26 = arith.addf %div3A, %get3A_25 : vector<2048x16xf32>
    %get3A_27 = arith.constant 0 : index
    %get3A_28 = arith.constant 0 : index
    %get3A_29 = vector.load %arg3[%get3A_27, %get3A_28] : memref<16x32xf32, #tpu.memory_space<vmem>>, vector<16x32xf32>
    %dot_general3A = arith.constant dense<0.000000e+00> : vector<2048x32xf32>
    %dot_general3A_30 = tpu.matmul %add3A_26, %get3A_29, %dot_general3A {dimension_numbers = #tpu.dot_dimension_numbers<[1], [0], [0], [1], [0, 0, 1, 1], [], []>, transpose_lhs_hint = false} : vector<2048x16xf32>, vector<16x32xf32>, vector<2048x32xf32> -> vector<2048x32xf32>
    %get3A_31 = arith.constant 0 : index
    %get3A_32 = arith.constant 0 : index
    %get3A_33 = vector.load %arg4[%get3A_31, %get3A_32] : memref<1x32xf32, #tpu.memory_space<vmem>>, vector<1x32xf32>
    %add3A_34 = vector.broadcast %get3A_33 : vector<1x32xf32> to vector<2048x32xf32>
    %add3A_35 = arith.addf %dot_general3A_30, %add3A_34 : vector<2048x32xf32>
    %get3A_36 = arith.constant 0 : index
    %get3A_37 = arith.constant 0 : index
    %get3A_38 = vector.load %arg5[%get3A_36, %get3A_37] : memref<1x32xf32, #tpu.memory_space<vmem>>, vector<1x32xf32>
    %sqrt3A = arith.constant 1.000010e+00 : f32
    %sqrt3A_39 = math.sqrt %sqrt3A : f32
    %div3A_40 = vector.broadcast %sqrt3A_39 : f32 to vector<1x32xf32>
    %div3A_41 = arith.divf %get3A_38, %div3A_40 : vector<1x32xf32>
    %mul3A = vector.broadcast %div3A_41 : vector<1x32xf32> to vector<2048x32xf32>
    %mul3A_42 = arith.mulf %add3A_35, %mul3A : vector<2048x32xf32>
    %get3A_43 = arith.constant 0 : index
    %get3A_44 = arith.constant 0 : index
    %get3A_45 = vector.load %arg6[%get3A_43, %get3A_44] : memref<1x32xf32, #tpu.memory_space<vmem>>, vector<1x32xf32>
    %add3A_46 = vector.broadcast %get3A_45 : vector<1x32xf32> to vector<2048x32xf32>
    %add3A_47 = arith.addf %mul3A_42, %add3A_46 : vector<2048x32xf32>
    %max3A = arith.constant 0.000000e+00 : f32
    %max3A_48 = vector.broadcast %max3A : f32 to vector<2048x32xf32>
    %max3A_49 = arith.maximumf %add3A_47, %max3A_48 : vector<2048x32xf32>
    %get3A_50 = arith.constant 0 : index
    %get3A_51 = arith.constant 0 : index
    %get3A_52 = vector.load %arg7[%get3A_50, %get3A_51] : memref<32x16xf32, #tpu.memory_space<vmem>>, vector<32x16xf32>
    %dot_general3A_53 = arith.constant dense<0.000000e+00> : vector<2048x16xf32>
    %dot_general3A_54 = tpu.matmul %max3A_49, %get3A_52, %dot_general3A_53 {dimension_numbers = #tpu.dot_dimension_numbers<[1], [0], [0], [1], [0, 0, 1, 1], [], []>, transpose_lhs_hint = false} : vector<2048x32xf32>, vector<32x16xf32>, vector<2048x16xf32> -> vector<2048x16xf32>
    %get3A_55 = arith.constant 0 : index
    %get3A_56 = arith.constant 0 : index
    %get3A_57 = vector.load %arg8[%get3A_55, %get3A_56] : memref<1x16xf32, #tpu.memory_space<vmem>>, vector<1x16xf32>
    %add3A_58 = vector.broadcast %get3A_57 : vector<1x16xf32> to vector<2048x16xf32>
    %add3A_59 = arith.addf %dot_general3A_54, %add3A_58 : vector<2048x16xf32>
    %ge3A = arith.constant 0.000000e+00 : f32
    %ge3A_60 = vector.broadcast %ge3A : f32 to vector<2048x16xf32>
    %ge3A_61 = arith.cmpf oge, %add3A_59, %ge3A_60 : vector<2048x16xf32>
    %mul3A_62 = arith.constant 0.00999999977 : f32
    %mul3A_63 = vector.broadcast %mul3A_62 : f32 to vector<2048x16xf32>
    %mul3A_64 = arith.mulf %mul3A_63, %add3A_59 : vector<2048x16xf32>
    %select_n3A = arith.select %ge3A_61, %add3A_59, %mul3A_64 : vector<2048x16xi1>, vector<2048x16xf32>
    %get3A_65 = arith.constant 0 : index
    %get3A_66 = arith.constant 0 : index
    %get3A_67 = vector.load %arg9[%get3A_65, %get3A_66] : memref<16x64xf32, #tpu.memory_space<vmem>>, vector<16x64xf32>
    %dot_general3A_68 = arith.constant dense<0.000000e+00> : vector<2048x64xf32>
    %dot_general3A_69 = tpu.matmul %select_n3A, %get3A_67, %dot_general3A_68 {dimension_numbers = #tpu.dot_dimension_numbers<[1], [0], [0], [1], [0, 0, 1, 1], [], []>, transpose_lhs_hint = false} : vector<2048x16xf32>, vector<16x64xf32>, vector<2048x64xf32> -> vector<2048x64xf32>
    %get3A_70 = arith.constant 0 : index
    %get3A_71 = arith.constant 0 : index
    %get3A_72 = vector.load %arg10[%get3A_70, %get3A_71] : memref<1x64xf32, #tpu.memory_space<vmem>>, vector<1x64xf32>
    %add3A_73 = vector.broadcast %get3A_72 : vector<1x64xf32> to vector<2048x64xf32>
    %add3A_74 = arith.addf %dot_general3A_69, %add3A_73 : vector<2048x64xf32>
    %max3A_75 = arith.constant 0.000000e+00 : f32
    %max3A_76 = vector.broadcast %max3A_75 : f32 to vector<2048x64xf32>
    %max3A_77 = arith.maximumf %add3A_74, %max3A_76 : vector<2048x64xf32>
    %add3A_78 = arith.constant 1.000000e-07 : f32
    %add3A_79 = vector.broadcast %add3A_78 : f32 to vector<2048x64xf32>
    %add3A_80 = arith.addf %max3A_77, %add3A_79 : vector<2048x64xf32>
    %exp3A = math.exp %add3A_80 : vector<2048x64xf32>
    %mul3A_81 = arith.mulf %add3A_80, %exp3A : vector<2048x64xf32>
    %slice3A = vector.extract_strided_slice %exp3A {offsets = [0, 0], sizes = [2048, 16], strides = [1, 1]} : vector<2048x64xf32> to vector<2048x16xf32>
    %swap3A = arith.constant 0 : index
    %swap3A_82 = arith.constant 0 : index
    %swap3A_83 = arith.constant 0 : index
    %swap3A_84 = vector.load %arg13[%swap3A, %swap3A_82, %swap3A_83] : memref<4x2048x32xf32, #tpu.memory_space<vmem>>, vector<1x2048x16xf32>
    %swap3A_85 = vector.shape_cast %swap3A_84 : vector<1x2048x16xf32> to vector<2048x16xf32>
    %swap3A_86 = vector.shape_cast %slice3A : vector<2048x16xf32> to vector<1x2048x16xf32>
    tpu.vector_store %arg13[%swap3A, %swap3A_82, %swap3A_83], %swap3A_86 {strides = array<i32>} : memref<4x2048x32xf32, #tpu.memory_space<vmem>>, vector<1x2048x16xf32>,
    %slice3A_87 = vector.extract_strided_slice %mul3A_81 {offsets = [0, 0], sizes = [2048, 16], strides = [1, 1]} : vector<2048x64xf32> to vector<2048x16xf32>
    %swap3A_88 = arith.constant 0 : index
    %swap3A_89 = arith.constant 0 : index
    %swap3A_90 = arith.constant 16 : index
    %swap3A_91 = vector.load %arg13[%swap3A_88, %swap3A_89, %swap3A_90] : memref<4x2048x32xf32, #tpu.memory_space<vmem>>, vector<1x2048x16xf32>
    %swap3A_92 = vector.shape_cast %swap3A_91 : vector<1x2048x16xf32> to vector<2048x16xf32>
    %swap3A_93 = vector.shape_cast %slice3A_87 : vector<2048x16xf32> to vector<1x2048x16xf32>
    tpu.vector_store %arg13[%swap3A_88, %swap3A_89, %swap3A_90], %swap3A_93 {strides = array<i32>} : memref<4x2048x32xf32, #tpu.memory_space<vmem>>, vector<1x2048x16xf32>,
    %slice3A_94 = vector.extract_strided_slice %exp3A {offsets = [0, 16], sizes = [2048, 16], strides = [1, 1]} : vector<2048x64xf32> to vector<2048x16xf32>
    %swap3A_95 = arith.constant 1 : index
    %swap3A_96 = arith.constant 0 : index
    %swap3A_97 = arith.constant 0 : index
    %swap3A_98 = vector.load %arg13[%swap3A_95, %swap3A_96, %swap3A_97] : memref<4x2048x32xf32, #tpu.memory_space<vmem>>, vector<1x2048x16xf32>
    %swap3A_99 = vector.shape_cast %swap3A_98 : vector<1x2048x16xf32> to vector<2048x16xf32>
    %swap3A_100 = vector.shape_cast %slice3A_94 : vector<2048x16xf32> to vector<1x2048x16xf32>
    tpu.vector_store %arg13[%swap3A_95, %swap3A_96, %swap3A_97], %swap3A_100 {strides = array<i32>} : memref<4x2048x32xf32, #tpu.memory_space<vmem>>, vector<1x2048x16xf32>,
    %slice3A_101 = vector.extract_strided_slice %mul3A_81 {offsets = [0, 16], sizes = [2048, 16], strides = [1, 1]} : vector<2048x64xf32> to vector<2048x16xf32>
    %swap3A_102 = arith.constant 1 : index
    %swap3A_103 = arith.constant 0 : index
    %swap3A_104 = arith.constant 16 : index
    %swap3A_105 = vector.load %arg13[%swap3A_102, %swap3A_103, %swap3A_104] : memref<4x2048x32xf32, #tpu.memory_space<vmem>>, vector<1x2048x16xf32>
    %swap3A_106 = vector.shape_cast %swap3A_105 : vector<1x2048x16xf32> to vector<2048x16xf32>
    %swap3A_107 = vector.shape_cast %slice3A_101 : vector<2048x16xf32> to vector<1x2048x16xf32>
    tpu.vector_store %arg13[%swap3A_102, %swap3A_103, %swap3A_104], %swap3A_107 {strides = array<i32>} : memref<4x2048x32xf32, #tpu.memory_space<vmem>>, vector<1x2048x16xf32>,
    %slice3A_108 = vector.extract_strided_slice %exp3A {offsets = [0, 32], sizes = [2048, 16], strides = [1, 1]} : vector<2048x64xf32> to vector<2048x16xf32>
    %swap3A_109 = arith.constant 2 : index
    %swap3A_110 = arith.constant 0 : index
    %swap3A_111 = arith.constant 0 : index
    %swap3A_112 = vector.load %arg13[%swap3A_109, %swap3A_110, %swap3A_111] : memref<4x2048x32xf32, #tpu.memory_space<vmem>>, vector<1x2048x16xf32>
    %swap3A_113 = vector.shape_cast %swap3A_112 : vector<1x2048x16xf32> to vector<2048x16xf32>
    %swap3A_114 = vector.shape_cast %slice3A_108 : vector<2048x16xf32> to vector<1x2048x16xf32>
    tpu.vector_store %arg13[%swap3A_109, %swap3A_110, %swap3A_111], %swap3A_114 {strides = array<i32>} : memref<4x2048x32xf32, #tpu.memory_space<vmem>>, vector<1x2048x16xf32>,
    %slice3A_115 = vector.extract_strided_slice %mul3A_81 {offsets = [0, 32], sizes = [2048, 16], strides = [1, 1]} : vector<2048x64xf32> to vector<2048x16xf32>
    %swap3A_116 = arith.constant 2 : index
    %swap3A_117 = arith.constant 0 : index
    %swap3A_118 = arith.constant 16 : index
    %swap3A_119 = vector.load %arg13[%swap3A_116, %swap3A_117, %swap3A_118] : memref<4x2048x32xf32, #tpu.memory_space<vmem>>, vector<1x2048x16xf32>
    %swap3A_120 = vector.shape_cast %swap3A_119 : vector<1x2048x16xf32> to vector<2048x16xf32>
    %swap3A_121 = vector.shape_cast %slice3A_115 : vector<2048x16xf32> to vector<1x2048x16xf32>
    tpu.vector_store %arg13[%swap3A_116, %swap3A_117, %swap3A_118], %swap3A_121 {strides = array<i32>} : memref<4x2048x32xf32, #tpu.memory_space<vmem>>, vector<1x2048x16xf32>,
    %slice3A_122 = vector.extract_strided_slice %exp3A {offsets = [0, 48], sizes = [2048, 16], strides = [1, 1]} : vector<2048x64xf32> to vector<2048x16xf32>
    %swap3A_123 = arith.constant 3 : index
    %swap3A_124 = arith.constant 0 : index
    %swap3A_125 = arith.constant 0 : index
    %swap3A_126 = vector.load %arg13[%swap3A_123, %swap3A_124, %swap3A_125] : memref<4x2048x32xf32, #tpu.memory_space<vmem>>, vector<1x2048x16xf32>
    %swap3A_127 = vector.shape_cast %swap3A_126 : vector<1x2048x16xf32> to vector<2048x16xf32>
    %swap3A_128 = vector.shape_cast %slice3A_122 : vector<2048x16xf32> to vector<1x2048x16xf32>
    tpu.vector_store %arg13[%swap3A_123, %swap3A_124, %swap3A_125], %swap3A_128 {strides = array<i32>} : memref<4x2048x32xf32, #tpu.memory_space<vmem>>, vector<1x2048x16xf32>,
    %slice3A_129 = vector.extract_strided_slice %mul3A_81 {offsets = [0, 48], sizes = [2048, 16], strides = [1, 1]} : vector<2048x64xf32> to vector<2048x16xf32>
    %swap3A_130 = arith.constant 3 : index
    %swap3A_131 = arith.constant 0 : index
    %swap3A_132 = arith.constant 16 : index
    %swap3A_133 = vector.load %arg13[%swap3A_130, %swap3A_131, %swap3A_132] : memref<4x2048x32xf32, #tpu.memory_space<vmem>>, vector<1x2048x16xf32>
    %swap3A_134 = vector.shape_cast %swap3A_133 : vector<1x2048x16xf32> to vector<2048x16xf32>
    %swap3A_135 = vector.shape_cast %slice3A_129 : vector<2048x16xf32> to vector<1x2048x16xf32>
    tpu.vector_store %arg13[%swap3A_130, %swap3A_131, %swap3A_132], %swap3A_135 {strides = array<i32>} : memref<4x2048x32xf32, #tpu.memory_space<vmem>>, vector<1x2048x16xf32>,
    %get3A_136 = arith.constant 0 : index
    %get3A_137 = arith.constant 0 : index
    %get3A_138 = vector.load %arg11[%get3A_136, %get3A_137] : memref<16x64xf32, #tpu.memory_space<vmem>>, vector<16x64xf32>
    %dot_general3A_139 = arith.constant dense<0.000000e+00> : vector<2048x64xf32>
    %dot_general3A_140 = tpu.matmul %select_n3A, %get3A_138, %dot_general3A_139 {dimension_numbers = #tpu.dot_dimension_numbers<[1], [0], [0], [1], [0, 0, 1, 1], [], []>, transpose_lhs_hint = false} : vector<2048x16xf32>, vector<16x64xf32>, vector<2048x64xf32> -> vector<2048x64xf32>
    %get3A_141 = arith.constant 0 : index
    %get3A_142 = arith.constant 0 : index
    %get3A_143 = vector.load %arg12[%get3A_141, %get3A_142] : memref<1x64xf32, #tpu.memory_space<vmem>>, vector<1x64xf32>
    %add3A_144 = vector.broadcast %get3A_143 : vector<1x64xf32> to vector<2048x64xf32>
    %add3A_145 = arith.addf %dot_general3A_140, %add3A_144 : vector<2048x64xf32>
    %swap3A_146 = arith.constant 0 : index
    %swap3A_147 = arith.constant 0 : index
    %swap3A_148 = vector.load %arg14[%swap3A_146, %swap3A_147] : memref<2048x64xf32, #tpu.memory_space<vmem>>, vector<2048x64xf32>
    tpu.vector_store %arg14[%swap3A_146, %swap3A_147], %add3A_145 {strides = array<i32>} : memref<2048x64xf32, #tpu.memory_space<vmem>>, vector<2048x64xf32>,
    return
  }
  func.func @transform_0(%arg0: i32) -> (i32, i32, i32) {
    %c0_i32 = arith.constant 0 : i32
    %c0_i32_0 = arith.constant 0 : i32
    %c0_i32_1 = arith.constant 0 : i32
    return %c0_i32, %arg0, %c0_i32_0 : i32, i32, i32
  }
  func.func @transform_1(%arg0: i32) -> (i32, i32) {
    %c0_i32 = arith.constant 0 : i32
    %c0_i32_0 = arith.constant 0 : i32
    return %arg0, %c0_i32 : i32, i32
  }
  func.func @transform_2(%arg0: i32) -> (i32, i32) {
    %c0_i32 = arith.constant 0 : i32
    %c0_i32_0 = arith.constant 0 : i32
    %c0_i32_1 = arith.constant 0 : i32
    return %c0_i32, %c0_i32_0 : i32, i32
  }
  func.func @transform_3(%arg0: i32) -> (i32, i32) {
    %c0_i32 = arith.constant 0 : i32
    %c0_i32_0 = arith.constant 0 : i32
    %c0_i32_1 = arith.constant 0 : i32
    return %c0_i32, %c0_i32_0 : i32, i32
  }
  func.func @transform_4(%arg0: i32) -> (i32, i32) {
    %c0_i32 = arith.constant 0 : i32
    %c0_i32_0 = arith.constant 0 : i32
    %c0_i32_1 = arith.constant 0 : i32
    return %c0_i32, %c0_i32_0 : i32, i32
  }
  func.func @transform_5(%arg0: i32) -> (i32, i32) {
    %c0_i32 = arith.constant 0 : i32
    %c0_i32_0 = arith.constant 0 : i32
    %c0_i32_1 = arith.constant 0 : i32
    return %c0_i32, %c0_i32_0 : i32, i32
  }
  func.func @transform_6(%arg0: i32) -> (i32, i32) {
    %c0_i32 = arith.constant 0 : i32
    %c0_i32_0 = arith.constant 0 : i32
    %c0_i32_1 = arith.constant 0 : i32
    return %c0_i32, %c0_i32_0 : i32, i32
  }
  func.func @transform_7(%arg0: i32) -> (i32, i32) {
    %c0_i32 = arith.constant 0 : i32
    %c0_i32_0 = arith.constant 0 : i32
    %c0_i32_1 = arith.constant 0 : i32
    return %c0_i32, %c0_i32_0 : i32, i32
  }
  func.func @transform_8(%arg0: i32) -> (i32, i32) {
    %c0_i32 = arith.constant 0 : i32
    %c0_i32_0 = arith.constant 0 : i32
    %c0_i32_1 = arith.constant 0 : i32
    return %c0_i32, %c0_i32_0 : i32, i32
  }
  func.func @transform_9(%arg0: i32) -> (i32, i32) {
    %c0_i32 = arith.constant 0 : i32
    %c0_i32_0 = arith.constant 0 : i32
    %c0_i32_1 = arith.constant 0 : i32
    return %c0_i32, %c0_i32_0 : i32, i32
  }
  func.func @transform_10(%arg0: i32) -> (i32, i32) {
    %c0_i32 = arith.constant 0 : i32
    %c0_i32_0 = arith.constant 0 : i32
    %c0_i32_1 = arith.constant 0 : i32
    return %c0_i32, %c0_i32_0 : i32, i32
  }
  func.func @transform_11(%arg0: i32) -> (i32, i32) {
    %c0_i32 = arith.constant 0 : i32
    %c0_i32_0 = arith.constant 0 : i32
    %c0_i32_1 = arith.constant 0 : i32
    return %c0_i32, %c0_i32_0 : i32, i32
  }
  func.func @transform_12(%arg0: i32) -> (i32, i32, i32) {
    %c0_i32 = arith.constant 0 : i32
    %c0_i32_0 = arith.constant 0 : i32
    %c0_i32_1 = arith.constant 0 : i32
    return %c0_i32, %arg0, %c0_i32_0 : i32, i32, i32
  }
  func.func @transform_13(%arg0: i32) -> (i32, i32) {
    %c0_i32 = arith.constant 0 : i32
    %c0_i32_0 = arith.constant 0 : i32
    return %arg0, %c0_i32 : i32, i32
  }
}

module attributes {stable_mosaic.version = 14 : i64} {
  func.func @_tc_c_body(%arg0: i32, %arg1: memref<4x2048x32xf32, #tpu.memory_space<vmem>>, %arg2: memref<2048x64xf32, #tpu.memory_space<vmem>>, %arg3: memref<64x128xf32, #tpu.memory_space<vmem>>, %arg4: memref<1x128xf32, #tpu.memory_space<vmem>>, %arg5: memref<1x128xf32, #tpu.memory_space<vmem>>, %arg6: memref<1x128xf32, #tpu.memory_space<vmem>>, %arg7: memref<128x64xf32, #tpu.memory_space<vmem>>, %arg8: memref<1x64xf32, #tpu.memory_space<vmem>>, %arg9: memref<64x1xf32, #tpu.memory_space<vmem>>, %arg10: memref<2048x64xf32, #tpu.memory_space<vmem>>, %arg11: memref<2048x1xf32, #tpu.memory_space<vmem>>) attributes {dimension_semantics = [#tpu.dimension_semantics<arbitrary>], iteration_bounds = array<i64: 25>, scalar_prefetch = 0 : i64, scratch_operands = 0 : i64, tpu.core_type = #tpu.core_type<tc>, window_params = [{transform_indices = @transform_0, window_bounds = array<i64: 4, 2048, 32>}, {transform_indices = @transform_1, window_bounds = array<i64: 2048, 64>}, {pipeline_mode = #tpu.pipeline_mode<synchronous>, transform_indices = @transform_2, window_bounds = array<i64: 64, 128>}, {pipeline_mode = #tpu.pipeline_mode<synchronous>, transform_indices = @transform_3, window_bounds = array<i64: 1, 128>}, {pipeline_mode = #tpu.pipeline_mode<synchronous>, transform_indices = @transform_4, window_bounds = array<i64: 1, 128>}, {pipeline_mode = #tpu.pipeline_mode<synchronous>, transform_indices = @transform_5, window_bounds = array<i64: 1, 128>}, {pipeline_mode = #tpu.pipeline_mode<synchronous>, transform_indices = @transform_6, window_bounds = array<i64: 128, 64>}, {pipeline_mode = #tpu.pipeline_mode<synchronous>, transform_indices = @transform_7, window_bounds = array<i64: 1, 64>}, {pipeline_mode = #tpu.pipeline_mode<synchronous>, transform_indices = @transform_8, window_bounds = array<i64: 64, 1>}, {transform_indices = @transform_9, window_bounds = array<i64: 2048, 64>}, {transform_indices = @transform_10, window_bounds = array<i64: 2048, 1>}]} {
    %get3A = arith.constant 0 : index
    %get3A_0 = arith.constant 0 : index
    %get3A_1 = arith.constant 0 : index
    %get3A_2 = vector.load %arg1[%get3A, %get3A_0, %get3A_1] : memref<4x2048x32xf32, #tpu.memory_space<vmem>>, vector<1x2048x16xf32>
    %get3A_3 = vector.shape_cast %get3A_2 : vector<1x2048x16xf32> to vector<2048x16xf32>
    %get3A_4 = arith.constant 0 : index
    %get3A_5 = arith.constant 0 : index
    %get3A_6 = arith.constant 16 : index
    %get3A_7 = vector.load %arg1[%get3A_4, %get3A_5, %get3A_6] : memref<4x2048x32xf32, #tpu.memory_space<vmem>>, vector<1x2048x16xf32>
    %get3A_8 = vector.shape_cast %get3A_7 : vector<1x2048x16xf32> to vector<2048x16xf32>
    %add3A = arith.constant 1.000000e-16 : f32
    %add3A_9 = vector.broadcast %add3A : f32 to vector<2048x16xf32>
    %add3A_10 = arith.addf %get3A_3, %add3A_9 : vector<2048x16xf32>
    %div3A = arith.divf %get3A_8, %add3A_10 : vector<2048x16xf32>
    %get3A_11 = arith.constant 1 : index
    %get3A_12 = arith.constant 0 : index
    %get3A_13 = arith.constant 0 : index
    %get3A_14 = vector.load %arg1[%get3A_11, %get3A_12, %get3A_13] : memref<4x2048x32xf32, #tpu.memory_space<vmem>>, vector<1x2048x16xf32>
    %get3A_15 = vector.shape_cast %get3A_14 : vector<1x2048x16xf32> to vector<2048x16xf32>
    %get3A_16 = arith.constant 1 : index
    %get3A_17 = arith.constant 0 : index
    %get3A_18 = arith.constant 16 : index
    %get3A_19 = vector.load %arg1[%get3A_16, %get3A_17, %get3A_18] : memref<4x2048x32xf32, #tpu.memory_space<vmem>>, vector<1x2048x16xf32>
    %get3A_20 = vector.shape_cast %get3A_19 : vector<1x2048x16xf32> to vector<2048x16xf32>
    %add3A_21 = arith.constant 1.000000e-16 : f32
    %add3A_22 = vector.broadcast %add3A_21 : f32 to vector<2048x16xf32>
    %add3A_23 = arith.addf %get3A_15, %add3A_22 : vector<2048x16xf32>
    %div3A_24 = arith.divf %get3A_20, %add3A_23 : vector<2048x16xf32>
    %get3A_25 = arith.constant 2 : index
    %get3A_26 = arith.constant 0 : index
    %get3A_27 = arith.constant 0 : index
    %get3A_28 = vector.load %arg1[%get3A_25, %get3A_26, %get3A_27] : memref<4x2048x32xf32, #tpu.memory_space<vmem>>, vector<1x2048x16xf32>
    %get3A_29 = vector.shape_cast %get3A_28 : vector<1x2048x16xf32> to vector<2048x16xf32>
    %get3A_30 = arith.constant 2 : index
    %get3A_31 = arith.constant 0 : index
    %get3A_32 = arith.constant 16 : index
    %get3A_33 = vector.load %arg1[%get3A_30, %get3A_31, %get3A_32] : memref<4x2048x32xf32, #tpu.memory_space<vmem>>, vector<1x2048x16xf32>
    %get3A_34 = vector.shape_cast %get3A_33 : vector<1x2048x16xf32> to vector<2048x16xf32>
    %add3A_35 = arith.constant 1.000000e-16 : f32
    %add3A_36 = vector.broadcast %add3A_35 : f32 to vector<2048x16xf32>
    %add3A_37 = arith.addf %get3A_29, %add3A_36 : vector<2048x16xf32>
    %div3A_38 = arith.divf %get3A_34, %add3A_37 : vector<2048x16xf32>
    %get3A_39 = arith.constant 3 : index
    %get3A_40 = arith.constant 0 : index
    %get3A_41 = arith.constant 0 : index
    %get3A_42 = vector.load %arg1[%get3A_39, %get3A_40, %get3A_41] : memref<4x2048x32xf32, #tpu.memory_space<vmem>>, vector<1x2048x16xf32>
    %get3A_43 = vector.shape_cast %get3A_42 : vector<1x2048x16xf32> to vector<2048x16xf32>
    %get3A_44 = arith.constant 3 : index
    %get3A_45 = arith.constant 0 : index
    %get3A_46 = arith.constant 16 : index
    %get3A_47 = vector.load %arg1[%get3A_44, %get3A_45, %get3A_46] : memref<4x2048x32xf32, #tpu.memory_space<vmem>>, vector<1x2048x16xf32>
    %get3A_48 = vector.shape_cast %get3A_47 : vector<1x2048x16xf32> to vector<2048x16xf32>
    %add3A_49 = arith.constant 1.000000e-16 : f32
    %add3A_50 = vector.broadcast %add3A_49 : f32 to vector<2048x16xf32>
    %add3A_51 = arith.addf %get3A_43, %add3A_50 : vector<2048x16xf32>
    %div3A_52 = arith.divf %get3A_48, %add3A_51 : vector<2048x16xf32>
    %concatenate3A = tpu.concatenate %div3A, %div3A_24, %div3A_38, %div3A_52 in 1 : vector<2048x16xf32>, vector<2048x16xf32>, vector<2048x16xf32>, vector<2048x16xf32> -> vector<2048x64xf32>
    %get3A_53 = arith.constant 0 : index
    %get3A_54 = arith.constant 0 : index
    %get3A_55 = vector.load %arg2[%get3A_53, %get3A_54] : memref<2048x64xf32, #tpu.memory_space<vmem>>, vector<2048x64xf32>
    %add3A_56 = arith.addf %concatenate3A, %get3A_55 : vector<2048x64xf32>
    %get3A_57 = arith.constant 0 : index
    %get3A_58 = arith.constant 0 : index
    %get3A_59 = vector.load %arg3[%get3A_57, %get3A_58] : memref<64x128xf32, #tpu.memory_space<vmem>>, vector<64x128xf32>
    %dot_general3A = arith.constant dense<0.000000e+00> : vector<2048x128xf32>
    %dot_general3A_60 = tpu.matmul %add3A_56, %get3A_59, %dot_general3A {dimension_numbers = #tpu.dot_dimension_numbers<[1], [0], [0], [1], [0, 0, 1, 1], [], []>, transpose_lhs_hint = false} : vector<2048x64xf32>, vector<64x128xf32>, vector<2048x128xf32> -> vector<2048x128xf32>
    %get3A_61 = arith.constant 0 : index
    %get3A_62 = arith.constant 0 : index
    %get3A_63 = vector.load %arg4[%get3A_61, %get3A_62] : memref<1x128xf32, #tpu.memory_space<vmem>>, vector<1x128xf32>
    %add3A_64 = vector.broadcast %get3A_63 : vector<1x128xf32> to vector<2048x128xf32>
    %add3A_65 = arith.addf %dot_general3A_60, %add3A_64 : vector<2048x128xf32>
    %get3A_66 = arith.constant 0 : index
    %get3A_67 = arith.constant 0 : index
    %get3A_68 = vector.load %arg5[%get3A_66, %get3A_67] : memref<1x128xf32, #tpu.memory_space<vmem>>, vector<1x128xf32>
    %sqrt3A = arith.constant 1.000010e+00 : f32
    %sqrt3A_69 = math.sqrt %sqrt3A : f32
    %div3A_70 = vector.broadcast %sqrt3A_69 : f32 to vector<1x128xf32>
    %div3A_71 = arith.divf %get3A_68, %div3A_70 : vector<1x128xf32>
    %mul3A = vector.broadcast %div3A_71 : vector<1x128xf32> to vector<2048x128xf32>
    %mul3A_72 = arith.mulf %add3A_65, %mul3A : vector<2048x128xf32>
    %get3A_73 = arith.constant 0 : index
    %get3A_74 = arith.constant 0 : index
    %get3A_75 = vector.load %arg6[%get3A_73, %get3A_74] : memref<1x128xf32, #tpu.memory_space<vmem>>, vector<1x128xf32>
    %add3A_76 = vector.broadcast %get3A_75 : vector<1x128xf32> to vector<2048x128xf32>
    %add3A_77 = arith.addf %mul3A_72, %add3A_76 : vector<2048x128xf32>
    %max3A = arith.constant 0.000000e+00 : f32
    %max3A_78 = vector.broadcast %max3A : f32 to vector<2048x128xf32>
    %max3A_79 = arith.maximumf %add3A_77, %max3A_78 : vector<2048x128xf32>
    %get3A_80 = arith.constant 0 : index
    %get3A_81 = arith.constant 0 : index
    %get3A_82 = vector.load %arg7[%get3A_80, %get3A_81] : memref<128x64xf32, #tpu.memory_space<vmem>>, vector<128x64xf32>
    %dot_general3A_83 = arith.constant dense<0.000000e+00> : vector<2048x64xf32>
    %dot_general3A_84 = tpu.matmul %max3A_79, %get3A_82, %dot_general3A_83 {dimension_numbers = #tpu.dot_dimension_numbers<[1], [0], [0], [1], [0, 0, 1, 1], [], []>, transpose_lhs_hint = false} : vector<2048x128xf32>, vector<128x64xf32>, vector<2048x64xf32> -> vector<2048x64xf32>
    %get3A_85 = arith.constant 0 : index
    %get3A_86 = arith.constant 0 : index
    %get3A_87 = vector.load %arg8[%get3A_85, %get3A_86] : memref<1x64xf32, #tpu.memory_space<vmem>>, vector<1x64xf32>
    %add3A_88 = vector.broadcast %get3A_87 : vector<1x64xf32> to vector<2048x64xf32>
    %add3A_89 = arith.addf %dot_general3A_84, %add3A_88 : vector<2048x64xf32>
    %ge3A = arith.constant 0.000000e+00 : f32
    %ge3A_90 = vector.broadcast %ge3A : f32 to vector<2048x64xf32>
    %ge3A_91 = arith.cmpf oge, %add3A_89, %ge3A_90 : vector<2048x64xf32>
    %mul3A_92 = arith.constant 0.00999999977 : f32
    %mul3A_93 = vector.broadcast %mul3A_92 : f32 to vector<2048x64xf32>
    %mul3A_94 = arith.mulf %mul3A_93, %add3A_89 : vector<2048x64xf32>
    %select_n3A = arith.select %ge3A_91, %add3A_89, %mul3A_94 : vector<2048x64xi1>, vector<2048x64xf32>
    %swap3A = arith.constant 0 : index
    %swap3A_95 = arith.constant 0 : index
    %swap3A_96 = vector.load %arg10[%swap3A, %swap3A_95] : memref<2048x64xf32, #tpu.memory_space<vmem>>, vector<2048x64xf32>
    tpu.vector_store %arg10[%swap3A, %swap3A_95], %select_n3A {strides = array<i32>} : memref<2048x64xf32, #tpu.memory_space<vmem>>, vector<2048x64xf32>,
    %get3A_97 = arith.constant 0 : index
    %get3A_98 = arith.constant 0 : index
    %get3A_99 = vector.load %arg9[%get3A_97, %get3A_98] : memref<64x1xf32, #tpu.memory_space<vmem>>, vector<64x1xf32>
    %mul3A_100 = arith.mulf %get3A_99, %get3A_99 : vector<64x1xf32>
    %reduce_sum3A = vector.shape_cast %mul3A_100 : vector<64x1xf32> to vector<1x64x1xf32>
    %reduce_sum3A_101 = arith.constant dense<0.000000e+00> : vector<1xf32>
    %reduce_sum3A_102 = vector.multi_reduction <add>, %reduce_sum3A, %reduce_sum3A_101 [1, 2] : vector<1x64x1xf32> to vector<1xf32>
    %reduce_sum3A_103 = vector.shape_cast %reduce_sum3A_102 : vector<1xf32> to vector<1x1x1xf32>
    %reduce_sum3A_104 = vector.extract %reduce_sum3A_103[0, 0, 0] : f32 from vector<1x1x1xf32>
    %sqrt3A_105 = math.sqrt %reduce_sum3A_104 : f32
    %add3A_106 = arith.constant 1.000000e-16 : f32
    %add3A_107 = arith.addf %sqrt3A_105, %add3A_106 : f32
    %dot_general3A_108 = arith.constant dense<0.000000e+00> : vector<2048x1xf32>
    %dot_general3A_109 = tpu.matmul %select_n3A, %get3A_99, %dot_general3A_108 {dimension_numbers = #tpu.dot_dimension_numbers<[1], [0], [0], [1], [0, 0, 1, 1], [], []>, transpose_lhs_hint = false} : vector<2048x64xf32>, vector<64x1xf32>, vector<2048x1xf32> -> vector<2048x1xf32>
    %div3A_110 = vector.broadcast %add3A_107 : f32 to vector<2048x1xf32>
    %div3A_111 = arith.divf %dot_general3A_109, %div3A_110 : vector<2048x1xf32>
    %tanh3A = math.tanh %div3A_111 : vector<2048x1xf32>
    %mul3A_112 = arith.constant 2048 : i32
    %mul3A_113 = arith.muli %arg0, %mul3A_112 : i32
    %iota3A = tpu.iota {dimensions = array<i32: 0>} : vector<2048x1xi32>
    %add3A_114 = vector.broadcast %mul3A_113 : i32 to vector<2048x1xi32>
    %add3A_115 = arith.addi %add3A_114, %iota3A : vector<2048x1xi32>
    %lt3A = arith.constant 50000 : i32
    %lt3A_116 = vector.broadcast %lt3A : i32 to vector<2048x1xi32>
    %lt3A_117 = arith.cmpi slt, %add3A_115, %lt3A_116 : vector<2048x1xi32>
    %jit3A = arith.constant -2.000000e+00 : f32
    %broadcast_in_dim3A = vector.broadcast %jit3A : f32 to vector<2048x1xf32>
    %select_n3A_118 = arith.select %lt3A_117, %tanh3A, %broadcast_in_dim3A : vector<2048x1xi1>, vector<2048x1xf32>
    %swap3A_119 = arith.constant 0 : index
    %swap3A_120 = arith.constant 0 : index
    %swap3A_121 = vector.load %arg11[%swap3A_119, %swap3A_120] : memref<2048x1xf32, #tpu.memory_space<vmem>>, vector<2048x1xf32>
    tpu.vector_store %arg11[%swap3A_119, %swap3A_120], %select_n3A_118 {strides = array<i32>} : memref<2048x1xf32, #tpu.memory_space<vmem>>, vector<2048x1xf32>,
    return
  }
  func.func @transform_0(%arg0: i32) -> (i32, i32, i32) {
    %c0_i32 = arith.constant 0 : i32
    %c0_i32_0 = arith.constant 0 : i32
    %c0_i32_1 = arith.constant 0 : i32
    return %c0_i32, %arg0, %c0_i32_0 : i32, i32, i32
  }
  func.func @transform_1(%arg0: i32) -> (i32, i32) {
    %c0_i32 = arith.constant 0 : i32
    %c0_i32_0 = arith.constant 0 : i32
    return %arg0, %c0_i32 : i32, i32
  }
  func.func @transform_2(%arg0: i32) -> (i32, i32) {
    %c0_i32 = arith.constant 0 : i32
    %c0_i32_0 = arith.constant 0 : i32
    %c0_i32_1 = arith.constant 0 : i32
    return %c0_i32, %c0_i32_0 : i32, i32
  }
  func.func @transform_3(%arg0: i32) -> (i32, i32) {
    %c0_i32 = arith.constant 0 : i32
    %c0_i32_0 = arith.constant 0 : i32
    %c0_i32_1 = arith.constant 0 : i32
    return %c0_i32, %c0_i32_0 : i32, i32
  }
  func.func @transform_4(%arg0: i32) -> (i32, i32) {
    %c0_i32 = arith.constant 0 : i32
    %c0_i32_0 = arith.constant 0 : i32
    %c0_i32_1 = arith.constant 0 : i32
    return %c0_i32, %c0_i32_0 : i32, i32
  }
  func.func @transform_5(%arg0: i32) -> (i32, i32) {
    %c0_i32 = arith.constant 0 : i32
    %c0_i32_0 = arith.constant 0 : i32
    %c0_i32_1 = arith.constant 0 : i32
    return %c0_i32, %c0_i32_0 : i32, i32
  }
  func.func @transform_6(%arg0: i32) -> (i32, i32) {
    %c0_i32 = arith.constant 0 : i32
    %c0_i32_0 = arith.constant 0 : i32
    %c0_i32_1 = arith.constant 0 : i32
    return %c0_i32, %c0_i32_0 : i32, i32
  }
  func.func @transform_7(%arg0: i32) -> (i32, i32) {
    %c0_i32 = arith.constant 0 : i32
    %c0_i32_0 = arith.constant 0 : i32
    %c0_i32_1 = arith.constant 0 : i32
    return %c0_i32, %c0_i32_0 : i32, i32
  }
  func.func @transform_8(%arg0: i32) -> (i32, i32) {
    %c0_i32 = arith.constant 0 : i32
    %c0_i32_0 = arith.constant 0 : i32
    %c0_i32_1 = arith.constant 0 : i32
    return %c0_i32, %c0_i32_0 : i32, i32
  }
  func.func @transform_9(%arg0: i32) -> (i32, i32) {
    %c0_i32 = arith.constant 0 : i32
    %c0_i32_0 = arith.constant 0 : i32
    return %arg0, %c0_i32 : i32, i32
  }
  func.func @transform_10(%arg0: i32) -> (i32, i32) {
    %c0_i32 = arith.constant 0 : i32
    %c0_i32_0 = arith.constant 0 : i32
    return %arg0, %c0_i32 : i32, i32
  }
}

module attributes {stable_mosaic.version = 14 : i64} {
  func.func @_tc_d_body(%arg0: memref<400x128xf32, #tpu.memory_space<vmem>>, %arg1: memref<400x128xi32, #tpu.memory_space<vmem>>) attributes {dimension_semantics = [], scalar_prefetch = 0 : i64, scratch_operands = 0 : i64, tpu.core_type = #tpu.core_type<tc>} {
    %get3A = arith.constant 0 : index
    %get3A_0 = arith.constant 0 : index
    %get3A_1 = vector.load %arg0[%get3A, %get3A_0] : memref<400x128xf32, #tpu.memory_space<vmem>>, vector<400x128xf32>
    %scan3A = arith.constant -1.500000e+00 : f32
    %scan3A_2 = arith.constant 1.500000e+00 : f32
    %scan3A_3 = arith.constant 0 : i32
    %scan3A_4 = arith.constant 48 : i32
    %scan3A_5 = arith.addi %scan3A_3, %scan3A_4 : i32
    %scan3A_6 = arith.constant 1 : i32
    %scan3A_7:2 = scf.for %scan3A_253 = %scan3A_3 to %scan3A_5 step %scan3A_6 iter_args(%scan3A_254 = %scan3A, %scan3A_255 = %scan3A_2) -> (f32, f32)  : i32 {
      %add3A_256 = arith.addf %scan3A_254, %scan3A_255 : f32
      %mul3A_257 = arith.constant 5.000000e-01 : f32
      %mul3A_258 = arith.mulf %mul3A_257, %add3A_256 : f32
      %gt3A_259 = vector.broadcast %mul3A_258 : f32 to vector<400x128xf32>
      %gt3A_260 = arith.cmpf ogt, %get3A_1, %gt3A_259 : vector<400x128xf32>
      %convert_element_type3A_261 = arith.extui %gt3A_260 : vector<400x128xi1> to vector<400x128xi32>
      %convert_element_type3A_262 = arith.sitofp %convert_element_type3A_261 : vector<400x128xi32> to vector<400x128xf32>
      %reduce_sum3A = vector.shape_cast %convert_element_type3A_262 : vector<400x128xf32> to vector<1x400x128xf32>
      %reduce_sum3A_263 = arith.constant dense<0.000000e+00> : vector<1xf32>
      %reduce_sum3A_264 = vector.multi_reduction <add>, %reduce_sum3A, %reduce_sum3A_263 [1, 2] : vector<1x400x128xf32> to vector<1xf32>
      %reduce_sum3A_265 = vector.shape_cast %reduce_sum3A_264 : vector<1xf32> to vector<1x1x1xf32>
      %reduce_sum3A_266 = vector.extract %reduce_sum3A_265[0, 0, 0] : f32 from vector<1x1x1xf32>
      %ge3A = arith.constant 5.120000e+02 : f32
      %ge3A_267 = arith.cmpf oge, %reduce_sum3A_266, %ge3A : f32
      %select_n3A_268 = arith.select %ge3A_267, %mul3A_258, %scan3A_254 : f32
      %select_n3A_269 = arith.select %ge3A_267, %scan3A_255, %mul3A_258 : f32
      scf.yield %select_n3A_268, %select_n3A_269 : f32, f32
    }
    %gt3A = vector.broadcast %scan3A_7#0 : f32 to vector<400x128xf32>
    %gt3A_8 = arith.cmpf ogt, %get3A_1, %gt3A : vector<400x128xf32>
    %convert_element_type3A = arith.extui %gt3A_8 : vector<400x128xi1> to vector<400x128xi32>
    %convert_element_type3A_9 = arith.sitofp %convert_element_type3A : vector<400x128xi32> to vector<400x128xf32>
    %sub3A = arith.constant 1.000000e+00 : f32
    %sub3A_10 = vector.broadcast %sub3A : f32 to vector<400x128xf32>
    %sub3A_11 = arith.subf %sub3A_10, %convert_element_type3A_9 : vector<400x128xf32>
    %iota3A = tpu.iota {dimensions = array<i32: 0>} : vector<128x128xi32>
    %iota3A_12 = tpu.iota {dimensions = array<i32: 1>} : vector<128x128xi32>
    %le3A = arith.cmpi sle, %iota3A, %iota3A_12 : vector<128x128xi32>
    %convert_element_type3A_13 = arith.extui %le3A : vector<128x128xi1> to vector<128x128xi32>
    %convert_element_type3A_14 = arith.sitofp %convert_element_type3A_13 : vector<128x128xi32> to vector<128x128xf32>
    %iota3A_15 = tpu.iota {dimensions = array<i32: 0>} : vector<400x400xi32>
    %iota3A_16 = tpu.iota {dimensions = array<i32: 1>} : vector<400x400xi32>
    %jit3A = arith.constant 16 : i32
    %div3A = vector.broadcast %jit3A : i32 to vector<400x400xi32>
    %div3A_17 = arith.divsi %iota3A_15, %div3A : vector<400x400xi32>
    %sign3A = arith.constant 0 : i32
    %sign3A_18 = vector.broadcast %sign3A : i32 to vector<400x400xi32>
    %sign3A_19 = arith.cmpi sgt, %iota3A_15, %sign3A_18 : vector<400x400xi32>
    %sign3A_20 = arith.extui %sign3A_19 : vector<400x400xi1> to vector<400x400xi32>
    %sign3A_21 = arith.constant 0 : i32
    %sign3A_22 = vector.broadcast %sign3A_21 : i32 to vector<400x400xi32>
    %sign3A_23 = arith.cmpi slt, %iota3A_15, %sign3A_22 : vector<400x400xi32>
    %sign3A_24 = arith.extui %sign3A_23 : vector<400x400xi1> to vector<400x400xi32>
    %sign3A_25 = arith.subi %sign3A_20, %sign3A_24 : vector<400x400xi32>
    %sign3A_26 = arith.constant 0 : i32
    %sign3A_27 = arith.cmpi sgt, %jit3A, %sign3A_26 : i32
    %sign3A_28 = arith.extui %sign3A_27 : i1 to i32
    %sign3A_29 = arith.constant 0 : i32
    %sign3A_30 = arith.cmpi slt, %jit3A, %sign3A_29 : i32
    %sign3A_31 = arith.extui %sign3A_30 : i1 to i32
    %sign3A_32 = arith.subi %sign3A_28, %sign3A_31 : i32
    %ne3A = vector.broadcast %sign3A_32 : i32 to vector<400x400xi32>
    %ne3A_33 = arith.cmpi ne, %sign3A_25, %ne3A : vector<400x400xi32>
    %rem3A = vector.broadcast %jit3A : i32 to vector<400x400xi32>
    %rem3A_34 = arith.remsi %iota3A_15, %rem3A : vector<400x400xi32>
    %ne3A_35 = arith.constant 0 : i32
    %ne3A_36 = vector.broadcast %ne3A_35 : i32 to vector<400x400xi32>
    %ne3A_37 = arith.cmpi ne, %rem3A_34, %ne3A_36 : vector<400x400xi32>
    %and3A = arith.andi %ne3A_33, %ne3A_37 : vector<400x400xi1>
    %sub3A_38 = arith.constant 1 : i32
    %sub3A_39 = vector.broadcast %sub3A_38 : i32 to vector<400x400xi32>
    %sub3A_40 = arith.subi %div3A_17, %sub3A_39 : vector<400x400xi32>
    %select_n3A = arith.select %and3A, %sub3A_40, %div3A_17 : vector<400x400xi1>, vector<400x400xi32>
    %jit3A_41 = arith.constant 16 : i32
    %div3A_42 = vector.broadcast %jit3A_41 : i32 to vector<400x400xi32>
    %div3A_43 = arith.divsi %iota3A_16, %div3A_42 : vector<400x400xi32>
    %sign3A_44 = arith.constant 0 : i32
    %sign3A_45 = vector.broadcast %sign3A_44 : i32 to vector<400x400xi32>
    %sign3A_46 = arith.cmpi sgt, %iota3A_16, %sign3A_45 : vector<400x400xi32>
    %sign3A_47 = arith.extui %sign3A_46 : vector<400x400xi1> to vector<400x400xi32>
    %sign3A_48 = arith.constant 0 : i32
    %sign3A_49 = vector.broadcast %sign3A_48 : i32 to vector<400x400xi32>
    %sign3A_50 = arith.cmpi slt, %iota3A_16, %sign3A_49 : vector<400x400xi32>
    %sign3A_51 = arith.extui %sign3A_50 : vector<400x400xi1> to vector<400x400xi32>
    %sign3A_52 = arith.subi %sign3A_47, %sign3A_51 : vector<400x400xi32>
    %sign3A_53 = arith.constant 0 : i32
    %sign3A_54 = arith.cmpi sgt, %jit3A_41, %sign3A_53 : i32
    %sign3A_55 = arith.extui %sign3A_54 : i1 to i32
    %sign3A_56 = arith.constant 0 : i32
    %sign3A_57 = arith.cmpi slt, %jit3A_41, %sign3A_56 : i32
    %sign3A_58 = arith.extui %sign3A_57 : i1 to i32
    %sign3A_59 = arith.subi %sign3A_55, %sign3A_58 : i32
    %ne3A_60 = vector.broadcast %sign3A_59 : i32 to vector<400x400xi32>
    %ne3A_61 = arith.cmpi ne, %sign3A_52, %ne3A_60 : vector<400x400xi32>
    %rem3A_62 = vector.broadcast %jit3A_41 : i32 to vector<400x400xi32>
    %rem3A_63 = arith.remsi %iota3A_16, %rem3A_62 : vector<400x400xi32>
    %ne3A_64 = arith.constant 0 : i32
    %ne3A_65 = vector.broadcast %ne3A_64 : i32 to vector<400x400xi32>
    %ne3A_66 = arith.cmpi ne, %rem3A_63, %ne3A_65 : vector<400x400xi32>
    %and3A_67 = arith.andi %ne3A_61, %ne3A_66 : vector<400x400xi1>
    %sub3A_68 = arith.constant 1 : i32
    %sub3A_69 = vector.broadcast %sub3A_68 : i32 to vector<400x400xi32>
    %sub3A_70 = arith.subi %div3A_43, %sub3A_69 : vector<400x400xi32>
    %select_n3A_71 = arith.select %and3A_67, %sub3A_70, %div3A_43 : vector<400x400xi1>, vector<400x400xi32>
    %eq3A = arith.cmpi eq, %select_n3A, %select_n3A_71 : vector<400x400xi32>
    %lt3A = arith.cmpi slt, %iota3A_16, %iota3A_15 : vector<400x400xi32>
    %and3A_72 = arith.andi %eq3A, %lt3A : vector<400x400xi1>
    %convert_element_type3A_73 = arith.extui %and3A_72 : vector<400x400xi1> to vector<400x400xi32>
    %convert_element_type3A_74 = arith.sitofp %convert_element_type3A_73 : vector<400x400xi32> to vector<400x400xf32>
    %jit3A_75 = arith.constant 16 : i32
    %div3A_76 = vector.broadcast %jit3A_75 : i32 to vector<400x400xi32>
    %div3A_77 = arith.divsi %iota3A_15, %div3A_76 : vector<400x400xi32>
    %sign3A_78 = arith.constant 0 : i32
    %sign3A_79 = vector.broadcast %sign3A_78 : i32 to vector<400x400xi32>
    %sign3A_80 = arith.cmpi sgt, %iota3A_15, %sign3A_79 : vector<400x400xi32>
    %sign3A_81 = arith.extui %sign3A_80 : vector<400x400xi1> to vector<400x400xi32>
    %sign3A_82 = arith.constant 0 : i32
    %sign3A_83 = vector.broadcast %sign3A_82 : i32 to vector<400x400xi32>
    %sign3A_84 = arith.cmpi slt, %iota3A_15, %sign3A_83 : vector<400x400xi32>
    %sign3A_85 = arith.extui %sign3A_84 : vector<400x400xi1> to vector<400x400xi32>
    %sign3A_86 = arith.subi %sign3A_81, %sign3A_85 : vector<400x400xi32>
    %sign3A_87 = arith.constant 0 : i32
    %sign3A_88 = arith.cmpi sgt, %jit3A_75, %sign3A_87 : i32
    %sign3A_89 = arith.extui %sign3A_88 : i1 to i32
    %sign3A_90 = arith.constant 0 : i32
    %sign3A_91 = arith.cmpi slt, %jit3A_75, %sign3A_90 : i32
    %sign3A_92 = arith.extui %sign3A_91 : i1 to i32
    %sign3A_93 = arith.subi %sign3A_89, %sign3A_92 : i32
    %ne3A_94 = vector.broadcast %sign3A_93 : i32 to vector<400x400xi32>
    %ne3A_95 = arith.cmpi ne, %sign3A_86, %ne3A_94 : vector<400x400xi32>
    %rem3A_96 = vector.broadcast %jit3A_75 : i32 to vector<400x400xi32>
    %rem3A_97 = arith.remsi %iota3A_15, %rem3A_96 : vector<400x400xi32>
    %ne3A_98 = arith.constant 0 : i32
    %ne3A_99 = vector.broadcast %ne3A_98 : i32 to vector<400x400xi32>
    %ne3A_100 = arith.cmpi ne, %rem3A_97, %ne3A_99 : vector<400x400xi32>
    %and3A_101 = arith.andi %ne3A_95, %ne3A_100 : vector<400x400xi1>
    %sub3A_102 = arith.constant 1 : i32
    %sub3A_103 = vector.broadcast %sub3A_102 : i32 to vector<400x400xi32>
    %sub3A_104 = arith.subi %div3A_77, %sub3A_103 : vector<400x400xi32>
    %select_n3A_105 = arith.select %and3A_101, %sub3A_104, %div3A_77 : vector<400x400xi1>, vector<400x400xi32>
    %jit3A_106 = arith.constant 16 : i32
    %div3A_107 = vector.broadcast %jit3A_106 : i32 to vector<400x400xi32>
    %div3A_108 = arith.divsi %iota3A_16, %div3A_107 : vector<400x400xi32>
    %sign3A_109 = arith.constant 0 : i32
    %sign3A_110 = vector.broadcast %sign3A_109 : i32 to vector<400x400xi32>
    %sign3A_111 = arith.cmpi sgt, %iota3A_16, %sign3A_110 : vector<400x400xi32>
    %sign3A_112 = arith.extui %sign3A_111 : vector<400x400xi1> to vector<400x400xi32>
    %sign3A_113 = arith.constant 0 : i32
    %sign3A_114 = vector.broadcast %sign3A_113 : i32 to vector<400x400xi32>
    %sign3A_115 = arith.cmpi slt, %iota3A_16, %sign3A_114 : vector<400x400xi32>
    %sign3A_116 = arith.extui %sign3A_115 : vector<400x400xi1> to vector<400x400xi32>
    %sign3A_117 = arith.subi %sign3A_112, %sign3A_116 : vector<400x400xi32>
    %sign3A_118 = arith.constant 0 : i32
    %sign3A_119 = arith.cmpi sgt, %jit3A_106, %sign3A_118 : i32
    %sign3A_120 = arith.extui %sign3A_119 : i1 to i32
    %sign3A_121 = arith.constant 0 : i32
    %sign3A_122 = arith.cmpi slt, %jit3A_106, %sign3A_121 : i32
    %sign3A_123 = arith.extui %sign3A_122 : i1 to i32
    %sign3A_124 = arith.subi %sign3A_120, %sign3A_123 : i32
    %ne3A_125 = vector.broadcast %sign3A_124 : i32 to vector<400x400xi32>
    %ne3A_126 = arith.cmpi ne, %sign3A_117, %ne3A_125 : vector<400x400xi32>
    %rem3A_127 = vector.broadcast %jit3A_106 : i32 to vector<400x400xi32>
    %rem3A_128 = arith.remsi %iota3A_16, %rem3A_127 : vector<400x400xi32>
    %ne3A_129 = arith.constant 0 : i32
    %ne3A_130 = vector.broadcast %ne3A_129 : i32 to vector<400x400xi32>
    %ne3A_131 = arith.cmpi ne, %rem3A_128, %ne3A_130 : vector<400x400xi32>
    %and3A_132 = arith.andi %ne3A_126, %ne3A_131 : vector<400x400xi1>
    %sub3A_133 = arith.constant 1 : i32
    %sub3A_134 = vector.broadcast %sub3A_133 : i32 to vector<400x400xi32>
    %sub3A_135 = arith.subi %div3A_108, %sub3A_134 : vector<400x400xi32>
    %select_n3A_136 = arith.select %and3A_132, %sub3A_135, %div3A_108 : vector<400x400xi1>, vector<400x400xi32>
    %eq3A_137 = arith.cmpi eq, %select_n3A_105, %select_n3A_136 : vector<400x400xi32>
    %convert_element_type3A_138 = arith.extui %eq3A_137 : vector<400x400xi1> to vector<400x400xi32>
    %convert_element_type3A_139 = arith.sitofp %convert_element_type3A_138 : vector<400x400xi32> to vector<400x400xf32>
    %broadcast_in_dim3A = arith.constant 1.000000e+00 : f32
    %broadcast_in_dim3A_140 = vector.broadcast %broadcast_in_dim3A : f32 to vector<128x1xf32>
    %dot_general3A = arith.constant dense<0.000000e+00> : vector<400x128xf32>
    %dot_general3A_141 = tpu.matmul %convert_element_type3A_9, %convert_element_type3A_14, %dot_general3A {dimension_numbers = #tpu.dot_dimension_numbers<[1], [0], [0], [1], [0, 0, 1, 1], [], []>, transpose_lhs_hint = false} : vector<400x128xf32>, vector<128x128xf32>, vector<400x128xf32> -> vector<400x128xf32>
    %dot_general3A_142 = arith.constant dense<0.000000e+00> : vector<400x1xf32>
    %dot_general3A_143 = tpu.matmul %convert_element_type3A_9, %broadcast_in_dim3A_140, %dot_general3A_142 {dimension_numbers = #tpu.dot_dimension_numbers<[1], [0], [0], [1], [0, 0, 1, 1], [], []>, transpose_lhs_hint = false} : vector<400x128xf32>, vector<128x1xf32>, vector<400x1xf32> -> vector<400x1xf32>
    %dot_general3A_144 = arith.constant dense<0.000000e+00> : vector<400x1xf32>
    %dot_general3A_145 = tpu.matmul %convert_element_type3A_74, %dot_general3A_143, %dot_general3A_144 {dimension_numbers = #tpu.dot_dimension_numbers<[1], [0], [0], [1], [0, 0, 1, 1], [], []>, transpose_lhs_hint = false} : vector<400x400xf32>, vector<400x1xf32>, vector<400x1xf32> -> vector<400x1xf32>
    %add3A = vector.broadcast %dot_general3A_145 : vector<400x1xf32> to vector<400x128xf32>
    %add3A_146 = arith.addf %add3A, %dot_general3A_141 : vector<400x128xf32>
    %sub3A_147 = arith.constant 1.000000e+00 : f32
    %sub3A_148 = vector.broadcast %sub3A_147 : f32 to vector<400x128xf32>
    %sub3A_149 = arith.subf %add3A_146, %sub3A_148 : vector<400x128xf32>
    %dot_general3A_150 = arith.constant dense<0.000000e+00> : vector<400x128xf32>
    %dot_general3A_151 = tpu.matmul %sub3A_11, %convert_element_type3A_14, %dot_general3A_150 {dimension_numbers = #tpu.dot_dimension_numbers<[1], [0], [0], [1], [0, 0, 1, 1], [], []>, transpose_lhs_hint = false} : vector<400x128xf32>, vector<128x128xf32>, vector<400x128xf32> -> vector<400x128xf32>
    %dot_general3A_152 = arith.constant dense<0.000000e+00> : vector<400x1xf32>
    %dot_general3A_153 = tpu.matmul %sub3A_11, %broadcast_in_dim3A_140, %dot_general3A_152 {dimension_numbers = #tpu.dot_dimension_numbers<[1], [0], [0], [1], [0, 0, 1, 1], [], []>, transpose_lhs_hint = false} : vector<400x128xf32>, vector<128x1xf32>, vector<400x1xf32> -> vector<400x1xf32>
    %dot_general3A_154 = arith.constant dense<0.000000e+00> : vector<400x1xf32>
    %dot_general3A_155 = tpu.matmul %convert_element_type3A_74, %dot_general3A_153, %dot_general3A_154 {dimension_numbers = #tpu.dot_dimension_numbers<[1], [0], [0], [1], [0, 0, 1, 1], [], []>, transpose_lhs_hint = false} : vector<400x400xf32>, vector<400x1xf32>, vector<400x1xf32> -> vector<400x1xf32>
    %add3A_156 = vector.broadcast %dot_general3A_155 : vector<400x1xf32> to vector<400x128xf32>
    %add3A_157 = arith.addf %add3A_156, %dot_general3A_151 : vector<400x128xf32>
    %sub3A_158 = arith.constant 1.000000e+00 : f32
    %sub3A_159 = vector.broadcast %sub3A_158 : f32 to vector<400x128xf32>
    %sub3A_160 = arith.subf %add3A_157, %sub3A_159 : vector<400x128xf32>
    %dot_general3A_161 = arith.constant dense<0.000000e+00> : vector<400x1xf32>
    %dot_general3A_162 = tpu.matmul %convert_element_type3A_9, %broadcast_in_dim3A_140, %dot_general3A_161 {dimension_numbers = #tpu.dot_dimension_numbers<[1], [0], [0], [1], [0, 0, 1, 1], [], []>, transpose_lhs_hint = false} : vector<400x128xf32>, vector<128x1xf32>, vector<400x1xf32> -> vector<400x1xf32>
    %dot_general3A_163 = arith.constant dense<0.000000e+00> : vector<400x1xf32>
    %dot_general3A_164 = tpu.matmul %convert_element_type3A_139, %dot_general3A_162, %dot_general3A_163 {dimension_numbers = #tpu.dot_dimension_numbers<[1], [0], [0], [1], [0, 0, 1, 1], [], []>, transpose_lhs_hint = false} : vector<400x400xf32>, vector<400x1xf32>, vector<400x1xf32> -> vector<400x1xf32>
    %min3A = arith.constant 6.400000e+01 : f32
    %min3A_165 = vector.broadcast %min3A : f32 to vector<400x1xf32>
    %min3A_166 = arith.minimumf %dot_general3A_164, %min3A_165 : vector<400x1xf32>
    %iota3A_167 = tpu.iota {dimensions = array<i32: 0>} : vector<400x128xi32>
    %iota3A_168 = tpu.iota {dimensions = array<i32: 1>} : vector<400x128xi32>
    %jit3A_169 = arith.constant 16 : i32
    %div3A_170 = vector.broadcast %jit3A_169 : i32 to vector<400x128xi32>
    %div3A_171 = arith.divsi %iota3A_167, %div3A_170 : vector<400x128xi32>
    %sign3A_172 = arith.constant 0 : i32
    %sign3A_173 = vector.broadcast %sign3A_172 : i32 to vector<400x128xi32>
    %sign3A_174 = arith.cmpi sgt, %iota3A_167, %sign3A_173 : vector<400x128xi32>
    %sign3A_175 = arith.extui %sign3A_174 : vector<400x128xi1> to vector<400x128xi32>
    %sign3A_176 = arith.constant 0 : i32
    %sign3A_177 = vector.broadcast %sign3A_176 : i32 to vector<400x128xi32>
    %sign3A_178 = arith.cmpi slt, %iota3A_167, %sign3A_177 : vector<400x128xi32>
    %sign3A_179 = arith.extui %sign3A_178 : vector<400x128xi1> to vector<400x128xi32>
    %sign3A_180 = arith.subi %sign3A_175, %sign3A_179 : vector<400x128xi32>
    %sign3A_181 = arith.constant 0 : i32
    %sign3A_182 = arith.cmpi sgt, %jit3A_169, %sign3A_181 : i32
    %sign3A_183 = arith.extui %sign3A_182 : i1 to i32
    %sign3A_184 = arith.constant 0 : i32
    %sign3A_185 = arith.cmpi slt, %jit3A_169, %sign3A_184 : i32
    %sign3A_186 = arith.extui %sign3A_185 : i1 to i32
    %sign3A_187 = arith.subi %sign3A_183, %sign3A_186 : i32
    %ne3A_188 = vector.broadcast %sign3A_187 : i32 to vector<400x128xi32>
    %ne3A_189 = arith.cmpi ne, %sign3A_180, %ne3A_188 : vector<400x128xi32>
    %rem3A_190 = vector.broadcast %jit3A_169 : i32 to vector<400x128xi32>
    %rem3A_191 = arith.remsi %iota3A_167, %rem3A_190 : vector<400x128xi32>
    %ne3A_192 = arith.constant 0 : i32
    %ne3A_193 = vector.broadcast %ne3A_192 : i32 to vector<400x128xi32>
    %ne3A_194 = arith.cmpi ne, %rem3A_191, %ne3A_193 : vector<400x128xi32>
    %and3A_195 = arith.andi %ne3A_189, %ne3A_194 : vector<400x128xi1>
    %sub3A_196 = arith.constant 1 : i32
    %sub3A_197 = vector.broadcast %sub3A_196 : i32 to vector<400x128xi32>
    %sub3A_198 = arith.subi %div3A_171, %sub3A_197 : vector<400x128xi32>
    %select_n3A_199 = arith.select %and3A_195, %sub3A_198, %div3A_171 : vector<400x128xi1>, vector<400x128xi32>
    %mul3A = arith.constant 80 : i32
    %mul3A_200 = vector.broadcast %mul3A : i32 to vector<400x128xi32>
    %mul3A_201 = arith.muli %select_n3A_199, %mul3A_200 : vector<400x128xi32>
    %mul3A_202 = arith.constant 128 : i32
    %mul3A_203 = vector.broadcast %mul3A_202 : i32 to vector<400x128xi32>
    %mul3A_204 = arith.muli %iota3A_167, %mul3A_203 : vector<400x128xi32>
    %add3A_205 = arith.addi %mul3A_204, %iota3A_168 : vector<400x128xi32>
    %jit3A_206 = arith.constant 2048 : i32
    %eq3A_207 = arith.constant 0 : i32
    %eq3A_208 = arith.cmpi eq, %jit3A_206, %eq3A_207 : i32
    %jit3A_209 = arith.constant 1 : i32
    %select_n3A_210 = arith.select %eq3A_208, %jit3A_209, %jit3A_206 : i32
    %rem3A_211 = vector.broadcast %select_n3A_210 : i32 to vector<400x128xi32>
    %rem3A_212 = arith.remsi %add3A_205, %rem3A_211 : vector<400x128xi32>
    %ne3A_213 = arith.constant 0 : i32
    %ne3A_214 = vector.broadcast %ne3A_213 : i32 to vector<400x128xi32>
    %ne3A_215 = arith.cmpi ne, %rem3A_212, %ne3A_214 : vector<400x128xi32>
    %lt3A_216 = arith.constant 0 : i32
    %lt3A_217 = vector.broadcast %lt3A_216 : i32 to vector<400x128xi32>
    %lt3A_218 = arith.cmpi slt, %rem3A_212, %lt3A_217 : vector<400x128xi32>
    %lt3A_219 = arith.constant 0 : i32
    %lt3A_220 = arith.cmpi slt, %select_n3A_210, %lt3A_219 : i32
    %ne3A_221 = vector.broadcast %lt3A_220 : i1 to vector<400x128xi1>
    %ne3A_222 = vector.broadcast %ne3A_221 : vector<400x128xi1> to vector<400x128xi1>
    %ne3A_223 = arith.xori %lt3A_218, %ne3A_222 : vector<400x128xi1>
    %and3A_224 = arith.andi %ne3A_223, %ne3A_215 : vector<400x128xi1>
    %add3A_225 = vector.broadcast %select_n3A_210 : i32 to vector<400x128xi32>
    %add3A_226 = arith.addi %rem3A_212, %add3A_225 : vector<400x128xi32>
    %select_n3A_227 = arith.select %and3A_224, %add3A_226, %rem3A_212 : vector<400x128xi1>, vector<400x128xi32>
    %add3A_228 = arith.constant 2048 : i32
    %add3A_229 = vector.broadcast %add3A_228 : i32 to vector<400x128xi32>
    %add3A_230 = arith.addi %add3A_229, %select_n3A_227 : vector<400x128xi32>
    %lt3A_231 = arith.constant 6.400000e+01 : f32
    %lt3A_232 = vector.broadcast %lt3A_231 : f32 to vector<400x128xf32>
    %lt3A_233 = arith.cmpf olt, %sub3A_149, %lt3A_232 : vector<400x128xf32>
    %and3A_234 = arith.andi %gt3A_8, %lt3A_233 : vector<400x128xi1>
    %not3A = arith.constant dense<true> : vector<400x128xi1>
    %not3A_235 = arith.xori %gt3A_8, %not3A : vector<400x128xi1>
    %sub3A_236 = arith.constant 8.000000e+01 : f32
    %sub3A_237 = vector.broadcast %sub3A_236 : f32 to vector<400x1xf32>
    %sub3A_238 = arith.subf %sub3A_237, %min3A_166 : vector<400x1xf32>
    %lt3A_239 = vector.broadcast %sub3A_238 : vector<400x1xf32> to vector<400x128xf32>
    %lt3A_240 = arith.cmpf olt, %sub3A_160, %lt3A_239 : vector<400x128xf32>
    %and3A_241 = arith.andi %not3A_235, %lt3A_240 : vector<400x128xi1>
    %convert_element_type3A_242 = arith.fptosi %sub3A_149 : vector<400x128xf32> to vector<400x128xi32>
    %add3A_243 = arith.addi %mul3A_201, %convert_element_type3A_242 : vector<400x128xi32>
    %convert_element_type3A_244 = arith.fptosi %min3A_166 : vector<400x1xf32> to vector<400x1xi32>
    %add3A_245 = vector.broadcast %convert_element_type3A_244 : vector<400x1xi32> to vector<400x128xi32>
    %add3A_246 = arith.addi %mul3A_201, %add3A_245 : vector<400x128xi32>
    %convert_element_type3A_247 = arith.fptosi %sub3A_160 : vector<400x128xf32> to vector<400x128xi32>
    %add3A_248 = arith.addi %add3A_246, %convert_element_type3A_247 : vector<400x128xi32>
    %select_n3A_249 = arith.select %and3A_241, %add3A_248, %add3A_230 : vector<400x128xi1>, vector<400x128xi32>
    %select_n3A_250 = arith.select %and3A_234, %add3A_243, %select_n3A_249 : vector<400x128xi1>, vector<400x128xi32>
    %swap3A = arith.constant 0 : index
    %swap3A_251 = arith.constant 0 : index
    %swap3A_252 = vector.load %arg1[%swap3A, %swap3A_251] : memref<400x128xi32, #tpu.memory_space<vmem>>, vector<400x128xi32>
    tpu.vector_store %arg1[%swap3A, %swap3A_251], %select_n3A_250 {strides = array<i32>} : memref<400x128xi32, #tpu.memory_space<vmem>>, vector<400x128xi32>,
    return
  }
}

module attributes {stable_mosaic.version = 14 : i64} {
  func.func @_tc_e_body(%arg0: memref<1x2048xf32, #tpu.memory_space<vmem>>, %arg1: memref<1x2048xi32, #tpu.memory_space<vmem>>, %arg2: memref<2048x64xf32, #tpu.memory_space<vmem>>, %arg3: memref<512x64xf32, #tpu.memory_space<vmem>>) attributes {dimension_semantics = [], scalar_prefetch = 0 : i64, scratch_operands = 0 : i64, tpu.core_type = #tpu.core_type<tc>} {
    %get3A = arith.constant 0 : index
    %get3A_0 = arith.constant 0 : index
    %get3A_1 = vector.load %arg0[%get3A, %get3A_0] : memref<1x2048xf32, #tpu.memory_space<vmem>>, vector<1x2048xf32>
    %get3A_2 = vector.shape_cast %get3A_1 : vector<1x2048xf32> to vector<2048xf32>
    %get3A_3 = arith.constant 0 : index
    %get3A_4 = arith.constant 0 : index
    %get3A_5 = vector.load %arg1[%get3A_3, %get3A_4] : memref<1x2048xi32, #tpu.memory_space<vmem>>, vector<1x2048xi32>
    %get3A_6 = vector.shape_cast %get3A_5 : vector<1x2048xi32> to vector<2048xi32>
    %iota3A = tpu.iota {dimensions = array<i32: 0>} : vector<512x128xi32>
    %convert_element_type3A = arith.sitofp %iota3A : vector<512x128xi32> to vector<512x128xf32>
    %broadcast_in_dim3A = arith.constant 0.000000e+00 : f32
    %broadcast_in_dim3A_7 = vector.broadcast %broadcast_in_dim3A : f32 to vector<512x64xf32>
    %slice3A = vector.extract_strided_slice %get3A_2 {offsets = [0], sizes = [128], strides = [1]} : vector<2048xf32> to vector<128xf32>
    %slice3A_8 = vector.extract_strided_slice %get3A_6 {offsets = [0], sizes = [128], strides = [1]} : vector<2048xi32> to vector<128xi32>
    %get3A_9 = arith.constant 0 : index
    %get3A_10 = arith.constant 0 : index
    %get3A_11 = vector.load %arg2[%get3A_9, %get3A_10] : memref<2048x64xf32, #tpu.memory_space<vmem>>, vector<128x64xf32>
    %broadcast_in_dim3A_12 = vector.shape_cast %get3A_2 : vector<2048xf32> to vector<2048x1xf32>
    %broadcast_in_dim3A_13 = vector.shape_cast %slice3A : vector<128xf32> to vector<1x128xf32>
    %gt3A = vector.broadcast %broadcast_in_dim3A_12 : vector<2048x1xf32> to vector<2048x128xf32>
    %gt3A_14 = vector.broadcast %broadcast_in_dim3A_13 : vector<1x128xf32> to vector<2048x128xf32>
    %gt3A_15 = arith.cmpf ogt, %gt3A, %gt3A_14 : vector<2048x128xf32>
    %convert_element_type3A_16 = arith.extui %gt3A_15 : vector<2048x128xi1> to vector<2048x128xi32>
    %convert_element_type3A_17 = arith.sitofp %convert_element_type3A_16 : vector<2048x128xi32> to vector<2048x128xf32>
    %broadcast_in_dim3A_18 = vector.shape_cast %get3A_2 : vector<2048xf32> to vector<2048x1xf32>
    %broadcast_in_dim3A_19 = vector.shape_cast %slice3A : vector<128xf32> to vector<1x128xf32>
    %eq3A = vector.broadcast %broadcast_in_dim3A_18 : vector<2048x1xf32> to vector<2048x128xf32>
    %eq3A_20 = vector.broadcast %broadcast_in_dim3A_19 : vector<1x128xf32> to vector<2048x128xf32>
    %eq3A_21 = arith.cmpf oeq, %eq3A, %eq3A_20 : vector<2048x128xf32>
    %broadcast_in_dim3A_22 = vector.shape_cast %get3A_6 : vector<2048xi32> to vector<2048x1xi32>
    %broadcast_in_dim3A_23 = vector.shape_cast %slice3A_8 : vector<128xi32> to vector<1x128xi32>
    %lt3A = vector.broadcast %broadcast_in_dim3A_22 : vector<2048x1xi32> to vector<2048x128xi32>
    %lt3A_24 = vector.broadcast %broadcast_in_dim3A_23 : vector<1x128xi32> to vector<2048x128xi32>
    %lt3A_25 = arith.cmpi slt, %lt3A, %lt3A_24 : vector<2048x128xi32>
    %and3A = arith.andi %eq3A_21, %lt3A_25 : vector<2048x128xi1>
    %convert_element_type3A_26 = arith.extui %and3A : vector<2048x128xi1> to vector<2048x128xi32>
    %convert_element_type3A_27 = arith.sitofp %convert_element_type3A_26 : vector<2048x128xi32> to vector<2048x128xf32>
    %add3A = arith.addf %convert_element_type3A_17, %convert_element_type3A_27 : vector<2048x128xf32>
    %reduce_sum3A = arith.constant dense<0.000000e+00> : vector<128xf32>
    %reduce_sum3A_28 = vector.multi_reduction <add>, %add3A, %reduce_sum3A [0] : vector<2048x128xf32> to vector<128xf32>
    %broadcast_in_dim3A_29 = vector.shape_cast %reduce_sum3A_28 : vector<128xf32> to vector<1x128xf32>
    %eq3A_30 = vector.broadcast %broadcast_in_dim3A_29 : vector<1x128xf32> to vector<512x128xf32>
    %eq3A_31 = arith.cmpf oeq, %convert_element_type3A, %eq3A_30 : vector<512x128xf32>
    %convert_element_type3A_32 = arith.extui %eq3A_31 : vector<512x128xi1> to vector<512x128xi32>
    %convert_element_type3A_33 = arith.sitofp %convert_element_type3A_32 : vector<512x128xi32> to vector<512x128xf32>
    %broadcast_in_dim3A_34 = vector.shape_cast %slice3A : vector<128xf32> to vector<128x1xf32>
    %mul3A = vector.broadcast %broadcast_in_dim3A_34 : vector<128x1xf32> to vector<128x64xf32>
    %mul3A_35 = arith.mulf %get3A_11, %mul3A : vector<128x64xf32>
    %dot_general3A = arith.constant dense<0.000000e+00> : vector<512x64xf32>
    %dot_general3A_36 = tpu.matmul %convert_element_type3A_33, %mul3A_35, %dot_general3A {dimension_numbers = #tpu.dot_dimension_numbers<[1], [0], [0], [1], [0, 0, 1, 1], [], []>, precision = #tpu.contract_precision<fp32>, transpose_lhs_hint = false} : vector<512x128xf32>, vector<128x64xf32>, vector<512x64xf32> -> vector<512x64xf32>
    %add3A_37 = arith.addf %broadcast_in_dim3A_7, %dot_general3A_36 : vector<512x64xf32>
    %slice3A_38 = vector.extract_strided_slice %get3A_2 {offsets = [128], sizes = [128], strides = [1]} : vector<2048xf32> to vector<128xf32>
    %slice3A_39 = vector.extract_strided_slice %get3A_6 {offsets = [128], sizes = [128], strides = [1]} : vector<2048xi32> to vector<128xi32>
    %get3A_40 = arith.constant 128 : index
    %get3A_41 = arith.constant 0 : index
    %get3A_42 = vector.load %arg2[%get3A_40, %get3A_41] : memref<2048x64xf32, #tpu.memory_space<vmem>>, vector<128x64xf32>
    %broadcast_in_dim3A_43 = vector.shape_cast %get3A_2 : vector<2048xf32> to vector<2048x1xf32>
    %broadcast_in_dim3A_44 = vector.shape_cast %slice3A_38 : vector<128xf32> to vector<1x128xf32>
    %gt3A_45 = vector.broadcast %broadcast_in_dim3A_43 : vector<2048x1xf32> to vector<2048x128xf32>
    %gt3A_46 = vector.broadcast %broadcast_in_dim3A_44 : vector<1x128xf32> to vector<2048x128xf32>
    %gt3A_47 = arith.cmpf ogt, %gt3A_45, %gt3A_46 : vector<2048x128xf32>
    %convert_element_type3A_48 = arith.extui %gt3A_47 : vector<2048x128xi1> to vector<2048x128xi32>
    %convert_element_type3A_49 = arith.sitofp %convert_element_type3A_48 : vector<2048x128xi32> to vector<2048x128xf32>
    %broadcast_in_dim3A_50 = vector.shape_cast %get3A_2 : vector<2048xf32> to vector<2048x1xf32>
    %broadcast_in_dim3A_51 = vector.shape_cast %slice3A_38 : vector<128xf32> to vector<1x128xf32>
    %eq3A_52 = vector.broadcast %broadcast_in_dim3A_50 : vector<2048x1xf32> to vector<2048x128xf32>
    %eq3A_53 = vector.broadcast %broadcast_in_dim3A_51 : vector<1x128xf32> to vector<2048x128xf32>
    %eq3A_54 = arith.cmpf oeq, %eq3A_52, %eq3A_53 : vector<2048x128xf32>
    %broadcast_in_dim3A_55 = vector.shape_cast %get3A_6 : vector<2048xi32> to vector<2048x1xi32>
    %broadcast_in_dim3A_56 = vector.shape_cast %slice3A_39 : vector<128xi32> to vector<1x128xi32>
    %lt3A_57 = vector.broadcast %broadcast_in_dim3A_55 : vector<2048x1xi32> to vector<2048x128xi32>
    %lt3A_58 = vector.broadcast %broadcast_in_dim3A_56 : vector<1x128xi32> to vector<2048x128xi32>
    %lt3A_59 = arith.cmpi slt, %lt3A_57, %lt3A_58 : vector<2048x128xi32>
    %and3A_60 = arith.andi %eq3A_54, %lt3A_59 : vector<2048x128xi1>
    %convert_element_type3A_61 = arith.extui %and3A_60 : vector<2048x128xi1> to vector<2048x128xi32>
    %convert_element_type3A_62 = arith.sitofp %convert_element_type3A_61 : vector<2048x128xi32> to vector<2048x128xf32>
    %add3A_63 = arith.addf %convert_element_type3A_49, %convert_element_type3A_62 : vector<2048x128xf32>
    %reduce_sum3A_64 = arith.constant dense<0.000000e+00> : vector<128xf32>
    %reduce_sum3A_65 = vector.multi_reduction <add>, %add3A_63, %reduce_sum3A_64 [0] : vector<2048x128xf32> to vector<128xf32>
    %broadcast_in_dim3A_66 = vector.shape_cast %reduce_sum3A_65 : vector<128xf32> to vector<1x128xf32>
    %eq3A_67 = vector.broadcast %broadcast_in_dim3A_66 : vector<1x128xf32> to vector<512x128xf32>
    %eq3A_68 = arith.cmpf oeq, %convert_element_type3A, %eq3A_67 : vector<512x128xf32>
    %convert_element_type3A_69 = arith.extui %eq3A_68 : vector<512x128xi1> to vector<512x128xi32>
    %convert_element_type3A_70 = arith.sitofp %convert_element_type3A_69 : vector<512x128xi32> to vector<512x128xf32>
    %broadcast_in_dim3A_71 = vector.shape_cast %slice3A_38 : vector<128xf32> to vector<128x1xf32>
    %mul3A_72 = vector.broadcast %broadcast_in_dim3A_71 : vector<128x1xf32> to vector<128x64xf32>
    %mul3A_73 = arith.mulf %get3A_42, %mul3A_72 : vector<128x64xf32>
    %dot_general3A_74 = arith.constant dense<0.000000e+00> : vector<512x64xf32>
    %dot_general3A_75 = tpu.matmul %convert_element_type3A_70, %mul3A_73, %dot_general3A_74 {dimension_numbers = #tpu.dot_dimension_numbers<[1], [0], [0], [1], [0, 0, 1, 1], [], []>, precision = #tpu.contract_precision<fp32>, transpose_lhs_hint = false} : vector<512x128xf32>, vector<128x64xf32>, vector<512x64xf32> -> vector<512x64xf32>
    %add3A_76 = arith.addf %add3A_37, %dot_general3A_75 : vector<512x64xf32>
    %slice3A_77 = vector.extract_strided_slice %get3A_2 {offsets = [256], sizes = [128], strides = [1]} : vector<2048xf32> to vector<128xf32>
    %slice3A_78 = vector.extract_strided_slice %get3A_6 {offsets = [256], sizes = [128], strides = [1]} : vector<2048xi32> to vector<128xi32>
    %get3A_79 = arith.constant 256 : index
    %get3A_80 = arith.constant 0 : index
    %get3A_81 = vector.load %arg2[%get3A_79, %get3A_80] : memref<2048x64xf32, #tpu.memory_space<vmem>>, vector<128x64xf32>
    %broadcast_in_dim3A_82 = vector.shape_cast %get3A_2 : vector<2048xf32> to vector<2048x1xf32>
    %broadcast_in_dim3A_83 = vector.shape_cast %slice3A_77 : vector<128xf32> to vector<1x128xf32>
    %gt3A_84 = vector.broadcast %broadcast_in_dim3A_82 : vector<2048x1xf32> to vector<2048x128xf32>
    %gt3A_85 = vector.broadcast %broadcast_in_dim3A_83 : vector<1x128xf32> to vector<2048x128xf32>
    %gt3A_86 = arith.cmpf ogt, %gt3A_84, %gt3A_85 : vector<2048x128xf32>
    %convert_element_type3A_87 = arith.extui %gt3A_86 : vector<2048x128xi1> to vector<2048x128xi32>
    %convert_element_type3A_88 = arith.sitofp %convert_element_type3A_87 : vector<2048x128xi32> to vector<2048x128xf32>
    %broadcast_in_dim3A_89 = vector.shape_cast %get3A_2 : vector<2048xf32> to vector<2048x1xf32>
    %broadcast_in_dim3A_90 = vector.shape_cast %slice3A_77 : vector<128xf32> to vector<1x128xf32>
    %eq3A_91 = vector.broadcast %broadcast_in_dim3A_89 : vector<2048x1xf32> to vector<2048x128xf32>
    %eq3A_92 = vector.broadcast %broadcast_in_dim3A_90 : vector<1x128xf32> to vector<2048x128xf32>
    %eq3A_93 = arith.cmpf oeq, %eq3A_91, %eq3A_92 : vector<2048x128xf32>
    %broadcast_in_dim3A_94 = vector.shape_cast %get3A_6 : vector<2048xi32> to vector<2048x1xi32>
    %broadcast_in_dim3A_95 = vector.shape_cast %slice3A_78 : vector<128xi32> to vector<1x128xi32>
    %lt3A_96 = vector.broadcast %broadcast_in_dim3A_94 : vector<2048x1xi32> to vector<2048x128xi32>
    %lt3A_97 = vector.broadcast %broadcast_in_dim3A_95 : vector<1x128xi32> to vector<2048x128xi32>
    %lt3A_98 = arith.cmpi slt, %lt3A_96, %lt3A_97 : vector<2048x128xi32>
    %and3A_99 = arith.andi %eq3A_93, %lt3A_98 : vector<2048x128xi1>
    %convert_element_type3A_100 = arith.extui %and3A_99 : vector<2048x128xi1> to vector<2048x128xi32>
    %convert_element_type3A_101 = arith.sitofp %convert_element_type3A_100 : vector<2048x128xi32> to vector<2048x128xf32>
    %add3A_102 = arith.addf %convert_element_type3A_88, %convert_element_type3A_101 : vector<2048x128xf32>
    %reduce_sum3A_103 = arith.constant dense<0.000000e+00> : vector<128xf32>
    %reduce_sum3A_104 = vector.multi_reduction <add>, %add3A_102, %reduce_sum3A_103 [0] : vector<2048x128xf32> to vector<128xf32>
    %broadcast_in_dim3A_105 = vector.shape_cast %reduce_sum3A_104 : vector<128xf32> to vector<1x128xf32>
    %eq3A_106 = vector.broadcast %broadcast_in_dim3A_105 : vector<1x128xf32> to vector<512x128xf32>
    %eq3A_107 = arith.cmpf oeq, %convert_element_type3A, %eq3A_106 : vector<512x128xf32>
    %convert_element_type3A_108 = arith.extui %eq3A_107 : vector<512x128xi1> to vector<512x128xi32>
    %convert_element_type3A_109 = arith.sitofp %convert_element_type3A_108 : vector<512x128xi32> to vector<512x128xf32>
    %broadcast_in_dim3A_110 = vector.shape_cast %slice3A_77 : vector<128xf32> to vector<128x1xf32>
    %mul3A_111 = vector.broadcast %broadcast_in_dim3A_110 : vector<128x1xf32> to vector<128x64xf32>
    %mul3A_112 = arith.mulf %get3A_81, %mul3A_111 : vector<128x64xf32>
    %dot_general3A_113 = arith.constant dense<0.000000e+00> : vector<512x64xf32>
    %dot_general3A_114 = tpu.matmul %convert_element_type3A_109, %mul3A_112, %dot_general3A_113 {dimension_numbers = #tpu.dot_dimension_numbers<[1], [0], [0], [1], [0, 0, 1, 1], [], []>, precision = #tpu.contract_precision<fp32>, transpose_lhs_hint = false} : vector<512x128xf32>, vector<128x64xf32>, vector<512x64xf32> -> vector<512x64xf32>
    %add3A_115 = arith.addf %add3A_76, %dot_general3A_114 : vector<512x64xf32>
    %slice3A_116 = vector.extract_strided_slice %get3A_2 {offsets = [384], sizes = [128], strides = [1]} : vector<2048xf32> to vector<128xf32>
    %slice3A_117 = vector.extract_strided_slice %get3A_6 {offsets = [384], sizes = [128], strides = [1]} : vector<2048xi32> to vector<128xi32>
    %get3A_118 = arith.constant 384 : index
    %get3A_119 = arith.constant 0 : index
    %get3A_120 = vector.load %arg2[%get3A_118, %get3A_119] : memref<2048x64xf32, #tpu.memory_space<vmem>>, vector<128x64xf32>
    %broadcast_in_dim3A_121 = vector.shape_cast %get3A_2 : vector<2048xf32> to vector<2048x1xf32>
    %broadcast_in_dim3A_122 = vector.shape_cast %slice3A_116 : vector<128xf32> to vector<1x128xf32>
    %gt3A_123 = vector.broadcast %broadcast_in_dim3A_121 : vector<2048x1xf32> to vector<2048x128xf32>
    %gt3A_124 = vector.broadcast %broadcast_in_dim3A_122 : vector<1x128xf32> to vector<2048x128xf32>
    %gt3A_125 = arith.cmpf ogt, %gt3A_123, %gt3A_124 : vector<2048x128xf32>
    %convert_element_type3A_126 = arith.extui %gt3A_125 : vector<2048x128xi1> to vector<2048x128xi32>
    %convert_element_type3A_127 = arith.sitofp %convert_element_type3A_126 : vector<2048x128xi32> to vector<2048x128xf32>
    %broadcast_in_dim3A_128 = vector.shape_cast %get3A_2 : vector<2048xf32> to vector<2048x1xf32>
    %broadcast_in_dim3A_129 = vector.shape_cast %slice3A_116 : vector<128xf32> to vector<1x128xf32>
    %eq3A_130 = vector.broadcast %broadcast_in_dim3A_128 : vector<2048x1xf32> to vector<2048x128xf32>
    %eq3A_131 = vector.broadcast %broadcast_in_dim3A_129 : vector<1x128xf32> to vector<2048x128xf32>
    %eq3A_132 = arith.cmpf oeq, %eq3A_130, %eq3A_131 : vector<2048x128xf32>
    %broadcast_in_dim3A_133 = vector.shape_cast %get3A_6 : vector<2048xi32> to vector<2048x1xi32>
    %broadcast_in_dim3A_134 = vector.shape_cast %slice3A_117 : vector<128xi32> to vector<1x128xi32>
    %lt3A_135 = vector.broadcast %broadcast_in_dim3A_133 : vector<2048x1xi32> to vector<2048x128xi32>
    %lt3A_136 = vector.broadcast %broadcast_in_dim3A_134 : vector<1x128xi32> to vector<2048x128xi32>
    %lt3A_137 = arith.cmpi slt, %lt3A_135, %lt3A_136 : vector<2048x128xi32>
    %and3A_138 = arith.andi %eq3A_132, %lt3A_137 : vector<2048x128xi1>
    %convert_element_type3A_139 = arith.extui %and3A_138 : vector<2048x128xi1> to vector<2048x128xi32>
    %convert_element_type3A_140 = arith.sitofp %convert_element_type3A_139 : vector<2048x128xi32> to vector<2048x128xf32>
    %add3A_141 = arith.addf %convert_element_type3A_127, %convert_element_type3A_140 : vector<2048x128xf32>
    %reduce_sum3A_142 = arith.constant dense<0.000000e+00> : vector<128xf32>
    %reduce_sum3A_143 = vector.multi_reduction <add>, %add3A_141, %reduce_sum3A_142 [0] : vector<2048x128xf32> to vector<128xf32>
    %broadcast_in_dim3A_144 = vector.shape_cast %reduce_sum3A_143 : vector<128xf32> to vector<1x128xf32>
    %eq3A_145 = vector.broadcast %broadcast_in_dim3A_144 : vector<1x128xf32> to vector<512x128xf32>
    %eq3A_146 = arith.cmpf oeq, %convert_element_type3A, %eq3A_145 : vector<512x128xf32>
    %convert_element_type3A_147 = arith.extui %eq3A_146 : vector<512x128xi1> to vector<512x128xi32>
    %convert_element_type3A_148 = arith.sitofp %convert_element_type3A_147 : vector<512x128xi32> to vector<512x128xf32>
    %broadcast_in_dim3A_149 = vector.shape_cast %slice3A_116 : vector<128xf32> to vector<128x1xf32>
    %mul3A_150 = vector.broadcast %broadcast_in_dim3A_149 : vector<128x1xf32> to vector<128x64xf32>
    %mul3A_151 = arith.mulf %get3A_120, %mul3A_150 : vector<128x64xf32>
    %dot_general3A_152 = arith.constant dense<0.000000e+00> : vector<512x64xf32>
    %dot_general3A_153 = tpu.matmul %convert_element_type3A_148, %mul3A_151, %dot_general3A_152 {dimension_numbers = #tpu.dot_dimension_numbers<[1], [0], [0], [1], [0, 0, 1, 1], [], []>, precision = #tpu.contract_precision<fp32>, transpose_lhs_hint = false} : vector<512x128xf32>, vector<128x64xf32>, vector<512x64xf32> -> vector<512x64xf32>
    %add3A_154 = arith.addf %add3A_115, %dot_general3A_153 : vector<512x64xf32>
    %slice3A_155 = vector.extract_strided_slice %get3A_2 {offsets = [512], sizes = [128], strides = [1]} : vector<2048xf32> to vector<128xf32>
    %slice3A_156 = vector.extract_strided_slice %get3A_6 {offsets = [512], sizes = [128], strides = [1]} : vector<2048xi32> to vector<128xi32>
    %get3A_157 = arith.constant 512 : index
    %get3A_158 = arith.constant 0 : index
    %get3A_159 = vector.load %arg2[%get3A_157, %get3A_158] : memref<2048x64xf32, #tpu.memory_space<vmem>>, vector<128x64xf32>
    %broadcast_in_dim3A_160 = vector.shape_cast %get3A_2 : vector<2048xf32> to vector<2048x1xf32>
    %broadcast_in_dim3A_161 = vector.shape_cast %slice3A_155 : vector<128xf32> to vector<1x128xf32>
    %gt3A_162 = vector.broadcast %broadcast_in_dim3A_160 : vector<2048x1xf32> to vector<2048x128xf32>
    %gt3A_163 = vector.broadcast %broadcast_in_dim3A_161 : vector<1x128xf32> to vector<2048x128xf32>
    %gt3A_164 = arith.cmpf ogt, %gt3A_162, %gt3A_163 : vector<2048x128xf32>
    %convert_element_type3A_165 = arith.extui %gt3A_164 : vector<2048x128xi1> to vector<2048x128xi32>
    %convert_element_type3A_166 = arith.sitofp %convert_element_type3A_165 : vector<2048x128xi32> to vector<2048x128xf32>
    %broadcast_in_dim3A_167 = vector.shape_cast %get3A_2 : vector<2048xf32> to vector<2048x1xf32>
    %broadcast_in_dim3A_168 = vector.shape_cast %slice3A_155 : vector<128xf32> to vector<1x128xf32>
    %eq3A_169 = vector.broadcast %broadcast_in_dim3A_167 : vector<2048x1xf32> to vector<2048x128xf32>
    %eq3A_170 = vector.broadcast %broadcast_in_dim3A_168 : vector<1x128xf32> to vector<2048x128xf32>
    %eq3A_171 = arith.cmpf oeq, %eq3A_169, %eq3A_170 : vector<2048x128xf32>
    %broadcast_in_dim3A_172 = vector.shape_cast %get3A_6 : vector<2048xi32> to vector<2048x1xi32>
    %broadcast_in_dim3A_173 = vector.shape_cast %slice3A_156 : vector<128xi32> to vector<1x128xi32>
    %lt3A_174 = vector.broadcast %broadcast_in_dim3A_172 : vector<2048x1xi32> to vector<2048x128xi32>
    %lt3A_175 = vector.broadcast %broadcast_in_dim3A_173 : vector<1x128xi32> to vector<2048x128xi32>
    %lt3A_176 = arith.cmpi slt, %lt3A_174, %lt3A_175 : vector<2048x128xi32>
    %and3A_177 = arith.andi %eq3A_171, %lt3A_176 : vector<2048x128xi1>
    %convert_element_type3A_178 = arith.extui %and3A_177 : vector<2048x128xi1> to vector<2048x128xi32>
    %convert_element_type3A_179 = arith.sitofp %convert_element_type3A_178 : vector<2048x128xi32> to vector<2048x128xf32>
    %add3A_180 = arith.addf %convert_element_type3A_166, %convert_element_type3A_179 : vector<2048x128xf32>
    %reduce_sum3A_181 = arith.constant dense<0.000000e+00> : vector<128xf32>
    %reduce_sum3A_182 = vector.multi_reduction <add>, %add3A_180, %reduce_sum3A_181 [0] : vector<2048x128xf32> to vector<128xf32>
    %broadcast_in_dim3A_183 = vector.shape_cast %reduce_sum3A_182 : vector<128xf32> to vector<1x128xf32>
    %eq3A_184 = vector.broadcast %broadcast_in_dim3A_183 : vector<1x128xf32> to vector<512x128xf32>
    %eq3A_185 = arith.cmpf oeq, %convert_element_type3A, %eq3A_184 : vector<512x128xf32>
    %convert_element_type3A_186 = arith.extui %eq3A_185 : vector<512x128xi1> to vector<512x128xi32>
    %convert_element_type3A_187 = arith.sitofp %convert_element_type3A_186 : vector<512x128xi32> to vector<512x128xf32>
    %broadcast_in_dim3A_188 = vector.shape_cast %slice3A_155 : vector<128xf32> to vector<128x1xf32>
    %mul3A_189 = vector.broadcast %broadcast_in_dim3A_188 : vector<128x1xf32> to vector<128x64xf32>
    %mul3A_190 = arith.mulf %get3A_159, %mul3A_189 : vector<128x64xf32>
    %dot_general3A_191 = arith.constant dense<0.000000e+00> : vector<512x64xf32>
    %dot_general3A_192 = tpu.matmul %convert_element_type3A_187, %mul3A_190, %dot_general3A_191 {dimension_numbers = #tpu.dot_dimension_numbers<[1], [0], [0], [1], [0, 0, 1, 1], [], []>, precision = #tpu.contract_precision<fp32>, transpose_lhs_hint = false} : vector<512x128xf32>, vector<128x64xf32>, vector<512x64xf32> -> vector<512x64xf32>
    %add3A_193 = arith.addf %add3A_154, %dot_general3A_192 : vector<512x64xf32>
    %slice3A_194 = vector.extract_strided_slice %get3A_2 {offsets = [640], sizes = [128], strides = [1]} : vector<2048xf32> to vector<128xf32>
    %slice3A_195 = vector.extract_strided_slice %get3A_6 {offsets = [640], sizes = [128], strides = [1]} : vector<2048xi32> to vector<128xi32>
    %get3A_196 = arith.constant 640 : index
    %get3A_197 = arith.constant 0 : index
    %get3A_198 = vector.load %arg2[%get3A_196, %get3A_197] : memref<2048x64xf32, #tpu.memory_space<vmem>>, vector<128x64xf32>
    %broadcast_in_dim3A_199 = vector.shape_cast %get3A_2 : vector<2048xf32> to vector<2048x1xf32>
    %broadcast_in_dim3A_200 = vector.shape_cast %slice3A_194 : vector<128xf32> to vector<1x128xf32>
    %gt3A_201 = vector.broadcast %broadcast_in_dim3A_199 : vector<2048x1xf32> to vector<2048x128xf32>
    %gt3A_202 = vector.broadcast %broadcast_in_dim3A_200 : vector<1x128xf32> to vector<2048x128xf32>
    %gt3A_203 = arith.cmpf ogt, %gt3A_201, %gt3A_202 : vector<2048x128xf32>
    %convert_element_type3A_204 = arith.extui %gt3A_203 : vector<2048x128xi1> to vector<2048x128xi32>
    %convert_element_type3A_205 = arith.sitofp %convert_element_type3A_204 : vector<2048x128xi32> to vector<2048x128xf32>
    %broadcast_in_dim3A_206 = vector.shape_cast %get3A_2 : vector<2048xf32> to vector<2048x1xf32>
    %broadcast_in_dim3A_207 = vector.shape_cast %slice3A_194 : vector<128xf32> to vector<1x128xf32>
    %eq3A_208 = vector.broadcast %broadcast_in_dim3A_206 : vector<2048x1xf32> to vector<2048x128xf32>
    %eq3A_209 = vector.broadcast %broadcast_in_dim3A_207 : vector<1x128xf32> to vector<2048x128xf32>
    %eq3A_210 = arith.cmpf oeq, %eq3A_208, %eq3A_209 : vector<2048x128xf32>
    %broadcast_in_dim3A_211 = vector.shape_cast %get3A_6 : vector<2048xi32> to vector<2048x1xi32>
    %broadcast_in_dim3A_212 = vector.shape_cast %slice3A_195 : vector<128xi32> to vector<1x128xi32>
    %lt3A_213 = vector.broadcast %broadcast_in_dim3A_211 : vector<2048x1xi32> to vector<2048x128xi32>
    %lt3A_214 = vector.broadcast %broadcast_in_dim3A_212 : vector<1x128xi32> to vector<2048x128xi32>
    %lt3A_215 = arith.cmpi slt, %lt3A_213, %lt3A_214 : vector<2048x128xi32>
    %and3A_216 = arith.andi %eq3A_210, %lt3A_215 : vector<2048x128xi1>
    %convert_element_type3A_217 = arith.extui %and3A_216 : vector<2048x128xi1> to vector<2048x128xi32>
    %convert_element_type3A_218 = arith.sitofp %convert_element_type3A_217 : vector<2048x128xi32> to vector<2048x128xf32>
    %add3A_219 = arith.addf %convert_element_type3A_205, %convert_element_type3A_218 : vector<2048x128xf32>
    %reduce_sum3A_220 = arith.constant dense<0.000000e+00> : vector<128xf32>
    %reduce_sum3A_221 = vector.multi_reduction <add>, %add3A_219, %reduce_sum3A_220 [0] : vector<2048x128xf32> to vector<128xf32>
    %broadcast_in_dim3A_222 = vector.shape_cast %reduce_sum3A_221 : vector<128xf32> to vector<1x128xf32>
    %eq3A_223 = vector.broadcast %broadcast_in_dim3A_222 : vector<1x128xf32> to vector<512x128xf32>
    %eq3A_224 = arith.cmpf oeq, %convert_element_type3A, %eq3A_223 : vector<512x128xf32>
    %convert_element_type3A_225 = arith.extui %eq3A_224 : vector<512x128xi1> to vector<512x128xi32>
    %convert_element_type3A_226 = arith.sitofp %convert_element_type3A_225 : vector<512x128xi32> to vector<512x128xf32>
    %broadcast_in_dim3A_227 = vector.shape_cast %slice3A_194 : vector<128xf32> to vector<128x1xf32>
    %mul3A_228 = vector.broadcast %broadcast_in_dim3A_227 : vector<128x1xf32> to vector<128x64xf32>
    %mul3A_229 = arith.mulf %get3A_198, %mul3A_228 : vector<128x64xf32>
    %dot_general3A_230 = arith.constant dense<0.000000e+00> : vector<512x64xf32>
    %dot_general3A_231 = tpu.matmul %convert_element_type3A_226, %mul3A_229, %dot_general3A_230 {dimension_numbers = #tpu.dot_dimension_numbers<[1], [0], [0], [1], [0, 0, 1, 1], [], []>, precision = #tpu.contract_precision<fp32>, transpose_lhs_hint = false} : vector<512x128xf32>, vector<128x64xf32>, vector<512x64xf32> -> vector<512x64xf32>
    %add3A_232 = arith.addf %add3A_193, %dot_general3A_231 : vector<512x64xf32>
    %slice3A_233 = vector.extract_strided_slice %get3A_2 {offsets = [768], sizes = [128], strides = [1]} : vector<2048xf32> to vector<128xf32>
    %slice3A_234 = vector.extract_strided_slice %get3A_6 {offsets = [768], sizes = [128], strides = [1]} : vector<2048xi32> to vector<128xi32>
    %get3A_235 = arith.constant 768 : index
    %get3A_236 = arith.constant 0 : index
    %get3A_237 = vector.load %arg2[%get3A_235, %get3A_236] : memref<2048x64xf32, #tpu.memory_space<vmem>>, vector<128x64xf32>
    %broadcast_in_dim3A_238 = vector.shape_cast %get3A_2 : vector<2048xf32> to vector<2048x1xf32>
    %broadcast_in_dim3A_239 = vector.shape_cast %slice3A_233 : vector<128xf32> to vector<1x128xf32>
    %gt3A_240 = vector.broadcast %broadcast_in_dim3A_238 : vector<2048x1xf32> to vector<2048x128xf32>
    %gt3A_241 = vector.broadcast %broadcast_in_dim3A_239 : vector<1x128xf32> to vector<2048x128xf32>
    %gt3A_242 = arith.cmpf ogt, %gt3A_240, %gt3A_241 : vector<2048x128xf32>
    %convert_element_type3A_243 = arith.extui %gt3A_242 : vector<2048x128xi1> to vector<2048x128xi32>
    %convert_element_type3A_244 = arith.sitofp %convert_element_type3A_243 : vector<2048x128xi32> to vector<2048x128xf32>
    %broadcast_in_dim3A_245 = vector.shape_cast %get3A_2 : vector<2048xf32> to vector<2048x1xf32>
    %broadcast_in_dim3A_246 = vector.shape_cast %slice3A_233 : vector<128xf32> to vector<1x128xf32>
    %eq3A_247 = vector.broadcast %broadcast_in_dim3A_245 : vector<2048x1xf32> to vector<2048x128xf32>
    %eq3A_248 = vector.broadcast %broadcast_in_dim3A_246 : vector<1x128xf32> to vector<2048x128xf32>
    %eq3A_249 = arith.cmpf oeq, %eq3A_247, %eq3A_248 : vector<2048x128xf32>
    %broadcast_in_dim3A_250 = vector.shape_cast %get3A_6 : vector<2048xi32> to vector<2048x1xi32>
    %broadcast_in_dim3A_251 = vector.shape_cast %slice3A_234 : vector<128xi32> to vector<1x128xi32>
    %lt3A_252 = vector.broadcast %broadcast_in_dim3A_250 : vector<2048x1xi32> to vector<2048x128xi32>
    %lt3A_253 = vector.broadcast %broadcast_in_dim3A_251 : vector<1x128xi32> to vector<2048x128xi32>
    %lt3A_254 = arith.cmpi slt, %lt3A_252, %lt3A_253 : vector<2048x128xi32>
    %and3A_255 = arith.andi %eq3A_249, %lt3A_254 : vector<2048x128xi1>
    %convert_element_type3A_256 = arith.extui %and3A_255 : vector<2048x128xi1> to vector<2048x128xi32>
    %convert_element_type3A_257 = arith.sitofp %convert_element_type3A_256 : vector<2048x128xi32> to vector<2048x128xf32>
    %add3A_258 = arith.addf %convert_element_type3A_244, %convert_element_type3A_257 : vector<2048x128xf32>
    %reduce_sum3A_259 = arith.constant dense<0.000000e+00> : vector<128xf32>
    %reduce_sum3A_260 = vector.multi_reduction <add>, %add3A_258, %reduce_sum3A_259 [0] : vector<2048x128xf32> to vector<128xf32>
    %broadcast_in_dim3A_261 = vector.shape_cast %reduce_sum3A_260 : vector<128xf32> to vector<1x128xf32>
    %eq3A_262 = vector.broadcast %broadcast_in_dim3A_261 : vector<1x128xf32> to vector<512x128xf32>
    %eq3A_263 = arith.cmpf oeq, %convert_element_type3A, %eq3A_262 : vector<512x128xf32>
    %convert_element_type3A_264 = arith.extui %eq3A_263 : vector<512x128xi1> to vector<512x128xi32>
    %convert_element_type3A_265 = arith.sitofp %convert_element_type3A_264 : vector<512x128xi32> to vector<512x128xf32>
    %broadcast_in_dim3A_266 = vector.shape_cast %slice3A_233 : vector<128xf32> to vector<128x1xf32>
    %mul3A_267 = vector.broadcast %broadcast_in_dim3A_266 : vector<128x1xf32> to vector<128x64xf32>
    %mul3A_268 = arith.mulf %get3A_237, %mul3A_267 : vector<128x64xf32>
    %dot_general3A_269 = arith.constant dense<0.000000e+00> : vector<512x64xf32>
    %dot_general3A_270 = tpu.matmul %convert_element_type3A_265, %mul3A_268, %dot_general3A_269 {dimension_numbers = #tpu.dot_dimension_numbers<[1], [0], [0], [1], [0, 0, 1, 1], [], []>, precision = #tpu.contract_precision<fp32>, transpose_lhs_hint = false} : vector<512x128xf32>, vector<128x64xf32>, vector<512x64xf32> -> vector<512x64xf32>
    %add3A_271 = arith.addf %add3A_232, %dot_general3A_270 : vector<512x64xf32>
    %slice3A_272 = vector.extract_strided_slice %get3A_2 {offsets = [896], sizes = [128], strides = [1]} : vector<2048xf32> to vector<128xf32>
    %slice3A_273 = vector.extract_strided_slice %get3A_6 {offsets = [896], sizes = [128], strides = [1]} : vector<2048xi32> to vector<128xi32>
    %get3A_274 = arith.constant 896 : index
    %get3A_275 = arith.constant 0 : index
    %get3A_276 = vector.load %arg2[%get3A_274, %get3A_275] : memref<2048x64xf32, #tpu.memory_space<vmem>>, vector<128x64xf32>
    %broadcast_in_dim3A_277 = vector.shape_cast %get3A_2 : vector<2048xf32> to vector<2048x1xf32>
    %broadcast_in_dim3A_278 = vector.shape_cast %slice3A_272 : vector<128xf32> to vector<1x128xf32>
    %gt3A_279 = vector.broadcast %broadcast_in_dim3A_277 : vector<2048x1xf32> to vector<2048x128xf32>
    %gt3A_280 = vector.broadcast %broadcast_in_dim3A_278 : vector<1x128xf32> to vector<2048x128xf32>
    %gt3A_281 = arith.cmpf ogt, %gt3A_279, %gt3A_280 : vector<2048x128xf32>
    %convert_element_type3A_282 = arith.extui %gt3A_281 : vector<2048x128xi1> to vector<2048x128xi32>
    %convert_element_type3A_283 = arith.sitofp %convert_element_type3A_282 : vector<2048x128xi32> to vector<2048x128xf32>
    %broadcast_in_dim3A_284 = vector.shape_cast %get3A_2 : vector<2048xf32> to vector<2048x1xf32>
    %broadcast_in_dim3A_285 = vector.shape_cast %slice3A_272 : vector<128xf32> to vector<1x128xf32>
    %eq3A_286 = vector.broadcast %broadcast_in_dim3A_284 : vector<2048x1xf32> to vector<2048x128xf32>
    %eq3A_287 = vector.broadcast %broadcast_in_dim3A_285 : vector<1x128xf32> to vector<2048x128xf32>
    %eq3A_288 = arith.cmpf oeq, %eq3A_286, %eq3A_287 : vector<2048x128xf32>
    %broadcast_in_dim3A_289 = vector.shape_cast %get3A_6 : vector<2048xi32> to vector<2048x1xi32>
    %broadcast_in_dim3A_290 = vector.shape_cast %slice3A_273 : vector<128xi32> to vector<1x128xi32>
    %lt3A_291 = vector.broadcast %broadcast_in_dim3A_289 : vector<2048x1xi32> to vector<2048x128xi32>
    %lt3A_292 = vector.broadcast %broadcast_in_dim3A_290 : vector<1x128xi32> to vector<2048x128xi32>
    %lt3A_293 = arith.cmpi slt, %lt3A_291, %lt3A_292 : vector<2048x128xi32>
    %and3A_294 = arith.andi %eq3A_288, %lt3A_293 : vector<2048x128xi1>
    %convert_element_type3A_295 = arith.extui %and3A_294 : vector<2048x128xi1> to vector<2048x128xi32>
    %convert_element_type3A_296 = arith.sitofp %convert_element_type3A_295 : vector<2048x128xi32> to vector<2048x128xf32>
    %add3A_297 = arith.addf %convert_element_type3A_283, %convert_element_type3A_296 : vector<2048x128xf32>
    %reduce_sum3A_298 = arith.constant dense<0.000000e+00> : vector<128xf32>
    %reduce_sum3A_299 = vector.multi_reduction <add>, %add3A_297, %reduce_sum3A_298 [0] : vector<2048x128xf32> to vector<128xf32>
    %broadcast_in_dim3A_300 = vector.shape_cast %reduce_sum3A_299 : vector<128xf32> to vector<1x128xf32>
    %eq3A_301 = vector.broadcast %broadcast_in_dim3A_300 : vector<1x128xf32> to vector<512x128xf32>
    %eq3A_302 = arith.cmpf oeq, %convert_element_type3A, %eq3A_301 : vector<512x128xf32>
    %convert_element_type3A_303 = arith.extui %eq3A_302 : vector<512x128xi1> to vector<512x128xi32>
    %convert_element_type3A_304 = arith.sitofp %convert_element_type3A_303 : vector<512x128xi32> to vector<512x128xf32>
    %broadcast_in_dim3A_305 = vector.shape_cast %slice3A_272 : vector<128xf32> to vector<128x1xf32>
    %mul3A_306 = vector.broadcast %broadcast_in_dim3A_305 : vector<128x1xf32> to vector<128x64xf32>
    %mul3A_307 = arith.mulf %get3A_276, %mul3A_306 : vector<128x64xf32>
    %dot_general3A_308 = arith.constant dense<0.000000e+00> : vector<512x64xf32>
    %dot_general3A_309 = tpu.matmul %convert_element_type3A_304, %mul3A_307, %dot_general3A_308 {dimension_numbers = #tpu.dot_dimension_numbers<[1], [0], [0], [1], [0, 0, 1, 1], [], []>, precision = #tpu.contract_precision<fp32>, transpose_lhs_hint = false} : vector<512x128xf32>, vector<128x64xf32>, vector<512x64xf32> -> vector<512x64xf32>
    %add3A_310 = arith.addf %add3A_271, %dot_general3A_309 : vector<512x64xf32>
    %slice3A_311 = vector.extract_strided_slice %get3A_2 {offsets = [1024], sizes = [128], strides = [1]} : vector<2048xf32> to vector<128xf32>
    %slice3A_312 = vector.extract_strided_slice %get3A_6 {offsets = [1024], sizes = [128], strides = [1]} : vector<2048xi32> to vector<128xi32>
    %get3A_313 = arith.constant 1024 : index
    %get3A_314 = arith.constant 0 : index
    %get3A_315 = vector.load %arg2[%get3A_313, %get3A_314] : memref<2048x64xf32, #tpu.memory_space<vmem>>, vector<128x64xf32>
    %broadcast_in_dim3A_316 = vector.shape_cast %get3A_2 : vector<2048xf32> to vector<2048x1xf32>
    %broadcast_in_dim3A_317 = vector.shape_cast %slice3A_311 : vector<128xf32> to vector<1x128xf32>
    %gt3A_318 = vector.broadcast %broadcast_in_dim3A_316 : vector<2048x1xf32> to vector<2048x128xf32>
    %gt3A_319 = vector.broadcast %broadcast_in_dim3A_317 : vector<1x128xf32> to vector<2048x128xf32>
    %gt3A_320 = arith.cmpf ogt, %gt3A_318, %gt3A_319 : vector<2048x128xf32>
    %convert_element_type3A_321 = arith.extui %gt3A_320 : vector<2048x128xi1> to vector<2048x128xi32>
    %convert_element_type3A_322 = arith.sitofp %convert_element_type3A_321 : vector<2048x128xi32> to vector<2048x128xf32>
    %broadcast_in_dim3A_323 = vector.shape_cast %get3A_2 : vector<2048xf32> to vector<2048x1xf32>
    %broadcast_in_dim3A_324 = vector.shape_cast %slice3A_311 : vector<128xf32> to vector<1x128xf32>
    %eq3A_325 = vector.broadcast %broadcast_in_dim3A_323 : vector<2048x1xf32> to vector<2048x128xf32>
    %eq3A_326 = vector.broadcast %broadcast_in_dim3A_324 : vector<1x128xf32> to vector<2048x128xf32>
    %eq3A_327 = arith.cmpf oeq, %eq3A_325, %eq3A_326 : vector<2048x128xf32>
    %broadcast_in_dim3A_328 = vector.shape_cast %get3A_6 : vector<2048xi32> to vector<2048x1xi32>
    %broadcast_in_dim3A_329 = vector.shape_cast %slice3A_312 : vector<128xi32> to vector<1x128xi32>
    %lt3A_330 = vector.broadcast %broadcast_in_dim3A_328 : vector<2048x1xi32> to vector<2048x128xi32>
    %lt3A_331 = vector.broadcast %broadcast_in_dim3A_329 : vector<1x128xi32> to vector<2048x128xi32>
    %lt3A_332 = arith.cmpi slt, %lt3A_330, %lt3A_331 : vector<2048x128xi32>
    %and3A_333 = arith.andi %eq3A_327, %lt3A_332 : vector<2048x128xi1>
    %convert_element_type3A_334 = arith.extui %and3A_333 : vector<2048x128xi1> to vector<2048x128xi32>
    %convert_element_type3A_335 = arith.sitofp %convert_element_type3A_334 : vector<2048x128xi32> to vector<2048x128xf32>
    %add3A_336 = arith.addf %convert_element_type3A_322, %convert_element_type3A_335 : vector<2048x128xf32>
    %reduce_sum3A_337 = arith.constant dense<0.000000e+00> : vector<128xf32>
    %reduce_sum3A_338 = vector.multi_reduction <add>, %add3A_336, %reduce_sum3A_337 [0] : vector<2048x128xf32> to vector<128xf32>
    %broadcast_in_dim3A_339 = vector.shape_cast %reduce_sum3A_338 : vector<128xf32> to vector<1x128xf32>
    %eq3A_340 = vector.broadcast %broadcast_in_dim3A_339 : vector<1x128xf32> to vector<512x128xf32>
    %eq3A_341 = arith.cmpf oeq, %convert_element_type3A, %eq3A_340 : vector<512x128xf32>
    %convert_element_type3A_342 = arith.extui %eq3A_341 : vector<512x128xi1> to vector<512x128xi32>
    %convert_element_type3A_343 = arith.sitofp %convert_element_type3A_342 : vector<512x128xi32> to vector<512x128xf32>
    %broadcast_in_dim3A_344 = vector.shape_cast %slice3A_311 : vector<128xf32> to vector<128x1xf32>
    %mul3A_345 = vector.broadcast %broadcast_in_dim3A_344 : vector<128x1xf32> to vector<128x64xf32>
    %mul3A_346 = arith.mulf %get3A_315, %mul3A_345 : vector<128x64xf32>
    %dot_general3A_347 = arith.constant dense<0.000000e+00> : vector<512x64xf32>
    %dot_general3A_348 = tpu.matmul %convert_element_type3A_343, %mul3A_346, %dot_general3A_347 {dimension_numbers = #tpu.dot_dimension_numbers<[1], [0], [0], [1], [0, 0, 1, 1], [], []>, precision = #tpu.contract_precision<fp32>, transpose_lhs_hint = false} : vector<512x128xf32>, vector<128x64xf32>, vector<512x64xf32> -> vector<512x64xf32>
    %add3A_349 = arith.addf %add3A_310, %dot_general3A_348 : vector<512x64xf32>
    %slice3A_350 = vector.extract_strided_slice %get3A_2 {offsets = [1152], sizes = [128], strides = [1]} : vector<2048xf32> to vector<128xf32>
    %slice3A_351 = vector.extract_strided_slice %get3A_6 {offsets = [1152], sizes = [128], strides = [1]} : vector<2048xi32> to vector<128xi32>
    %get3A_352 = arith.constant 1152 : index
    %get3A_353 = arith.constant 0 : index
    %get3A_354 = vector.load %arg2[%get3A_352, %get3A_353] : memref<2048x64xf32, #tpu.memory_space<vmem>>, vector<128x64xf32>
    %broadcast_in_dim3A_355 = vector.shape_cast %get3A_2 : vector<2048xf32> to vector<2048x1xf32>
    %broadcast_in_dim3A_356 = vector.shape_cast %slice3A_350 : vector<128xf32> to vector<1x128xf32>
    %gt3A_357 = vector.broadcast %broadcast_in_dim3A_355 : vector<2048x1xf32> to vector<2048x128xf32>
    %gt3A_358 = vector.broadcast %broadcast_in_dim3A_356 : vector<1x128xf32> to vector<2048x128xf32>
    %gt3A_359 = arith.cmpf ogt, %gt3A_357, %gt3A_358 : vector<2048x128xf32>
    %convert_element_type3A_360 = arith.extui %gt3A_359 : vector<2048x128xi1> to vector<2048x128xi32>
    %convert_element_type3A_361 = arith.sitofp %convert_element_type3A_360 : vector<2048x128xi32> to vector<2048x128xf32>
    %broadcast_in_dim3A_362 = vector.shape_cast %get3A_2 : vector<2048xf32> to vector<2048x1xf32>
    %broadcast_in_dim3A_363 = vector.shape_cast %slice3A_350 : vector<128xf32> to vector<1x128xf32>
    %eq3A_364 = vector.broadcast %broadcast_in_dim3A_362 : vector<2048x1xf32> to vector<2048x128xf32>
    %eq3A_365 = vector.broadcast %broadcast_in_dim3A_363 : vector<1x128xf32> to vector<2048x128xf32>
    %eq3A_366 = arith.cmpf oeq, %eq3A_364, %eq3A_365 : vector<2048x128xf32>
    %broadcast_in_dim3A_367 = vector.shape_cast %get3A_6 : vector<2048xi32> to vector<2048x1xi32>
    %broadcast_in_dim3A_368 = vector.shape_cast %slice3A_351 : vector<128xi32> to vector<1x128xi32>
    %lt3A_369 = vector.broadcast %broadcast_in_dim3A_367 : vector<2048x1xi32> to vector<2048x128xi32>
    %lt3A_370 = vector.broadcast %broadcast_in_dim3A_368 : vector<1x128xi32> to vector<2048x128xi32>
    %lt3A_371 = arith.cmpi slt, %lt3A_369, %lt3A_370 : vector<2048x128xi32>
    %and3A_372 = arith.andi %eq3A_366, %lt3A_371 : vector<2048x128xi1>
    %convert_element_type3A_373 = arith.extui %and3A_372 : vector<2048x128xi1> to vector<2048x128xi32>
    %convert_element_type3A_374 = arith.sitofp %convert_element_type3A_373 : vector<2048x128xi32> to vector<2048x128xf32>
    %add3A_375 = arith.addf %convert_element_type3A_361, %convert_element_type3A_374 : vector<2048x128xf32>
    %reduce_sum3A_376 = arith.constant dense<0.000000e+00> : vector<128xf32>
    %reduce_sum3A_377 = vector.multi_reduction <add>, %add3A_375, %reduce_sum3A_376 [0] : vector<2048x128xf32> to vector<128xf32>
    %broadcast_in_dim3A_378 = vector.shape_cast %reduce_sum3A_377 : vector<128xf32> to vector<1x128xf32>
    %eq3A_379 = vector.broadcast %broadcast_in_dim3A_378 : vector<1x128xf32> to vector<512x128xf32>
    %eq3A_380 = arith.cmpf oeq, %convert_element_type3A, %eq3A_379 : vector<512x128xf32>
    %convert_element_type3A_381 = arith.extui %eq3A_380 : vector<512x128xi1> to vector<512x128xi32>
    %convert_element_type3A_382 = arith.sitofp %convert_element_type3A_381 : vector<512x128xi32> to vector<512x128xf32>
    %broadcast_in_dim3A_383 = vector.shape_cast %slice3A_350 : vector<128xf32> to vector<128x1xf32>
    %mul3A_384 = vector.broadcast %broadcast_in_dim3A_383 : vector<128x1xf32> to vector<128x64xf32>
    %mul3A_385 = arith.mulf %get3A_354, %mul3A_384 : vector<128x64xf32>
    %dot_general3A_386 = arith.constant dense<0.000000e+00> : vector<512x64xf32>
    %dot_general3A_387 = tpu.matmul %convert_element_type3A_382, %mul3A_385, %dot_general3A_386 {dimension_numbers = #tpu.dot_dimension_numbers<[1], [0], [0], [1], [0, 0, 1, 1], [], []>, precision = #tpu.contract_precision<fp32>, transpose_lhs_hint = false} : vector<512x128xf32>, vector<128x64xf32>, vector<512x64xf32> -> vector<512x64xf32>
    %add3A_388 = arith.addf %add3A_349, %dot_general3A_387 : vector<512x64xf32>
    %slice3A_389 = vector.extract_strided_slice %get3A_2 {offsets = [1280], sizes = [128], strides = [1]} : vector<2048xf32> to vector<128xf32>
    %slice3A_390 = vector.extract_strided_slice %get3A_6 {offsets = [1280], sizes = [128], strides = [1]} : vector<2048xi32> to vector<128xi32>
    %get3A_391 = arith.constant 1280 : index
    %get3A_392 = arith.constant 0 : index
    %get3A_393 = vector.load %arg2[%get3A_391, %get3A_392] : memref<2048x64xf32, #tpu.memory_space<vmem>>, vector<128x64xf32>
    %broadcast_in_dim3A_394 = vector.shape_cast %get3A_2 : vector<2048xf32> to vector<2048x1xf32>
    %broadcast_in_dim3A_395 = vector.shape_cast %slice3A_389 : vector<128xf32> to vector<1x128xf32>
    %gt3A_396 = vector.broadcast %broadcast_in_dim3A_394 : vector<2048x1xf32> to vector<2048x128xf32>
    %gt3A_397 = vector.broadcast %broadcast_in_dim3A_395 : vector<1x128xf32> to vector<2048x128xf32>
    %gt3A_398 = arith.cmpf ogt, %gt3A_396, %gt3A_397 : vector<2048x128xf32>
    %convert_element_type3A_399 = arith.extui %gt3A_398 : vector<2048x128xi1> to vector<2048x128xi32>
    %convert_element_type3A_400 = arith.sitofp %convert_element_type3A_399 : vector<2048x128xi32> to vector<2048x128xf32>
    %broadcast_in_dim3A_401 = vector.shape_cast %get3A_2 : vector<2048xf32> to vector<2048x1xf32>
    %broadcast_in_dim3A_402 = vector.shape_cast %slice3A_389 : vector<128xf32> to vector<1x128xf32>
    %eq3A_403 = vector.broadcast %broadcast_in_dim3A_401 : vector<2048x1xf32> to vector<2048x128xf32>
    %eq3A_404 = vector.broadcast %broadcast_in_dim3A_402 : vector<1x128xf32> to vector<2048x128xf32>
    %eq3A_405 = arith.cmpf oeq, %eq3A_403, %eq3A_404 : vector<2048x128xf32>
    %broadcast_in_dim3A_406 = vector.shape_cast %get3A_6 : vector<2048xi32> to vector<2048x1xi32>
    %broadcast_in_dim3A_407 = vector.shape_cast %slice3A_390 : vector<128xi32> to vector<1x128xi32>
    %lt3A_408 = vector.broadcast %broadcast_in_dim3A_406 : vector<2048x1xi32> to vector<2048x128xi32>
    %lt3A_409 = vector.broadcast %broadcast_in_dim3A_407 : vector<1x128xi32> to vector<2048x128xi32>
    %lt3A_410 = arith.cmpi slt, %lt3A_408, %lt3A_409 : vector<2048x128xi32>
    %and3A_411 = arith.andi %eq3A_405, %lt3A_410 : vector<2048x128xi1>
    %convert_element_type3A_412 = arith.extui %and3A_411 : vector<2048x128xi1> to vector<2048x128xi32>
    %convert_element_type3A_413 = arith.sitofp %convert_element_type3A_412 : vector<2048x128xi32> to vector<2048x128xf32>
    %add3A_414 = arith.addf %convert_element_type3A_400, %convert_element_type3A_413 : vector<2048x128xf32>
    %reduce_sum3A_415 = arith.constant dense<0.000000e+00> : vector<128xf32>
    %reduce_sum3A_416 = vector.multi_reduction <add>, %add3A_414, %reduce_sum3A_415 [0] : vector<2048x128xf32> to vector<128xf32>
    %broadcast_in_dim3A_417 = vector.shape_cast %reduce_sum3A_416 : vector<128xf32> to vector<1x128xf32>
    %eq3A_418 = vector.broadcast %broadcast_in_dim3A_417 : vector<1x128xf32> to vector<512x128xf32>
    %eq3A_419 = arith.cmpf oeq, %convert_element_type3A, %eq3A_418 : vector<512x128xf32>
    %convert_element_type3A_420 = arith.extui %eq3A_419 : vector<512x128xi1> to vector<512x128xi32>
    %convert_element_type3A_421 = arith.sitofp %convert_element_type3A_420 : vector<512x128xi32> to vector<512x128xf32>
    %broadcast_in_dim3A_422 = vector.shape_cast %slice3A_389 : vector<128xf32> to vector<128x1xf32>
    %mul3A_423 = vector.broadcast %broadcast_in_dim3A_422 : vector<128x1xf32> to vector<128x64xf32>
    %mul3A_424 = arith.mulf %get3A_393, %mul3A_423 : vector<128x64xf32>
    %dot_general3A_425 = arith.constant dense<0.000000e+00> : vector<512x64xf32>
    %dot_general3A_426 = tpu.matmul %convert_element_type3A_421, %mul3A_424, %dot_general3A_425 {dimension_numbers = #tpu.dot_dimension_numbers<[1], [0], [0], [1], [0, 0, 1, 1], [], []>, precision = #tpu.contract_precision<fp32>, transpose_lhs_hint = false} : vector<512x128xf32>, vector<128x64xf32>, vector<512x64xf32> -> vector<512x64xf32>
    %add3A_427 = arith.addf %add3A_388, %dot_general3A_426 : vector<512x64xf32>
    %slice3A_428 = vector.extract_strided_slice %get3A_2 {offsets = [1408], sizes = [128], strides = [1]} : vector<2048xf32> to vector<128xf32>
    %slice3A_429 = vector.extract_strided_slice %get3A_6 {offsets = [1408], sizes = [128], strides = [1]} : vector<2048xi32> to vector<128xi32>
    %get3A_430 = arith.constant 1408 : index
    %get3A_431 = arith.constant 0 : index
    %get3A_432 = vector.load %arg2[%get3A_430, %get3A_431] : memref<2048x64xf32, #tpu.memory_space<vmem>>, vector<128x64xf32>
    %broadcast_in_dim3A_433 = vector.shape_cast %get3A_2 : vector<2048xf32> to vector<2048x1xf32>
    %broadcast_in_dim3A_434 = vector.shape_cast %slice3A_428 : vector<128xf32> to vector<1x128xf32>
    %gt3A_435 = vector.broadcast %broadcast_in_dim3A_433 : vector<2048x1xf32> to vector<2048x128xf32>
    %gt3A_436 = vector.broadcast %broadcast_in_dim3A_434 : vector<1x128xf32> to vector<2048x128xf32>
    %gt3A_437 = arith.cmpf ogt, %gt3A_435, %gt3A_436 : vector<2048x128xf32>
    %convert_element_type3A_438 = arith.extui %gt3A_437 : vector<2048x128xi1> to vector<2048x128xi32>
    %convert_element_type3A_439 = arith.sitofp %convert_element_type3A_438 : vector<2048x128xi32> to vector<2048x128xf32>
    %broadcast_in_dim3A_440 = vector.shape_cast %get3A_2 : vector<2048xf32> to vector<2048x1xf32>
    %broadcast_in_dim3A_441 = vector.shape_cast %slice3A_428 : vector<128xf32> to vector<1x128xf32>
    %eq3A_442 = vector.broadcast %broadcast_in_dim3A_440 : vector<2048x1xf32> to vector<2048x128xf32>
    %eq3A_443 = vector.broadcast %broadcast_in_dim3A_441 : vector<1x128xf32> to vector<2048x128xf32>
    %eq3A_444 = arith.cmpf oeq, %eq3A_442, %eq3A_443 : vector<2048x128xf32>
    %broadcast_in_dim3A_445 = vector.shape_cast %get3A_6 : vector<2048xi32> to vector<2048x1xi32>
    %broadcast_in_dim3A_446 = vector.shape_cast %slice3A_429 : vector<128xi32> to vector<1x128xi32>
    %lt3A_447 = vector.broadcast %broadcast_in_dim3A_445 : vector<2048x1xi32> to vector<2048x128xi32>
    %lt3A_448 = vector.broadcast %broadcast_in_dim3A_446 : vector<1x128xi32> to vector<2048x128xi32>
    %lt3A_449 = arith.cmpi slt, %lt3A_447, %lt3A_448 : vector<2048x128xi32>
    %and3A_450 = arith.andi %eq3A_444, %lt3A_449 : vector<2048x128xi1>
    %convert_element_type3A_451 = arith.extui %and3A_450 : vector<2048x128xi1> to vector<2048x128xi32>
    %convert_element_type3A_452 = arith.sitofp %convert_element_type3A_451 : vector<2048x128xi32> to vector<2048x128xf32>
    %add3A_453 = arith.addf %convert_element_type3A_439, %convert_element_type3A_452 : vector<2048x128xf32>
    %reduce_sum3A_454 = arith.constant dense<0.000000e+00> : vector<128xf32>
    %reduce_sum3A_455 = vector.multi_reduction <add>, %add3A_453, %reduce_sum3A_454 [0] : vector<2048x128xf32> to vector<128xf32>
    %broadcast_in_dim3A_456 = vector.shape_cast %reduce_sum3A_455 : vector<128xf32> to vector<1x128xf32>
    %eq3A_457 = vector.broadcast %broadcast_in_dim3A_456 : vector<1x128xf32> to vector<512x128xf32>
    %eq3A_458 = arith.cmpf oeq, %convert_element_type3A, %eq3A_457 : vector<512x128xf32>
    %convert_element_type3A_459 = arith.extui %eq3A_458 : vector<512x128xi1> to vector<512x128xi32>
    %convert_element_type3A_460 = arith.sitofp %convert_element_type3A_459 : vector<512x128xi32> to vector<512x128xf32>
    %broadcast_in_dim3A_461 = vector.shape_cast %slice3A_428 : vector<128xf32> to vector<128x1xf32>
    %mul3A_462 = vector.broadcast %broadcast_in_dim3A_461 : vector<128x1xf32> to vector<128x64xf32>
    %mul3A_463 = arith.mulf %get3A_432, %mul3A_462 : vector<128x64xf32>
    %dot_general3A_464 = arith.constant dense<0.000000e+00> : vector<512x64xf32>
    %dot_general3A_465 = tpu.matmul %convert_element_type3A_460, %mul3A_463, %dot_general3A_464 {dimension_numbers = #tpu.dot_dimension_numbers<[1], [0], [0], [1], [0, 0, 1, 1], [], []>, precision = #tpu.contract_precision<fp32>, transpose_lhs_hint = false} : vector<512x128xf32>, vector<128x64xf32>, vector<512x64xf32> -> vector<512x64xf32>
    %add3A_466 = arith.addf %add3A_427, %dot_general3A_465 : vector<512x64xf32>
    %slice3A_467 = vector.extract_strided_slice %get3A_2 {offsets = [1536], sizes = [128], strides = [1]} : vector<2048xf32> to vector<128xf32>
    %slice3A_468 = vector.extract_strided_slice %get3A_6 {offsets = [1536], sizes = [128], strides = [1]} : vector<2048xi32> to vector<128xi32>
    %get3A_469 = arith.constant 1536 : index
    %get3A_470 = arith.constant 0 : index
    %get3A_471 = vector.load %arg2[%get3A_469, %get3A_470] : memref<2048x64xf32, #tpu.memory_space<vmem>>, vector<128x64xf32>
    %broadcast_in_dim3A_472 = vector.shape_cast %get3A_2 : vector<2048xf32> to vector<2048x1xf32>
    %broadcast_in_dim3A_473 = vector.shape_cast %slice3A_467 : vector<128xf32> to vector<1x128xf32>
    %gt3A_474 = vector.broadcast %broadcast_in_dim3A_472 : vector<2048x1xf32> to vector<2048x128xf32>
    %gt3A_475 = vector.broadcast %broadcast_in_dim3A_473 : vector<1x128xf32> to vector<2048x128xf32>
    %gt3A_476 = arith.cmpf ogt, %gt3A_474, %gt3A_475 : vector<2048x128xf32>
    %convert_element_type3A_477 = arith.extui %gt3A_476 : vector<2048x128xi1> to vector<2048x128xi32>
    %convert_element_type3A_478 = arith.sitofp %convert_element_type3A_477 : vector<2048x128xi32> to vector<2048x128xf32>
    %broadcast_in_dim3A_479 = vector.shape_cast %get3A_2 : vector<2048xf32> to vector<2048x1xf32>
    %broadcast_in_dim3A_480 = vector.shape_cast %slice3A_467 : vector<128xf32> to vector<1x128xf32>
    %eq3A_481 = vector.broadcast %broadcast_in_dim3A_479 : vector<2048x1xf32> to vector<2048x128xf32>
    %eq3A_482 = vector.broadcast %broadcast_in_dim3A_480 : vector<1x128xf32> to vector<2048x128xf32>
    %eq3A_483 = arith.cmpf oeq, %eq3A_481, %eq3A_482 : vector<2048x128xf32>
    %broadcast_in_dim3A_484 = vector.shape_cast %get3A_6 : vector<2048xi32> to vector<2048x1xi32>
    %broadcast_in_dim3A_485 = vector.shape_cast %slice3A_468 : vector<128xi32> to vector<1x128xi32>
    %lt3A_486 = vector.broadcast %broadcast_in_dim3A_484 : vector<2048x1xi32> to vector<2048x128xi32>
    %lt3A_487 = vector.broadcast %broadcast_in_dim3A_485 : vector<1x128xi32> to vector<2048x128xi32>
    %lt3A_488 = arith.cmpi slt, %lt3A_486, %lt3A_487 : vector<2048x128xi32>
    %and3A_489 = arith.andi %eq3A_483, %lt3A_488 : vector<2048x128xi1>
    %convert_element_type3A_490 = arith.extui %and3A_489 : vector<2048x128xi1> to vector<2048x128xi32>
    %convert_element_type3A_491 = arith.sitofp %convert_element_type3A_490 : vector<2048x128xi32> to vector<2048x128xf32>
    %add3A_492 = arith.addf %convert_element_type3A_478, %convert_element_type3A_491 : vector<2048x128xf32>
    %reduce_sum3A_493 = arith.constant dense<0.000000e+00> : vector<128xf32>
    %reduce_sum3A_494 = vector.multi_reduction <add>, %add3A_492, %reduce_sum3A_493 [0] : vector<2048x128xf32> to vector<128xf32>
    %broadcast_in_dim3A_495 = vector.shape_cast %reduce_sum3A_494 : vector<128xf32> to vector<1x128xf32>
    %eq3A_496 = vector.broadcast %broadcast_in_dim3A_495 : vector<1x128xf32> to vector<512x128xf32>
    %eq3A_497 = arith.cmpf oeq, %convert_element_type3A, %eq3A_496 : vector<512x128xf32>
    %convert_element_type3A_498 = arith.extui %eq3A_497 : vector<512x128xi1> to vector<512x128xi32>
    %convert_element_type3A_499 = arith.sitofp %convert_element_type3A_498 : vector<512x128xi32> to vector<512x128xf32>
    %broadcast_in_dim3A_500 = vector.shape_cast %slice3A_467 : vector<128xf32> to vector<128x1xf32>
    %mul3A_501 = vector.broadcast %broadcast_in_dim3A_500 : vector<128x1xf32> to vector<128x64xf32>
    %mul3A_502 = arith.mulf %get3A_471, %mul3A_501 : vector<128x64xf32>
    %dot_general3A_503 = arith.constant dense<0.000000e+00> : vector<512x64xf32>
    %dot_general3A_504 = tpu.matmul %convert_element_type3A_499, %mul3A_502, %dot_general3A_503 {dimension_numbers = #tpu.dot_dimension_numbers<[1], [0], [0], [1], [0, 0, 1, 1], [], []>, precision = #tpu.contract_precision<fp32>, transpose_lhs_hint = false} : vector<512x128xf32>, vector<128x64xf32>, vector<512x64xf32> -> vector<512x64xf32>
    %add3A_505 = arith.addf %add3A_466, %dot_general3A_504 : vector<512x64xf32>
    %slice3A_506 = vector.extract_strided_slice %get3A_2 {offsets = [1664], sizes = [128], strides = [1]} : vector<2048xf32> to vector<128xf32>
    %slice3A_507 = vector.extract_strided_slice %get3A_6 {offsets = [1664], sizes = [128], strides = [1]} : vector<2048xi32> to vector<128xi32>
    %get3A_508 = arith.constant 1664 : index
    %get3A_509 = arith.constant 0 : index
    %get3A_510 = vector.load %arg2[%get3A_508, %get3A_509] : memref<2048x64xf32, #tpu.memory_space<vmem>>, vector<128x64xf32>
    %broadcast_in_dim3A_511 = vector.shape_cast %get3A_2 : vector<2048xf32> to vector<2048x1xf32>
    %broadcast_in_dim3A_512 = vector.shape_cast %slice3A_506 : vector<128xf32> to vector<1x128xf32>
    %gt3A_513 = vector.broadcast %broadcast_in_dim3A_511 : vector<2048x1xf32> to vector<2048x128xf32>
    %gt3A_514 = vector.broadcast %broadcast_in_dim3A_512 : vector<1x128xf32> to vector<2048x128xf32>
    %gt3A_515 = arith.cmpf ogt, %gt3A_513, %gt3A_514 : vector<2048x128xf32>
    %convert_element_type3A_516 = arith.extui %gt3A_515 : vector<2048x128xi1> to vector<2048x128xi32>
    %convert_element_type3A_517 = arith.sitofp %convert_element_type3A_516 : vector<2048x128xi32> to vector<2048x128xf32>
    %broadcast_in_dim3A_518 = vector.shape_cast %get3A_2 : vector<2048xf32> to vector<2048x1xf32>
    %broadcast_in_dim3A_519 = vector.shape_cast %slice3A_506 : vector<128xf32> to vector<1x128xf32>
    %eq3A_520 = vector.broadcast %broadcast_in_dim3A_518 : vector<2048x1xf32> to vector<2048x128xf32>
    %eq3A_521 = vector.broadcast %broadcast_in_dim3A_519 : vector<1x128xf32> to vector<2048x128xf32>
    %eq3A_522 = arith.cmpf oeq, %eq3A_520, %eq3A_521 : vector<2048x128xf32>
    %broadcast_in_dim3A_523 = vector.shape_cast %get3A_6 : vector<2048xi32> to vector<2048x1xi32>
    %broadcast_in_dim3A_524 = vector.shape_cast %slice3A_507 : vector<128xi32> to vector<1x128xi32>
    %lt3A_525 = vector.broadcast %broadcast_in_dim3A_523 : vector<2048x1xi32> to vector<2048x128xi32>
    %lt3A_526 = vector.broadcast %broadcast_in_dim3A_524 : vector<1x128xi32> to vector<2048x128xi32>
    %lt3A_527 = arith.cmpi slt, %lt3A_525, %lt3A_526 : vector<2048x128xi32>
    %and3A_528 = arith.andi %eq3A_522, %lt3A_527 : vector<2048x128xi1>
    %convert_element_type3A_529 = arith.extui %and3A_528 : vector<2048x128xi1> to vector<2048x128xi32>
    %convert_element_type3A_530 = arith.sitofp %convert_element_type3A_529 : vector<2048x128xi32> to vector<2048x128xf32>
    %add3A_531 = arith.addf %convert_element_type3A_517, %convert_element_type3A_530 : vector<2048x128xf32>
    %reduce_sum3A_532 = arith.constant dense<0.000000e+00> : vector<128xf32>
    %reduce_sum3A_533 = vector.multi_reduction <add>, %add3A_531, %reduce_sum3A_532 [0] : vector<2048x128xf32> to vector<128xf32>
    %broadcast_in_dim3A_534 = vector.shape_cast %reduce_sum3A_533 : vector<128xf32> to vector<1x128xf32>
    %eq3A_535 = vector.broadcast %broadcast_in_dim3A_534 : vector<1x128xf32> to vector<512x128xf32>
    %eq3A_536 = arith.cmpf oeq, %convert_element_type3A, %eq3A_535 : vector<512x128xf32>
    %convert_element_type3A_537 = arith.extui %eq3A_536 : vector<512x128xi1> to vector<512x128xi32>
    %convert_element_type3A_538 = arith.sitofp %convert_element_type3A_537 : vector<512x128xi32> to vector<512x128xf32>
    %broadcast_in_dim3A_539 = vector.shape_cast %slice3A_506 : vector<128xf32> to vector<128x1xf32>
    %mul3A_540 = vector.broadcast %broadcast_in_dim3A_539 : vector<128x1xf32> to vector<128x64xf32>
    %mul3A_541 = arith.mulf %get3A_510, %mul3A_540 : vector<128x64xf32>
    %dot_general3A_542 = arith.constant dense<0.000000e+00> : vector<512x64xf32>
    %dot_general3A_543 = tpu.matmul %convert_element_type3A_538, %mul3A_541, %dot_general3A_542 {dimension_numbers = #tpu.dot_dimension_numbers<[1], [0], [0], [1], [0, 0, 1, 1], [], []>, precision = #tpu.contract_precision<fp32>, transpose_lhs_hint = false} : vector<512x128xf32>, vector<128x64xf32>, vector<512x64xf32> -> vector<512x64xf32>
    %add3A_544 = arith.addf %add3A_505, %dot_general3A_543 : vector<512x64xf32>
    %slice3A_545 = vector.extract_strided_slice %get3A_2 {offsets = [1792], sizes = [128], strides = [1]} : vector<2048xf32> to vector<128xf32>
    %slice3A_546 = vector.extract_strided_slice %get3A_6 {offsets = [1792], sizes = [128], strides = [1]} : vector<2048xi32> to vector<128xi32>
    %get3A_547 = arith.constant 1792 : index
    %get3A_548 = arith.constant 0 : index
    %get3A_549 = vector.load %arg2[%get3A_547, %get3A_548] : memref<2048x64xf32, #tpu.memory_space<vmem>>, vector<128x64xf32>
    %broadcast_in_dim3A_550 = vector.shape_cast %get3A_2 : vector<2048xf32> to vector<2048x1xf32>
    %broadcast_in_dim3A_551 = vector.shape_cast %slice3A_545 : vector<128xf32> to vector<1x128xf32>
    %gt3A_552 = vector.broadcast %broadcast_in_dim3A_550 : vector<2048x1xf32> to vector<2048x128xf32>
    %gt3A_553 = vector.broadcast %broadcast_in_dim3A_551 : vector<1x128xf32> to vector<2048x128xf32>
    %gt3A_554 = arith.cmpf ogt, %gt3A_552, %gt3A_553 : vector<2048x128xf32>
    %convert_element_type3A_555 = arith.extui %gt3A_554 : vector<2048x128xi1> to vector<2048x128xi32>
    %convert_element_type3A_556 = arith.sitofp %convert_element_type3A_555 : vector<2048x128xi32> to vector<2048x128xf32>
    %broadcast_in_dim3A_557 = vector.shape_cast %get3A_2 : vector<2048xf32> to vector<2048x1xf32>
    %broadcast_in_dim3A_558 = vector.shape_cast %slice3A_545 : vector<128xf32> to vector<1x128xf32>
    %eq3A_559 = vector.broadcast %broadcast_in_dim3A_557 : vector<2048x1xf32> to vector<2048x128xf32>
    %eq3A_560 = vector.broadcast %broadcast_in_dim3A_558 : vector<1x128xf32> to vector<2048x128xf32>
    %eq3A_561 = arith.cmpf oeq, %eq3A_559, %eq3A_560 : vector<2048x128xf32>
    %broadcast_in_dim3A_562 = vector.shape_cast %get3A_6 : vector<2048xi32> to vector<2048x1xi32>
    %broadcast_in_dim3A_563 = vector.shape_cast %slice3A_546 : vector<128xi32> to vector<1x128xi32>
    %lt3A_564 = vector.broadcast %broadcast_in_dim3A_562 : vector<2048x1xi32> to vector<2048x128xi32>
    %lt3A_565 = vector.broadcast %broadcast_in_dim3A_563 : vector<1x128xi32> to vector<2048x128xi32>
    %lt3A_566 = arith.cmpi slt, %lt3A_564, %lt3A_565 : vector<2048x128xi32>
    %and3A_567 = arith.andi %eq3A_561, %lt3A_566 : vector<2048x128xi1>
    %convert_element_type3A_568 = arith.extui %and3A_567 : vector<2048x128xi1> to vector<2048x128xi32>
    %convert_element_type3A_569 = arith.sitofp %convert_element_type3A_568 : vector<2048x128xi32> to vector<2048x128xf32>
    %add3A_570 = arith.addf %convert_element_type3A_556, %convert_element_type3A_569 : vector<2048x128xf32>
    %reduce_sum3A_571 = arith.constant dense<0.000000e+00> : vector<128xf32>
    %reduce_sum3A_572 = vector.multi_reduction <add>, %add3A_570, %reduce_sum3A_571 [0] : vector<2048x128xf32> to vector<128xf32>
    %broadcast_in_dim3A_573 = vector.shape_cast %reduce_sum3A_572 : vector<128xf32> to vector<1x128xf32>
    %eq3A_574 = vector.broadcast %broadcast_in_dim3A_573 : vector<1x128xf32> to vector<512x128xf32>
    %eq3A_575 = arith.cmpf oeq, %convert_element_type3A, %eq3A_574 : vector<512x128xf32>
    %convert_element_type3A_576 = arith.extui %eq3A_575 : vector<512x128xi1> to vector<512x128xi32>
    %convert_element_type3A_577 = arith.sitofp %convert_element_type3A_576 : vector<512x128xi32> to vector<512x128xf32>
    %broadcast_in_dim3A_578 = vector.shape_cast %slice3A_545 : vector<128xf32> to vector<128x1xf32>
    %mul3A_579 = vector.broadcast %broadcast_in_dim3A_578 : vector<128x1xf32> to vector<128x64xf32>
    %mul3A_580 = arith.mulf %get3A_549, %mul3A_579 : vector<128x64xf32>
    %dot_general3A_581 = arith.constant dense<0.000000e+00> : vector<512x64xf32>
    %dot_general3A_582 = tpu.matmul %convert_element_type3A_577, %mul3A_580, %dot_general3A_581 {dimension_numbers = #tpu.dot_dimension_numbers<[1], [0], [0], [1], [0, 0, 1, 1], [], []>, precision = #tpu.contract_precision<fp32>, transpose_lhs_hint = false} : vector<512x128xf32>, vector<128x64xf32>, vector<512x64xf32> -> vector<512x64xf32>
    %add3A_583 = arith.addf %add3A_544, %dot_general3A_582 : vector<512x64xf32>
    %slice3A_584 = vector.extract_strided_slice %get3A_2 {offsets = [1920], sizes = [128], strides = [1]} : vector<2048xf32> to vector<128xf32>
    %slice3A_585 = vector.extract_strided_slice %get3A_6 {offsets = [1920], sizes = [128], strides = [1]} : vector<2048xi32> to vector<128xi32>
    %get3A_586 = arith.constant 1920 : index
    %get3A_587 = arith.constant 0 : index
    %get3A_588 = vector.load %arg2[%get3A_586, %get3A_587] : memref<2048x64xf32, #tpu.memory_space<vmem>>, vector<128x64xf32>
    %broadcast_in_dim3A_589 = vector.shape_cast %get3A_2 : vector<2048xf32> to vector<2048x1xf32>
    %broadcast_in_dim3A_590 = vector.shape_cast %slice3A_584 : vector<128xf32> to vector<1x128xf32>
    %gt3A_591 = vector.broadcast %broadcast_in_dim3A_589 : vector<2048x1xf32> to vector<2048x128xf32>
    %gt3A_592 = vector.broadcast %broadcast_in_dim3A_590 : vector<1x128xf32> to vector<2048x128xf32>
    %gt3A_593 = arith.cmpf ogt, %gt3A_591, %gt3A_592 : vector<2048x128xf32>
    %convert_element_type3A_594 = arith.extui %gt3A_593 : vector<2048x128xi1> to vector<2048x128xi32>
    %convert_element_type3A_595 = arith.sitofp %convert_element_type3A_594 : vector<2048x128xi32> to vector<2048x128xf32>
    %broadcast_in_dim3A_596 = vector.shape_cast %get3A_2 : vector<2048xf32> to vector<2048x1xf32>
    %broadcast_in_dim3A_597 = vector.shape_cast %slice3A_584 : vector<128xf32> to vector<1x128xf32>
    %eq3A_598 = vector.broadcast %broadcast_in_dim3A_596 : vector<2048x1xf32> to vector<2048x128xf32>
    %eq3A_599 = vector.broadcast %broadcast_in_dim3A_597 : vector<1x128xf32> to vector<2048x128xf32>
    %eq3A_600 = arith.cmpf oeq, %eq3A_598, %eq3A_599 : vector<2048x128xf32>
    %broadcast_in_dim3A_601 = vector.shape_cast %get3A_6 : vector<2048xi32> to vector<2048x1xi32>
    %broadcast_in_dim3A_602 = vector.shape_cast %slice3A_585 : vector<128xi32> to vector<1x128xi32>
    %lt3A_603 = vector.broadcast %broadcast_in_dim3A_601 : vector<2048x1xi32> to vector<2048x128xi32>
    %lt3A_604 = vector.broadcast %broadcast_in_dim3A_602 : vector<1x128xi32> to vector<2048x128xi32>
    %lt3A_605 = arith.cmpi slt, %lt3A_603, %lt3A_604 : vector<2048x128xi32>
    %and3A_606 = arith.andi %eq3A_600, %lt3A_605 : vector<2048x128xi1>
    %convert_element_type3A_607 = arith.extui %and3A_606 : vector<2048x128xi1> to vector<2048x128xi32>
    %convert_element_type3A_608 = arith.sitofp %convert_element_type3A_607 : vector<2048x128xi32> to vector<2048x128xf32>
    %add3A_609 = arith.addf %convert_element_type3A_595, %convert_element_type3A_608 : vector<2048x128xf32>
    %reduce_sum3A_610 = arith.constant dense<0.000000e+00> : vector<128xf32>
    %reduce_sum3A_611 = vector.multi_reduction <add>, %add3A_609, %reduce_sum3A_610 [0] : vector<2048x128xf32> to vector<128xf32>
    %broadcast_in_dim3A_612 = vector.shape_cast %reduce_sum3A_611 : vector<128xf32> to vector<1x128xf32>
    %eq3A_613 = vector.broadcast %broadcast_in_dim3A_612 : vector<1x128xf32> to vector<512x128xf32>
    %eq3A_614 = arith.cmpf oeq, %convert_element_type3A, %eq3A_613 : vector<512x128xf32>
    %convert_element_type3A_615 = arith.extui %eq3A_614 : vector<512x128xi1> to vector<512x128xi32>
    %convert_element_type3A_616 = arith.sitofp %convert_element_type3A_615 : vector<512x128xi32> to vector<512x128xf32>
    %broadcast_in_dim3A_617 = vector.shape_cast %slice3A_584 : vector<128xf32> to vector<128x1xf32>
    %mul3A_618 = vector.broadcast %broadcast_in_dim3A_617 : vector<128x1xf32> to vector<128x64xf32>
    %mul3A_619 = arith.mulf %get3A_588, %mul3A_618 : vector<128x64xf32>
    %dot_general3A_620 = arith.constant dense<0.000000e+00> : vector<512x64xf32>
    %dot_general3A_621 = tpu.matmul %convert_element_type3A_616, %mul3A_619, %dot_general3A_620 {dimension_numbers = #tpu.dot_dimension_numbers<[1], [0], [0], [1], [0, 0, 1, 1], [], []>, precision = #tpu.contract_precision<fp32>, transpose_lhs_hint = false} : vector<512x128xf32>, vector<128x64xf32>, vector<512x64xf32> -> vector<512x64xf32>
    %add3A_622 = arith.addf %add3A_583, %dot_general3A_621 : vector<512x64xf32>
    %swap3A = arith.constant 0 : index
    %swap3A_623 = arith.constant 0 : index
    %swap3A_624 = vector.load %arg3[%swap3A, %swap3A_623] : memref<512x64xf32, #tpu.memory_space<vmem>>, vector<512x64xf32>
    tpu.vector_store %arg3[%swap3A, %swap3A_623], %add3A_622 {strides = array<i32>} : memref<512x64xf32, #tpu.memory_space<vmem>>, vector<512x64xf32>,
    return
  }
}

module attributes {stable_mosaic.version = 14 : i64} {
  func.func @_tc_f1_body(%arg0: i32, %arg1: i32, %arg2: memref<1x2048xf32, #tpu.memory_space<vmem>>, %arg3: memref<2048x512xf32, #tpu.memory_space<vmem>>, %arg4: memref<1x512xf32, #tpu.memory_space<vmem>>, %arg5: memref<1x512xf32, #tpu.memory_space<vmem>>) attributes {dimension_semantics = [#tpu.dimension_semantics<arbitrary>, #tpu.dimension_semantics<arbitrary>], iteration_bounds = array<i64: 8, 16>, scalar_prefetch = 0 : i64, scratch_operands = 0 : i64, tpu.core_type = #tpu.core_type<tc>, window_params = [{transform_indices = @transform_0, window_bounds = array<i64: 1, 2048>}, {transform_indices = @transform_1, window_bounds = array<i64: 2048, 512>}, {transform_indices = @transform_2, window_bounds = array<i64: 1, 512>}, {transform_indices = @transform_3, window_bounds = array<i64: 1, 512>}]} {
    %get3A = arith.constant 0 : index
    %get3A_0 = arith.constant 0 : index
    %get3A_1 = vector.load %arg2[%get3A, %get3A_0] : memref<1x2048xf32, #tpu.memory_space<vmem>>, vector<1x2048xf32>
    %get3A_2 = arith.constant 0 : index
    %get3A_3 = arith.constant 0 : index
    %get3A_4 = vector.load %arg3[%get3A_2, %get3A_3] : memref<2048x512xf32, #tpu.memory_space<vmem>>, vector<2048x512xf32>
    %dot_general3A = arith.constant dense<0.000000e+00> : vector<1x512xf32>
    %dot_general3A_5 = tpu.matmul %get3A_1, %get3A_4, %dot_general3A {dimension_numbers = #tpu.dot_dimension_numbers<[1], [0], [0], [1], [0, 0, 1, 1], [], []>, transpose_lhs_hint = false} : vector<1x2048xf32>, vector<2048x512xf32>, vector<1x512xf32> -> vector<1x512xf32>
    %eq3A = arith.constant 0 : i32
    %eq3A_6 = arith.cmpi eq, %arg1, %eq3A : i32
    %convert_element_type3A = arith.extui %eq3A_6 : i1 to i32
    %cond3A = arith.constant 0 : i32
    %cond3A_7 = arith.cmpi ne, %convert_element_type3A, %cond3A : i32
    scf.if %cond3A_7 {
      %swap3A = arith.constant 0 : index
      %swap3A_17 = arith.constant 0 : index
      %swap3A_18 = vector.load %arg5[%swap3A, %swap3A_17] : memref<1x512xf32, #tpu.memory_space<vmem>>, vector<1x512xf32>
      tpu.vector_store %arg5[%swap3A, %swap3A_17], %dot_general3A_5 {strides = array<i32>} : memref<1x512xf32, #tpu.memory_space<vmem>>, vector<1x512xf32>,
    } else {
    }
    %gt3A = arith.constant 0 : i32
    %gt3A_8 = arith.cmpi sgt, %arg1, %gt3A : i32
    %convert_element_type3A_9 = arith.extui %gt3A_8 : i1 to i32
    %cond3A_10 = arith.constant 0 : i32
    %cond3A_11 = arith.cmpi ne, %convert_element_type3A_9, %cond3A_10 : i32
    scf.if %cond3A_11 {
      %get3A_17 = arith.constant 0 : index
      %get3A_18 = arith.constant 0 : index
      %get3A_19 = vector.load %arg5[%get3A_17, %get3A_18] : memref<1x512xf32, #tpu.memory_space<vmem>>, vector<1x512xf32>
      %add3A = arith.addf %get3A_19, %dot_general3A_5 : vector<1x512xf32>
      %swap3A = arith.constant 0 : index
      %swap3A_20 = arith.constant 0 : index
      %swap3A_21 = vector.load %arg5[%swap3A, %swap3A_20] : memref<1x512xf32, #tpu.memory_space<vmem>>, vector<1x512xf32>
      tpu.vector_store %arg5[%swap3A, %swap3A_20], %add3A {strides = array<i32>} : memref<1x512xf32, #tpu.memory_space<vmem>>, vector<1x512xf32>,
    } else {
    }
    %eq3A_12 = arith.constant 15 : i32
    %eq3A_13 = arith.cmpi eq, %arg1, %eq3A_12 : i32
    %convert_element_type3A_14 = arith.extui %eq3A_13 : i1 to i32
    %cond3A_15 = arith.constant 0 : i32
    %cond3A_16 = arith.cmpi ne, %convert_element_type3A_14, %cond3A_15 : i32
    scf.if %cond3A_16 {
      %get3A_17 = arith.constant 0 : index
      %get3A_18 = arith.constant 0 : index
      %get3A_19 = vector.load %arg5[%get3A_17, %get3A_18] : memref<1x512xf32, #tpu.memory_space<vmem>>, vector<1x512xf32>
      %get3A_20 = arith.constant 0 : index
      %get3A_21 = arith.constant 0 : index
      %get3A_22 = vector.load %arg4[%get3A_20, %get3A_21] : memref<1x512xf32, #tpu.memory_space<vmem>>, vector<1x512xf32>
      %add3A = arith.addf %get3A_19, %get3A_22 : vector<1x512xf32>
      %ge3A = arith.constant 0.000000e+00 : f32
      %ge3A_23 = vector.broadcast %ge3A : f32 to vector<1x512xf32>
      %ge3A_24 = arith.cmpf oge, %add3A, %ge3A_23 : vector<1x512xf32>
      %mul3A = arith.constant 0.00999999977 : f32
      %mul3A_25 = vector.broadcast %mul3A : f32 to vector<1x512xf32>
      %mul3A_26 = arith.mulf %mul3A_25, %add3A : vector<1x512xf32>
      %select_n3A = arith.select %ge3A_24, %add3A, %mul3A_26 : vector<1x512xi1>, vector<1x512xf32>
      %swap3A = arith.constant 0 : index
      %swap3A_27 = arith.constant 0 : index
      %swap3A_28 = vector.load %arg5[%swap3A, %swap3A_27] : memref<1x512xf32, #tpu.memory_space<vmem>>, vector<1x512xf32>
      tpu.vector_store %arg5[%swap3A, %swap3A_27], %select_n3A {strides = array<i32>} : memref<1x512xf32, #tpu.memory_space<vmem>>, vector<1x512xf32>,
    } else {
    }
    return
  }
  func.func @transform_0(%arg0: i32, %arg1: i32) -> (i32, i32) {
    %c0_i32 = arith.constant 0 : i32
    %c0_i32_0 = arith.constant 0 : i32
    return %c0_i32, %arg1 : i32, i32
  }
  func.func @transform_1(%arg0: i32, %arg1: i32) -> (i32, i32) {
    %c0_i32 = arith.constant 0 : i32
    return %arg1, %arg0 : i32, i32
  }
  func.func @transform_2(%arg0: i32, %arg1: i32) -> (i32, i32) {
    %c0_i32 = arith.constant 0 : i32
    %c0_i32_0 = arith.constant 0 : i32
    return %c0_i32, %arg0 : i32, i32
  }
  func.func @transform_3(%arg0: i32, %arg1: i32) -> (i32, i32) {
    %c0_i32 = arith.constant 0 : i32
    %c0_i32_0 = arith.constant 0 : i32
    return %c0_i32, %arg0 : i32, i32
  }
}

module attributes {stable_mosaic.version = 14 : i64} {
  func.func @_tc_f2_body(%arg0: memref<1x4096xf32, #tpu.memory_space<vmem>>, %arg1: memref<4096x512xf32, #tpu.memory_space<vmem>>, %arg2: memref<1x512xf32, #tpu.memory_space<vmem>>, %arg3: memref<1x512xf32, #tpu.memory_space<vmem>>) attributes {dimension_semantics = [], scalar_prefetch = 0 : i64, scratch_operands = 0 : i64, tpu.core_type = #tpu.core_type<tc>} {
    %get3A = arith.constant 0 : index
    %get3A_0 = arith.constant 0 : index
    %get3A_1 = vector.load %arg0[%get3A, %get3A_0] : memref<1x4096xf32, #tpu.memory_space<vmem>>, vector<1x4096xf32>
    %get3A_2 = arith.constant 0 : index
    %get3A_3 = arith.constant 0 : index
    %get3A_4 = vector.load %arg1[%get3A_2, %get3A_3] : memref<4096x512xf32, #tpu.memory_space<vmem>>, vector<4096x512xf32>
    %dot_general3A = arith.constant dense<0.000000e+00> : vector<1x512xf32>
    %dot_general3A_5 = tpu.matmul %get3A_1, %get3A_4, %dot_general3A {dimension_numbers = #tpu.dot_dimension_numbers<[1], [0], [0], [1], [0, 0, 1, 1], [], []>, transpose_lhs_hint = false} : vector<1x4096xf32>, vector<4096x512xf32>, vector<1x512xf32> -> vector<1x512xf32>
    %get3A_6 = arith.constant 0 : index
    %get3A_7 = arith.constant 0 : index
    %get3A_8 = vector.load %arg2[%get3A_6, %get3A_7] : memref<1x512xf32, #tpu.memory_space<vmem>>, vector<1x512xf32>
    %add3A = arith.addf %dot_general3A_5, %get3A_8 : vector<1x512xf32>
    %swap3A = arith.constant 0 : index
    %swap3A_9 = arith.constant 0 : index
    %swap3A_10 = vector.load %arg3[%swap3A, %swap3A_9] : memref<1x512xf32, #tpu.memory_space<vmem>>, vector<1x512xf32>
    tpu.vector_store %arg3[%swap3A, %swap3A_9], %add3A {strides = array<i32>} : memref<1x512xf32, #tpu.memory_space<vmem>>, vector<1x512xf32>,
    return
  }
}

</mosaic_0001>

<sc_bundles>
// kernel: kernel.12.cloned.1.call-start
scs
__scs_entry_jumppad:
0x0: {  	(pc) =	sbr.rel $0x88, $3  }
0x1: {  	(tag) =	ssettag $0x0;
	lr =	simm.s32 $0x1  }
0x2: {  	[smem:$0x3F86] =	sst lr;
	_ =	strace $0xD0000000  }
0x3: {  	_ = 	snop  }
0x4: {  	_ = 	snop  }
0x5: {  	_ = 	snop  }
0x6: {  	_ = 	snop  }
0x7: {  	_ = 	snop  }
__scs_overlays_trampoline_lowered:
0x8: {  	[smem:$0x3F95] =	sst s0  }
0x9: {  	[smem:$0x3F96] =	sst s1  }
0xa: {  	[smem:$0x3F97] =	sst s2  }
0xb: {  	[smem:$0x3F98] =	sst s3  }
0xc: {  	[smem:$0x3F99] =	sst s4  }
0xd: {  	[smem:$0x3F9A] =	sst s5  }
0xe: {  	[smem:$0x3F9B] =	sst s6  }
0xf: {  	[smem:$0x3F9C] =	sst s7  }
0x10: {  	[smem:$0x3F9D] =	sst s8  }
0x11: {  	[smem:$0x3F9E] =	sst s9;
	s0 =	simm.s32 @!p0 $0x0  }
0x12: {  	s1 =	sld [smem:$0x3F84];
	s0 =	simm.s32 @p0 $0x1  }
0x13: {  	[smem:$0x3F9F] =	sst s0;
	s0 =	simm.s32 @!p1 $0x0  }
0x14: {  	s2 =	sld [smem:$0x3F83];
	s0 =	simm.s32 @p1 $0x1  }
0x15: {  	[smem:$0x3FA0] =	sst s0;
	s0 =	simm.s32 @!p2 $0x0  }
0x16: {  	s3 =	sld [smem:$0x3FDB];
	s0 =	simm.s32 @p2 $0x1  }
0x17: {  	s4 =	simm.s32 $0x1BF5;
	[smem:$0x3FA2] =	sst s0  }
0x18: {  	s0 =	sld [smem:$0x3F85];
	_ =	swait.ge [sflag:s4], $0x0  }
0x19: {  	s7 =	sld [smem:$0x3F86]  }
0x1a: {  	s8 =	sadd.s32 $0xFFFFE003, lr  }
0x1b: {  	s9 =	sadd.s32 $0xFFFFFEF7, lr;
	s5 =	simm.s32 $0xFFFFFFFF;
	p2 =	slt.u32 s8, $0xFFFFF086  }
0x1c: {  	p1 =	slt.u32 s9, $0xF7A;
	s5 =	simm.s32 @!p2 $0x0  }
0x1d: {  	s5 =	simm.s32 @p1 $0x1;
	p0 =	seq.s32 s7, s2  }
0x1e: {  	s7 =	smul.u32 @!p0 $0xF7A, s2;
	p2 =	seq.s32 @!p0 s5, $0x0  }
0x1f: {  	s9 =	smul.u32 $0xF7A, s1;
	s8 =	simm.s32 @!p0 $0x1BF5;
	p2 =	por !p2, p0  }
0x20: {  	[sflag:s8] =	ssyncset.s32 @!p0 $0xFFFFF086;
	s6 =	sadd.s32 @!p0 s3, s7;
	s7 =	simm.s32 @!p0 $0x108  }
0x21: {  	s3 =	sadd.s32 s3, s9;
	s6 =	sadd.s32 @!p0 $0x88, s6;
	s7 =	simm.s32 @p2 $0x1082  }
0x22: {  	[simem:s7], [sflag:s8] =	dma.local @!p0 [hbm:s6], $0xF7A  }
0x23: {  	s9 =	sor.u32 $0xD0000000, s2;
	s6 =	simm.s32 $0x108;
	_ =	swait.ge @!p0 [sflag:s8], $0x0  }
0x24: {  	s3 =	sadd.s32 $0x88, s3;
	s6 =	simm.s32 @!p1 $0x1082;
	[sflag:s4] =	ssyncset.s32 $0xFFFFF086  }
0x25: {  	[simem:s6], [sflag:s4] =	dma.local [hbm:s3], $0xF7A  }
0x26: {  	[smem:$0x3F86] =	sst s1;
	(tag) =	ssettag s2;
	_ =	strace s9  }
0x27: {  	s1 =	sld [smem:$0x3F96]  }
0x28: {  	s2 =	sld [smem:$0x3F97]  }
0x29: {  	s4 =	sld [smem:$0x3F99]  }
0x2a: {  	p0 =	seq.s32 s5, $0x0;
	s5 =	sld [smem:$0x3F9A]  }
0x2b: {  	s6 =	sld [smem:$0x3F9B]  }
0x2c: {  	s7 =	sld [smem:$0x3F9C]  }
0x2d: {  	s3 =	simm.s32 $0x108;
	s8 =	sld [smem:$0x3F9D]  }
0x2e: {  	s3 =	simm.s32 @!p0 $0x1082;
	s9 =	sld [smem:$0x3F9E]  }
0x2f: {  	lr =	sadd.s32 s0, s3;
	s0 =	sld [smem:$0x3F95]  }
0x30: {  	s3 =	sld [smem:$0x3F98]  }
0x31: {  	[smem:$0x3FA1] =	sst s10  }
0x32: {  	s10 =	sld [smem:$0x3F9F];
	_ =	sdelay $0x3  }
0x33: {  	p0 =	seq.s32 s10, $0x1;
	s10 =	sld [smem:$0x3FA1];
	_ =	sdelay $0x3  }
0x34: {  	[smem:$0x3FA1] =	sst s10  }
0x35: {  	s10 =	sld [smem:$0x3FA0];
	_ =	sdelay $0x3  }
0x36: {  	p1 =	seq.s32 s10, $0x1;
	s10 =	sld [smem:$0x3FA1];
	_ =	sdelay $0x3  }
0x37: {  	[smem:$0x3FA1] =	sst s10  }
0x38: {  	s10 =	sld [smem:$0x3FA2]  }
0x39: {  	_ = 	snop;
	(pc) =	sbr.ind lr, $3  }
0x3a: {  	_ = 	snop  }
0x3b: {  	_ = 	snop  }
0x3c: {  	p2 =	seq.s32 s10, $0x1;
	s10 =	sld [smem:$0x3FA1]  }
0x3d: {  	_ =	shalt  }
0x3e: {  	_ =	shalt  }
0x3f: {  	_ =	shalt  }
0x40: {  	_ =	shalt  }
0x41: {  	_ =	shalt  }
0x42: {  	_ =	shalt  }
0x43: {  	_ =	shalt  }
0x44: {  	_ =	shalt  }
0x45: {  	_ =	shalt  }
0x46: {  	_ =	shalt  }
0x47: {  	_ =	shalt  }
0x48: {  	_ =	shalt  }
0x49: {  	_ =	shalt  }
0x4a: {  	_ =	shalt  }
0x4b: {  	_ =	shalt  }
0x4c: {  	_ =	shalt  }
0x4d: {  	_ =	shalt  }
0x4e: {  	_ =	shalt  }
0x4f: {  	_ =	shalt  }
0x50: {  	_ =	shalt  }
0x51: {  	_ =	shalt  }
0x52: {  	_ =	shalt  }
0x53: {  	_ =	shalt  }
0x54: {  	_ =	shalt  }
0x55: {  	_ =	shalt  }
0x56: {  	_ =	shalt  }
0x57: {  	_ =	shalt  }
0x58: {  	_ =	shalt  }
0x59: {  	_ =	shalt  }
0x5a: {  	_ =	shalt  }
0x5b: {  	_ =	shalt  }
0x5c: {  	_ =	shalt  }
0x5d: {  	_ =	shalt  }
0x5e: {  	_ =	shalt  }
0x5f: {  	_ =	shalt  }
0x60: {  	_ =	shalt  }
0x61: {  	_ =	shalt  }
0x62: {  	_ =	shalt  }
0x63: {  	_ =	shalt  }
0x64: {  	_ =	shalt  }
0x65: {  	_ =	shalt  }
0x66: {  	_ =	shalt  }
0x67: {  	_ =	shalt  }
0x68: {  	_ =	shalt  }
0x69: {  	_ =	shalt  }
0x6a: {  	_ =	shalt  }
0x6b: {  	_ =	shalt  }
0x6c: {  	_ =	shalt  }
0x6d: {  	_ =	shalt  }
0x6e: {  	_ =	shalt  }
0x6f: {  	_ =	shalt  }
0x70: {  	_ =	shalt  }
0x71: {  	_ =	shalt  }
0x72: {  	_ =	shalt  }
0x73: {  	_ =	shalt  }
0x74: {  	_ =	shalt  }
0x75: {  	_ =	shalt  }
0x76: {  	_ =	shalt  }
0x77: {  	_ =	shalt  }
0x78: {  	_ =	shalt  }
0x79: {  	_ =	shalt  }
0x7a: {  	_ =	shalt  }
0x7b: {  	_ =	shalt  }
0x7c: {  	_ =	shalt  }
0x7d: {  	_ =	shalt  }
0x7e: {  	_ =	shalt  }
0x7f: {  	_ =	shalt  }
0x80: {  	_ =	shalt  }
0x81: {  	_ =	shalt  }
0x82: {  	_ =	shalt  }
0x83: {  	_ =	shalt  }
0x84: {  	_ =	shalt  }
0x85: {  	_ =	shalt  }
0x86: {  	_ =	shalt  }
0x87: {  	_ =	shalt  }
.Lfunc_end0:
.L_simem_size_0:
called_computation_lowered:
.L_overlay_start_0:
0x88: {  	s2 =	sld [smem:$0x3FD9]  }
0x89: {  	s3 =	sld [smem:$0x3FFE];
	_ =	sdelay $0x1  }
0x8a: {  	s1 =	srdreg.scid  }
0x8b: {  	s0 =	sand.u32 $0x1, s1  }
0x8c: {  	s16 =	sshll.u32 s0, $0xA;
	s2 =	sadd.s32 s3, s2  }
0x8d: {  	s2 =	sadd.s32 s2, s16  }
0x8e: {  	[smem:$0x3FAD] =	sst s2  }
0x8f: {  	_ = 	snop  }
0x90: {  	(tm) =	ssettm $0x1  }
0x91: {  	s17 =	sld [smem:$0x3FFB];
	_ =	sdelay $0x3  }
0x92: {  	_ =	strace s17  }
0x93: {  	s2 =	sld [smem:$0x3FFC];
	_ =	sdelay $0x3  }
0x94: {  	_ =	strace s2  }
0x95: {  	s2 =	sld [smem:$0x3FFD];
	_ =	sdelay $0x3  }
0x96: {  	_ =	strace s2  }
0x97: {  	_ =	strace $0x8FFFFFFF  }
0x98: {  	s18 =	sld [smem:$0x3FDB];
	_ =	sdelay $0x1  }
0x99: {  	s19 =	simm.s32 $_scs_section_size  }
0x9a: {  	s4 =	simm.s32 $_size__tile_overlayer_lowered;
	s5 =	simm.s32 $_tile_overlayer_lowered  }
0x9b: {  	s22 =	simm.s32 $0x1BFF;
	s21 =	sshll.u32 s5, $0x1;
	s2 =	sadd.s32 s19, s18  }
0x9c: {  	s6 =	simm.s32 $0x0;
	s20 =	sshll.u32 s4, $0x1;
	s4 =	sadd.s32 s21, s2  }
0x9d: {  	[timem:s6], [sflag:s22] =	dma.local [hbm:s4], s20  }
0x9e: {  	_ =	swait.ge [sflag:s22], s20  }
0x9f: {  	s3 =	ssub.s32 $0x0, s20;
	[sflag:s22] =	ssyncset.done $0x0  }
0xa0: {  	[sflag:s22] =	ssyncadd.s32 s3;
	_ =	sdelay $0x1  }
0xa1: {  	s23 =	simm.s32 $0x1B8B  }
0xa2: {  	_ =	swait.ge [sflag:s23], $0x1  }
0xa3: {  	[sflag:s23] =	ssyncset.done $0x0  }
0xa4: {  	s25 =	simm.s32 $0x1B8E;
	s24 =	sld [smem:$0x3FFE];
	[sflag:s23] =	ssyncadd.s32 $0xFFFFFFFF  }
0xa5: {  	s26 =	simm.s32 $execute0_lowered;
	[smem:$0x3FD2] =	sst s25  }
0xa6: {  	s4 =	sshll.u32 s26, $0x1;
	_ =	strace $0x80000046;
	[dreg:$0x1] =	wrdreg $0xFFFFFFFF  }
0xa7: {  	s28 =	simm.s32 $_size_execute0_lowered;
	s2 =	sadd.s32 s2, s4;
	[dreg:$0x0] =	wrdreg $0x0  }
0xa8: {  	s4 =	sshll.u32 s28, $0x1;
	[dreg:$0x2] =	wrdreg s2  }
0xa9: {  	[dreg:$0x3] =	wrdreg s4  }
0xaa: {  	[dreg:$0x4] =	wrdreg $0xC0  }
0xab: {  	_ =	task [dreg:s6], $0x5FFFF  }
0xac: {  	[dreg:$0x1] =	wrdreg $0xFFFFFFFF  }
0xad: {  	[dreg:$0x0] =	wrdreg $0x60  }
0xae: {  	[dreg:$0x2] =	wrdreg s24  }
0xaf: {  	[dreg:$0x3] =	wrdreg $0x22000  }
0xb0: {  	[dreg:$0x4] =	wrdreg $0x9  }
0xb1: {  	_ =	task.clear_ibuf [dreg:s6], $0x5FFFF;
	_ =	strace $0x90000046  }
0xb2: {  	s29 =	simm.s32 $0x9;
	_ =	strace $0x80000048  }
0xb3: {  	_ =	swait.ge [sflag:s29], $0x1  }
0xb4: {  	[sflag:s29] =	ssyncadd.s32 $0xFFFFFFFF  }
0xb5: {  	_ =	strace $0x90000048  }
0xb6: {  	_ =	sfence  }
0xb7: {  	s30 =	sld [smem:$0x0];
	_ =	sdelay $0x2  }
0xb8: {  	s31 =	sshll.u32 s1, $0xD;
	s1 =	sshrl.u32 s1, $0x2  }
0xb9: {  	s3 =	sand.u32 $0x4000, s31;
	s1 =	sadd.s32 s1, s30  }
0xba: {  	s0 =	sor.u32 s3, s0;
	s1 =	sshll.u32 s1, $0x11  }
0xbb: {  	s0 =	sor.u32 s1, s0  }
0xbc: {  	s0 =	sadd.s32 $0x8F2B, s0  }
0xbd: {  	[sflag:s0] =	ssyncadd.remote.s32 $0x1  }
0xbe: {  	_ =	sfence.sel $0xFFFF  }
0xbf: {  	[dreg:$0x0] =	wrdreg $0xFFFFFFFF;
	(pc) =	sbr.abs _section_cstart, $3  }
0xc0: {  	[dreg:$0x1] =	wrdreg $0xFFFFFFFF  }
0xc1: {  	_ =	task.clear_ibuf [dreg:s6], $0x2FFFF;
	_ =	strace $0x9FFFFFFF  }
0xc2: {  	(tm) =	ssettm $0x7FFFFFFF  }
0xc3: {  	_ =	shalt  }
tec
execute0_lowered:
.L_overlay_start_1:
0x0: {  	(tag) =	ssettag $0x1  }
0x1: {  	s5 =	rddreg [dreg:$0x0]  }
0x2: {  	s2 =	rddreg [dreg:$0x1]  }
0x3: {  	s0 =	rddreg [dreg:$0x2];
	s3 =	simm.s32 $0x0  }
0x4: {  	s1 =	stileid.u32;
	s6 =	srdreg.scid;
	s14 =	simm.s32 $0x80  }
0x5: {  	s15 =	simm.s32 $0x100;
	s16 =	simm.s32 $0x1;
	s18 =	simm.s32 $0x0  }
0x6: {  	[smem:$0x7FF] =	sst s3;
	s7 =	smul.u32 $0x18700, s1;
	s4 =	sadd.s32 $0x35000, s5  }
0x7: {  	s11 =	sadd.s32 $0x1C800, s5;
	s6 =	sand.u32 $0x1, s6;
	s12 =	sadd.s32 $0x4000, s5  }
0x8: {  	s26 =	sshll.u32 s1, $0x7;
	s30 =	smul.u32 $0x61C00, s1;
	_ =	strace $0x80000047  }
0x9: {  	p0 =	seq.s32 s6, $0x1;
	s10 =	smul.u32 $0x61A80, s6;
	s6 =	ssub.s32 $0x2, s6  }
0xa: {  	s8 =	sadd.s32 $0x187000, s7;
	s9 =	smov.u32 s7;
	s28 =	sshrl.u32 s6, $0x1  }
0xb: {  	s17 =	sadd.s32 s7, s2;
	s9 =	smov.u32 @p0 s8;
	s8 =	sadd.s32 s26, s10  }
0xc: {  	s13 =	ssub.s32 s6, s28;
	p0 =	sgt.u32 s1, $0x4;
	s17 =	sshrl.u32 s17, $0x3  }
0xd: {  	s9 =	sshrl.u32 s9, $0x3;
	s10 =	sadd.s32 $0x61800, s8;
	s7 =	smax.u32 s13, $0x1  }
0xe: {  	s31 =	sshrl.u32 s8, $0x3;
	s13 =	simm.s32 $0x2;
	s29 =	sshrl.u32 s10, $0x3  }
0xf: {  	s9 =	sadd.s32 s9, s5;
	s10 =	sshrl.u32 s30, $0x2;
	s5 =	sadd.s32 s11, s29  }
0x10: {  	s6 =	sadd.s32 s12, s29;
	s8 =	sadd.s32 $0x65E00, s9;
	s9 =	sadd.s32 s10, s2  }
0x11: {  	v0 =	vimm.f32 $0.0e+00;
	s10 =	sadd.s32 s31, s12;
	s11 =	sadd.s32 s31, s11;
	s12 =	simm.s32 $0x1100  }
.LBB2_1:
0x12: {  	s19 =	simm.s32 $0x0  }
.LBB2_2:
0x13: {  	p1 =	sne.s32 s19, $0x4380  }
.Ltmp0:
0x14: {  	_ = 	snop;
	(pc) =	sbr.rel @p1 .LBB2_2-.Ltmp0, $4  }
0x15: {  	_ = 	snop  }
0x16: {  	s20 =	sshra.s32 s19, $0x2  }
0x17: {  	[tilespmem:s20+$0x1100] =	vst v0  }
0x18: {  	s19 =	sadd.s32 $0x80, s19;
	[tilespmem:s20+$0x1110] =	vst v0  }
0x19: {  	s19 =	sadd.s32 $0x0, s9  }
0x1a: {  	[spmem:s19] =	stream.linear.scatter [tilespmem:s12], [sflag:$0x2], $0x1100, $0x38;
	[tilespmem:$0x1A900] =	vst v63  }
0x1b: {  	s19 =	simm.s32 $0x4400;
	_ =	swait.ge [sflag:s13], $0x1100  }
.LBB2_4:
0x1c: {  	s20 =	sshra.s32 s19, $0x2;
	[sflag:s13] =	ssyncset.done $0x0;
	p1 =	sne.s32 s19, $0x5D800  }
.Ltmp1:
0x1d: {  	s20 =	sadd.s32 s20, s9;
	[sflag:s13] =	ssyncadd.s32 $0xFFFFEF00;
	(pc) =	sbr.rel @p1 .LBB2_4-.Ltmp1, $3  }
0x1e: {  	[spmem:s20] =	stream.linear.scatter [tilespmem:s12], [sflag:$0x2], $0x1100, $0x38;
	[tilespmem:$0x1A900] =	vst v63  }
0x1f: {  	s19 =	sadd.s32 $0x4400, s19;
	_ =	sdelay $0x1  }
0x20: {  	_ =	swait.ge [sflag:s13], $0x1100  }
0x21: {  	[sflag:s13] =	ssyncset.done $0x0  }
0x22: {  	[sflag:s13] =	ssyncadd.s32 $0xFFFFEF00  }
0x23: {  	s19 =	sadd.s32 $0x0, s11;
	[bflag:$0x0] =	sbarrier.arrive $0xFFFF  }
0x24: {  	[tilespmem:s3], [sflag:$0x2] =	stream.linear.gather [hbm4b:s19+s3], $0x80, $0x38;
	[tilespmem:$0x1A900] =	vst v63  }
0x25: {  	_ =	swait.ge [sflag:s13], $0x80  }
0x26: {  	[sflag:s13] =	ssyncset.done $0x0  }
0x27: {  	s31 =	sadd.s32 $0x0, s10;
	[sflag:s13] =	ssyncadd.s32 $0xFFFFFF80  }
0x28: {  	[tilespmem:s14], [sflag:$0x2] =	stream.linear.gather [hbm4b:s31+s3], $0x80, $0x38;
	[tilespmem:$0x1A900] =	vst v63  }
0x29: {  	_ =	swait.ge [sflag:s13], $0x80  }
0x2a: {  	[sflag:s13] =	ssyncset.done $0x0  }
0x2b: {  	[sflag:s13] =	ssyncadd.s32 $0xFFFFFF80  }
0x2c: {  	[tilespmem:s15], [sflag:$0x1] =	stream.indirect.gather [hbm4b:s4+s14], $0x20, s3, s14, $0xb8;
	[tilespmem:$0x1A900] =	vst v63  }
0x2d: {  	_ =	swait.ge [sflag:s16], $0x1000  }
0x2e: {  	[sflag:s16] =	ssyncset.done $0x0  }
0x2f: {  	[sflag:s16] =	ssyncadd.s32 $0xFFFFF000  }
0x30: {  	[spmem:s2] =	stream.indirect.scatter.add.f32 [tilespmem:s15], [sflag:$0x2], $0x20, s14, s14, $0xb8;
	[tilespmem:$0x1A900] =	vst v63  }
0x31: {  	_ =	swait.ge [sflag:s13], $0x1000  }
0x32: {  	s20 =	simm.s32 $0x200;
	s19 =	simm.s32 $0x100;
	[sflag:s13] =	ssyncset.done $0x0  }
.LBB2_6:
0x33: {  	s21 =	sadd.s32 s19, s11  }
0x34: {  	[sflag:s13] =	ssyncadd.s32 $0xFFFFF000;
	s22 =	smov.u32 s20;
	s23 =	sadd.s32 $0x100, s20  }
0x35: {  	[tilespmem:s3], [sflag:$0x2] =	stream.linear.gather [hbm4b:s21+s3], $0x80, $0x38;
	[tilespmem:$0x1A900] =	vst v63  }
0x36: {  	p1 =	sne.s32 s20, $0xC200;
	_ =	swait.ge [sflag:s13], $0x80  }
0x37: {  	[sflag:s13] =	ssyncset.done $0x0  }
0x38: {  	s20 =	sadd.s32 s19, s10;
	s19 =	smov.u32 s22;
	[sflag:s13] =	ssyncadd.s32 $0xFFFFFF80  }
0x39: {  	[tilespmem:s14], [sflag:$0x2] =	stream.linear.gather [hbm4b:s20+s3], $0x80, $0x38;
	[tilespmem:$0x1A900] =	vst v63  }
0x3a: {  	_ =	swait.ge [sflag:s13], $0x80  }
0x3b: {  	[sflag:s13] =	ssyncset.done $0x0  }
0x3c: {  	[sflag:s13] =	ssyncadd.s32 $0xFFFFFF80  }
0x3d: {  	[tilespmem:s15], [sflag:$0x1] =	stream.indirect.gather [hbm4b:s4+s14], $0x20, s3, s14, $0xb8;
	[tilespmem:$0x1A900] =	vst v63  }
0x3e: {  	_ =	swait.ge [sflag:s16], $0x1000  }
.Ltmp2:
0x3f: {  	[sflag:s16] =	ssyncset.done $0x0;
	(pc) =	sbr.rel @p1 .LBB2_6-.Ltmp2, $4  }
0x40: {  	[sflag:s16] =	ssyncadd.s32 $0xFFFFF000  }
0x41: {  	[spmem:s2] =	stream.indirect.scatter.add.f32 [tilespmem:s15], [sflag:$0x2], $0x20, s14, s14, $0xb8;
	[tilespmem:$0x1A900] =	vst v63  }
0x42: {  	_ =	swait.ge [sflag:s13], $0x1000  }
0x43: {  	s20 =	smov.u32 s23;
	[sflag:s13] =	ssyncset.done $0x0  }
0x44: {  	s20 =	sadd.s32 s19, s11;
	[sflag:s13] =	ssyncadd.s32 $0xFFFFF000  }
0x45: {  	[tilespmem:s3], [sflag:$0x2] =	stream.linear.gather [hbm4b:s20+s3], $0x80, $0x38;
	[tilespmem:$0x1A900] =	vst v63  }
0x46: {  	_ =	swait.ge [sflag:s13], $0x80  }
0x47: {  	[sflag:s13] =	ssyncset.done $0x0  }
0x48: {  	s30 =	sadd.s32 s19, s10;
	[sflag:s13] =	ssyncadd.s32 $0xFFFFFF80  }
0x49: {  	[tilespmem:s14], [sflag:$0x2] =	stream.linear.gather [hbm4b:s30+s3], $0x80, $0x38;
	[tilespmem:$0x1A900] =	vst v63  }
0x4a: {  	_ =	swait.ge [sflag:s13], $0x80  }
0x4b: {  	[sflag:s13] =	ssyncset.done $0x0  }
0x4c: {  	[sflag:s13] =	ssyncadd.s32 $0xFFFFFF80  }
0x4d: {  	[tilespmem:s15], [sflag:$0x1] =	stream.indirect.gather [hbm4b:s4+s14], $0x20, s3, s14, $0xb8;
	[tilespmem:$0x1A900] =	vst v63  }
0x4e: {  	_ =	swait.ge [sflag:s16], $0x1000  }
0x4f: {  	[sflag:s16] =	ssyncset.done $0x0  }
0x50: {  	[sflag:s16] =	ssyncadd.s32 $0xFFFFF000  }
0x51: {  	[spmem:s2] =	stream.indirect.scatter.add.f32 [tilespmem:s15], [sflag:$0x2], $0x20, s14, s14, $0xb8;
	[tilespmem:$0x1A900] =	vst v63  }
0x52: {  	_ =	swait.ge [sflag:s13], $0x1000  }
0x53: {  	[sflag:s13] =	ssyncset.done $0x0  }
0x54: {  	s19 =	simm.s32 @!p0 $0x0;
	s20 =	simm.s32 @!p0 $0x2;
	[sflag:s13] =	ssyncadd.s32 $0xFFFFF000  }
0x55: {  	[tilespmem:s19], [sflag:$0x2] =	stream.linear.gather @!p0 [hbm4b:s5+s19], $0x80, $0x38;
	[tilespmem:$0x1A900] =	vst v63  }
0x56: {  	_ =	swait.ge @!p0 [sflag:s20], $0x80  }
0x57: {  	[sflag:s20] =	ssyncset.done @!p0 $0x0  }
0x58: {  	s21 =	simm.s32 @!p0 $0x80;
	[sflag:s20] =	ssyncadd.s32 @!p0 $0xFFFFFF80  }
0x59: {  	[tilespmem:s21], [sflag:$0x2] =	stream.linear.gather @!p0 [hbm4b:s6+s19], $0x80, $0x38;
	[tilespmem:$0x1A900] =	vst v63  }
0x5a: {  	_ =	swait.ge @!p0 [sflag:s20], $0x80  }
0x5b: {  	[sflag:s20] =	ssyncset.done @!p0 $0x0  }
0x5c: {  	s22 =	simm.s32 @!p0 $0x100;
	[sflag:s20] =	ssyncadd.s32 @!p0 $0xFFFFFF80  }
0x5d: {  	[tilespmem:s22], [sflag:$0x1] =	stream.indirect.gather @!p0 [hbm4b:s4+s21], $0x20, s19, s21, $0xb8;
	[tilespmem:$0x1A900] =	vst v63  }
0x5e: {  	s19 =	simm.s32 @!p0 $0x1  }
0x5f: {  	_ =	swait.ge @!p0 [sflag:s19], $0x1000  }
0x60: {  	[sflag:s19] =	ssyncset.done @!p0 $0x0  }
0x61: {  	[sflag:s19] =	ssyncadd.s32 @!p0 $0xFFFFF000  }
0x62: {  	[spmem:s2] =	stream.indirect.scatter.add.f32 @!p0 [tilespmem:s22], [sflag:$0x2], $0x20, s21, s21, $0xb8;
	[tilespmem:$0x1A900] =	vst v63  }
0x63: {  	_ =	swait.ge @!p0 [sflag:s20], $0x1000  }
0x64: {  	s18 =	sadd.s32 $0x1, s18;
	[sflag:s20] =	ssyncset.done @!p0 $0x0  }
0x65: {  	s31 =	sshll.u32 s1, $0x6;
	p1 =	sne.s32 s18, s7;
	[sflag:s20] =	ssyncadd.s32 @!p0 $0xFFFFF000  }
.Ltmp3:
0x66: {  	s19 =	sor.u32 $0x1C02, s31;
	[bflag:$0x0] =	sbarrier.arrive $0xFFFF;
	(pc) =	sbr.rel @p1 .LBB2_1-.Ltmp3, $4  }
0x67: {  	[hbm:s8], [sflag:s19] =	dma.local [spmem:s17], $0x30E0  }
0x68: {  	_ =	swait.ge [sflag:s13], $0x30E0  }
0x69: {  	[sflag:s13] =	ssyncset.done $0x0  }
0x6a: {  	[sflag:s13] =	ssyncadd.s32 $0xFFFFCF20  }
0x6b: {  	_ =	sfence.sel $0x180000  }
0x6c: {  	[bflag:$0x0] =	sbarrier.arrive $0xFFFF  }
0x6d: {  	p0 =	sne.s32 s1, $0x0;
	_ =	strace $0x90000047  }
0x6e: {  	s0 =	sadd.s32 @!p0 $0x100000, s0;
	[bflag:$0x2] =	sbarrier.arrive $0xFFFF  }
0x6f: {  	[sflag:s0] =	ssyncadd.tile.s32 @!p0 $0x1;
	_ =	shalt  }
.Lfunc_end2:
_tile_overlayer_lowered:
.L_overlay_start_2:
0x70: {  	(tag) =	ssettag $0x2  }
0x71: {  	s0 =	rddreg [dreg:$0x0];
	s2 =	stileid.u32  }
0x72: {  	s1 =	rddreg [dreg:$0x1];
	p0 =	sne.s32 s2, $0x0  }
0x73: {  	s3 =	rddreg [dreg:$0x2];
	[bflag:$0x3] =	sbarrier.arrive $0xFFFF;
	s2 =	simm.s32 @!p0 $0x1C02  }
0x74: {  	[timem:s3], [sflag:s2] =	dma.local @!p0 [hbm:s0], s1  }
0x75: {  	s0 =	simm.s32 @!p0 $0x2  }
0x76: {  	_ =	swait.ge @!p0 [sflag:s0], s1  }
0x77: {  	s1 =	ssub.s32 @!p0 $0x0, s1;
	[sflag:s0] =	ssyncset.done @!p0 $0x0  }
0x78: {  	[sflag:s0] =	ssyncadd.s32 @!p0 s1  }
0x79: {  	[bflag:$0x3] =	sbarrier.arrive $0xFFFF  }
0x7a: {  	_ =	shalt  }

// kernel: kernel.15.cloned.1.call-start
scs
__scs_entry_jumppad:
0x0: {  	(pc) =	sbr.rel $0x88, $3  }
0x1: {  	(tag) =	ssettag $0x0;
	lr =	simm.s32 $0x1  }
0x2: {  	[smem:$0x3F86] =	sst lr;
	_ =	strace $0xD0000000  }
0x3: {  	_ = 	snop  }
0x4: {  	_ = 	snop  }
0x5: {  	_ = 	snop  }
0x6: {  	_ = 	snop  }
0x7: {  	_ = 	snop  }
__scs_overlays_trampoline_lowered:
0x8: {  	[smem:$0x3F95] =	sst s0  }
0x9: {  	[smem:$0x3F96] =	sst s1  }
0xa: {  	[smem:$0x3F97] =	sst s2  }
0xb: {  	[smem:$0x3F98] =	sst s3  }
0xc: {  	[smem:$0x3F99] =	sst s4  }
0xd: {  	[smem:$0x3F9A] =	sst s5  }
0xe: {  	[smem:$0x3F9B] =	sst s6  }
0xf: {  	[smem:$0x3F9C] =	sst s7  }
0x10: {  	[smem:$0x3F9D] =	sst s8  }
0x11: {  	[smem:$0x3F9E] =	sst s9;
	s0 =	simm.s32 @!p0 $0x0  }
0x12: {  	s1 =	sld [smem:$0x3F84];
	s0 =	simm.s32 @p0 $0x1  }
0x13: {  	[smem:$0x3F9F] =	sst s0;
	s0 =	simm.s32 @!p1 $0x0  }
0x14: {  	s2 =	sld [smem:$0x3F83];
	s0 =	simm.s32 @p1 $0x1  }
0x15: {  	[smem:$0x3FA0] =	sst s0;
	s0 =	simm.s32 @!p2 $0x0  }
0x16: {  	s3 =	sld [smem:$0x3FDB];
	s0 =	simm.s32 @p2 $0x1  }
0x17: {  	s4 =	simm.s32 $0x1BF5;
	[smem:$0x3FA2] =	sst s0  }
0x18: {  	s0 =	sld [smem:$0x3F85];
	_ =	swait.ge [sflag:s4], $0x0  }
0x19: {  	s7 =	sld [smem:$0x3F86]  }
0x1a: {  	s8 =	sadd.s32 $0xFFFFE003, lr  }
0x1b: {  	s9 =	sadd.s32 $0xFFFFFEF7, lr;
	s5 =	simm.s32 $0xFFFFFFFF;
	p2 =	slt.u32 s8, $0xFFFFF086  }
0x1c: {  	p1 =	slt.u32 s9, $0xF7A;
	s5 =	simm.s32 @!p2 $0x0  }
0x1d: {  	s5 =	simm.s32 @p1 $0x1;
	p0 =	seq.s32 s7, s2  }
0x1e: {  	s7 =	smul.u32 @!p0 $0xF7A, s2;
	p2 =	seq.s32 @!p0 s5, $0x0  }
0x1f: {  	s9 =	smul.u32 $0xF7A, s1;
	s8 =	simm.s32 @!p0 $0x1BF5;
	p2 =	por !p2, p0  }
0x20: {  	[sflag:s8] =	ssyncset.s32 @!p0 $0xFFFFF086;
	s6 =	sadd.s32 @!p0 s3, s7;
	s7 =	simm.s32 @!p0 $0x108  }
0x21: {  	s3 =	sadd.s32 s3, s9;
	s6 =	sadd.s32 @!p0 $0x88, s6;
	s7 =	simm.s32 @p2 $0x1082  }
0x22: {  	[simem:s7], [sflag:s8] =	dma.local @!p0 [hbm:s6], $0xF7A  }
0x23: {  	s9 =	sor.u32 $0xD0000000, s2;
	s6 =	simm.s32 $0x108;
	_ =	swait.ge @!p0 [sflag:s8], $0x0  }
0x24: {  	s3 =	sadd.s32 $0x88, s3;
	s6 =	simm.s32 @!p1 $0x1082;
	[sflag:s4] =	ssyncset.s32 $0xFFFFF086  }
0x25: {  	[simem:s6], [sflag:s4] =	dma.local [hbm:s3], $0xF7A  }
0x26: {  	[smem:$0x3F86] =	sst s1;
	(tag) =	ssettag s2;
	_ =	strace s9  }
0x27: {  	s1 =	sld [smem:$0x3F96]  }
0x28: {  	s2 =	sld [smem:$0x3F97]  }
0x29: {  	s4 =	sld [smem:$0x3F99]  }
0x2a: {  	p0 =	seq.s32 s5, $0x0;
	s5 =	sld [smem:$0x3F9A]  }
0x2b: {  	s6 =	sld [smem:$0x3F9B]  }
0x2c: {  	s7 =	sld [smem:$0x3F9C]  }
0x2d: {  	s3 =	simm.s32 $0x108;
	s8 =	sld [smem:$0x3F9D]  }
0x2e: {  	s3 =	simm.s32 @!p0 $0x1082;
	s9 =	sld [smem:$0x3F9E]  }
0x2f: {  	lr =	sadd.s32 s0, s3;
	s0 =	sld [smem:$0x3F95]  }
0x30: {  	s3 =	sld [smem:$0x3F98]  }
0x31: {  	[smem:$0x3FA1] =	sst s10  }
0x32: {  	s10 =	sld [smem:$0x3F9F];
	_ =	sdelay $0x3  }
0x33: {  	p0 =	seq.s32 s10, $0x1;
	s10 =	sld [smem:$0x3FA1];
	_ =	sdelay $0x3  }
0x34: {  	[smem:$0x3FA1] =	sst s10  }
0x35: {  	s10 =	sld [smem:$0x3FA0];
	_ =	sdelay $0x3  }
0x36: {  	p1 =	seq.s32 s10, $0x1;
	s10 =	sld [smem:$0x3FA1];
	_ =	sdelay $0x3  }
0x37: {  	[smem:$0x3FA1] =	sst s10  }
0x38: {  	s10 =	sld [smem:$0x3FA2]  }
0x39: {  	_ = 	snop;
	(pc) =	sbr.ind lr, $3  }
0x3a: {  	_ = 	snop  }
0x3b: {  	_ = 	snop  }
0x3c: {  	p2 =	seq.s32 s10, $0x1;
	s10 =	sld [smem:$0x3FA1]  }
0x3d: {  	_ =	shalt  }
0x3e: {  	_ =	shalt  }
0x3f: {  	_ =	shalt  }
0x40: {  	_ =	shalt  }
0x41: {  	_ =	shalt  }
0x42: {  	_ =	shalt  }
0x43: {  	_ =	shalt  }
0x44: {  	_ =	shalt  }
0x45: {  	_ =	shalt  }
0x46: {  	_ =	shalt  }
0x47: {  	_ =	shalt  }
0x48: {  	_ =	shalt  }
0x49: {  	_ =	shalt  }
0x4a: {  	_ =	shalt  }
0x4b: {  	_ =	shalt  }
0x4c: {  	_ =	shalt  }
0x4d: {  	_ =	shalt  }
0x4e: {  	_ =	shalt  }
0x4f: {  	_ =	shalt  }
0x50: {  	_ =	shalt  }
0x51: {  	_ =	shalt  }
0x52: {  	_ =	shalt  }
0x53: {  	_ =	shalt  }
0x54: {  	_ =	shalt  }
0x55: {  	_ =	shalt  }
0x56: {  	_ =	shalt  }
0x57: {  	_ =	shalt  }
0x58: {  	_ =	shalt  }
0x59: {  	_ =	shalt  }
0x5a: {  	_ =	shalt  }
0x5b: {  	_ =	shalt  }
0x5c: {  	_ =	shalt  }
0x5d: {  	_ =	shalt  }
0x5e: {  	_ =	shalt  }
0x5f: {  	_ =	shalt  }
0x60: {  	_ =	shalt  }
0x61: {  	_ =	shalt  }
0x62: {  	_ =	shalt  }
0x63: {  	_ =	shalt  }
0x64: {  	_ =	shalt  }
0x65: {  	_ =	shalt  }
0x66: {  	_ =	shalt  }
0x67: {  	_ =	shalt  }
0x68: {  	_ =	shalt  }
0x69: {  	_ =	shalt  }
0x6a: {  	_ =	shalt  }
0x6b: {  	_ =	shalt  }
0x6c: {  	_ =	shalt  }
0x6d: {  	_ =	shalt  }
0x6e: {  	_ =	shalt  }
0x6f: {  	_ =	shalt  }
0x70: {  	_ =	shalt  }
0x71: {  	_ =	shalt  }
0x72: {  	_ =	shalt  }
0x73: {  	_ =	shalt  }
0x74: {  	_ =	shalt  }
0x75: {  	_ =	shalt  }
0x76: {  	_ =	shalt  }
0x77: {  	_ =	shalt  }
0x78: {  	_ =	shalt  }
0x79: {  	_ =	shalt  }
0x7a: {  	_ =	shalt  }
0x7b: {  	_ =	shalt  }
0x7c: {  	_ =	shalt  }
0x7d: {  	_ =	shalt  }
0x7e: {  	_ =	shalt  }
0x7f: {  	_ =	shalt  }
0x80: {  	_ =	shalt  }
0x81: {  	_ =	shalt  }
0x82: {  	_ =	shalt  }
0x83: {  	_ =	shalt  }
0x84: {  	_ =	shalt  }
0x85: {  	_ =	shalt  }
0x86: {  	_ =	shalt  }
0x87: {  	_ =	shalt  }
.Lfunc_end0:
.L_simem_size_0:
called_computation.1_lowered:
.L_overlay_start_0:
0x88: {  	s2 =	sld [smem:$0x3FD9]  }
0x89: {  	s3 =	sld [smem:$0x3FFE];
	_ =	sdelay $0x1  }
0x8a: {  	s1 =	srdreg.scid  }
0x8b: {  	s0 =	sand.u32 $0x1, s1  }
0x8c: {  	s16 =	sshll.u32 s0, $0xA;
	s2 =	sadd.s32 s3, s2  }
0x8d: {  	s2 =	sadd.s32 s2, s16  }
0x8e: {  	[smem:$0x3FAD] =	sst s2  }
0x8f: {  	_ = 	snop  }
0x90: {  	(tm) =	ssettm $0x1  }
0x91: {  	s17 =	sld [smem:$0x3FFB];
	_ =	sdelay $0x3  }
0x92: {  	_ =	strace s17  }
0x93: {  	s2 =	sld [smem:$0x3FFC];
	_ =	sdelay $0x3  }
0x94: {  	_ =	strace s2  }
0x95: {  	s2 =	sld [smem:$0x3FFD];
	_ =	sdelay $0x3  }
0x96: {  	_ =	strace s2  }
0x97: {  	_ =	strace $0x8FFFFFFF  }
0x98: {  	s18 =	sld [smem:$0x3FDB];
	_ =	sdelay $0x1  }
0x99: {  	s19 =	simm.s32 $_scs_section_size  }
0x9a: {  	s4 =	simm.s32 $_size__tile_overlayer_lowered;
	s5 =	simm.s32 $_tile_overlayer_lowered  }
0x9b: {  	s22 =	simm.s32 $0x1BFF;
	s21 =	sshll.u32 s5, $0x1;
	s2 =	sadd.s32 s19, s18  }
0x9c: {  	s6 =	simm.s32 $0x0;
	s20 =	sshll.u32 s4, $0x1;
	s4 =	sadd.s32 s21, s2  }
0x9d: {  	[timem:s6], [sflag:s22] =	dma.local [hbm:s4], s20  }
0x9e: {  	_ =	swait.ge [sflag:s22], s20  }
0x9f: {  	s3 =	ssub.s32 $0x0, s20;
	[sflag:s22] =	ssyncset.done $0x0  }
0xa0: {  	[sflag:s22] =	ssyncadd.s32 s3;
	_ =	sdelay $0x1  }
0xa1: {  	s23 =	simm.s32 $0x1B8B  }
0xa2: {  	_ =	swait.ge [sflag:s23], $0x1  }
0xa3: {  	[sflag:s23] =	ssyncset.done $0x0  }
0xa4: {  	s25 =	simm.s32 $0x1B8E;
	s24 =	sld [smem:$0x3FFE];
	[sflag:s23] =	ssyncadd.s32 $0xFFFFFFFF  }
0xa5: {  	s26 =	simm.s32 $execute0_lowered;
	[smem:$0x3FD2] =	sst s25  }
0xa6: {  	s4 =	sshll.u32 s26, $0x1;
	_ =	strace $0x80000049;
	[dreg:$0x1] =	wrdreg $0xFFFFFFFF  }
0xa7: {  	s28 =	simm.s32 $_size_execute0_lowered;
	s2 =	sadd.s32 s2, s4;
	[dreg:$0x0] =	wrdreg $0x0  }
0xa8: {  	s4 =	sshll.u32 s28, $0x1;
	[dreg:$0x2] =	wrdreg s2  }
0xa9: {  	[dreg:$0x3] =	wrdreg s4  }
0xaa: {  	[dreg:$0x4] =	wrdreg $0xC0  }
0xab: {  	_ =	task [dreg:s6], $0x5FFFF  }
0xac: {  	[dreg:$0x1] =	wrdreg $0xFFFFFFFF  }
0xad: {  	[dreg:$0x0] =	wrdreg $0x60  }
0xae: {  	[dreg:$0x2] =	wrdreg s24  }
0xaf: {  	[dreg:$0x3] =	wrdreg $0x22000  }
0xb0: {  	[dreg:$0x4] =	wrdreg $0x9  }
0xb1: {  	_ =	task.clear_ibuf [dreg:s6], $0x5FFFF;
	_ =	strace $0x90000049  }
0xb2: {  	s29 =	simm.s32 $0x9;
	_ =	strace $0x8000004B  }
0xb3: {  	_ =	swait.ge [sflag:s29], $0x1  }
0xb4: {  	[sflag:s29] =	ssyncadd.s32 $0xFFFFFFFF  }
0xb5: {  	_ =	strace $0x9000004B  }
0xb6: {  	_ =	sfence  }
0xb7: {  	s30 =	sld [smem:$0x0];
	_ =	sdelay $0x2  }
0xb8: {  	s31 =	sshll.u32 s1, $0xD;
	s1 =	sshrl.u32 s1, $0x2  }
0xb9: {  	s3 =	sand.u32 $0x4000, s31;
	s1 =	sadd.s32 s1, s30  }
0xba: {  	s0 =	sor.u32 s3, s0;
	s1 =	sshll.u32 s1, $0x11  }
0xbb: {  	s0 =	sor.u32 s1, s0  }
0xbc: {  	s0 =	sadd.s32 $0x8F2B, s0  }
0xbd: {  	[sflag:s0] =	ssyncadd.remote.s32 $0x1  }
0xbe: {  	_ =	sfence.sel $0xFFFF  }
0xbf: {  	[dreg:$0x0] =	wrdreg $0xFFFFFFFF;
	(pc) =	sbr.abs _section_cstart, $3  }
0xc0: {  	[dreg:$0x1] =	wrdreg $0xFFFFFFFF  }
0xc1: {  	_ =	task.clear_ibuf [dreg:s6], $0x2FFFF;
	_ =	strace $0x9FFFFFFF  }
0xc2: {  	(tm) =	ssettm $0x7FFFFFFF  }
0xc3: {  	_ =	shalt  }
tec
execute0_lowered:
.L_overlay_start_1:
0x0: {  	(tag) =	ssettag $0x1  }
0x1: {  	s5 =	rddreg [dreg:$0x0]  }
0x2: {  	s1 =	rddreg [dreg:$0x1]  }
0x3: {  	s0 =	rddreg [dreg:$0x2]  }
0x4: {  	s3 =	simm.s32 $0x0;
	s2 =	stileid.u32;
	s6 =	srdreg.scid  }
0x5: {  	s17 =	simm.s32 $0x2;
	s18 =	simm.s32 $0x80;
	s19 =	simm.s32 $0x100  }
0x6: {  	s20 =	simm.s32 $0x1;
	s21 =	simm.s32 $0x0;
	[smem:$0x7FF] =	sst s3  }
0x7: {  	s4 =	sadd.s32 $0xF8600, s5;
	s8 =	smul.u32 $0x18700, s2;
	s6 =	sand.u32 $0x1, s6  }
0x8: {  	s14 =	sadd.s32 $0x1C800, s5;
	s15 =	sadd.s32 $0x4000, s5;
	s16 =	sshll.u32 s2, $0x4  }
0x9: {  	s13 =	smul.u32 $0x61C00, s2;
	p1 =	sgt.u32 s2, $0x9;
	_ =	strace $0x8000004A  }
0xa: {  	s7 =	ssub.s32 $0x2, s6;
	s31 =	sor.u32 $0x18600, s16;
	p0 =	seq.s32 s6, $0x1  }
0xb: {  	s9 =	sshrl.u32 s8, $0x3;
	s10 =	sshrl.u32 s7, $0x1;
	s6 =	sadd.s32 s15, s31  }
.Ltmp0:
0xc: {  	s8 =	sadd.s32 s8, s1;
	s13 =	sshrl.u32 s13, $0x2;
	(pc) =	sbr.rel .LBB2_1-.Ltmp0, $4  }
0xd: {  	s15 =	sadd.s32 s16, s15;
	s11 =	sadd.s32 s9, s5;
	s12 =	ssub.s32 s7, s10  }
0xe: {  	s5 =	sadd.s32 s14, s31;
	s14 =	sadd.s32 s16, s14;
	s16 =	simm.s32 $0x1100  }
0xf: {  	s13 =	sadd.s32 s13, s1;
	s7 =	sadd.s32 $0x1BBC00, s11;
	s9 =	sadd.s32 $0x1ECA00, s11  }
0x10: {  	v0 =	vimm.f32 $0.0e+00;
	s10 =	sadd.s32 $0x21D800, s11;
	s11 =	sadd.s32 $0x24E600, s11;
	s12 =	smax.u32 s12, $0x1  }
.LBB2_25:
0x11: {  	[tilespmem:s3], [sflag:$0x2] =	stream.linear.gather [hbm4b:s5+s3], $0x80, $0x38;
	[tilespmem:$0x1A900] =	vst v63  }
0x12: {  	_ =	swait.ge [sflag:s17], $0x80  }
0x13: {  	[sflag:s17] =	ssyncset.done $0x0  }
0x14: {  	[sflag:s17] =	ssyncadd.s32 $0xFFFFFF80  }
0x15: {  	[tilespmem:s18], [sflag:$0x2] =	stream.linear.gather [hbm4b:s6+s3], $0x80, $0x38;
	[tilespmem:$0x1A900] =	vst v63  }
0x16: {  	_ =	swait.ge [sflag:s17], $0x80  }
0x17: {  	[sflag:s17] =	ssyncset.done $0x0  }
0x18: {  	[sflag:s17] =	ssyncadd.s32 $0xFFFFFF80  }
0x19: {  	v1 =	vld [tilespmem:$0x0]  }
0x1a: {  	v2 =	vld [tilespmem:$0x10]  }
0x1b: {  	v3 =	vld [tilespmem:$0x20]  }
0x1c: {  	v4 =	vld [tilespmem:$0x30]  }
0x1d: {  	v5 =	vld [tilespmem:$0x40]  }
0x1e: {  	v6 =	vld [tilespmem:$0x50];
	v1 =	vadd.s32 $0x249F0, v1  }
0x1f: {  	[tilespmem:$0x0] =	vst v1;
	v1 =	vadd.s32 $0x249F0, v2;
	v2 =	vld [tilespmem:$0x60]  }
0x20: {  	[tilespmem:$0x10] =	vst v1;
	v1 =	vadd.s32 $0x249F0, v3;
	v3 =	vld [tilespmem:$0x70]  }
0x21: {  	[tilespmem:$0x20] =	vst v1;
	v1 =	vadd.s32 $0x249F0, v4  }
0x22: {  	[tilespmem:$0x30] =	vst v1;
	v1 =	vadd.s32 $0x249F0, v5  }
0x23: {  	[tilespmem:$0x40] =	vst v1;
	v1 =	vadd.s32 $0x249F0, v6  }
0x24: {  	[tilespmem:$0x50] =	vst v1;
	v1 =	vadd.s32 $0x249F0, v2  }
0x25: {  	s23 =	smov.u32 s11;
	[tilespmem:$0x60] =	vst v1;
	v1 =	vadd.s32 $0x249F0, v3  }
.LBB2_26:
0x26: {  	[tilespmem:$0x70] =	vst v1  }
0x27: {  	[tilespmem:s19], [sflag:$0x1] =	stream.indirect.gather [hbm4b:s4+s18], $0x20, s3, s18, $0xb8;
	[tilespmem:$0x1A900] =	vst v63  }
0x28: {  	_ =	swait.ge [sflag:s20], $0x1000  }
0x29: {  	[sflag:s20] =	ssyncset.done $0x0  }
0x2a: {  	[sflag:s20] =	ssyncadd.s32 $0xFFFFF000  }
0x2b: {  	[spmem:s1] =	stream.indirect.scatter.add.f32 [tilespmem:s19], [sflag:$0x2], $0x20, s18, s18, $0xb8;
	[tilespmem:$0x1A900] =	vst v63  }
0x2c: {  	_ =	swait.ge [sflag:s17], $0x1000  }
0x2d: {  	[sflag:s17] =	ssyncset.done $0x0  }
0x2e: {  	[sflag:s17] =	ssyncadd.s32 $0xFFFFF000  }
.LBB2_27:
0x2f: {  	s21 =	sadd.s32 $0x1, s21  }
0x30: {  	p2 =	sne.s32 s21, s12  }
.Ltmp1:
0x31: {  	[bflag:$0x0] =	sbarrier.arrive $0xFFFF;
	s24 =	sshrl.u32 s8, $0x3;
	(pc) =	sbr.rel @!p2 .LBB2_28-.Ltmp1, $4  }
0x32: {  	[hbm:s23], [sflag:s22] =	dma.local [spmem:s24], $0x30E0  }
0x33: {  	_ =	swait.ge [sflag:s17], $0x30E0  }
0x34: {  	[sflag:s17] =	ssyncset.done $0x0  }
0x35: {  	[sflag:s17] =	ssyncadd.s32 $0xFFFFCF20  }
.LBB2_1:
0x36: {  	s22 =	simm.s32 $0x80;
	s23 =	simm.s32 $0x0  }
.LBB2_2:
0x37: {  	p2 =	sne.s32 s22, $0x4380;
	[tilespmem:s23+$0x1100] =	vst v0;
	s24 =	smov.u32 s22;
	s22 =	sadd.s32 $0x80, s22  }
.Ltmp2:
0x38: {  	[tilespmem:s23+$0x1110] =	vst v0;
	(pc) =	sbr.rel @p2 .LBB2_2-.Ltmp2, $2  }
0x39: {  	_ =	sdelay $0x2  }
0x3a: {  	s23 =	sshra.s32 s24, $0x2  }
.Ltmp3:
0x3b: {  	(pc) =	sbr.rel @!p0 .LBB2_4-.Ltmp3, $4  }
0x3c: {  	_ = 	snop  }
0x3d: {  	s22 =	simm.s32 $0x0  }
0x3e: {  	[tilespmem:s23+$0x1100] =	vst v0;
	s31 =	sshra.s32 s22, $0x2  }
0x3f: {  	[tilespmem:s23+$0x1110] =	vst v0;
	s23 =	sadd.s32 s31, s13  }
0x40: {  	[spmem:s23] =	stream.linear.scatter [tilespmem:s16], [sflag:$0x2], $0x1100, $0x38;
	[tilespmem:$0x1A900] =	vst v63  }
0x41: {  	s22 =	sadd.s32 $0x4400, s22;
	_ =	swait.ge [sflag:s17], $0x1100  }
.LBB2_16:
0x42: {  	s23 =	sshra.s32 s22, $0x2;
	[sflag:s17] =	ssyncset.done $0x0;
	p2 =	sne.s32 s22, $0x5D800  }
.Ltmp4:
0x43: {  	s23 =	sadd.s32 s23, s13;
	[sflag:s17] =	ssyncadd.s32 $0xFFFFEF00;
	(pc) =	sbr.rel @p2 .LBB2_16-.Ltmp4, $3  }
0x44: {  	[spmem:s23] =	stream.linear.scatter [tilespmem:s16], [sflag:$0x2], $0x1100, $0x38;
	[tilespmem:$0x1A900] =	vst v63  }
0x45: {  	s22 =	sadd.s32 $0x4400, s22;
	_ =	sdelay $0x1  }
0x46: {  	_ =	swait.ge [sflag:s17], $0x1100  }
0x47: {  	[sflag:s17] =	ssyncset.done $0x0  }
0x48: {  	[sflag:s17] =	ssyncadd.s32 $0xFFFFEF00  }
0x49: {  	s22 =	sadd.s32 $0x0, s14;
	[bflag:$0x0] =	sbarrier.arrive $0xFFFF  }
0x4a: {  	[tilespmem:s3], [sflag:$0x2] =	stream.linear.gather [hbm4b:s22+s3], $0x80, $0x38;
	[tilespmem:$0x1A900] =	vst v63  }
0x4b: {  	_ =	swait.ge [sflag:s17], $0x80  }
0x4c: {  	[sflag:s17] =	ssyncset.done $0x0  }
0x4d: {  	s31 =	sadd.s32 $0x0, s15;
	[sflag:s17] =	ssyncadd.s32 $0xFFFFFF80  }
0x4e: {  	[tilespmem:s18], [sflag:$0x2] =	stream.linear.gather [hbm4b:s31+s3], $0x80, $0x38;
	[tilespmem:$0x1A900] =	vst v63  }
0x4f: {  	_ =	swait.ge [sflag:s17], $0x80  }
0x50: {  	[sflag:s17] =	ssyncset.done $0x0  }
0x51: {  	[sflag:s17] =	ssyncadd.s32 $0xFFFFFF80  }
0x52: {  	v1 =	vld [tilespmem:$0x70]  }
0x53: {  	v2 =	vld [tilespmem:$0x30]  }
0x54: {  	v3 =	vld [tilespmem:$0x50]  }
0x55: {  	v5 =	vld [tilespmem:$0x20]  }
0x56: {  	v4 =	vld [tilespmem:$0x60]  }
0x57: {  	v6 =	vld [tilespmem:$0x10];
	v1 =	vadd.s32 $0x186A0, v1  }
0x58: {  	v7 =	vld [tilespmem:$0x40];
	v2 =	vadd.s32 $0x186A0, v2;
	[tilespmem:$0x70] =	vst v1  }
0x59: {  	v1 =	vld [tilespmem:$0x0];
	[tilespmem:$0x30] =	vst v2;
	v2 =	vadd.s32 $0x186A0, v3  }
0x5a: {  	v3 =	vadd.s32 $0x186A0, v5;
	[tilespmem:$0x50] =	vst v2  }
0x5b: {  	v2 =	vadd.s32 $0x186A0, v4;
	[tilespmem:$0x20] =	vst v3  }
0x5c: {  	[tilespmem:$0x60] =	vst v2;
	v2 =	vadd.s32 $0x186A0, v6  }
0x5d: {  	[tilespmem:$0x10] =	vst v2;
	v2 =	vadd.s32 $0x186A0, v7  }
0x5e: {  	[tilespmem:$0x40] =	vst v2;
	v1 =	vadd.s32 $0x186A0, v1  }
0x5f: {  	s22 =	simm.s32 $0x100;
	[tilespmem:$0x0] =	vst v1  }
.LBB2_18:
0x60: {  	[tilespmem:s19], [sflag:$0x1] =	stream.indirect.gather [hbm4b:s4+s18], $0x20, s3, s18, $0xb8;
	[tilespmem:$0x1A900] =	vst v63  }
0x61: {  	s23 =	smov.u32 s22  }
0x62: {  	p2 =	sne.s32 s22, $0x18500;
	s22 =	sadd.s32 $0x100, s22;
	_ =	swait.ge [sflag:s20], $0x1000  }
0x63: {  	[sflag:s20] =	ssyncset.done $0x0  }
0x64: {  	[sflag:s20] =	ssyncadd.s32 $0xFFFFF000  }
0x65: {  	[spmem:s1] =	stream.indirect.scatter.add.f32 [tilespmem:s19], [sflag:$0x2], $0x20, s18, s18, $0xb8;
	[tilespmem:$0x1A900] =	vst v63  }
0x66: {  	_ =	swait.ge [sflag:s17], $0x1000  }
0x67: {  	[sflag:s17] =	ssyncset.done $0x0  }
0x68: {  	s24 =	sadd.s32 s23, s14;
	[sflag:s17] =	ssyncadd.s32 $0xFFFFF000  }
0x69: {  	[tilespmem:s3], [sflag:$0x2] =	stream.linear.gather [hbm4b:s24+s3], $0x80, $0x38;
	[tilespmem:$0x1A900] =	vst v63  }
0x6a: {  	_ =	swait.ge [sflag:s17], $0x80  }
0x6b: {  	[sflag:s17] =	ssyncset.done $0x0  }
0x6c: {  	s23 =	sadd.s32 s23, s15;
	[sflag:s17] =	ssyncadd.s32 $0xFFFFFF80  }
0x6d: {  	[tilespmem:s18], [sflag:$0x2] =	stream.linear.gather [hbm4b:s23+s3], $0x80, $0x38;
	[tilespmem:$0x1A900] =	vst v63  }
0x6e: {  	_ =	swait.ge [sflag:s17], $0x80  }
0x6f: {  	[sflag:s17] =	ssyncset.done $0x0  }
0x70: {  	[sflag:s17] =	ssyncadd.s32 $0xFFFFFF80  }
0x71: {  	v1 =	vld [tilespmem:$0x70]  }
0x72: {  	v2 =	vld [tilespmem:$0x30]  }
0x73: {  	v3 =	vld [tilespmem:$0x50]  }
0x74: {  	v4 =	vld [tilespmem:$0x60]  }
0x75: {  	v5 =	vld [tilespmem:$0x20]  }
0x76: {  	v6 =	vld [tilespmem:$0x10];
	v1 =	vadd.s32 $0x186A0, v1  }
0x77: {  	v2 =	vadd.s32 $0x186A0, v2;
	v7 =	vld [tilespmem:$0x40];
	[tilespmem:$0x70] =	vst v1  }
0x78: {  	v1 =	vld [tilespmem:$0x0];
	[tilespmem:$0x30] =	vst v2;
	v2 =	vadd.s32 $0x186A0, v3  }
0x79: {  	[tilespmem:$0x50] =	vst v2;
	v2 =	vadd.s32 $0x186A0, v4  }
.Ltmp5:
0x7a: {  	v3 =	vadd.s32 $0x186A0, v5;
	[tilespmem:$0x60] =	vst v2;
	(pc) =	sbr.rel @p2 .LBB2_18-.Ltmp5, $4  }
0x7b: {  	v2 =	vadd.s32 $0x186A0, v6;
	[tilespmem:$0x20] =	vst v3  }
0x7c: {  	[tilespmem:$0x10] =	vst v2;
	v2 =	vadd.s32 $0x186A0, v7  }
0x7d: {  	v1 =	vadd.s32 $0x186A0, v1;
	[tilespmem:$0x40] =	vst v2  }
0x7e: {  	[tilespmem:$0x0] =	vst v1  }
0x7f: {  	[tilespmem:s19], [sflag:$0x1] =	stream.indirect.gather [hbm4b:s4+s18], $0x20, s3, s18, $0xb8;
	[tilespmem:$0x1A900] =	vst v63  }
0x80: {  	_ =	swait.ge [sflag:s20], $0x1000  }
0x81: {  	[sflag:s20] =	ssyncset.done $0x0  }
0x82: {  	[sflag:s20] =	ssyncadd.s32 $0xFFFFF000  }
0x83: {  	[spmem:s1] =	stream.indirect.scatter.add.f32 [tilespmem:s19], [sflag:$0x2], $0x20, s18, s18, $0xb8;
	[tilespmem:$0x1A900] =	vst v63  }
0x84: {  	_ =	swait.ge [sflag:s17], $0x1000  }
0x85: {  	[sflag:s17] =	ssyncset.done $0x0  }
0x86: {  	s22 =	simm.s32 @!p1 $0x0;
	s23 =	simm.s32 @!p1 $0x2;
	[sflag:s17] =	ssyncadd.s32 $0xFFFFF000  }
0x87: {  	[tilespmem:s22], [sflag:$0x2] =	stream.linear.gather @!p1 [hbm4b:s5+s22], $0x80, $0x38;
	[tilespmem:$0x1A900] =	vst v63  }
0x88: {  	_ =	swait.ge @!p1 [sflag:s23], $0x80  }
0x89: {  	[sflag:s23] =	ssyncset.done @!p1 $0x0  }
0x8a: {  	s24 =	simm.s32 @!p1 $0x80;
	[sflag:s23] =	ssyncadd.s32 @!p1 $0xFFFFFF80  }
0x8b: {  	[tilespmem:s24], [sflag:$0x2] =	stream.linear.gather @!p1 [hbm4b:s6+s22], $0x80, $0x38;
	[tilespmem:$0x1A900] =	vst v63  }
0x8c: {  	_ =	swait.ge @!p1 [sflag:s23], $0x80  }
0x8d: {  	[sflag:s23] =	ssyncset.done @!p1 $0x0  }
0x8e: {  	[sflag:s23] =	ssyncadd.s32 @!p1 $0xFFFFFF80  }
0x8f: {  	v1 =	vld @!p1 [tilespmem:$0x0]  }
0x90: {  	v2 =	vld @!p1 [tilespmem:$0x10]  }
0x91: {  	v3 =	vld @!p1 [tilespmem:$0x20]  }
0x92: {  	v4 =	vld @!p1 [tilespmem:$0x30]  }
0x93: {  	v5 =	vld @!p1 [tilespmem:$0x40]  }
0x94: {  	v6 =	vld @!p1 [tilespmem:$0x50];
	v1 =	vadd.s32 @!p1 $0x186A0, v1  }
0x95: {  	[tilespmem:$0x0] =	vst @!p1 v1;
	v1 =	vadd.s32 @!p1 $0x186A0, v2;
	v2 =	vld @!p1 [tilespmem:$0x60]  }
0x96: {  	[tilespmem:$0x10] =	vst @!p1 v1;
	v1 =	vadd.s32 @!p1 $0x186A0, v3;
	v3 =	vld @!p1 [tilespmem:$0x70]  }
0x97: {  	[tilespmem:$0x20] =	vst @!p1 v1;
	v1 =	vadd.s32 @!p1 $0x186A0, v4  }
0x98: {  	[tilespmem:$0x30] =	vst @!p1 v1;
	v1 =	vadd.s32 @!p1 $0x186A0, v5  }
0x99: {  	[tilespmem:$0x40] =	vst @!p1 v1;
	v1 =	vadd.s32 @!p1 $0x186A0, v6  }
0x9a: {  	[tilespmem:$0x50] =	vst @!p1 v1;
	v1 =	vadd.s32 @!p1 $0x186A0, v2  }
0x9b: {  	[tilespmem:$0x60] =	vst @!p1 v1;
	v1 =	vadd.s32 @!p1 $0x186A0, v3  }
0x9c: {  	s25 =	simm.s32 @!p1 $0x100;
	[tilespmem:$0x70] =	vst @!p1 v1  }
0x9d: {  	[tilespmem:s25], [sflag:$0x1] =	stream.indirect.gather @!p1 [hbm4b:s4+s24], $0x20, s22, s24, $0xb8;
	[tilespmem:$0x1A900] =	vst v63  }
0x9e: {  	s22 =	simm.s32 @!p1 $0x1  }
0x9f: {  	_ =	swait.ge @!p1 [sflag:s22], $0x1000  }
0xa0: {  	[sflag:s22] =	ssyncset.done @!p1 $0x0  }
0xa1: {  	[sflag:s22] =	ssyncadd.s32 @!p1 $0xFFFFF000  }
0xa2: {  	[spmem:s1] =	stream.indirect.scatter.add.f32 @!p1 [tilespmem:s25], [sflag:$0x2], $0x20, s24, s24, $0xb8;
	[tilespmem:$0x1A900] =	vst v63  }
0xa3: {  	_ =	swait.ge @!p1 [sflag:s23], $0x1000  }
0xa4: {  	[sflag:s23] =	ssyncset.done @!p1 $0x0  }
0xa5: {  	s29 =	sshll.u32 s2, $0x6;
	[sflag:s23] =	ssyncadd.s32 @!p1 $0xFFFFF000  }
0xa6: {  	s30 =	sshrl.u32 s8, $0x3;
	s22 =	sor.u32 $0x1C02, s29;
	[bflag:$0x0] =	sbarrier.arrive $0xFFFF  }
0xa7: {  	[hbm:s10], [sflag:s22] =	dma.local [spmem:s30], $0x30E0  }
0xa8: {  	_ =	swait.ge [sflag:s17], $0x30E0  }
0xa9: {  	[sflag:s17] =	ssyncset.done $0x0  }
0xaa: {  	s31 =	sadd.s32 $0x0, s13;
	[sflag:s17] =	ssyncadd.s32 $0xFFFFCF20  }
0xab: {  	[spmem:s31] =	stream.linear.scatter [tilespmem:s16], [sflag:$0x2], $0x1100, $0x38;
	[tilespmem:$0x1A900] =	vst v63  }
0xac: {  	s23 =	simm.s32 $0x4400;
	_ =	swait.ge [sflag:s17], $0x1100  }
.LBB2_20:
0xad: {  	s24 =	sshra.s32 s23, $0x2;
	[sflag:s17] =	ssyncset.done $0x0;
	p2 =	sne.s32 s23, $0x5D800  }
.Ltmp6:
0xae: {  	s24 =	sadd.s32 s24, s13;
	[sflag:s17] =	ssyncadd.s32 $0xFFFFEF00;
	(pc) =	sbr.rel @p2 .LBB2_20-.Ltmp6, $3  }
0xaf: {  	[spmem:s24] =	stream.linear.scatter [tilespmem:s16], [sflag:$0x2], $0x1100, $0x38;
	[tilespmem:$0x1A900] =	vst v63  }
0xb0: {  	s23 =	sadd.s32 $0x4400, s23;
	_ =	sdelay $0x1  }
0xb1: {  	_ =	swait.ge [sflag:s17], $0x1100  }
0xb2: {  	[sflag:s17] =	ssyncset.done $0x0  }
0xb3: {  	[sflag:s17] =	ssyncadd.s32 $0xFFFFEF00  }
0xb4: {  	s23 =	sadd.s32 $0x0, s14;
	[bflag:$0x0] =	sbarrier.arrive $0xFFFF  }
0xb5: {  	[tilespmem:s3], [sflag:$0x2] =	stream.linear.gather [hbm4b:s23+s3], $0x80, $0x38;
	[tilespmem:$0x1A900] =	vst v63  }
0xb6: {  	_ =	swait.ge [sflag:s17], $0x80  }
0xb7: {  	[sflag:s17] =	ssyncset.done $0x0  }
0xb8: {  	s31 =	sadd.s32 $0x0, s15;
	[sflag:s17] =	ssyncadd.s32 $0xFFFFFF80  }
0xb9: {  	[tilespmem:s18], [sflag:$0x2] =	stream.linear.gather [hbm4b:s31+s3], $0x80, $0x38;
	[tilespmem:$0x1A900] =	vst v63  }
0xba: {  	_ =	swait.ge [sflag:s17], $0x80  }
0xbb: {  	[sflag:s17] =	ssyncset.done $0x0  }
0xbc: {  	[sflag:s17] =	ssyncadd.s32 $0xFFFFFF80  }
0xbd: {  	v1 =	vld [tilespmem:$0x70]  }
0xbe: {  	v2 =	vld [tilespmem:$0x30]  }
0xbf: {  	v3 =	vld [tilespmem:$0x50]  }
0xc0: {  	v5 =	vld [tilespmem:$0x20]  }
0xc1: {  	v4 =	vld [tilespmem:$0x60]  }
0xc2: {  	v6 =	vld [tilespmem:$0x10];
	v1 =	vadd.s32 $0x249F0, v1  }
0xc3: {  	v7 =	vld [tilespmem:$0x40];
	v2 =	vadd.s32 $0x249F0, v2;
	[tilespmem:$0x70] =	vst v1  }
0xc4: {  	v1 =	vld [tilespmem:$0x0];
	[tilespmem:$0x30] =	vst v2;
	v2 =	vadd.s32 $0x249F0, v3  }
0xc5: {  	v3 =	vadd.s32 $0x249F0, v5;
	[tilespmem:$0x50] =	vst v2  }
0xc6: {  	v2 =	vadd.s32 $0x249F0, v4;
	[tilespmem:$0x20] =	vst v3  }
0xc7: {  	[tilespmem:$0x60] =	vst v2;
	v2 =	vadd.s32 $0x249F0, v6  }
0xc8: {  	[tilespmem:$0x10] =	vst v2;
	v2 =	vadd.s32 $0x249F0, v7  }
0xc9: {  	[tilespmem:$0x40] =	vst v2;
	v1 =	vadd.s32 $0x249F0, v1  }
0xca: {  	s23 =	simm.s32 $0x100;
	[tilespmem:$0x0] =	vst v1  }
.LBB2_22:
0xcb: {  	[tilespmem:s19], [sflag:$0x1] =	stream.indirect.gather [hbm4b:s4+s18], $0x20, s3, s18, $0xb8;
	[tilespmem:$0x1A900] =	vst v63  }
0xcc: {  	s24 =	smov.u32 s23  }
0xcd: {  	p2 =	sne.s32 s23, $0x18500;
	s23 =	sadd.s32 $0x100, s23;
	_ =	swait.ge [sflag:s20], $0x1000  }
0xce: {  	[sflag:s20] =	ssyncset.done $0x0  }
0xcf: {  	[sflag:s20] =	ssyncadd.s32 $0xFFFFF000  }
0xd0: {  	[spmem:s1] =	stream.indirect.scatter.add.f32 [tilespmem:s19], [sflag:$0x2], $0x20, s18, s18, $0xb8;
	[tilespmem:$0x1A900] =	vst v63  }
0xd1: {  	_ =	swait.ge [sflag:s17], $0x1000  }
0xd2: {  	[sflag:s17] =	ssyncset.done $0x0  }
0xd3: {  	s25 =	sadd.s32 s24, s14;
	[sflag:s17] =	ssyncadd.s32 $0xFFFFF000  }
0xd4: {  	[tilespmem:s3], [sflag:$0x2] =	stream.linear.gather [hbm4b:s25+s3], $0x80, $0x38;
	[tilespmem:$0x1A900] =	vst v63  }
0xd5: {  	_ =	swait.ge [sflag:s17], $0x80  }
0xd6: {  	[sflag:s17] =	ssyncset.done $0x0  }
0xd7: {  	s24 =	sadd.s32 s24, s15;
	[sflag:s17] =	ssyncadd.s32 $0xFFFFFF80  }
0xd8: {  	[tilespmem:s18], [sflag:$0x2] =	stream.linear.gather [hbm4b:s24+s3], $0x80, $0x38;
	[tilespmem:$0x1A900] =	vst v63  }
0xd9: {  	_ =	swait.ge [sflag:s17], $0x80  }
0xda: {  	[sflag:s17] =	ssyncset.done $0x0  }
0xdb: {  	[sflag:s17] =	ssyncadd.s32 $0xFFFFFF80  }
0xdc: {  	v1 =	vld [tilespmem:$0x70]  }
0xdd: {  	v2 =	vld [tilespmem:$0x30]  }
0xde: {  	v3 =	vld [tilespmem:$0x50]  }
0xdf: {  	v4 =	vld [tilespmem:$0x60]  }
0xe0: {  	v5 =	vld [tilespmem:$0x20]  }
0xe1: {  	v6 =	vld [tilespmem:$0x10];
	v1 =	vadd.s32 $0x249F0, v1  }
0xe2: {  	v2 =	vadd.s32 $0x249F0, v2;
	v7 =	vld [tilespmem:$0x40];
	[tilespmem:$0x70] =	vst v1  }
0xe3: {  	v1 =	vld [tilespmem:$0x0];
	[tilespmem:$0x30] =	vst v2;
	v2 =	vadd.s32 $0x249F0, v3  }
0xe4: {  	[tilespmem:$0x50] =	vst v2;
	v2 =	vadd.s32 $0x249F0, v4  }
.Ltmp7:
0xe5: {  	v3 =	vadd.s32 $0x249F0, v5;
	[tilespmem:$0x60] =	vst v2;
	(pc) =	sbr.rel @p2 .LBB2_22-.Ltmp7, $4  }
0xe6: {  	v2 =	vadd.s32 $0x249F0, v6;
	[tilespmem:$0x20] =	vst v3  }
0xe7: {  	[tilespmem:$0x10] =	vst v2;
	v2 =	vadd.s32 $0x249F0, v7  }
0xe8: {  	v1 =	vadd.s32 $0x249F0, v1;
	[tilespmem:$0x40] =	vst v2  }
0xe9: {  	[tilespmem:$0x0] =	vst v1  }
0xea: {  	[tilespmem:s19], [sflag:$0x1] =	stream.indirect.gather [hbm4b:s4+s18], $0x20, s3, s18, $0xb8;
	[tilespmem:$0x1A900] =	vst v63  }
0xeb: {  	_ =	swait.ge [sflag:s20], $0x1000  }
0xec: {  	[sflag:s20] =	ssyncset.done $0x0  }
.Ltmp8:
0xed: {  	[sflag:s20] =	ssyncadd.s32 $0xFFFFF000;
	(pc) =	sbr.rel @!p1 .LBB2_25-.Ltmp8, $4  }
0xee: {  	[spmem:s1] =	stream.indirect.scatter.add.f32 [tilespmem:s19], [sflag:$0x2], $0x20, s18, s18, $0xb8;
	[tilespmem:$0x1A900] =	vst v63  }
0xef: {  	_ =	swait.ge [sflag:s17], $0x1000  }
0xf0: {  	[sflag:s17] =	ssyncset.done $0x0  }
0xf1: {  	[sflag:s17] =	ssyncadd.s32 $0xFFFFF000  }
.Ltmp9:
0xf2: {  	(pc) =	sbr.rel .LBB2_27-.Ltmp9, $2  }
0xf3: {  	_ =	sdelay $0x2  }
0xf4: {  	s23 =	smov.u32 s11  }
.LBB2_4:
0xf5: {  	[spmem:s23] =	stream.linear.scatter [tilespmem:s16], [sflag:$0x2], $0x1100, $0x38;
	[tilespmem:$0x1A900] =	vst v63  }
0xf6: {  	s22 =	sadd.s32 $0x4400, s22;
	_ =	swait.ge [sflag:s17], $0x1100  }
.LBB2_5:
0xf7: {  	s23 =	sshra.s32 s22, $0x2;
	[sflag:s17] =	ssyncset.done $0x0;
	p2 =	sne.s32 s22, $0x5D800  }
.Ltmp10:
0xf8: {  	s23 =	sadd.s32 s23, s13;
	[sflag:s17] =	ssyncadd.s32 $0xFFFFEF00;
	(pc) =	sbr.rel @p2 .LBB2_5-.Ltmp10, $3  }
0xf9: {  	[spmem:s23] =	stream.linear.scatter [tilespmem:s16], [sflag:$0x2], $0x1100, $0x38;
	[tilespmem:$0x1A900] =	vst v63  }
0xfa: {  	s22 =	sadd.s32 $0x4400, s22;
	_ =	sdelay $0x1  }
0xfb: {  	_ =	swait.ge [sflag:s17], $0x1100  }
0xfc: {  	[sflag:s17] =	ssyncset.done $0x0  }
0xfd: {  	[sflag:s17] =	ssyncadd.s32 $0xFFFFEF00  }
0xfe: {  	s22 =	sadd.s32 $0x0, s14;
	[bflag:$0x0] =	sbarrier.arrive $0xFFFF  }
0xff: {  	[tilespmem:s3], [sflag:$0x2] =	stream.linear.gather [hbm4b:s22+s3], $0x80, $0x38;
	[tilespmem:$0x1A900] =	vst v63  }
0x100: {  	_ =	swait.ge [sflag:s17], $0x80  }
0x101: {  	[sflag:s17] =	ssyncset.done $0x0  }
0x102: {  	s31 =	sadd.s32 $0x0, s15;
	[sflag:s17] =	ssyncadd.s32 $0xFFFFFF80  }
0x103: {  	[tilespmem:s18], [sflag:$0x2] =	stream.linear.gather [hbm4b:s31+s3], $0x80, $0x38;
	[tilespmem:$0x1A900] =	vst v63  }
0x104: {  	_ =	swait.ge [sflag:s17], $0x80  }
0x105: {  	[sflag:s17] =	ssyncset.done $0x0  }
0x106: {  	[sflag:s17] =	ssyncadd.s32 $0xFFFFFF80  }
0x107: {  	[tilespmem:s19], [sflag:$0x1] =	stream.indirect.gather [hbm4b:s4+s18], $0x20, s3, s18, $0xb8;
	[tilespmem:$0x1A900] =	vst v63  }
0x108: {  	_ =	swait.ge [sflag:s20], $0x1000  }
0x109: {  	[sflag:s20] =	ssyncset.done $0x0  }
0x10a: {  	[sflag:s20] =	ssyncadd.s32 $0xFFFFF000  }
0x10b: {  	[spmem:s1] =	stream.indirect.scatter.add.f32 [tilespmem:s19], [sflag:$0x2], $0x20, s18, s18, $0xb8;
	[tilespmem:$0x1A900] =	vst v63  }
0x10c: {  	_ =	swait.ge [sflag:s17], $0x1000  }
0x10d: {  	s23 =	simm.s32 $0x200;
	s22 =	simm.s32 $0x100;
	[sflag:s17] =	ssyncset.done $0x0  }
.LBB2_7:
0x10e: {  	s24 =	sadd.s32 s22, s14  }
0x10f: {  	[sflag:s17] =	ssyncadd.s32 $0xFFFFF000;
	s25 =	smov.u32 s23;
	s26 =	sadd.s32 $0x100, s23  }
0x110: {  	[tilespmem:s3], [sflag:$0x2] =	stream.linear.gather [hbm4b:s24+s3], $0x80, $0x38;
	[tilespmem:$0x1A900] =	vst v63  }
0x111: {  	p2 =	sne.s32 s23, $0x18500;
	_ =	swait.ge [sflag:s17], $0x80  }
0x112: {  	[sflag:s17] =	ssyncset.done $0x0  }
0x113: {  	s23 =	sadd.s32 s22, s15;
	s22 =	smov.u32 s25;
	[sflag:s17] =	ssyncadd.s32 $0xFFFFFF80  }
0x114: {  	[tilespmem:s18], [sflag:$0x2] =	stream.linear.gather [hbm4b:s23+s3], $0x80, $0x38;
	[tilespmem:$0x1A900] =	vst v63  }
0x115: {  	_ =	swait.ge [sflag:s17], $0x80  }
0x116: {  	[sflag:s17] =	ssyncset.done $0x0  }
0x117: {  	[sflag:s17] =	ssyncadd.s32 $0xFFFFFF80  }
0x118: {  	[tilespmem:s19], [sflag:$0x1] =	stream.indirect.gather [hbm4b:s4+s18], $0x20, s3, s18, $0xb8;
	[tilespmem:$0x1A900] =	vst v63  }
0x119: {  	_ =	swait.ge [sflag:s20], $0x1000  }
.Ltmp11:
0x11a: {  	[sflag:s20] =	ssyncset.done $0x0;
	(pc) =	sbr.rel @p2 .LBB2_7-.Ltmp11, $4  }
0x11b: {  	[sflag:s20] =	ssyncadd.s32 $0xFFFFF000  }
0x11c: {  	[spmem:s1] =	stream.indirect.scatter.add.f32 [tilespmem:s19], [sflag:$0x2], $0x20, s18, s18, $0xb8;
	[tilespmem:$0x1A900] =	vst v63  }
0x11d: {  	_ =	swait.ge [sflag:s17], $0x1000  }
0x11e: {  	s23 =	smov.u32 s26;
	[sflag:s17] =	ssyncset.done $0x0  }
0x11f: {  	s23 =	sadd.s32 s22, s14;
	[sflag:s17] =	ssyncadd.s32 $0xFFFFF000  }
0x120: {  	[tilespmem:s3], [sflag:$0x2] =	stream.linear.gather [hbm4b:s23+s3], $0x80, $0x38;
	[tilespmem:$0x1A900] =	vst v63  }
0x121: {  	_ =	swait.ge [sflag:s17], $0x80  }
0x122: {  	[sflag:s17] =	ssyncset.done $0x0  }
0x123: {  	s28 =	sadd.s32 s22, s15;
	[sflag:s17] =	ssyncadd.s32 $0xFFFFFF80  }
0x124: {  	[tilespmem:s18], [sflag:$0x2] =	stream.linear.gather [hbm4b:s28+s3], $0x80, $0x38;
	[tilespmem:$0x1A900] =	vst v63  }
0x125: {  	_ =	swait.ge [sflag:s17], $0x80  }
0x126: {  	[sflag:s17] =	ssyncset.done $0x0  }
0x127: {  	[sflag:s17] =	ssyncadd.s32 $0xFFFFFF80  }
0x128: {  	[tilespmem:s19], [sflag:$0x1] =	stream.indirect.gather [hbm4b:s4+s18], $0x20, s3, s18, $0xb8;
	[tilespmem:$0x1A900] =	vst v63  }
0x129: {  	_ =	swait.ge [sflag:s20], $0x1000  }
0x12a: {  	[sflag:s20] =	ssyncset.done $0x0  }
0x12b: {  	[sflag:s20] =	ssyncadd.s32 $0xFFFFF000  }
0x12c: {  	[spmem:s1] =	stream.indirect.scatter.add.f32 [tilespmem:s19], [sflag:$0x2], $0x20, s18, s18, $0xb8;
	[tilespmem:$0x1A900] =	vst v63  }
0x12d: {  	_ =	swait.ge [sflag:s17], $0x1000  }
0x12e: {  	[sflag:s17] =	ssyncset.done $0x0  }
0x12f: {  	s22 =	simm.s32 @!p1 $0x0;
	s23 =	simm.s32 @!p1 $0x2;
	[sflag:s17] =	ssyncadd.s32 $0xFFFFF000  }
0x130: {  	[tilespmem:s22], [sflag:$0x2] =	stream.linear.gather @!p1 [hbm4b:s5+s22], $0x80, $0x38;
	[tilespmem:$0x1A900] =	vst v63  }
0x131: {  	_ =	swait.ge @!p1 [sflag:s23], $0x80  }
0x132: {  	[sflag:s23] =	ssyncset.done @!p1 $0x0  }
0x133: {  	s24 =	simm.s32 @!p1 $0x80;
	[sflag:s23] =	ssyncadd.s32 @!p1 $0xFFFFFF80  }
0x134: {  	[tilespmem:s24], [sflag:$0x2] =	stream.linear.gather @!p1 [hbm4b:s6+s22], $0x80, $0x38;
	[tilespmem:$0x1A900] =	vst v63  }
0x135: {  	_ =	swait.ge @!p1 [sflag:s23], $0x80  }
0x136: {  	[sflag:s23] =	ssyncset.done @!p1 $0x0  }
0x137: {  	s25 =	simm.s32 @!p1 $0x100;
	[sflag:s23] =	ssyncadd.s32 @!p1 $0xFFFFFF80  }
0x138: {  	[tilespmem:s25], [sflag:$0x1] =	stream.indirect.gather @!p1 [hbm4b:s4+s24], $0x20, s22, s24, $0xb8;
	[tilespmem:$0x1A900] =	vst v63  }
0x139: {  	s22 =	simm.s32 @!p1 $0x1  }
0x13a: {  	_ =	swait.ge @!p1 [sflag:s22], $0x1000  }
0x13b: {  	[sflag:s22] =	ssyncset.done @!p1 $0x0  }
0x13c: {  	[sflag:s22] =	ssyncadd.s32 @!p1 $0xFFFFF000  }
0x13d: {  	[spmem:s1] =	stream.indirect.scatter.add.f32 @!p1 [tilespmem:s25], [sflag:$0x2], $0x20, s24, s24, $0xb8;
	[tilespmem:$0x1A900] =	vst v63  }
0x13e: {  	_ =	swait.ge @!p1 [sflag:s23], $0x1000  }
0x13f: {  	[sflag:s23] =	ssyncset.done @!p1 $0x0  }
0x140: {  	s29 =	sshll.u32 s2, $0x6;
	[sflag:s23] =	ssyncadd.s32 @!p1 $0xFFFFF000  }
0x141: {  	s30 =	sshrl.u32 s8, $0x3;
	s22 =	sor.u32 $0x1C02, s29;
	[bflag:$0x0] =	sbarrier.arrive $0xFFFF  }
0x142: {  	[hbm:s7], [sflag:s22] =	dma.local [spmem:s30], $0x30E0  }
0x143: {  	_ =	swait.ge [sflag:s17], $0x30E0  }
0x144: {  	[sflag:s17] =	ssyncset.done $0x0  }
0x145: {  	s31 =	sadd.s32 $0x0, s13;
	[sflag:s17] =	ssyncadd.s32 $0xFFFFCF20  }
0x146: {  	[spmem:s31] =	stream.linear.scatter [tilespmem:s16], [sflag:$0x2], $0x1100, $0x38;
	[tilespmem:$0x1A900] =	vst v63  }
0x147: {  	s23 =	simm.s32 $0x4400;
	_ =	swait.ge [sflag:s17], $0x1100  }
.LBB2_9:
0x148: {  	s24 =	sshra.s32 s23, $0x2;
	[sflag:s17] =	ssyncset.done $0x0;
	p2 =	sne.s32 s23, $0x5D800  }
.Ltmp12:
0x149: {  	s24 =	sadd.s32 s24, s13;
	[sflag:s17] =	ssyncadd.s32 $0xFFFFEF00;
	(pc) =	sbr.rel @p2 .LBB2_9-.Ltmp12, $3  }
0x14a: {  	[spmem:s24] =	stream.linear.scatter [tilespmem:s16], [sflag:$0x2], $0x1100, $0x38;
	[tilespmem:$0x1A900] =	vst v63  }
0x14b: {  	s23 =	sadd.s32 $0x4400, s23;
	_ =	sdelay $0x1  }
0x14c: {  	_ =	swait.ge [sflag:s17], $0x1100  }
0x14d: {  	[sflag:s17] =	ssyncset.done $0x0  }
0x14e: {  	[sflag:s17] =	ssyncadd.s32 $0xFFFFEF00  }
0x14f: {  	s23 =	sadd.s32 $0x0, s14;
	[bflag:$0x0] =	sbarrier.arrive $0xFFFF  }
0x150: {  	[tilespmem:s3], [sflag:$0x2] =	stream.linear.gather [hbm4b:s23+s3], $0x80, $0x38;
	[tilespmem:$0x1A900] =	vst v63  }
0x151: {  	_ =	swait.ge [sflag:s17], $0x80  }
0x152: {  	[sflag:s17] =	ssyncset.done $0x0  }
0x153: {  	s31 =	sadd.s32 $0x0, s15;
	[sflag:s17] =	ssyncadd.s32 $0xFFFFFF80  }
0x154: {  	[tilespmem:s18], [sflag:$0x2] =	stream.linear.gather [hbm4b:s31+s3], $0x80, $0x38;
	[tilespmem:$0x1A900] =	vst v63  }
0x155: {  	_ =	swait.ge [sflag:s17], $0x80  }
0x156: {  	[sflag:s17] =	ssyncset.done $0x0  }
0x157: {  	[sflag:s17] =	ssyncadd.s32 $0xFFFFFF80  }
0x158: {  	v1 =	vld [tilespmem:$0x70]  }
0x159: {  	v2 =	vld [tilespmem:$0x30]  }
0x15a: {  	v3 =	vld [tilespmem:$0x50]  }
0x15b: {  	v5 =	vld [tilespmem:$0x20]  }
0x15c: {  	v4 =	vld [tilespmem:$0x60]  }
0x15d: {  	v6 =	vld [tilespmem:$0x10];
	v1 =	vadd.s32 $0xC350, v1  }
0x15e: {  	v7 =	vld [tilespmem:$0x40];
	v2 =	vadd.s32 $0xC350, v2;
	[tilespmem:$0x70] =	vst v1  }
0x15f: {  	v1 =	vld [tilespmem:$0x0];
	[tilespmem:$0x30] =	vst v2;
	v2 =	vadd.s32 $0xC350, v3  }
0x160: {  	v3 =	vadd.s32 $0xC350, v5;
	[tilespmem:$0x50] =	vst v2  }
0x161: {  	v2 =	vadd.s32 $0xC350, v4;
	[tilespmem:$0x20] =	vst v3  }
0x162: {  	[tilespmem:$0x60] =	vst v2;
	v2 =	vadd.s32 $0xC350, v6  }
0x163: {  	[tilespmem:$0x10] =	vst v2;
	v2 =	vadd.s32 $0xC350, v7  }
0x164: {  	[tilespmem:$0x40] =	vst v2;
	v1 =	vadd.s32 $0xC350, v1  }
0x165: {  	s23 =	simm.s32 $0x100;
	[tilespmem:$0x0] =	vst v1  }
.LBB2_11:
0x166: {  	[tilespmem:s19], [sflag:$0x1] =	stream.indirect.gather [hbm4b:s4+s18], $0x20, s3, s18, $0xb8;
	[tilespmem:$0x1A900] =	vst v63  }
0x167: {  	s24 =	smov.u32 s23  }
0x168: {  	p2 =	sne.s32 s23, $0x18500;
	s23 =	sadd.s32 $0x100, s23;
	_ =	swait.ge [sflag:s20], $0x1000  }
0x169: {  	[sflag:s20] =	ssyncset.done $0x0  }
0x16a: {  	[sflag:s20] =	ssyncadd.s32 $0xFFFFF000  }
0x16b: {  	[spmem:s1] =	stream.indirect.scatter.add.f32 [tilespmem:s19], [sflag:$0x2], $0x20, s18, s18, $0xb8;
	[tilespmem:$0x1A900] =	vst v63  }
0x16c: {  	_ =	swait.ge [sflag:s17], $0x1000  }
0x16d: {  	[sflag:s17] =	ssyncset.done $0x0  }
0x16e: {  	s25 =	sadd.s32 s24, s14;
	[sflag:s17] =	ssyncadd.s32 $0xFFFFF000  }
0x16f: {  	[tilespmem:s3], [sflag:$0x2] =	stream.linear.gather [hbm4b:s25+s3], $0x80, $0x38;
	[tilespmem:$0x1A900] =	vst v63  }
0x170: {  	_ =	swait.ge [sflag:s17], $0x80  }
0x171: {  	[sflag:s17] =	ssyncset.done $0x0  }
0x172: {  	s24 =	sadd.s32 s24, s15;
	[sflag:s17] =	ssyncadd.s32 $0xFFFFFF80  }
0x173: {  	[tilespmem:s18], [sflag:$0x2] =	stream.linear.gather [hbm4b:s24+s3], $0x80, $0x38;
	[tilespmem:$0x1A900] =	vst v63  }
0x174: {  	_ =	swait.ge [sflag:s17], $0x80  }
0x175: {  	[sflag:s17] =	ssyncset.done $0x0  }
0x176: {  	[sflag:s17] =	ssyncadd.s32 $0xFFFFFF80  }
0x177: {  	v1 =	vld [tilespmem:$0x70]  }
0x178: {  	v2 =	vld [tilespmem:$0x30]  }
0x179: {  	v3 =	vld [tilespmem:$0x50]  }
0x17a: {  	v4 =	vld [tilespmem:$0x60]  }
0x17b: {  	v5 =	vld [tilespmem:$0x20]  }
0x17c: {  	v6 =	vld [tilespmem:$0x10];
	v1 =	vadd.s32 $0xC350, v1  }
0x17d: {  	v2 =	vadd.s32 $0xC350, v2;
	v7 =	vld [tilespmem:$0x40];
	[tilespmem:$0x70] =	vst v1  }
0x17e: {  	v1 =	vld [tilespmem:$0x0];
	[tilespmem:$0x30] =	vst v2;
	v2 =	vadd.s32 $0xC350, v3  }
0x17f: {  	[tilespmem:$0x50] =	vst v2;
	v2 =	vadd.s32 $0xC350, v4  }
.Ltmp13:
0x180: {  	v3 =	vadd.s32 $0xC350, v5;
	[tilespmem:$0x60] =	vst v2;
	(pc) =	sbr.rel @p2 .LBB2_11-.Ltmp13, $4  }
0x181: {  	v2 =	vadd.s32 $0xC350, v6;
	[tilespmem:$0x20] =	vst v3  }
0x182: {  	[tilespmem:$0x10] =	vst v2;
	v2 =	vadd.s32 $0xC350, v7  }
0x183: {  	v1 =	vadd.s32 $0xC350, v1;
	[tilespmem:$0x40] =	vst v2  }
0x184: {  	[tilespmem:$0x0] =	vst v1  }
0x185: {  	[tilespmem:s19], [sflag:$0x1] =	stream.indirect.gather [hbm4b:s4+s18], $0x20, s3, s18, $0xb8;
	[tilespmem:$0x1A900] =	vst v63  }
0x186: {  	_ =	swait.ge [sflag:s20], $0x1000  }
0x187: {  	[sflag:s20] =	ssyncset.done $0x0  }
.Ltmp14:
0x188: {  	[sflag:s20] =	ssyncadd.s32 $0xFFFFF000;
	(pc) =	sbr.rel @p1 .LBB2_13-.Ltmp14, $4  }
0x189: {  	[spmem:s1] =	stream.indirect.scatter.add.f32 [tilespmem:s19], [sflag:$0x2], $0x20, s18, s18, $0xb8;
	[tilespmem:$0x1A900] =	vst v63  }
0x18a: {  	_ =	swait.ge [sflag:s17], $0x1000  }
0x18b: {  	[sflag:s17] =	ssyncset.done $0x0  }
0x18c: {  	[sflag:s17] =	ssyncadd.s32 $0xFFFFF000  }
0x18d: {  	[tilespmem:s3], [sflag:$0x2] =	stream.linear.gather [hbm4b:s5+s3], $0x80, $0x38;
	[tilespmem:$0x1A900] =	vst v63  }
0x18e: {  	_ =	swait.ge [sflag:s17], $0x80  }
0x18f: {  	[sflag:s17] =	ssyncset.done $0x0  }
0x190: {  	[sflag:s17] =	ssyncadd.s32 $0xFFFFFF80  }
0x191: {  	[tilespmem:s18], [sflag:$0x2] =	stream.linear.gather [hbm4b:s6+s3], $0x80, $0x38;
	[tilespmem:$0x1A900] =	vst v63  }
0x192: {  	_ =	swait.ge [sflag:s17], $0x80  }
0x193: {  	[sflag:s17] =	ssyncset.done $0x0  }
0x194: {  	[sflag:s17] =	ssyncadd.s32 $0xFFFFFF80  }
0x195: {  	v1 =	vld [tilespmem:$0x0]  }
0x196: {  	v2 =	vld [tilespmem:$0x10]  }
0x197: {  	v3 =	vld [tilespmem:$0x20]  }
0x198: {  	v4 =	vld [tilespmem:$0x30]  }
0x199: {  	v5 =	vld [tilespmem:$0x40]  }
0x19a: {  	v6 =	vld [tilespmem:$0x50];
	v1 =	vadd.s32 $0xC350, v1  }
0x19b: {  	[tilespmem:$0x0] =	vst v1;
	v1 =	vadd.s32 $0xC350, v2;
	v2 =	vld [tilespmem:$0x60]  }
0x19c: {  	[tilespmem:$0x10] =	vst v1;
	v1 =	vadd.s32 $0xC350, v3;
	v3 =	vld [tilespmem:$0x70]  }
.Ltmp15:
0x19d: {  	[tilespmem:$0x20] =	vst v1;
	v1 =	vadd.s32 $0xC350, v4;
	(pc) =	sbr.rel .LBB2_26-.Ltmp15, $4  }
0x19e: {  	[tilespmem:$0x30] =	vst v1;
	v1 =	vadd.s32 $0xC350, v5  }
0x19f: {  	[tilespmem:$0x40] =	vst v1;
	v1 =	vadd.s32 $0xC350, v6  }
0x1a0: {  	[tilespmem:$0x50] =	vst v1;
	v1 =	vadd.s32 $0xC350, v2  }
0x1a1: {  	s23 =	smov.u32 s9;
	[tilespmem:$0x60] =	vst v1;
	v1 =	vadd.s32 $0xC350, v3  }
.LBB2_13:
.Ltmp16:
0x1a2: {  	(pc) =	sbr.rel .LBB2_27-.Ltmp16, $2  }
0x1a3: {  	_ =	sdelay $0x2  }
0x1a4: {  	s23 =	smov.u32 s9  }
.LBB2_28:
0x1a5: {  	_ =	sfence.sel $0x180000  }
0x1a6: {  	[bflag:$0x0] =	sbarrier.arrive $0xFFFF  }
0x1a7: {  	p0 =	sne.s32 s2, $0x0;
	_ =	strace $0x9000004A  }
0x1a8: {  	s0 =	sadd.s32 @!p0 $0x100000, s0;
	[bflag:$0x2] =	sbarrier.arrive $0xFFFF  }
0x1a9: {  	[sflag:s0] =	ssyncadd.tile.s32 @!p0 $0x1;
	_ =	shalt  }
.Lfunc_end2:
_tile_overlayer_lowered:
.L_overlay_start_2:
0x1aa: {  	(tag) =	ssettag $0x2  }
0x1ab: {  	s0 =	rddreg [dreg:$0x0];
	s2 =	stileid.u32  }
0x1ac: {  	s1 =	rddreg [dreg:$0x1];
	p0 =	sne.s32 s2, $0x0  }
0x1ad: {  	s3 =	rddreg [dreg:$0x2];
	[bflag:$0x3] =	sbarrier.arrive $0xFFFF;
	s2 =	simm.s32 @!p0 $0x1C02  }
0x1ae: {  	[timem:s3], [sflag:s2] =	dma.local @!p0 [hbm:s0], s1  }
0x1af: {  	s0 =	simm.s32 @!p0 $0x2  }
0x1b0: {  	_ =	swait.ge @!p0 [sflag:s0], s1  }
0x1b1: {  	s1 =	ssub.s32 @!p0 $0x0, s1;
	[sflag:s0] =	ssyncset.done @!p0 $0x0  }
0x1b2: {  	[sflag:s0] =	ssyncadd.s32 @!p0 s1  }
0x1b3: {  	[bflag:$0x3] =	sbarrier.arrive $0xFFFF  }
0x1b4: {  	_ =	shalt  }

// kernel: kernel.18.cloned.1.call-start
scs
__scs_entry_jumppad:
0x0: {  	(pc) =	sbr.rel $0x88, $3  }
0x1: {  	(tag) =	ssettag $0x0;
	lr =	simm.s32 $0x1  }
0x2: {  	[smem:$0x3F86] =	sst lr;
	_ =	strace $0xD0000000  }
0x3: {  	_ = 	snop  }
0x4: {  	_ = 	snop  }
0x5: {  	_ = 	snop  }
0x6: {  	_ = 	snop  }
0x7: {  	_ = 	snop  }
__scs_overlays_trampoline_lowered:
0x8: {  	[smem:$0x3F95] =	sst s0  }
0x9: {  	[smem:$0x3F96] =	sst s1  }
0xa: {  	[smem:$0x3F97] =	sst s2  }
0xb: {  	[smem:$0x3F98] =	sst s3  }
0xc: {  	[smem:$0x3F99] =	sst s4  }
0xd: {  	[smem:$0x3F9A] =	sst s5  }
0xe: {  	[smem:$0x3F9B] =	sst s6  }
0xf: {  	[smem:$0x3F9C] =	sst s7  }
0x10: {  	[smem:$0x3F9D] =	sst s8  }
0x11: {  	[smem:$0x3F9E] =	sst s9;
	s0 =	simm.s32 @!p0 $0x0  }
0x12: {  	s1 =	sld [smem:$0x3F84];
	s0 =	simm.s32 @p0 $0x1  }
0x13: {  	[smem:$0x3F9F] =	sst s0;
	s0 =	simm.s32 @!p1 $0x0  }
0x14: {  	s2 =	sld [smem:$0x3F83];
	s0 =	simm.s32 @p1 $0x1  }
0x15: {  	[smem:$0x3FA0] =	sst s0;
	s0 =	simm.s32 @!p2 $0x0  }
0x16: {  	s3 =	sld [smem:$0x3FDB];
	s0 =	simm.s32 @p2 $0x1  }
0x17: {  	s4 =	simm.s32 $0x1BF5;
	[smem:$0x3FA2] =	sst s0  }
0x18: {  	s0 =	sld [smem:$0x3F85];
	_ =	swait.ge [sflag:s4], $0x0  }
0x19: {  	s7 =	sld [smem:$0x3F86]  }
0x1a: {  	s8 =	sadd.s32 $0xFFFFE003, lr  }
0x1b: {  	s9 =	sadd.s32 $0xFFFFFEF7, lr;
	s5 =	simm.s32 $0xFFFFFFFF;
	p2 =	slt.u32 s8, $0xFFFFF086  }
0x1c: {  	p1 =	slt.u32 s9, $0xF7A;
	s5 =	simm.s32 @!p2 $0x0  }
0x1d: {  	s5 =	simm.s32 @p1 $0x1;
	p0 =	seq.s32 s7, s2  }
0x1e: {  	s7 =	smul.u32 @!p0 $0xF7A, s2;
	p2 =	seq.s32 @!p0 s5, $0x0  }
0x1f: {  	s9 =	smul.u32 $0xF7A, s1;
	s8 =	simm.s32 @!p0 $0x1BF5;
	p2 =	por !p2, p0  }
0x20: {  	[sflag:s8] =	ssyncset.s32 @!p0 $0xFFFFF086;
	s6 =	sadd.s32 @!p0 s3, s7;
	s7 =	simm.s32 @!p0 $0x108  }
0x21: {  	s3 =	sadd.s32 s3, s9;
	s6 =	sadd.s32 @!p0 $0x88, s6;
	s7 =	simm.s32 @p2 $0x1082  }
0x22: {  	[simem:s7], [sflag:s8] =	dma.local @!p0 [hbm:s6], $0xF7A  }
0x23: {  	s9 =	sor.u32 $0xD0000000, s2;
	s6 =	simm.s32 $0x108;
	_ =	swait.ge @!p0 [sflag:s8], $0x0  }
0x24: {  	s3 =	sadd.s32 $0x88, s3;
	s6 =	simm.s32 @!p1 $0x1082;
	[sflag:s4] =	ssyncset.s32 $0xFFFFF086  }
0x25: {  	[simem:s6], [sflag:s4] =	dma.local [hbm:s3], $0xF7A  }
0x26: {  	[smem:$0x3F86] =	sst s1;
	(tag) =	ssettag s2;
	_ =	strace s9  }
0x27: {  	s1 =	sld [smem:$0x3F96]  }
0x28: {  	s2 =	sld [smem:$0x3F97]  }
0x29: {  	s4 =	sld [smem:$0x3F99]  }
0x2a: {  	p0 =	seq.s32 s5, $0x0;
	s5 =	sld [smem:$0x3F9A]  }
0x2b: {  	s6 =	sld [smem:$0x3F9B]  }
0x2c: {  	s7 =	sld [smem:$0x3F9C]  }
0x2d: {  	s3 =	simm.s32 $0x108;
	s8 =	sld [smem:$0x3F9D]  }
0x2e: {  	s3 =	simm.s32 @!p0 $0x1082;
	s9 =	sld [smem:$0x3F9E]  }
0x2f: {  	lr =	sadd.s32 s0, s3;
	s0 =	sld [smem:$0x3F95]  }
0x30: {  	s3 =	sld [smem:$0x3F98]  }
0x31: {  	[smem:$0x3FA1] =	sst s10  }
0x32: {  	s10 =	sld [smem:$0x3F9F];
	_ =	sdelay $0x3  }
0x33: {  	p0 =	seq.s32 s10, $0x1;
	s10 =	sld [smem:$0x3FA1];
	_ =	sdelay $0x3  }
0x34: {  	[smem:$0x3FA1] =	sst s10  }
0x35: {  	s10 =	sld [smem:$0x3FA0];
	_ =	sdelay $0x3  }
0x36: {  	p1 =	seq.s32 s10, $0x1;
	s10 =	sld [smem:$0x3FA1];
	_ =	sdelay $0x3  }
0x37: {  	[smem:$0x3FA1] =	sst s10  }
0x38: {  	s10 =	sld [smem:$0x3FA2]  }
0x39: {  	_ = 	snop;
	(pc) =	sbr.ind lr, $3  }
0x3a: {  	_ = 	snop  }
0x3b: {  	_ = 	snop  }
0x3c: {  	p2 =	seq.s32 s10, $0x1;
	s10 =	sld [smem:$0x3FA1]  }
0x3d: {  	_ =	shalt  }
0x3e: {  	_ =	shalt  }
0x3f: {  	_ =	shalt  }
0x40: {  	_ =	shalt  }
0x41: {  	_ =	shalt  }
0x42: {  	_ =	shalt  }
0x43: {  	_ =	shalt  }
0x44: {  	_ =	shalt  }
0x45: {  	_ =	shalt  }
0x46: {  	_ =	shalt  }
0x47: {  	_ =	shalt  }
0x48: {  	_ =	shalt  }
0x49: {  	_ =	shalt  }
0x4a: {  	_ =	shalt  }
0x4b: {  	_ =	shalt  }
0x4c: {  	_ =	shalt  }
0x4d: {  	_ =	shalt  }
0x4e: {  	_ =	shalt  }
0x4f: {  	_ =	shalt  }
0x50: {  	_ =	shalt  }
0x51: {  	_ =	shalt  }
0x52: {  	_ =	shalt  }
0x53: {  	_ =	shalt  }
0x54: {  	_ =	shalt  }
0x55: {  	_ =	shalt  }
0x56: {  	_ =	shalt  }
0x57: {  	_ =	shalt  }
0x58: {  	_ =	shalt  }
0x59: {  	_ =	shalt  }
0x5a: {  	_ =	shalt  }
0x5b: {  	_ =	shalt  }
0x5c: {  	_ =	shalt  }
0x5d: {  	_ =	shalt  }
0x5e: {  	_ =	shalt  }
0x5f: {  	_ =	shalt  }
0x60: {  	_ =	shalt  }
0x61: {  	_ =	shalt  }
0x62: {  	_ =	shalt  }
0x63: {  	_ =	shalt  }
0x64: {  	_ =	shalt  }
0x65: {  	_ =	shalt  }
0x66: {  	_ =	shalt  }
0x67: {  	_ =	shalt  }
0x68: {  	_ =	shalt  }
0x69: {  	_ =	shalt  }
0x6a: {  	_ =	shalt  }
0x6b: {  	_ =	shalt  }
0x6c: {  	_ =	shalt  }
0x6d: {  	_ =	shalt  }
0x6e: {  	_ =	shalt  }
0x6f: {  	_ =	shalt  }
0x70: {  	_ =	shalt  }
0x71: {  	_ =	shalt  }
0x72: {  	_ =	shalt  }
0x73: {  	_ =	shalt  }
0x74: {  	_ =	shalt  }
0x75: {  	_ =	shalt  }
0x76: {  	_ =	shalt  }
0x77: {  	_ =	shalt  }
0x78: {  	_ =	shalt  }
0x79: {  	_ =	shalt  }
0x7a: {  	_ =	shalt  }
0x7b: {  	_ =	shalt  }
0x7c: {  	_ =	shalt  }
0x7d: {  	_ =	shalt  }
0x7e: {  	_ =	shalt  }
0x7f: {  	_ =	shalt  }
0x80: {  	_ =	shalt  }
0x81: {  	_ =	shalt  }
0x82: {  	_ =	shalt  }
0x83: {  	_ =	shalt  }
0x84: {  	_ =	shalt  }
0x85: {  	_ =	shalt  }
0x86: {  	_ =	shalt  }
0x87: {  	_ =	shalt  }
.Lfunc_end0:
.L_simem_size_0:
called_computation.2_lowered:
.L_overlay_start_0:
0x88: {  	s2 =	sld [smem:$0x3FD9]  }
0x89: {  	s3 =	sld [smem:$0x3FFE];
	_ =	sdelay $0x1  }
0x8a: {  	s1 =	srdreg.scid  }
0x8b: {  	s0 =	sand.u32 $0x1, s1  }
0x8c: {  	s16 =	sshll.u32 s0, $0xA;
	s2 =	sadd.s32 s3, s2  }
0x8d: {  	s2 =	sadd.s32 s2, s16  }
0x8e: {  	[smem:$0x3FAD] =	sst s2  }
0x8f: {  	_ = 	snop  }
0x90: {  	(tm) =	ssettm $0x1  }
0x91: {  	s17 =	sld [smem:$0x3FFB];
	_ =	sdelay $0x3  }
0x92: {  	_ =	strace s17  }
0x93: {  	s2 =	sld [smem:$0x3FFC];
	_ =	sdelay $0x3  }
0x94: {  	_ =	strace s2  }
0x95: {  	s2 =	sld [smem:$0x3FFD];
	_ =	sdelay $0x3  }
0x96: {  	_ =	strace s2  }
0x97: {  	_ =	strace $0x8FFFFFFF  }
0x98: {  	s18 =	sld [smem:$0x3FDB];
	_ =	sdelay $0x1  }
0x99: {  	s19 =	simm.s32 $_scs_section_size  }
0x9a: {  	s4 =	simm.s32 $_size__tile_overlayer_lowered;
	s5 =	simm.s32 $_tile_overlayer_lowered  }
0x9b: {  	s22 =	simm.s32 $0x1BFF;
	s21 =	sshll.u32 s5, $0x1;
	s2 =	sadd.s32 s19, s18  }
0x9c: {  	s6 =	simm.s32 $0x0;
	s20 =	sshll.u32 s4, $0x1;
	s4 =	sadd.s32 s21, s2  }
0x9d: {  	[timem:s6], [sflag:s22] =	dma.local [hbm:s4], s20  }
0x9e: {  	_ =	swait.ge [sflag:s22], s20  }
0x9f: {  	s3 =	ssub.s32 $0x0, s20;
	[sflag:s22] =	ssyncset.done $0x0  }
0xa0: {  	[sflag:s22] =	ssyncadd.s32 s3;
	_ =	sdelay $0x1  }
0xa1: {  	s23 =	simm.s32 $0x1B8B  }
0xa2: {  	_ =	swait.ge [sflag:s23], $0x1  }
0xa3: {  	[sflag:s23] =	ssyncset.done $0x0  }
0xa4: {  	s25 =	simm.s32 $0x1B8E;
	s24 =	sld [smem:$0x3FFE];
	[sflag:s23] =	ssyncadd.s32 $0xFFFFFFFF  }
0xa5: {  	s26 =	simm.s32 $execute0_lowered;
	[smem:$0x3FD2] =	sst s25  }
0xa6: {  	s4 =	sshll.u32 s26, $0x1;
	_ =	strace $0x8000004C;
	[dreg:$0x1] =	wrdreg $0xFFFFFFFF  }
0xa7: {  	s28 =	simm.s32 $_size_execute0_lowered;
	s2 =	sadd.s32 s2, s4;
	[dreg:$0x0] =	wrdreg $0x0  }
0xa8: {  	s4 =	sshll.u32 s28, $0x1;
	[dreg:$0x2] =	wrdreg s2  }
0xa9: {  	[dreg:$0x3] =	wrdreg s4  }
0xaa: {  	[dreg:$0x4] =	wrdreg $0xC0  }
0xab: {  	_ =	task [dreg:s6], $0x5FFFF  }
0xac: {  	[dreg:$0x1] =	wrdreg $0xFFFFFFFF  }
0xad: {  	[dreg:$0x0] =	wrdreg $0x60  }
0xae: {  	[dreg:$0x2] =	wrdreg s24  }
0xaf: {  	[dreg:$0x3] =	wrdreg $0x9  }
0xb0: {  	_ =	task.clear_ibuf [dreg:s6], $0x4FFFF;
	_ =	strace $0x9000004C  }
0xb1: {  	s29 =	simm.s32 $0x9;
	_ =	strace $0x8000004E  }
0xb2: {  	_ =	swait.ge [sflag:s29], $0x1  }
0xb3: {  	[sflag:s29] =	ssyncadd.s32 $0xFFFFFFFF  }
0xb4: {  	_ =	strace $0x9000004E  }
0xb5: {  	_ =	sfence  }
0xb6: {  	s30 =	sld [smem:$0x0];
	_ =	sdelay $0x2  }
0xb7: {  	s31 =	sshll.u32 s1, $0xD;
	s1 =	sshrl.u32 s1, $0x2  }
0xb8: {  	s3 =	sand.u32 $0x4000, s31;
	s1 =	sadd.s32 s1, s30  }
0xb9: {  	s0 =	sor.u32 s3, s0;
	s1 =	sshll.u32 s1, $0x11  }
0xba: {  	s0 =	sor.u32 s1, s0  }
0xbb: {  	s0 =	sadd.s32 $0x8F2B, s0  }
0xbc: {  	[sflag:s0] =	ssyncadd.remote.s32 $0x1  }
0xbd: {  	_ =	sfence.sel $0xFFFF  }
0xbe: {  	[dreg:$0x0] =	wrdreg $0xFFFFFFFF;
	(pc) =	sbr.abs _section_cstart, $3  }
0xbf: {  	[dreg:$0x1] =	wrdreg $0xFFFFFFFF  }
0xc0: {  	_ =	task.clear_ibuf [dreg:s6], $0x2FFFF;
	_ =	strace $0x9FFFFFFF  }
0xc1: {  	(tm) =	ssettm $0x7FFFFFFF  }
tec
execute0_lowered:
.L_overlay_start_1:
0x0: {  	(tag) =	ssettag $0x1  }
0x1: {  	s0 =	srdreg.scid;
	s3 =	stileid.u32  }
0x2: {  	s1 =	sand.u32 $0x1, s0;
	s30 =	sshll.u32 s3, $0x1  }
0x3: {  	s0 =	sor.u32 s1, s30  }
0x4: {  	p0 =	sgt.u32 s0, $0x18  }
.Ltmp0:
0x5: {  	_ = 	snop;
	(pc) =	sbr.rel @p0 .LBB2_9-.Ltmp0, $4  }
0x6: {  	_ = 	snop  }
0x7: {  	s31 =	simm.s32 $0x0  }
0x8: {  	[smem:$0x7FF] =	sst s31  }
0x9: {  	s2 =	rddreg [dreg:$0x0];
	s11 =	simm.s32 $0x0;
	_ =	strace $0x8000004D  }
0xa: {  	s7 =	sshll.u32 s0, $0x8  }
0xb: {  	s8 =	sadd.s32 $0x4000, s2;
	s3 =	sadd.s32 $0x7400, s2;
	s4 =	sadd.s32 $0x71000, s2  }
0xc: {  	s5 =	sadd.s32 $0x71200, s2;
	s6 =	sadd.s32 $0x69000, s2;
	s21 =	sadd.s32 $0x710FA, s2  }
0xd: {  	s22 =	ssub.s32 $0x2, s1;
	s10 =	sadd.s32 $0x712FA, s2;
	s23 =	sadd.s32 $0x6CE80, s2  }
0xe: {  	s25 =	stileid.u32;
	s26 =	sshll.u32 s1, $0xB;
	s14 =	simm.s32 $0x2  }
0xf: {  	s15 =	simm.s32 $0x8A0;
	p0 =	sne.s32 s0, $0x0;
	s18 =	simm.s32 $0x18A0  }
0x10: {  	s19 =	simm.s32 $0x80;
	s20 =	simm.s32 $0x1;
	s28 =	simm.s32 $0xA20  }
0x11: {  	s31 =	simm.s32 $0xAA0;
	s16 =	simm.s32 $0xB20;
	s29 =	simm.s32 $0xC20  }
0x12: {  	s12 =	simm.s32 $0xDA0;
	s30 =	simm.s32 $0xEA0;
	[dreg:$0x3] =	wrdreg s21  }
0x13: {  	s0 =	simm.s32 $0xF20;
	s1 =	simm.s32 $0x1020;
	[dreg:$0x4] =	wrdreg s10  }
0x14: {  	s9 =	sadd.s32 s7, s2;
	[dreg:$0x5] =	wrdreg s23;
	s24 =	sshrl.u32 s22, $0x1  }
0x15: {  	s7 =	sadd.s32 s8, s7;
	s10 =	simm.s32 $0xCA0;
	s23 =	simm.s32 $0xE20  }
.Ltmp1:
0x16: {  	s21 =	simm.s32 $0x0;
	s9 =	sadd.s32 $0x5A00, s9;
	(pc) =	sbr.rel .LBB2_2-.Ltmp1, $4  }
0x17: {  	s2 =	ssub.s32 s22, s24;
	[dreg:$0x6] =	wrdreg s7;
	s22 =	simm.s32 $0x920  }
0x18: {  	s24 =	simm.s32 $0x9A0;
	s7 =	simm.s32 $0xD20;
	[dreg:$0x2] =	wrdreg s9  }
0x19: {  	v0 =	vlaneseq.u32;
	s9 =	sshll.u32 s25, $0xC;
	s2 =	smax.u32 s2, $0x1;
	s25 =	simm.s32 $0xFA0  }
0x1a: {  	v1 =	vimm.f32 $-2.000000000e+00;
	v2 =	vimm.s32 $0x0;
	v3 =	vimm.f32 $0.0e+00;
	[dreg:$0x7] =	wrdreg s2;
	s13 =	sor.u32 s26, s9;
	s9 =	simm.s32 $0xBA0  }
.LBB2_7:
0x1b: {  	[tilespmem:s2+$0x18D0] =	vst v3  }
0x1c: {  	[tilespmem:s2+$0x18C0] =	vst v3  }
0x1d: {  	[tilespmem:s2+$0x18A0] =	vst v3  }
0x1e: {  	[tilespmem:s2+$0x18B0] =	vst v3;
	s2 =	simm.s32 $0x0;
	s8 =	rddreg [dreg:$0x3];
	s11 =	simm.s32 $0x800  }
0x1f: {  	[hbm4b:s8+s2] =	stream.linear.scatter [tilespmem:s11], [sflag:$0x2], $0x30, $0x38;
	[tilespmem:$0x38A0] =	vst v63  }
0x20: {  	_ =	swait.ge [sflag:s14], $0x30  }
0x21: {  	[sflag:s14] =	ssyncset.done $0x0  }
0x22: {  	s17 =	simm.s32 $0x850;
	s11 =	rddreg [dreg:$0x4];
	[sflag:s14] =	ssyncadd.s32 $0xFFFFFFD0  }
0x23: {  	[hbm4b:s11+s2] =	stream.linear.scatter [tilespmem:s17], [sflag:$0x2], $0x30, $0x38;
	[tilespmem:$0x38A0] =	vst v63  }
0x24: {  	_ =	swait.ge [sflag:s14], $0x30  }
0x25: {  	[sflag:s14] =	ssyncset.done $0x0  }
0x26: {  	s26 =	rddreg [dreg:$0x5];
	[sflag:s14] =	ssyncadd.s32 $0xFFFFFFD0  }
0x27: {  	[hbm4b:s26+s2] =	stream.linear.scatter [tilespmem:s18], [sflag:$0x2], $0xC00, $0x38;
	[tilespmem:$0x38A0] =	vst v63  }
0x28: {  	_ =	swait.ge [sflag:s14], $0xC00  }
0x29: {  	[sflag:s14] =	ssyncset.done $0x0  }
0x2a: {  	s11 =	simm.s32 $0x0;
	[sflag:s14] =	ssyncadd.s32 $0xFFFFF400  }
.LBB2_8:
0x2b: {  	[hbm4b:s4+s19] =	stream.indirect.scatter [tilespmem:s11], [sflag:$0x1], $0x1, s15, s19, $0xb8;
	[tilespmem:$0x38A0] =	vst v63  }
0x2c: {  	_ =	swait.ge [sflag:s20], $0x80  }
0x2d: {  	[sflag:s20] =	ssyncset.done $0x0  }
0x2e: {  	s2 =	simm.s32 $0x10A0;
	[sflag:s20] =	ssyncadd.s32 $0xFFFFFF80  }
0x2f: {  	[hbm4b:s5+s19] =	stream.indirect.scatter [tilespmem:s2], [sflag:$0x1], $0x1, s15, s19, $0xb8;
	[tilespmem:$0x38A0] =	vst v63  }
0x30: {  	_ =	swait.ge [sflag:s20], $0x80  }
0x31: {  	[sflag:s20] =	ssyncset.done $0x0  }
0x32: {  	[sflag:s20] =	ssyncadd.s32 $0xFFFFFF80  }
0x33: {  	[tilespmem:s18], [sflag:$0x1] =	stream.indirect.gather [hbm4b:s3+s19], $0x40, s2, s19, $0xb8;
	[tilespmem:$0x38A0] =	vst v63  }
0x34: {  	_ =	swait.ge [sflag:s20], $0x2000  }
0x35: {  	[sflag:s20] =	ssyncset.done $0x0  }
0x36: {  	[sflag:s20] =	ssyncadd.s32 $0xFFFFE000  }
0x37: {  	[hbm4b:s6+s19] =	stream.indirect.scatter [tilespmem:s18], [sflag:$0x1], $0x40, s15, s19, $0xb8;
	[tilespmem:$0x38A0] =	vst v63  }
0x38: {  	_ =	swait.ge [sflag:s20], $0x2000  }
0x39: {  	[sflag:s20] =	ssyncset.done $0x0  }
0x3a: {  	[sflag:s20] =	ssyncadd.s32 $0xFFFFE000  }
0x3b: {  	[hbm4b:s4+s19] =	stream.indirect.scatter [tilespmem:s19], [sflag:$0x1], $0x1, s22, s19, $0xb8;
	[tilespmem:$0x38A0] =	vst v63  }
0x3c: {  	_ =	swait.ge [sflag:s20], $0x80  }
0x3d: {  	[sflag:s20] =	ssyncset.done $0x0  }
0x3e: {  	s8 =	simm.s32 $0x1120;
	[sflag:s20] =	ssyncadd.s32 $0xFFFFFF80  }
0x3f: {  	[hbm4b:s5+s19] =	stream.indirect.scatter [tilespmem:s8], [sflag:$0x1], $0x1, s22, s19, $0xb8;
	[tilespmem:$0x38A0] =	vst v63  }
0x40: {  	_ =	swait.ge [sflag:s20], $0x80  }
0x41: {  	[sflag:s20] =	ssyncset.done $0x0  }
0x42: {  	[sflag:s20] =	ssyncadd.s32 $0xFFFFFF80  }
0x43: {  	[tilespmem:s18], [sflag:$0x1] =	stream.indirect.gather [hbm4b:s3+s19], $0x40, s8, s19, $0xb8;
	[tilespmem:$0x38A0] =	vst v63  }
0x44: {  	_ =	swait.ge [sflag:s20], $0x2000  }
0x45: {  	[sflag:s20] =	ssyncset.done $0x0  }
0x46: {  	[sflag:s20] =	ssyncadd.s32 $0xFFFFE000  }
0x47: {  	[hbm4b:s6+s19] =	stream.indirect.scatter [tilespmem:s18], [sflag:$0x1], $0x40, s22, s19, $0xb8;
	[tilespmem:$0x38A0] =	vst v63  }
0x48: {  	_ =	swait.ge [sflag:s20], $0x2000  }
0x49: {  	[sflag:s20] =	ssyncset.done $0x0  }
0x4a: {  	s17 =	simm.s32 $0x100;
	[sflag:s20] =	ssyncadd.s32 $0xFFFFE000  }
0x4b: {  	[hbm4b:s4+s19] =	stream.indirect.scatter [tilespmem:s17], [sflag:$0x1], $0x1, s24, s19, $0xb8;
	[tilespmem:$0x38A0] =	vst v63  }
0x4c: {  	_ =	swait.ge [sflag:s20], $0x80  }
0x4d: {  	[sflag:s20] =	ssyncset.done $0x0  }
0x4e: {  	s26 =	simm.s32 $0x11A0;
	[sflag:s20] =	ssyncadd.s32 $0xFFFFFF80  }
0x4f: {  	[hbm4b:s5+s19] =	stream.indirect.scatter [tilespmem:s26], [sflag:$0x1], $0x1, s24, s19, $0xb8;
	[tilespmem:$0x38A0] =	vst v63  }
0x50: {  	_ =	swait.ge [sflag:s20], $0x80  }
0x51: {  	[sflag:s20] =	ssyncset.done $0x0  }
0x52: {  	[sflag:s20] =	ssyncadd.s32 $0xFFFFFF80  }
0x53: {  	[tilespmem:s18], [sflag:$0x1] =	stream.indirect.gather [hbm4b:s3+s19], $0x40, s26, s19, $0xb8;
	[tilespmem:$0x38A0] =	vst v63  }
0x54: {  	_ =	swait.ge [sflag:s20], $0x2000  }
0x55: {  	[sflag:s20] =	ssyncset.done $0x0  }
0x56: {  	[sflag:s20] =	ssyncadd.s32 $0xFFFFE000  }
0x57: {  	[hbm4b:s6+s19] =	stream.indirect.scatter [tilespmem:s18], [sflag:$0x1], $0x40, s24, s19, $0xb8;
	[tilespmem:$0x38A0] =	vst v63  }
0x58: {  	_ =	swait.ge [sflag:s20], $0x2000  }
0x59: {  	[sflag:s20] =	ssyncset.done $0x0  }
0x5a: {  	s8 =	simm.s32 $0x180;
	[sflag:s20] =	ssyncadd.s32 $0xFFFFE000  }
0x5b: {  	[hbm4b:s4+s19] =	stream.indirect.scatter [tilespmem:s8], [sflag:$0x1], $0x1, s28, s19, $0xb8;
	[tilespmem:$0x38A0] =	vst v63  }
0x5c: {  	_ =	swait.ge [sflag:s20], $0x80  }
0x5d: {  	[sflag:s20] =	ssyncset.done $0x0  }
0x5e: {  	s17 =	simm.s32 $0x1220;
	[sflag:s20] =	ssyncadd.s32 $0xFFFFFF80  }
0x5f: {  	[hbm4b:s5+s19] =	stream.indirect.scatter [tilespmem:s17], [sflag:$0x1], $0x1, s28, s19, $0xb8;
	[tilespmem:$0x38A0] =	vst v63  }
0x60: {  	_ =	swait.ge [sflag:s20], $0x80  }
0x61: {  	[sflag:s20] =	ssyncset.done $0x0  }
0x62: {  	[sflag:s20] =	ssyncadd.s32 $0xFFFFFF80  }
0x63: {  	[tilespmem:s18], [sflag:$0x1] =	stream.indirect.gather [hbm4b:s3+s19], $0x40, s17, s19, $0xb8;
	[tilespmem:$0x38A0] =	vst v63  }
0x64: {  	_ =	swait.ge [sflag:s20], $0x2000  }
0x65: {  	[sflag:s20] =	ssyncset.done $0x0  }
0x66: {  	[sflag:s20] =	ssyncadd.s32 $0xFFFFE000  }
0x67: {  	[hbm4b:s6+s19] =	stream.indirect.scatter [tilespmem:s18], [sflag:$0x1], $0x40, s28, s19, $0xb8;
	[tilespmem:$0x38A0] =	vst v63  }
0x68: {  	_ =	swait.ge [sflag:s20], $0x2000  }
0x69: {  	[sflag:s20] =	ssyncset.done $0x0  }
0x6a: {  	s26 =	simm.s32 $0x200;
	[sflag:s20] =	ssyncadd.s32 $0xFFFFE000  }
0x6b: {  	[hbm4b:s4+s19] =	stream.indirect.scatter [tilespmem:s26], [sflag:$0x1], $0x1, s31, s19, $0xb8;
	[tilespmem:$0x38A0] =	vst v63  }
0x6c: {  	_ =	swait.ge [sflag:s20], $0x80  }
0x6d: {  	[sflag:s20] =	ssyncset.done $0x0  }
0x6e: {  	s8 =	simm.s32 $0x12A0;
	[sflag:s20] =	ssyncadd.s32 $0xFFFFFF80  }
0x6f: {  	[hbm4b:s5+s19] =	stream.indirect.scatter [tilespmem:s8], [sflag:$0x1], $0x1, s31, s19, $0xb8;
	[tilespmem:$0x38A0] =	vst v63  }
0x70: {  	_ =	swait.ge [sflag:s20], $0x80  }
0x71: {  	[sflag:s20] =	ssyncset.done $0x0  }
0x72: {  	[sflag:s20] =	ssyncadd.s32 $0xFFFFFF80  }
0x73: {  	[tilespmem:s18], [sflag:$0x1] =	stream.indirect.gather [hbm4b:s3+s19], $0x40, s8, s19, $0xb8;
	[tilespmem:$0x38A0] =	vst v63  }
0x74: {  	_ =	swait.ge [sflag:s20], $0x2000  }
0x75: {  	[sflag:s20] =	ssyncset.done $0x0  }
0x76: {  	[sflag:s20] =	ssyncadd.s32 $0xFFFFE000  }
0x77: {  	[hbm4b:s6+s19] =	stream.indirect.scatter [tilespmem:s18], [sflag:$0x1], $0x40, s31, s19, $0xb8;
	[tilespmem:$0x38A0] =	vst v63  }
0x78: {  	_ =	swait.ge [sflag:s20], $0x2000  }
0x79: {  	[sflag:s20] =	ssyncset.done $0x0  }
0x7a: {  	s17 =	simm.s32 $0x280;
	[sflag:s20] =	ssyncadd.s32 $0xFFFFE000  }
0x7b: {  	[hbm4b:s4+s19] =	stream.indirect.scatter [tilespmem:s17], [sflag:$0x1], $0x1, s16, s19, $0xb8;
	[tilespmem:$0x38A0] =	vst v63  }
0x7c: {  	_ =	swait.ge [sflag:s20], $0x80  }
0x7d: {  	[sflag:s20] =	ssyncset.done $0x0  }
0x7e: {  	s26 =	simm.s32 $0x1320;
	[sflag:s20] =	ssyncadd.s32 $0xFFFFFF80  }
0x7f: {  	[hbm4b:s5+s19] =	stream.indirect.scatter [tilespmem:s26], [sflag:$0x1], $0x1, s16, s19, $0xb8;
	[tilespmem:$0x38A0] =	vst v63  }
0x80: {  	_ =	swait.ge [sflag:s20], $0x80  }
0x81: {  	[sflag:s20] =	ssyncset.done $0x0  }
0x82: {  	[sflag:s20] =	ssyncadd.s32 $0xFFFFFF80  }
0x83: {  	[tilespmem:s18], [sflag:$0x1] =	stream.indirect.gather [hbm4b:s3+s19], $0x40, s26, s19, $0xb8;
	[tilespmem:$0x38A0] =	vst v63  }
0x84: {  	_ =	swait.ge [sflag:s20], $0x2000  }
0x85: {  	[sflag:s20] =	ssyncset.done $0x0  }
0x86: {  	[sflag:s20] =	ssyncadd.s32 $0xFFFFE000  }
0x87: {  	[hbm4b:s6+s19] =	stream.indirect.scatter [tilespmem:s18], [sflag:$0x1], $0x40, s16, s19, $0xb8;
	[tilespmem:$0x38A0] =	vst v63  }
0x88: {  	_ =	swait.ge [sflag:s20], $0x2000  }
0x89: {  	[sflag:s20] =	ssyncset.done $0x0  }
0x8a: {  	s8 =	simm.s32 $0x300;
	[sflag:s20] =	ssyncadd.s32 $0xFFFFE000  }
0x8b: {  	[hbm4b:s4+s19] =	stream.indirect.scatter [tilespmem:s8], [sflag:$0x1], $0x1, s9, s19, $0xb8;
	[tilespmem:$0x38A0] =	vst v63  }
0x8c: {  	_ =	swait.ge [sflag:s20], $0x80  }
0x8d: {  	[sflag:s20] =	ssyncset.done $0x0  }
0x8e: {  	s17 =	simm.s32 $0x13A0;
	[sflag:s20] =	ssyncadd.s32 $0xFFFFFF80  }
0x8f: {  	[hbm4b:s5+s19] =	stream.indirect.scatter [tilespmem:s17], [sflag:$0x1], $0x1, s9, s19, $0xb8;
	[tilespmem:$0x38A0] =	vst v63  }
0x90: {  	_ =	swait.ge [sflag:s20], $0x80  }
0x91: {  	[sflag:s20] =	ssyncset.done $0x0  }
0x92: {  	[sflag:s20] =	ssyncadd.s32 $0xFFFFFF80  }
0x93: {  	[tilespmem:s18], [sflag:$0x1] =	stream.indirect.gather [hbm4b:s3+s19], $0x40, s17, s19, $0xb8;
	[tilespmem:$0x38A0] =	vst v63  }
0x94: {  	_ =	swait.ge [sflag:s20], $0x2000  }
0x95: {  	[sflag:s20] =	ssyncset.done $0x0  }
0x96: {  	[sflag:s20] =	ssyncadd.s32 $0xFFFFE000  }
0x97: {  	[hbm4b:s6+s19] =	stream.indirect.scatter [tilespmem:s18], [sflag:$0x1], $0x40, s9, s19, $0xb8;
	[tilespmem:$0x38A0] =	vst v63  }
0x98: {  	_ =	swait.ge [sflag:s20], $0x2000  }
0x99: {  	[sflag:s20] =	ssyncset.done $0x0  }
0x9a: {  	s26 =	simm.s32 $0x380;
	[sflag:s20] =	ssyncadd.s32 $0xFFFFE000  }
0x9b: {  	[hbm4b:s4+s19] =	stream.indirect.scatter [tilespmem:s26], [sflag:$0x1], $0x1, s29, s19, $0xb8;
	[tilespmem:$0x38A0] =	vst v63  }
0x9c: {  	_ =	swait.ge [sflag:s20], $0x80  }
0x9d: {  	[sflag:s20] =	ssyncset.done $0x0  }
0x9e: {  	s8 =	simm.s32 $0x1420;
	[sflag:s20] =	ssyncadd.s32 $0xFFFFFF80  }
0x9f: {  	[hbm4b:s5+s19] =	stream.indirect.scatter [tilespmem:s8], [sflag:$0x1], $0x1, s29, s19, $0xb8;
	[tilespmem:$0x38A0] =	vst v63  }
0xa0: {  	_ =	swait.ge [sflag:s20], $0x80  }
0xa1: {  	[sflag:s20] =	ssyncset.done $0x0  }
0xa2: {  	[sflag:s20] =	ssyncadd.s32 $0xFFFFFF80  }
0xa3: {  	[tilespmem:s18], [sflag:$0x1] =	stream.indirect.gather [hbm4b:s3+s19], $0x40, s8, s19, $0xb8;
	[tilespmem:$0x38A0] =	vst v63  }
0xa4: {  	_ =	swait.ge [sflag:s20], $0x2000  }
0xa5: {  	[sflag:s20] =	ssyncset.done $0x0  }
0xa6: {  	[sflag:s20] =	ssyncadd.s32 $0xFFFFE000  }
0xa7: {  	[hbm4b:s6+s19] =	stream.indirect.scatter [tilespmem:s18], [sflag:$0x1], $0x40, s29, s19, $0xb8;
	[tilespmem:$0x38A0] =	vst v63  }
0xa8: {  	_ =	swait.ge [sflag:s20], $0x2000  }
0xa9: {  	[sflag:s20] =	ssyncset.done $0x0  }
0xaa: {  	s17 =	simm.s32 $0x400;
	[sflag:s20] =	ssyncadd.s32 $0xFFFFE000  }
0xab: {  	[hbm4b:s4+s19] =	stream.indirect.scatter [tilespmem:s17], [sflag:$0x1], $0x1, s10, s19, $0xb8;
	[tilespmem:$0x38A0] =	vst v63  }
0xac: {  	_ =	swait.ge [sflag:s20], $0x80  }
0xad: {  	[sflag:s20] =	ssyncset.done $0x0  }
0xae: {  	s26 =	simm.s32 $0x14A0;
	[sflag:s20] =	ssyncadd.s32 $0xFFFFFF80  }
0xaf: {  	[hbm4b:s5+s19] =	stream.indirect.scatter [tilespmem:s26], [sflag:$0x1], $0x1, s10, s19, $0xb8;
	[tilespmem:$0x38A0] =	vst v63  }
0xb0: {  	_ =	swait.ge [sflag:s20], $0x80  }
0xb1: {  	[sflag:s20] =	ssyncset.done $0x0  }
0xb2: {  	[sflag:s20] =	ssyncadd.s32 $0xFFFFFF80  }
0xb3: {  	[tilespmem:s18], [sflag:$0x1] =	stream.indirect.gather [hbm4b:s3+s19], $0x40, s26, s19, $0xb8;
	[tilespmem:$0x38A0] =	vst v63  }
0xb4: {  	_ =	swait.ge [sflag:s20], $0x2000  }
0xb5: {  	[sflag:s20] =	ssyncset.done $0x0  }
0xb6: {  	[sflag:s20] =	ssyncadd.s32 $0xFFFFE000  }
0xb7: {  	[hbm4b:s6+s19] =	stream.indirect.scatter [tilespmem:s18], [sflag:$0x1], $0x40, s10, s19, $0xb8;
	[tilespmem:$0x38A0] =	vst v63  }
0xb8: {  	_ =	swait.ge [sflag:s20], $0x2000  }
0xb9: {  	[sflag:s20] =	ssyncset.done $0x0  }
0xba: {  	s8 =	simm.s32 $0x480;
	[sflag:s20] =	ssyncadd.s32 $0xFFFFE000  }
0xbb: {  	[hbm4b:s4+s19] =	stream.indirect.scatter [tilespmem:s8], [sflag:$0x1], $0x1, s7, s19, $0xb8;
	[tilespmem:$0x38A0] =	vst v63  }
0xbc: {  	_ =	swait.ge [sflag:s20], $0x80  }
0xbd: {  	[sflag:s20] =	ssyncset.done $0x0  }
0xbe: {  	s17 =	simm.s32 $0x1520;
	[sflag:s20] =	ssyncadd.s32 $0xFFFFFF80  }
0xbf: {  	[hbm4b:s5+s19] =	stream.indirect.scatter [tilespmem:s17], [sflag:$0x1], $0x1, s7, s19, $0xb8;
	[tilespmem:$0x38A0] =	vst v63  }
0xc0: {  	_ =	swait.ge [sflag:s20], $0x80  }
0xc1: {  	[sflag:s20] =	ssyncset.done $0x0  }
0xc2: {  	[sflag:s20] =	ssyncadd.s32 $0xFFFFFF80  }
0xc3: {  	[tilespmem:s18], [sflag:$0x1] =	stream.indirect.gather [hbm4b:s3+s19], $0x40, s17, s19, $0xb8;
	[tilespmem:$0x38A0] =	vst v63  }
0xc4: {  	_ =	swait.ge [sflag:s20], $0x2000  }
0xc5: {  	[sflag:s20] =	ssyncset.done $0x0  }
0xc6: {  	[sflag:s20] =	ssyncadd.s32 $0xFFFFE000  }
0xc7: {  	[hbm4b:s6+s19] =	stream.indirect.scatter [tilespmem:s18], [sflag:$0x1], $0x40, s7, s19, $0xb8;
	[tilespmem:$0x38A0] =	vst v63  }
0xc8: {  	_ =	swait.ge [sflag:s20], $0x2000  }
0xc9: {  	[sflag:s20] =	ssyncset.done $0x0  }
0xca: {  	s26 =	simm.s32 $0x500;
	[sflag:s20] =	ssyncadd.s32 $0xFFFFE000  }
0xcb: {  	[hbm4b:s4+s19] =	stream.indirect.scatter [tilespmem:s26], [sflag:$0x1], $0x1, s12, s19, $0xb8;
	[tilespmem:$0x38A0] =	vst v63  }
0xcc: {  	_ =	swait.ge [sflag:s20], $0x80  }
0xcd: {  	[sflag:s20] =	ssyncset.done $0x0  }
0xce: {  	s8 =	simm.s32 $0x15A0;
	[sflag:s20] =	ssyncadd.s32 $0xFFFFFF80  }
0xcf: {  	[hbm4b:s5+s19] =	stream.indirect.scatter [tilespmem:s8], [sflag:$0x1], $0x1, s12, s19, $0xb8;
	[tilespmem:$0x38A0] =	vst v63  }
0xd0: {  	_ =	swait.ge [sflag:s20], $0x80  }
0xd1: {  	[sflag:s20] =	ssyncset.done $0x0  }
0xd2: {  	[sflag:s20] =	ssyncadd.s32 $0xFFFFFF80  }
0xd3: {  	[tilespmem:s18], [sflag:$0x1] =	stream.indirect.gather [hbm4b:s3+s19], $0x40, s8, s19, $0xb8;
	[tilespmem:$0x38A0] =	vst v63  }
0xd4: {  	_ =	swait.ge [sflag:s20], $0x2000  }
0xd5: {  	[sflag:s20] =	ssyncset.done $0x0  }
0xd6: {  	[sflag:s20] =	ssyncadd.s32 $0xFFFFE000  }
0xd7: {  	[hbm4b:s6+s19] =	stream.indirect.scatter [tilespmem:s18], [sflag:$0x1], $0x40, s12, s19, $0xb8;
	[tilespmem:$0x38A0] =	vst v63  }
0xd8: {  	_ =	swait.ge [sflag:s20], $0x2000  }
0xd9: {  	[sflag:s20] =	ssyncset.done $0x0  }
0xda: {  	s17 =	simm.s32 $0x580;
	[sflag:s20] =	ssyncadd.s32 $0xFFFFE000  }
0xdb: {  	[hbm4b:s4+s19] =	stream.indirect.scatter [tilespmem:s17], [sflag:$0x1], $0x1, s23, s19, $0xb8;
	[tilespmem:$0x38A0] =	vst v63  }
0xdc: {  	_ =	swait.ge [sflag:s20], $0x80  }
0xdd: {  	[sflag:s20] =	ssyncset.done $0x0  }
0xde: {  	s26 =	simm.s32 $0x1620;
	[sflag:s20] =	ssyncadd.s32 $0xFFFFFF80  }
0xdf: {  	[hbm4b:s5+s19] =	stream.indirect.scatter [tilespmem:s26], [sflag:$0x1], $0x1, s23, s19, $0xb8;
	[tilespmem:$0x38A0] =	vst v63  }
0xe0: {  	_ =	swait.ge [sflag:s20], $0x80  }
0xe1: {  	[sflag:s20] =	ssyncset.done $0x0  }
0xe2: {  	[sflag:s20] =	ssyncadd.s32 $0xFFFFFF80  }
0xe3: {  	[tilespmem:s18], [sflag:$0x1] =	stream.indirect.gather [hbm4b:s3+s19], $0x40, s26, s19, $0xb8;
	[tilespmem:$0x38A0] =	vst v63  }
0xe4: {  	_ =	swait.ge [sflag:s20], $0x2000  }
0xe5: {  	[sflag:s20] =	ssyncset.done $0x0  }
0xe6: {  	[sflag:s20] =	ssyncadd.s32 $0xFFFFE000  }
0xe7: {  	[hbm4b:s6+s19] =	stream.indirect.scatter [tilespmem:s18], [sflag:$0x1], $0x40, s23, s19, $0xb8;
	[tilespmem:$0x38A0] =	vst v63  }
0xe8: {  	_ =	swait.ge [sflag:s20], $0x2000  }
0xe9: {  	[sflag:s20] =	ssyncset.done $0x0  }
0xea: {  	s8 =	simm.s32 $0x600;
	[sflag:s20] =	ssyncadd.s32 $0xFFFFE000  }
0xeb: {  	[hbm4b:s4+s19] =	stream.indirect.scatter [tilespmem:s8], [sflag:$0x1], $0x1, s30, s19, $0xb8;
	[tilespmem:$0x38A0] =	vst v63  }
0xec: {  	_ =	swait.ge [sflag:s20], $0x80  }
0xed: {  	[sflag:s20] =	ssyncset.done $0x0  }
0xee: {  	s17 =	simm.s32 $0x16A0;
	[sflag:s20] =	ssyncadd.s32 $0xFFFFFF80  }
0xef: {  	[hbm4b:s5+s19] =	stream.indirect.scatter [tilespmem:s17], [sflag:$0x1], $0x1, s30, s19, $0xb8;
	[tilespmem:$0x38A0] =	vst v63  }
0xf0: {  	_ =	swait.ge [sflag:s20], $0x80  }
0xf1: {  	[sflag:s20] =	ssyncset.done $0x0  }
0xf2: {  	[sflag:s20] =	ssyncadd.s32 $0xFFFFFF80  }
0xf3: {  	[tilespmem:s18], [sflag:$0x1] =	stream.indirect.gather [hbm4b:s3+s19], $0x40, s17, s19, $0xb8;
	[tilespmem:$0x38A0] =	vst v63  }
0xf4: {  	_ =	swait.ge [sflag:s20], $0x2000  }
0xf5: {  	[sflag:s20] =	ssyncset.done $0x0  }
0xf6: {  	[sflag:s20] =	ssyncadd.s32 $0xFFFFE000  }
0xf7: {  	[hbm4b:s6+s19] =	stream.indirect.scatter [tilespmem:s18], [sflag:$0x1], $0x40, s30, s19, $0xb8;
	[tilespmem:$0x38A0] =	vst v63  }
0xf8: {  	_ =	swait.ge [sflag:s20], $0x2000  }
0xf9: {  	[sflag:s20] =	ssyncset.done $0x0  }
0xfa: {  	s26 =	simm.s32 $0x680;
	[sflag:s20] =	ssyncadd.s32 $0xFFFFE000  }
0xfb: {  	[hbm4b:s4+s19] =	stream.indirect.scatter [tilespmem:s26], [sflag:$0x1], $0x1, s0, s19, $0xb8;
	[tilespmem:$0x38A0] =	vst v63  }
0xfc: {  	_ =	swait.ge [sflag:s20], $0x80  }
0xfd: {  	[sflag:s20] =	ssyncset.done $0x0  }
0xfe: {  	s8 =	simm.s32 $0x1720;
	[sflag:s20] =	ssyncadd.s32 $0xFFFFFF80  }
0xff: {  	[hbm4b:s5+s19] =	stream.indirect.scatter [tilespmem:s8], [sflag:$0x1], $0x1, s0, s19, $0xb8;
	[tilespmem:$0x38A0] =	vst v63  }
0x100: {  	_ =	swait.ge [sflag:s20], $0x80  }
0x101: {  	[sflag:s20] =	ssyncset.done $0x0  }
0x102: {  	[sflag:s20] =	ssyncadd.s32 $0xFFFFFF80  }
0x103: {  	[tilespmem:s18], [sflag:$0x1] =	stream.indirect.gather [hbm4b:s3+s19], $0x40, s8, s19, $0xb8;
	[tilespmem:$0x38A0] =	vst v63  }
0x104: {  	_ =	swait.ge [sflag:s20], $0x2000  }
0x105: {  	[sflag:s20] =	ssyncset.done $0x0  }
0x106: {  	[sflag:s20] =	ssyncadd.s32 $0xFFFFE000  }
0x107: {  	[hbm4b:s6+s19] =	stream.indirect.scatter [tilespmem:s18], [sflag:$0x1], $0x40, s0, s19, $0xb8;
	[tilespmem:$0x38A0] =	vst v63  }
0x108: {  	_ =	swait.ge [sflag:s20], $0x2000  }
0x109: {  	[sflag:s20] =	ssyncset.done $0x0  }
0x10a: {  	s17 =	simm.s32 $0x700;
	[sflag:s20] =	ssyncadd.s32 $0xFFFFE000  }
0x10b: {  	[hbm4b:s4+s19] =	stream.indirect.scatter [tilespmem:s17], [sflag:$0x1], $0x1, s25, s19, $0xb8;
	[tilespmem:$0x38A0] =	vst v63  }
0x10c: {  	_ =	swait.ge [sflag:s20], $0x80  }
0x10d: {  	[sflag:s20] =	ssyncset.done $0x0  }
0x10e: {  	s26 =	simm.s32 $0x17A0;
	[sflag:s20] =	ssyncadd.s32 $0xFFFFFF80  }
0x10f: {  	[hbm4b:s5+s19] =	stream.indirect.scatter [tilespmem:s26], [sflag:$0x1], $0x1, s25, s19, $0xb8;
	[tilespmem:$0x38A0] =	vst v63  }
0x110: {  	_ =	swait.ge [sflag:s20], $0x80  }
0x111: {  	[sflag:s20] =	ssyncset.done $0x0  }
0x112: {  	[sflag:s20] =	ssyncadd.s32 $0xFFFFFF80  }
0x113: {  	[tilespmem:s18], [sflag:$0x1] =	stream.indirect.gather [hbm4b:s3+s19], $0x40, s26, s19, $0xb8;
	[tilespmem:$0x38A0] =	vst v63  }
0x114: {  	_ =	swait.ge [sflag:s20], $0x2000  }
0x115: {  	[sflag:s20] =	ssyncset.done $0x0  }
0x116: {  	[sflag:s20] =	ssyncadd.s32 $0xFFFFE000  }
0x117: {  	[hbm4b:s6+s19] =	stream.indirect.scatter [tilespmem:s18], [sflag:$0x1], $0x40, s25, s19, $0xb8;
	[tilespmem:$0x38A0] =	vst v63  }
0x118: {  	_ =	swait.ge [sflag:s20], $0x2000  }
0x119: {  	[sflag:s20] =	ssyncset.done $0x0  }
0x11a: {  	s8 =	simm.s32 $0x780;
	[sflag:s20] =	ssyncadd.s32 $0xFFFFE000  }
0x11b: {  	[hbm4b:s4+s19] =	stream.indirect.scatter [tilespmem:s8], [sflag:$0x1], $0x1, s1, s19, $0xb8;
	[tilespmem:$0x38A0] =	vst v63  }
0x11c: {  	_ =	swait.ge [sflag:s20], $0x80  }
0x11d: {  	[sflag:s20] =	ssyncset.done $0x0  }
0x11e: {  	s17 =	simm.s32 $0x1820;
	[sflag:s20] =	ssyncadd.s32 $0xFFFFFF80  }
0x11f: {  	[hbm4b:s5+s19] =	stream.indirect.scatter [tilespmem:s17], [sflag:$0x1], $0x1, s1, s19, $0xb8;
	[tilespmem:$0x38A0] =	vst v63  }
0x120: {  	_ =	swait.ge [sflag:s20], $0x80  }
0x121: {  	[sflag:s20] =	ssyncset.done $0x0  }
0x122: {  	[sflag:s20] =	ssyncadd.s32 $0xFFFFFF80  }
0x123: {  	[tilespmem:s18], [sflag:$0x1] =	stream.indirect.gather [hbm4b:s3+s19], $0x40, s17, s19, $0xb8;
	[tilespmem:$0x38A0] =	vst v63  }
0x124: {  	_ =	swait.ge [sflag:s20], $0x2000  }
0x125: {  	[sflag:s20] =	ssyncset.done $0x0  }
0x126: {  	[sflag:s20] =	ssyncadd.s32 $0xFFFFE000  }
0x127: {  	[hbm4b:s6+s19] =	stream.indirect.scatter [tilespmem:s18], [sflag:$0x1], $0x40, s1, s19, $0xb8;
	[tilespmem:$0x38A0] =	vst v63  }
0x128: {  	_ =	swait.ge [sflag:s20], $0x2000  }
0x129: {  	s21 =	sadd.s32 $0x1, s21;
	s26 =	rddreg [dreg:$0x7]  }
0x12a: {  	p1 =	sne.s32 s21, s26  }
.Ltmp2:
0x12b: {  	_ = 	snop;
	(pc) =	sbr.rel @!p1 .LBB2_9-.Ltmp2, $3  }
0x12c: {  	_ =	sdelay $0x1  }
0x12d: {  	[sflag:s20] =	ssyncset.done $0x0  }
0x12e: {  	[sflag:s20] =	ssyncadd.s32 $0xFFFFE000  }
.LBB2_2:
0x12f: {  	s26 =	simm.s32 $0x0;
	s2 =	rddreg [dreg:$0x6]  }
0x130: {  	[tilespmem:s26], [sflag:$0x2] =	stream.linear.gather [hbm4b:s2+s26], $0x800, $0x38;
	[tilespmem:$0x38A0] =	vst v63  }
0x131: {  	_ =	swait.ge [sflag:s14], $0x800  }
0x132: {  	[sflag:s14] =	ssyncset.done $0x0  }
0x133: {  	s8 =	sadd.s32 $0x0, s13;
	s17 =	rddreg [dreg:$0x2];
	[sflag:s14] =	ssyncadd.s32 $0xFFFFF800  }
0x134: {  	[tilespmem:s15], [sflag:$0x2] =	stream.linear.gather [hbm4b:s17+s26], $0x800, $0x38;
	[tilespmem:$0x38A0] =	vst v63  }
0x135: {  	v4 =	vor.u32 s8, v0;
	s17 =	sand.u32 $0x1E00, s26;
	_ =	swait.ge [sflag:s14], $0x800  }
0x136: {  	s8 =	sand.u32 $0x70, s26;
	vm0 =	vlt.s32 v4, $0xC34F;
	s17 =	sshrl.u32 s17, $0x2;
	[sflag:s14] =	ssyncset.done $0x0  }
0x137: {  	s2 =	simm.s32 $0x40;
	v4 =	vnsel vm0, $0xC34F, v4;
	s8 =	sor.u32 s8, s17;
	[sflag:s14] =	ssyncadd.s32 $0xFFFFF800  }
.LBB2_3:
0x138: {  	p1 =	sne.s32 s2, $0x1FC0  }
0x139: {  	[tilespmem:s8+$0x10A0] =	vst v4;
	s26 =	sadd.s32 $0x10, s26;
	s8 =	smov.u32 s2;
	s2 =	sadd.s32 $0x40, s2  }
.Ltmp3:
0x13a: {  	(pc) =	sbr.rel @p1 .LBB2_3-.Ltmp3, $4  }
0x13b: {  	s17 =	sadd.s32 s26, s13  }
0x13c: {  	s8 =	sand.u32 $0x1E00, s8;
	v4 =	vor.u32 s17, v0  }
0x13d: {  	s17 =	sand.u32 $0x70, s26;
	s8 =	sshrl.u32 s8, $0x2;
	vm0 =	vlt.s32 v4, $0xC34F  }
0x13e: {  	s8 =	sor.u32 s17, s8;
	v4 =	vnsel vm0, $0xC34F, v4  }
.Ltmp4:
0x13f: {  	(pc) =	sbr.rel @p0 .LBB2_8-.Ltmp4, $2  }
0x140: {  	_ =	sdelay $0x2  }
0x141: {  	[tilespmem:s8+$0x10A0] =	vst v4  }
0x142: {  	[tilespmem:$0x800] =	vst v1  }
0x143: {  	[tilespmem:$0x850] =	vst v2  }
0x144: {  	[tilespmem:$0x810] =	vst v1  }
0x145: {  	[tilespmem:$0x860] =	vst v2  }
0x146: {  	[tilespmem:$0x820] =	vst v1  }
0x147: {  	[tilespmem:$0x870] =	vst v2;
	s26 =	simm.s32 $0x100;
	s2 =	simm.s32 $0x0  }
.LBB2_6:
0x148: {  	p1 =	sne.s32 s26, $0x2F00;
	[tilespmem:s2+$0x18D0] =	vst v3;
	s8 =	smov.u32 s26;
	s26 =	sadd.s32 $0x100, s26  }
.Ltmp5:
0x149: {  	[tilespmem:s2+$0x18C0] =	vst v3;
	(pc) =	sbr.rel @p1 .LBB2_6-.Ltmp5, $3  }
0x14a: {  	[tilespmem:s2+$0x18A0] =	vst v3  }
0x14b: {  	[tilespmem:s2+$0x18B0] =	vst v3;
	_ =	sdelay $0x1  }
0x14c: {  	s2 =	sshra.s32 s8, $0x2  }
.Ltmp6:
0x14d: {  	_ = 	snop;
	(pc) =	sbr.rel .LBB2_7-.Ltmp6, $1  }
0x14e: {  	_ =	sdelay $0x3  }
.LBB2_9:
0x14f: {  	_ =	sfence.sel $0x180000  }
0x150: {  	[bflag:$0x0] =	sbarrier.arrive $0xFFFF  }
0x151: {  	_ =	strace $0x9000004D  }
0x152: {  	s0 =	stileid.u32;
	[bflag:$0x2] =	sbarrier.arrive $0xFFFF  }
0x153: {  	p0 =	sne.s32 s0, $0x0;
	s0 =	rddreg [dreg:$0x1]  }
0x154: {  	s0 =	sadd.s32 @!p0 $0x100000, s0  }
0x155: {  	[sflag:s0] =	ssyncadd.tile.s32 @!p0 $0x1;
	_ =	shalt  }
.Lfunc_end2:
_tile_overlayer_lowered:
.L_overlay_start_2:
0x156: {  	(tag) =	ssettag $0x2  }
0x157: {  	s0 =	rddreg [dreg:$0x0];
	s2 =	stileid.u32  }
0x158: {  	s1 =	rddreg [dreg:$0x1];
	p0 =	sne.s32 s2, $0x0  }
0x159: {  	s3 =	rddreg [dreg:$0x2];
	[bflag:$0x3] =	sbarrier.arrive $0xFFFF;
	s2 =	simm.s32 @!p0 $0x1C02  }
0x15a: {  	[timem:s3], [sflag:s2] =	dma.local @!p0 [hbm:s0], s1  }
0x15b: {  	s0 =	simm.s32 @!p0 $0x2  }
0x15c: {  	_ =	swait.ge @!p0 [sflag:s0], s1  }
0x15d: {  	s1 =	ssub.s32 @!p0 $0x0, s1;
	[sflag:s0] =	ssyncset.done @!p0 $0x0  }
0x15e: {  	[sflag:s0] =	ssyncadd.s32 @!p0 s1  }
0x15f: {  	[bflag:$0x3] =	sbarrier.arrive $0xFFFF  }
0x160: {  	_ =	shalt  }

</sc_bundles>
